<compile_context>
chip_gen: v7x
topology: tpu7x:2x2x1
jax: 0.10.2.dev20260603
libtpu: 0.0.44.dev20260713+nightly
codegen_flags: <defaults>
</compile_context>

<pallas_src>
import functools
import jax
import jax.numpy as jnp
from jax import lax
from jax.experimental import pallas as pl
from jax.experimental.pallas import tpu as pltpu
from jax.experimental.pallas import tpu_sc as plsc

N_CORES = 2
N_SUBCORES = 16
NW = N_CORES * N_SUBCORES
LANES = 16

BATCH = 16384
DIM = 64
N_REL = 1000
CHUNK = BATCH // NW
EB = 16
NB = CHUNK // EB
NBUF = 2


def _body(h_hbm, t_hbm, r_hbm, ent_hbm, rel_hbm, out_hbm,
          hidx, tidx, ridx, th, tt, tr, out_v, sems):
    wid = lax.axis_index("s") * N_CORES + lax.axis_index("c")
    pltpu.sync_copy(h_hbm.at[wid], hidx)
    pltpu.sync_copy(t_hbm.at[wid], tidx)
    pltpu.sync_copy(r_hbm.at[wid], ridx)

    lane = lax.iota(jnp.int32, LANES)

    def issue(b, buf):
        hv = hidx[0, pl.ds(b * EB, EB)]
        tv = tidx[0, pl.ds(b * EB, EB)]
        rv = ridx[0, pl.ds(b * EB, EB)]
        for k in range(EB):
            pltpu.async_copy(ent_hbm.at[hv[k] >> 3], th.at[buf, k],
                             sems.at[buf])
            pltpu.async_copy(ent_hbm.at[tv[k] >> 3], tt.at[buf, k],
                             sems.at[buf])
            pltpu.async_copy(rel_hbm.at[rv[k] >> 3], tr.at[buf, k],
                             sems.at[buf])

    def drain(buf):
        def one(i, _):
            pltpu.make_async_copy(ent_hbm.at[0], th.at[buf, 0],
                                  sems.at[buf]).wait()
            return 0
        lax.fori_loop(0, 3 * EB, one, 0)

    def compute(b, buf):
        hv = hidx[0, pl.ds(b * EB, EB)]
        tv = tidx[0, pl.ds(b * EB, EB)]
        rv = ridx[0, pl.ds(b * EB, EB)]
        vec = jnp.zeros((LANES,), jnp.float32)
        for k in range(EB):
            hq = hv[k] & 7
            tq = tv[k] & 7
            rq = rv[k] & 7
            acc = jnp.zeros((LANES,), jnp.float32)
            for c in range(DIM // LANES):
                a = th[buf, k, hq, pl.ds(c * LANES, LANES)]
                e = tr[buf, k, rq, pl.ds(c * LANES, LANES)]
                tx = tt[buf, k, tq, pl.ds(c * LANES, LANES)]
                acc = acc + (a + e) * tx
            vec = jnp.where(lane == k, jnp.sum(acc), vec)
        out_v[0, pl.ds(b * EB, EB)] = vec

    issue(0, 0)

    def step(b, _):
        buf = lax.rem(b, NBUF)
        nbuf = lax.rem(b + 1, NBUF)

        @pl.when(b + 1 < NB)
        def _():
            issue(b + 1, nbuf)

        drain(buf)
        compute(b, buf)
        return 0

    lax.fori_loop(0, NB, step, 0)
    pltpu.sync_copy(out_v, out_hbm.at[wid])


@functools.partial(
    pl.kernel,
    out_type=jax.ShapeDtypeStruct((NW, 1, CHUNK), jnp.float32),
    mesh=plsc.VectorSubcoreMesh(core_axis_name="c", subcore_axis_name="s",
                                num_cores=N_CORES, num_subcores=N_SUBCORES),
    compiler_params=pltpu.CompilerParams(needs_layout_passes=False),
    scratch_types=[
        pltpu.VMEM((1, CHUNK), jnp.int32),
        pltpu.VMEM((1, CHUNK), jnp.int32),
        pltpu.VMEM((1, CHUNK), jnp.int32),
        pltpu.VMEM((NBUF, EB, 8, DIM), jnp.float32),
        pltpu.VMEM((NBUF, EB, 8, DIM), jnp.float32),
        pltpu.VMEM((NBUF, EB, 8, DIM), jnp.float32),
        pltpu.VMEM((1, CHUNK), jnp.float32),
        pltpu.SemaphoreType.DMA((NBUF,)),
    ],
)
def _sc_kernel(h_hbm, t_hbm, r_hbm, ent_hbm, rel_hbm, out_hbm,
               hidx, tidx, ridx, th, tt, tr, out_v, sems):
    _body(h_hbm, t_hbm, r_hbm, ent_hbm, rel_hbm, out_hbm,
          hidx, tidx, ridx, th, tt, tr, out_v, sems)


def kernel(h, t, r, ent_emb, rel_emb):
    h2 = jnp.asarray(h, jnp.int32).reshape(NW, 1, CHUNK)
    t2 = jnp.asarray(t, jnp.int32).reshape(NW, 1, CHUNK)
    r2 = jnp.asarray(r, jnp.int32).reshape(NW, 1, CHUNK)
    ent3 = ent_emb.reshape(1000000 // 8, 8, DIM)
    rel3 = rel_emb.reshape(N_REL // 8, 8, DIM)
    out = _sc_kernel(h2, t2, r2, ent3, rel3)
    return out.reshape(BATCH)

# --- scband reference (transcript-rebuilt; emitter-appended) ---
"""Pipeline reference for scband-mini-model-48558900249376 (READ-ONLY COPY).

The authoritative reference and input builder live on the scoring server;
editing this copy changes nothing except your own understanding.
"""

import jax, jax.numpy as jnp
import numpy as np

N_ENT = 1000000
N_REL = 1000
DIM = 64
BATCH = 16384

def _xavier_uniform(key, shape):
    fan_in, fan_out = shape[1], shape[0]
    limit = float(np.sqrt(6.0 / (fan_in + fan_out)))
    return jax.random.uniform(key, shape, dtype=jnp.float32, minval=-limit, maxval=limit)

def setup_inputs(seed: int = 0) -> dict:
    key = jax.random.key(seed)
    k1, k2, k3, k4, k5 = jax.random.split(key, 5)
    h = jax.random.randint(k1, (BATCH,), 0, N_ENT, dtype=jnp.int64 if jax.config.read('jax_enable_x64') else jnp.int32)
    t = jax.random.randint(k2, (BATCH,), 0, N_ENT, dtype=jnp.int64 if jax.config.read('jax_enable_x64') else jnp.int32)
    r = jax.random.randint(k3, (BATCH,), 0, N_REL, dtype=jnp.int64 if jax.config.read('jax_enable_x64') else jnp.int32)
    ent_emb = _xavier_uniform(k4, (N_ENT, DIM))
    rel_emb = _xavier_uniform(k5, (N_REL, DIM))
    return {"h": h, "t": t, "r": r, "ent_emb": ent_emb, "rel_emb": rel_emb}

def reference(h, t, r, ent_emb, rel_emb):
    eh = jnp.take(ent_emb, h, axis=0)
    et = jnp.take(ent_emb, t, axis=0)
    er = jnp.take(rel_emb, r, axis=0)
    return jnp.sum((eh + er) * et, axis=1)

if __name__ == "__main__":
    import jax
    _d = setup_inputs()
    print(jax.jit(kernel)(*tuple(_d.values())))

</pallas_src>

<mosaic_0001>
#map = affine_map<(d0, d1) -> (0, 0, 0)>
module attributes {stable_mosaic.version = 14 : i64} {
  func.func @_sc_kernel(%arg0: i32, %arg1: i32, %arg2: memref<32x1x512xi32, #tpu.memory_space<hbm>>, %arg3: memref<32x1x512xi32, #tpu.memory_space<hbm>>, %arg4: memref<32x1x512xi32, #tpu.memory_space<hbm>>, %arg5: memref<125000x8x64xf32, #tpu.memory_space<hbm>>, %arg6: memref<125x8x64xf32, #tpu.memory_space<hbm>>, %arg7: memref<32x1x512xf32, #tpu.memory_space<hbm>>, %arg8: memref<1x512xi32, #tpu.memory_space<vmem>>, %arg9: memref<1x512xi32, #tpu.memory_space<vmem>>, %arg10: memref<1x512xi32, #tpu.memory_space<vmem>>, %arg11: memref<2x16x8x64xf32, #tpu.memory_space<vmem>>, %arg12: memref<2x16x8x64xf32, #tpu.memory_space<vmem>>, %arg13: memref<2x16x8x64xf32, #tpu.memory_space<vmem>>, %arg14: memref<1x512xf32, #tpu.memory_space<vmem>>, %arg15: memref<2x!tpu.dma_semaphore, #tpu.memory_space<semaphore_mem>>) attributes {dimension_semantics = [#tpu.dimension_semantics<core_parallel>, #tpu.dimension_semantics<subcore_parallel>], iteration_bounds = array<i64: 2, 16>, scalar_prefetch = 0 : i64, scratch_operands = 8 : i64, tpu.core_type = #tpu.core_type<sc_vector_subcore>, window_params = [{transform_indices = #map}, {transform_indices = #map}, {transform_indices = #map}, {transform_indices = #map}, {transform_indices = #map}, {transform_indices = #map}]} {
    %mul3A = arith.constant 2 : i32
    %mul3A_0 = arith.muli %arg1, %mul3A : i32
    %add3A = arith.addi %mul3A_0, %arg0 : i32
    "tpu.region"() ({
      %run_scoped3A = tpu.sem_alloc : memref<!tpu.dma_semaphore, #tpu.memory_space<semaphore_mem>>
      %dma_start3A_1214 = arith.constant 0 : i32
      %dma_start3A_1215 = arith.constant 0 : i32
      %dma_start3A_1216 = tpu.memref_slice %arg2[%add3A, %dma_start3A_1214, %dma_start3A_1215] : memref<32x1x512xi32, #tpu.memory_space<hbm>> -> memref<1x1x512xi32, #tpu.memory_space<hbm>>
      %dma_start3A_1217 = tpu.memref_squeeze %dma_start3A_1216 : memref<1x1x512xi32, #tpu.memory_space<hbm>> -> memref<1x512xi32, #tpu.memory_space<hbm>>
      %dma_start3A_1218 = arith.constant 0 : i32
      %dma_start3A_1219 = arith.constant 0 : i32
      %dma_start3A_1220 = tpu.memref_slice %arg2[%add3A, %dma_start3A_1218, %dma_start3A_1219] : memref<32x1x512xi32, #tpu.memory_space<hbm>> -> memref<1x1x512xi32, #tpu.memory_space<hbm>>
      %dma_start3A_1221 = tpu.memref_squeeze %dma_start3A_1220 : memref<1x1x512xi32, #tpu.memory_space<hbm>> -> memref<1x512xi32, #tpu.memory_space<hbm>>
      tpu.enqueue_dma source(%dma_start3A_1221 : memref<1x512xi32, #tpu.memory_space<hbm>>) target(%arg8 : memref<1x512xi32, #tpu.memory_space<vmem>>) target_semaphore(%run_scoped3A : memref<!tpu.dma_semaphore, #tpu.memory_space<semaphore_mem>>)
      %dma_wait3A = arith.constant 0 : i32
      %dma_wait3A_1222 = arith.constant 0 : i32
      %dma_wait3A_1223 = tpu.memref_slice %arg2[%add3A, %dma_wait3A, %dma_wait3A_1222] : memref<32x1x512xi32, #tpu.memory_space<hbm>> -> memref<1x1x512xi32, #tpu.memory_space<hbm>>
      %dma_wait3A_1224 = tpu.memref_squeeze %dma_wait3A_1223 : memref<1x1x512xi32, #tpu.memory_space<hbm>> -> memref<1x512xi32, #tpu.memory_space<hbm>>
      %dma_wait3A_1225 = arith.constant 0 : i32
      %dma_wait3A_1226 = arith.constant 0 : i32
      %dma_wait3A_1227 = tpu.memref_slice %arg2[%add3A, %dma_wait3A_1225, %dma_wait3A_1226] : memref<32x1x512xi32, #tpu.memory_space<hbm>> -> memref<1x1x512xi32, #tpu.memory_space<hbm>>
      %dma_wait3A_1228 = tpu.memref_squeeze %dma_wait3A_1227 : memref<1x1x512xi32, #tpu.memory_space<hbm>> -> memref<1x512xi32, #tpu.memory_space<hbm>>
      tpu.wait_dma2 semaphore(%run_scoped3A : memref<!tpu.dma_semaphore, #tpu.memory_space<semaphore_mem>>) src(%dma_wait3A_1228 : memref<1x512xi32, #tpu.memory_space<hbm>>) dst(%arg8 : memref<1x512xi32, #tpu.memory_space<vmem>>)
      tpu.yield
    }) : () -> ()
    "tpu.region"() ({
      %run_scoped3A = tpu.sem_alloc : memref<!tpu.dma_semaphore, #tpu.memory_space<semaphore_mem>>
      %dma_start3A_1214 = arith.constant 0 : i32
      %dma_start3A_1215 = arith.constant 0 : i32
      %dma_start3A_1216 = tpu.memref_slice %arg3[%add3A, %dma_start3A_1214, %dma_start3A_1215] : memref<32x1x512xi32, #tpu.memory_space<hbm>> -> memref<1x1x512xi32, #tpu.memory_space<hbm>>
      %dma_start3A_1217 = tpu.memref_squeeze %dma_start3A_1216 : memref<1x1x512xi32, #tpu.memory_space<hbm>> -> memref<1x512xi32, #tpu.memory_space<hbm>>
      %dma_start3A_1218 = arith.constant 0 : i32
      %dma_start3A_1219 = arith.constant 0 : i32
      %dma_start3A_1220 = tpu.memref_slice %arg3[%add3A, %dma_start3A_1218, %dma_start3A_1219] : memref<32x1x512xi32, #tpu.memory_space<hbm>> -> memref<1x1x512xi32, #tpu.memory_space<hbm>>
      %dma_start3A_1221 = tpu.memref_squeeze %dma_start3A_1220 : memref<1x1x512xi32, #tpu.memory_space<hbm>> -> memref<1x512xi32, #tpu.memory_space<hbm>>
      tpu.enqueue_dma source(%dma_start3A_1221 : memref<1x512xi32, #tpu.memory_space<hbm>>) target(%arg9 : memref<1x512xi32, #tpu.memory_space<vmem>>) target_semaphore(%run_scoped3A : memref<!tpu.dma_semaphore, #tpu.memory_space<semaphore_mem>>)
      %dma_wait3A = arith.constant 0 : i32
      %dma_wait3A_1222 = arith.constant 0 : i32
      %dma_wait3A_1223 = tpu.memref_slice %arg3[%add3A, %dma_wait3A, %dma_wait3A_1222] : memref<32x1x512xi32, #tpu.memory_space<hbm>> -> memref<1x1x512xi32, #tpu.memory_space<hbm>>
      %dma_wait3A_1224 = tpu.memref_squeeze %dma_wait3A_1223 : memref<1x1x512xi32, #tpu.memory_space<hbm>> -> memref<1x512xi32, #tpu.memory_space<hbm>>
      %dma_wait3A_1225 = arith.constant 0 : i32
      %dma_wait3A_1226 = arith.constant 0 : i32
      %dma_wait3A_1227 = tpu.memref_slice %arg3[%add3A, %dma_wait3A_1225, %dma_wait3A_1226] : memref<32x1x512xi32, #tpu.memory_space<hbm>> -> memref<1x1x512xi32, #tpu.memory_space<hbm>>
      %dma_wait3A_1228 = tpu.memref_squeeze %dma_wait3A_1227 : memref<1x1x512xi32, #tpu.memory_space<hbm>> -> memref<1x512xi32, #tpu.memory_space<hbm>>
      tpu.wait_dma2 semaphore(%run_scoped3A : memref<!tpu.dma_semaphore, #tpu.memory_space<semaphore_mem>>) src(%dma_wait3A_1228 : memref<1x512xi32, #tpu.memory_space<hbm>>) dst(%arg9 : memref<1x512xi32, #tpu.memory_space<vmem>>)
      tpu.yield
    }) : () -> ()
    "tpu.region"() ({
      %run_scoped3A = tpu.sem_alloc : memref<!tpu.dma_semaphore, #tpu.memory_space<semaphore_mem>>
      %dma_start3A_1214 = arith.constant 0 : i32
      %dma_start3A_1215 = arith.constant 0 : i32
      %dma_start3A_1216 = tpu.memref_slice %arg4[%add3A, %dma_start3A_1214, %dma_start3A_1215] : memref<32x1x512xi32, #tpu.memory_space<hbm>> -> memref<1x1x512xi32, #tpu.memory_space<hbm>>
      %dma_start3A_1217 = tpu.memref_squeeze %dma_start3A_1216 : memref<1x1x512xi32, #tpu.memory_space<hbm>> -> memref<1x512xi32, #tpu.memory_space<hbm>>
      %dma_start3A_1218 = arith.constant 0 : i32
      %dma_start3A_1219 = arith.constant 0 : i32
      %dma_start3A_1220 = tpu.memref_slice %arg4[%add3A, %dma_start3A_1218, %dma_start3A_1219] : memref<32x1x512xi32, #tpu.memory_space<hbm>> -> memref<1x1x512xi32, #tpu.memory_space<hbm>>
      %dma_start3A_1221 = tpu.memref_squeeze %dma_start3A_1220 : memref<1x1x512xi32, #tpu.memory_space<hbm>> -> memref<1x512xi32, #tpu.memory_space<hbm>>
      tpu.enqueue_dma source(%dma_start3A_1221 : memref<1x512xi32, #tpu.memory_space<hbm>>) target(%arg10 : memref<1x512xi32, #tpu.memory_space<vmem>>) target_semaphore(%run_scoped3A : memref<!tpu.dma_semaphore, #tpu.memory_space<semaphore_mem>>)
      %dma_wait3A = arith.constant 0 : i32
      %dma_wait3A_1222 = arith.constant 0 : i32
      %dma_wait3A_1223 = tpu.memref_slice %arg4[%add3A, %dma_wait3A, %dma_wait3A_1222] : memref<32x1x512xi32, #tpu.memory_space<hbm>> -> memref<1x1x512xi32, #tpu.memory_space<hbm>>
      %dma_wait3A_1224 = tpu.memref_squeeze %dma_wait3A_1223 : memref<1x1x512xi32, #tpu.memory_space<hbm>> -> memref<1x512xi32, #tpu.memory_space<hbm>>
      %dma_wait3A_1225 = arith.constant 0 : i32
      %dma_wait3A_1226 = arith.constant 0 : i32
      %dma_wait3A_1227 = tpu.memref_slice %arg4[%add3A, %dma_wait3A_1225, %dma_wait3A_1226] : memref<32x1x512xi32, #tpu.memory_space<hbm>> -> memref<1x1x512xi32, #tpu.memory_space<hbm>>
      %dma_wait3A_1228 = tpu.memref_squeeze %dma_wait3A_1227 : memref<1x1x512xi32, #tpu.memory_space<hbm>> -> memref<1x512xi32, #tpu.memory_space<hbm>>
      tpu.wait_dma2 semaphore(%run_scoped3A : memref<!tpu.dma_semaphore, #tpu.memory_space<semaphore_mem>>) src(%dma_wait3A_1228 : memref<1x512xi32, #tpu.memory_space<hbm>>) dst(%arg10 : memref<1x512xi32, #tpu.memory_space<vmem>>)
      tpu.yield
    }) : () -> ()
    %iota3A = tpu.iota {dimensions = array<i32: 0>} : vector<16xi32>
    %get3A = arith.constant 0 : i32
    %get3A_1 = arith.index_cast %get3A : i32 to index
    %get3A_2 = arith.constant 0 : index
    %get3A_3 = tpu.vector_load %arg8[%get3A_1, %get3A_2] {strides = array<i32>} : memref<1x512xi32, #tpu.memory_space<vmem>>, vector<16xi32>,
    %get3A_4 = arith.constant 0 : i32
    %get3A_5 = arith.index_cast %get3A_4 : i32 to index
    %get3A_6 = arith.constant 0 : index
    %get3A_7 = tpu.vector_load %arg9[%get3A_5, %get3A_6] {strides = array<i32>} : memref<1x512xi32, #tpu.memory_space<vmem>>, vector<16xi32>,
    %get3A_8 = arith.constant 0 : i32
    %get3A_9 = arith.index_cast %get3A_8 : i32 to index
    %get3A_10 = arith.constant 0 : index
    %get3A_11 = tpu.vector_load %arg10[%get3A_9, %get3A_10] {strides = array<i32>} : memref<1x512xi32, #tpu.memory_space<vmem>>, vector<16xi32>,
    %slice3A = vector.extract_strided_slice %get3A_3 {offsets = [0], sizes = [1], strides = [1]} : vector<16xi32> to vector<1xi32>
    %squeeze3A = vector.extract %slice3A[0] : i32 from vector<1xi32>
    %shift_right_arithmetic3A = arith.constant 3 : i32
    %shift_right_arithmetic3A_12 = arith.shrsi %squeeze3A, %shift_right_arithmetic3A : i32
    %dma_start3A = arith.constant 0 : i32
    %dma_start3A_13 = arith.constant 0 : i32
    %dma_start3A_14 = arith.constant 0 : i32
    %dma_start3A_15 = arith.constant 0 : i32
    %dma_start3A_16 = arith.constant 0 : i32
    %dma_start3A_17 = tpu.memref_slice %arg11[%dma_start3A, %dma_start3A_13, %dma_start3A_15, %dma_start3A_16] : memref<2x16x8x64xf32, #tpu.memory_space<vmem>> -> memref<1x1x8x64xf32, #tpu.memory_space<vmem>>
    %dma_start3A_18 = tpu.memref_squeeze %dma_start3A_17 : memref<1x1x8x64xf32, #tpu.memory_space<vmem>> -> memref<8x64xf32, #tpu.memory_space<vmem>>
    %dma_start3A_19 = arith.constant 0 : i32
    %dma_start3A_20 = arith.constant 0 : i32
    %dma_start3A_21 = tpu.memref_slice %arg5[%shift_right_arithmetic3A_12, %dma_start3A_19, %dma_start3A_20] : memref<125000x8x64xf32, #tpu.memory_space<hbm>> -> memref<1x8x64xf32, #tpu.memory_space<hbm>>
    %dma_start3A_22 = tpu.memref_squeeze %dma_start3A_21 : memref<1x8x64xf32, #tpu.memory_space<hbm>> -> memref<8x64xf32, #tpu.memory_space<hbm>>
    %dma_start3A_23 = tpu.memref_slice %arg15[%dma_start3A_14] : memref<2x!tpu.dma_semaphore, #tpu.memory_space<semaphore_mem>> -> memref<1x!tpu.dma_semaphore, #tpu.memory_space<semaphore_mem>>
    %dma_start3A_24 = tpu.memref_squeeze %dma_start3A_23 : memref<1x!tpu.dma_semaphore, #tpu.memory_space<semaphore_mem>> -> memref<!tpu.dma_semaphore, #tpu.memory_space<semaphore_mem>>
    %dma_start3A_25 = arith.constant 0 : i32
    %dma_start3A_26 = arith.constant 0 : i32
    %dma_start3A_27 = tpu.memref_slice %arg11[%dma_start3A, %dma_start3A_13, %dma_start3A_25, %dma_start3A_26] : memref<2x16x8x64xf32, #tpu.memory_space<vmem>> -> memref<1x1x8x64xf32, #tpu.memory_space<vmem>>
    %dma_start3A_28 = tpu.memref_squeeze %dma_start3A_27 : memref<1x1x8x64xf32, #tpu.memory_space<vmem>> -> memref<8x64xf32, #tpu.memory_space<vmem>>
    %dma_start3A_29 = arith.constant 0 : i32
    %dma_start3A_30 = arith.constant 0 : i32
    %dma_start3A_31 = tpu.memref_slice %arg5[%shift_right_arithmetic3A_12, %dma_start3A_29, %dma_start3A_30] : memref<125000x8x64xf32, #tpu.memory_space<hbm>> -> memref<1x8x64xf32, #tpu.memory_space<hbm>>
    %dma_start3A_32 = tpu.memref_squeeze %dma_start3A_31 : memref<1x8x64xf32, #tpu.memory_space<hbm>> -> memref<8x64xf32, #tpu.memory_space<hbm>>
    tpu.enqueue_dma source(%dma_start3A_32 : memref<8x64xf32, #tpu.memory_space<hbm>>) target(%dma_start3A_28 : memref<8x64xf32, #tpu.memory_space<vmem>>) target_semaphore(%dma_start3A_24 : memref<!tpu.dma_semaphore, #tpu.memory_space<semaphore_mem>>)
    %slice3A_33 = vector.extract_strided_slice %get3A_7 {offsets = [0], sizes = [1], strides = [1]} : vector<16xi32> to vector<1xi32>
    %squeeze3A_34 = vector.extract %slice3A_33[0] : i32 from vector<1xi32>
    %shift_right_arithmetic3A_35 = arith.constant 3 : i32
    %shift_right_arithmetic3A_36 = arith.shrsi %squeeze3A_34, %shift_right_arithmetic3A_35 : i32
    %dma_start3A_37 = arith.constant 0 : i32
    %dma_start3A_38 = arith.constant 0 : i32
    %dma_start3A_39 = arith.constant 0 : i32
    %dma_start3A_40 = arith.constant 0 : i32
    %dma_start3A_41 = arith.constant 0 : i32
    %dma_start3A_42 = tpu.memref_slice %arg12[%dma_start3A_37, %dma_start3A_38, %dma_start3A_40, %dma_start3A_41] : memref<2x16x8x64xf32, #tpu.memory_space<vmem>> -> memref<1x1x8x64xf32, #tpu.memory_space<vmem>>
    %dma_start3A_43 = tpu.memref_squeeze %dma_start3A_42 : memref<1x1x8x64xf32, #tpu.memory_space<vmem>> -> memref<8x64xf32, #tpu.memory_space<vmem>>
    %dma_start3A_44 = arith.constant 0 : i32
    %dma_start3A_45 = arith.constant 0 : i32
    %dma_start3A_46 = tpu.memref_slice %arg5[%shift_right_arithmetic3A_36, %dma_start3A_44, %dma_start3A_45] : memref<125000x8x64xf32, #tpu.memory_space<hbm>> -> memref<1x8x64xf32, #tpu.memory_space<hbm>>
    %dma_start3A_47 = tpu.memref_squeeze %dma_start3A_46 : memref<1x8x64xf32, #tpu.memory_space<hbm>> -> memref<8x64xf32, #tpu.memory_space<hbm>>
    %dma_start3A_48 = tpu.memref_slice %arg15[%dma_start3A_39] : memref<2x!tpu.dma_semaphore, #tpu.memory_space<semaphore_mem>> -> memref<1x!tpu.dma_semaphore, #tpu.memory_space<semaphore_mem>>
    %dma_start3A_49 = tpu.memref_squeeze %dma_start3A_48 : memref<1x!tpu.dma_semaphore, #tpu.memory_space<semaphore_mem>> -> memref<!tpu.dma_semaphore, #tpu.memory_space<semaphore_mem>>
    %dma_start3A_50 = arith.constant 0 : i32
    %dma_start3A_51 = arith.constant 0 : i32
    %dma_start3A_52 = tpu.memref_slice %arg12[%dma_start3A_37, %dma_start3A_38, %dma_start3A_50, %dma_start3A_51] : memref<2x16x8x64xf32, #tpu.memory_space<vmem>> -> memref<1x1x8x64xf32, #tpu.memory_space<vmem>>
    %dma_start3A_53 = tpu.memref_squeeze %dma_start3A_52 : memref<1x1x8x64xf32, #tpu.memory_space<vmem>> -> memref<8x64xf32, #tpu.memory_space<vmem>>
    %dma_start3A_54 = arith.constant 0 : i32
    %dma_start3A_55 = arith.constant 0 : i32
    %dma_start3A_56 = tpu.memref_slice %arg5[%shift_right_arithmetic3A_36, %dma_start3A_54, %dma_start3A_55] : memref<125000x8x64xf32, #tpu.memory_space<hbm>> -> memref<1x8x64xf32, #tpu.memory_space<hbm>>
    %dma_start3A_57 = tpu.memref_squeeze %dma_start3A_56 : memref<1x8x64xf32, #tpu.memory_space<hbm>> -> memref<8x64xf32, #tpu.memory_space<hbm>>
    tpu.enqueue_dma source(%dma_start3A_57 : memref<8x64xf32, #tpu.memory_space<hbm>>) target(%dma_start3A_53 : memref<8x64xf32, #tpu.memory_space<vmem>>) target_semaphore(%dma_start3A_49 : memref<!tpu.dma_semaphore, #tpu.memory_space<semaphore_mem>>)
    %slice3A_58 = vector.extract_strided_slice %get3A_11 {offsets = [0], sizes = [1], strides = [1]} : vector<16xi32> to vector<1xi32>
    %squeeze3A_59 = vector.extract %slice3A_58[0] : i32 from vector<1xi32>
    %shift_right_arithmetic3A_60 = arith.constant 3 : i32
    %shift_right_arithmetic3A_61 = arith.shrsi %squeeze3A_59, %shift_right_arithmetic3A_60 : i32
    %dma_start3A_62 = arith.constant 0 : i32
    %dma_start3A_63 = arith.constant 0 : i32
    %dma_start3A_64 = arith.constant 0 : i32
    %dma_start3A_65 = arith.constant 0 : i32
    %dma_start3A_66 = arith.constant 0 : i32
    %dma_start3A_67 = tpu.memref_slice %arg13[%dma_start3A_62, %dma_start3A_63, %dma_start3A_65, %dma_start3A_66] : memref<2x16x8x64xf32, #tpu.memory_space<vmem>> -> memref<1x1x8x64xf32, #tpu.memory_space<vmem>>
    %dma_start3A_68 = tpu.memref_squeeze %dma_start3A_67 : memref<1x1x8x64xf32, #tpu.memory_space<vmem>> -> memref<8x64xf32, #tpu.memory_space<vmem>>
    %dma_start3A_69 = arith.constant 0 : i32
    %dma_start3A_70 = arith.constant 0 : i32
    %dma_start3A_71 = tpu.memref_slice %arg6[%shift_right_arithmetic3A_61, %dma_start3A_69, %dma_start3A_70] : memref<125x8x64xf32, #tpu.memory_space<hbm>> -> memref<1x8x64xf32, #tpu.memory_space<hbm>>
    %dma_start3A_72 = tpu.memref_squeeze %dma_start3A_71 : memref<1x8x64xf32, #tpu.memory_space<hbm>> -> memref<8x64xf32, #tpu.memory_space<hbm>>
    %dma_start3A_73 = tpu.memref_slice %arg15[%dma_start3A_64] : memref<2x!tpu.dma_semaphore, #tpu.memory_space<semaphore_mem>> -> memref<1x!tpu.dma_semaphore, #tpu.memory_space<semaphore_mem>>
    %dma_start3A_74 = tpu.memref_squeeze %dma_start3A_73 : memref<1x!tpu.dma_semaphore, #tpu.memory_space<semaphore_mem>> -> memref<!tpu.dma_semaphore, #tpu.memory_space<semaphore_mem>>
    %dma_start3A_75 = arith.constant 0 : i32
    %dma_start3A_76 = arith.constant 0 : i32
    %dma_start3A_77 = tpu.memref_slice %arg13[%dma_start3A_62, %dma_start3A_63, %dma_start3A_75, %dma_start3A_76] : memref<2x16x8x64xf32, #tpu.memory_space<vmem>> -> memref<1x1x8x64xf32, #tpu.memory_space<vmem>>
    %dma_start3A_78 = tpu.memref_squeeze %dma_start3A_77 : memref<1x1x8x64xf32, #tpu.memory_space<vmem>> -> memref<8x64xf32, #tpu.memory_space<vmem>>
    %dma_start3A_79 = arith.constant 0 : i32
    %dma_start3A_80 = arith.constant 0 : i32
    %dma_start3A_81 = tpu.memref_slice %arg6[%shift_right_arithmetic3A_61, %dma_start3A_79, %dma_start3A_80] : memref<125x8x64xf32, #tpu.memory_space<hbm>> -> memref<1x8x64xf32, #tpu.memory_space<hbm>>
    %dma_start3A_82 = tpu.memref_squeeze %dma_start3A_81 : memref<1x8x64xf32, #tpu.memory_space<hbm>> -> memref<8x64xf32, #tpu.memory_space<hbm>>
    tpu.enqueue_dma source(%dma_start3A_82 : memref<8x64xf32, #tpu.memory_space<hbm>>) target(%dma_start3A_78 : memref<8x64xf32, #tpu.memory_space<vmem>>) target_semaphore(%dma_start3A_74 : memref<!tpu.dma_semaphore, #tpu.memory_space<semaphore_mem>>)
    %slice3A_83 = vector.extract_strided_slice %get3A_3 {offsets = [1], sizes = [1], strides = [1]} : vector<16xi32> to vector<1xi32>
    %squeeze3A_84 = vector.extract %slice3A_83[0] : i32 from vector<1xi32>
    %shift_right_arithmetic3A_85 = arith.constant 3 : i32
    %shift_right_arithmetic3A_86 = arith.shrsi %squeeze3A_84, %shift_right_arithmetic3A_85 : i32
    %dma_start3A_87 = arith.constant 0 : i32
    %dma_start3A_88 = arith.constant 1 : i32
    %dma_start3A_89 = arith.constant 0 : i32
    %dma_start3A_90 = arith.constant 0 : i32
    %dma_start3A_91 = arith.constant 0 : i32
    %dma_start3A_92 = tpu.memref_slice %arg11[%dma_start3A_87, %dma_start3A_88, %dma_start3A_90, %dma_start3A_91] : memref<2x16x8x64xf32, #tpu.memory_space<vmem>> -> memref<1x1x8x64xf32, #tpu.memory_space<vmem>>
    %dma_start3A_93 = tpu.memref_squeeze %dma_start3A_92 : memref<1x1x8x64xf32, #tpu.memory_space<vmem>> -> memref<8x64xf32, #tpu.memory_space<vmem>>
    %dma_start3A_94 = arith.constant 0 : i32
    %dma_start3A_95 = arith.constant 0 : i32
    %dma_start3A_96 = tpu.memref_slice %arg5[%shift_right_arithmetic3A_86, %dma_start3A_94, %dma_start3A_95] : memref<125000x8x64xf32, #tpu.memory_space<hbm>> -> memref<1x8x64xf32, #tpu.memory_space<hbm>>
    %dma_start3A_97 = tpu.memref_squeeze %dma_start3A_96 : memref<1x8x64xf32, #tpu.memory_space<hbm>> -> memref<8x64xf32, #tpu.memory_space<hbm>>
    %dma_start3A_98 = tpu.memref_slice %arg15[%dma_start3A_89] : memref<2x!tpu.dma_semaphore, #tpu.memory_space<semaphore_mem>> -> memref<1x!tpu.dma_semaphore, #tpu.memory_space<semaphore_mem>>
    %dma_start3A_99 = tpu.memref_squeeze %dma_start3A_98 : memref<1x!tpu.dma_semaphore, #tpu.memory_space<semaphore_mem>> -> memref<!tpu.dma_semaphore, #tpu.memory_space<semaphore_mem>>
    %dma_start3A_100 = arith.constant 0 : i32
    %dma_start3A_101 = arith.constant 0 : i32
    %dma_start3A_102 = tpu.memref_slice %arg11[%dma_start3A_87, %dma_start3A_88, %dma_start3A_100, %dma_start3A_101] : memref<2x16x8x64xf32, #tpu.memory_space<vmem>> -> memref<1x1x8x64xf32, #tpu.memory_space<vmem>>
    %dma_start3A_103 = tpu.memref_squeeze %dma_start3A_102 : memref<1x1x8x64xf32, #tpu.memory_space<vmem>> -> memref<8x64xf32, #tpu.memory_space<vmem>>
    %dma_start3A_104 = arith.constant 0 : i32
    %dma_start3A_105 = arith.constant 0 : i32
    %dma_start3A_106 = tpu.memref_slice %arg5[%shift_right_arithmetic3A_86, %dma_start3A_104, %dma_start3A_105] : memref<125000x8x64xf32, #tpu.memory_space<hbm>> -> memref<1x8x64xf32, #tpu.memory_space<hbm>>
    %dma_start3A_107 = tpu.memref_squeeze %dma_start3A_106 : memref<1x8x64xf32, #tpu.memory_space<hbm>> -> memref<8x64xf32, #tpu.memory_space<hbm>>
    tpu.enqueue_dma source(%dma_start3A_107 : memref<8x64xf32, #tpu.memory_space<hbm>>) target(%dma_start3A_103 : memref<8x64xf32, #tpu.memory_space<vmem>>) target_semaphore(%dma_start3A_99 : memref<!tpu.dma_semaphore, #tpu.memory_space<semaphore_mem>>)
    %slice3A_108 = vector.extract_strided_slice %get3A_7 {offsets = [1], sizes = [1], strides = [1]} : vector<16xi32> to vector<1xi32>
    %squeeze3A_109 = vector.extract %slice3A_108[0] : i32 from vector<1xi32>
    %shift_right_arithmetic3A_110 = arith.constant 3 : i32
    %shift_right_arithmetic3A_111 = arith.shrsi %squeeze3A_109, %shift_right_arithmetic3A_110 : i32
    %dma_start3A_112 = arith.constant 0 : i32
    %dma_start3A_113 = arith.constant 1 : i32
    %dma_start3A_114 = arith.constant 0 : i32
    %dma_start3A_115 = arith.constant 0 : i32
    %dma_start3A_116 = arith.constant 0 : i32
    %dma_start3A_117 = tpu.memref_slice %arg12[%dma_start3A_112, %dma_start3A_113, %dma_start3A_115, %dma_start3A_116] : memref<2x16x8x64xf32, #tpu.memory_space<vmem>> -> memref<1x1x8x64xf32, #tpu.memory_space<vmem>>
    %dma_start3A_118 = tpu.memref_squeeze %dma_start3A_117 : memref<1x1x8x64xf32, #tpu.memory_space<vmem>> -> memref<8x64xf32, #tpu.memory_space<vmem>>
    %dma_start3A_119 = arith.constant 0 : i32
    %dma_start3A_120 = arith.constant 0 : i32
    %dma_start3A_121 = tpu.memref_slice %arg5[%shift_right_arithmetic3A_111, %dma_start3A_119, %dma_start3A_120] : memref<125000x8x64xf32, #tpu.memory_space<hbm>> -> memref<1x8x64xf32, #tpu.memory_space<hbm>>
    %dma_start3A_122 = tpu.memref_squeeze %dma_start3A_121 : memref<1x8x64xf32, #tpu.memory_space<hbm>> -> memref<8x64xf32, #tpu.memory_space<hbm>>
    %dma_start3A_123 = tpu.memref_slice %arg15[%dma_start3A_114] : memref<2x!tpu.dma_semaphore, #tpu.memory_space<semaphore_mem>> -> memref<1x!tpu.dma_semaphore, #tpu.memory_space<semaphore_mem>>
    %dma_start3A_124 = tpu.memref_squeeze %dma_start3A_123 : memref<1x!tpu.dma_semaphore, #tpu.memory_space<semaphore_mem>> -> memref<!tpu.dma_semaphore, #tpu.memory_space<semaphore_mem>>
    %dma_start3A_125 = arith.constant 0 : i32
    %dma_start3A_126 = arith.constant 0 : i32
    %dma_start3A_127 = tpu.memref_slice %arg12[%dma_start3A_112, %dma_start3A_113, %dma_start3A_125, %dma_start3A_126] : memref<2x16x8x64xf32, #tpu.memory_space<vmem>> -> memref<1x1x8x64xf32, #tpu.memory_space<vmem>>
    %dma_start3A_128 = tpu.memref_squeeze %dma_start3A_127 : memref<1x1x8x64xf32, #tpu.memory_space<vmem>> -> memref<8x64xf32, #tpu.memory_space<vmem>>
    %dma_start3A_129 = arith.constant 0 : i32
    %dma_start3A_130 = arith.constant 0 : i32
    %dma_start3A_131 = tpu.memref_slice %arg5[%shift_right_arithmetic3A_111, %dma_start3A_129, %dma_start3A_130] : memref<125000x8x64xf32, #tpu.memory_space<hbm>> -> memref<1x8x64xf32, #tpu.memory_space<hbm>>
    %dma_start3A_132 = tpu.memref_squeeze %dma_start3A_131 : memref<1x8x64xf32, #tpu.memory_space<hbm>> -> memref<8x64xf32, #tpu.memory_space<hbm>>
    tpu.enqueue_dma source(%dma_start3A_132 : memref<8x64xf32, #tpu.memory_space<hbm>>) target(%dma_start3A_128 : memref<8x64xf32, #tpu.memory_space<vmem>>) target_semaphore(%dma_start3A_124 : memref<!tpu.dma_semaphore, #tpu.memory_space<semaphore_mem>>)
    %slice3A_133 = vector.extract_strided_slice %get3A_11 {offsets = [1], sizes = [1], strides = [1]} : vector<16xi32> to vector<1xi32>
    %squeeze3A_134 = vector.extract %slice3A_133[0] : i32 from vector<1xi32>
    %shift_right_arithmetic3A_135 = arith.constant 3 : i32
    %shift_right_arithmetic3A_136 = arith.shrsi %squeeze3A_134, %shift_right_arithmetic3A_135 : i32
    %dma_start3A_137 = arith.constant 0 : i32
    %dma_start3A_138 = arith.constant 1 : i32
    %dma_start3A_139 = arith.constant 0 : i32
    %dma_start3A_140 = arith.constant 0 : i32
    %dma_start3A_141 = arith.constant 0 : i32
    %dma_start3A_142 = tpu.memref_slice %arg13[%dma_start3A_137, %dma_start3A_138, %dma_start3A_140, %dma_start3A_141] : memref<2x16x8x64xf32, #tpu.memory_space<vmem>> -> memref<1x1x8x64xf32, #tpu.memory_space<vmem>>
    %dma_start3A_143 = tpu.memref_squeeze %dma_start3A_142 : memref<1x1x8x64xf32, #tpu.memory_space<vmem>> -> memref<8x64xf32, #tpu.memory_space<vmem>>
    %dma_start3A_144 = arith.constant 0 : i32
    %dma_start3A_145 = arith.constant 0 : i32
    %dma_start3A_146 = tpu.memref_slice %arg6[%shift_right_arithmetic3A_136, %dma_start3A_144, %dma_start3A_145] : memref<125x8x64xf32, #tpu.memory_space<hbm>> -> memref<1x8x64xf32, #tpu.memory_space<hbm>>
    %dma_start3A_147 = tpu.memref_squeeze %dma_start3A_146 : memref<1x8x64xf32, #tpu.memory_space<hbm>> -> memref<8x64xf32, #tpu.memory_space<hbm>>
    %dma_start3A_148 = tpu.memref_slice %arg15[%dma_start3A_139] : memref<2x!tpu.dma_semaphore, #tpu.memory_space<semaphore_mem>> -> memref<1x!tpu.dma_semaphore, #tpu.memory_space<semaphore_mem>>
    %dma_start3A_149 = tpu.memref_squeeze %dma_start3A_148 : memref<1x!tpu.dma_semaphore, #tpu.memory_space<semaphore_mem>> -> memref<!tpu.dma_semaphore, #tpu.memory_space<semaphore_mem>>
    %dma_start3A_150 = arith.constant 0 : i32
    %dma_start3A_151 = arith.constant 0 : i32
    %dma_start3A_152 = tpu.memref_slice %arg13[%dma_start3A_137, %dma_start3A_138, %dma_start3A_150, %dma_start3A_151] : memref<2x16x8x64xf32, #tpu.memory_space<vmem>> -> memref<1x1x8x64xf32, #tpu.memory_space<vmem>>
    %dma_start3A_153 = tpu.memref_squeeze %dma_start3A_152 : memref<1x1x8x64xf32, #tpu.memory_space<vmem>> -> memref<8x64xf32, #tpu.memory_space<vmem>>
    %dma_start3A_154 = arith.constant 0 : i32
    %dma_start3A_155 = arith.constant 0 : i32
    %dma_start3A_156 = tpu.memref_slice %arg6[%shift_right_arithmetic3A_136, %dma_start3A_154, %dma_start3A_155] : memref<125x8x64xf32, #tpu.memory_space<hbm>> -> memref<1x8x64xf32, #tpu.memory_space<hbm>>
    %dma_start3A_157 = tpu.memref_squeeze %dma_start3A_156 : memref<1x8x64xf32, #tpu.memory_space<hbm>> -> memref<8x64xf32, #tpu.memory_space<hbm>>
    tpu.enqueue_dma source(%dma_start3A_157 : memref<8x64xf32, #tpu.memory_space<hbm>>) target(%dma_start3A_153 : memref<8x64xf32, #tpu.memory_space<vmem>>) target_semaphore(%dma_start3A_149 : memref<!tpu.dma_semaphore, #tpu.memory_space<semaphore_mem>>)
    %slice3A_158 = vector.extract_strided_slice %get3A_3 {offsets = [2], sizes = [1], strides = [1]} : vector<16xi32> to vector<1xi32>
    %squeeze3A_159 = vector.extract %slice3A_158[0] : i32 from vector<1xi32>
    %shift_right_arithmetic3A_160 = arith.constant 3 : i32
    %shift_right_arithmetic3A_161 = arith.shrsi %squeeze3A_159, %shift_right_arithmetic3A_160 : i32
    %dma_start3A_162 = arith.constant 0 : i32
    %dma_start3A_163 = arith.constant 2 : i32
    %dma_start3A_164 = arith.constant 0 : i32
    %dma_start3A_165 = arith.constant 0 : i32
    %dma_start3A_166 = arith.constant 0 : i32
    %dma_start3A_167 = tpu.memref_slice %arg11[%dma_start3A_162, %dma_start3A_163, %dma_start3A_165, %dma_start3A_166] : memref<2x16x8x64xf32, #tpu.memory_space<vmem>> -> memref<1x1x8x64xf32, #tpu.memory_space<vmem>>
    %dma_start3A_168 = tpu.memref_squeeze %dma_start3A_167 : memref<1x1x8x64xf32, #tpu.memory_space<vmem>> -> memref<8x64xf32, #tpu.memory_space<vmem>>
    %dma_start3A_169 = arith.constant 0 : i32
    %dma_start3A_170 = arith.constant 0 : i32
    %dma_start3A_171 = tpu.memref_slice %arg5[%shift_right_arithmetic3A_161, %dma_start3A_169, %dma_start3A_170] : memref<125000x8x64xf32, #tpu.memory_space<hbm>> -> memref<1x8x64xf32, #tpu.memory_space<hbm>>
    %dma_start3A_172 = tpu.memref_squeeze %dma_start3A_171 : memref<1x8x64xf32, #tpu.memory_space<hbm>> -> memref<8x64xf32, #tpu.memory_space<hbm>>
    %dma_start3A_173 = tpu.memref_slice %arg15[%dma_start3A_164] : memref<2x!tpu.dma_semaphore, #tpu.memory_space<semaphore_mem>> -> memref<1x!tpu.dma_semaphore, #tpu.memory_space<semaphore_mem>>
    %dma_start3A_174 = tpu.memref_squeeze %dma_start3A_173 : memref<1x!tpu.dma_semaphore, #tpu.memory_space<semaphore_mem>> -> memref<!tpu.dma_semaphore, #tpu.memory_space<semaphore_mem>>
    %dma_start3A_175 = arith.constant 0 : i32
    %dma_start3A_176 = arith.constant 0 : i32
    %dma_start3A_177 = tpu.memref_slice %arg11[%dma_start3A_162, %dma_start3A_163, %dma_start3A_175, %dma_start3A_176] : memref<2x16x8x64xf32, #tpu.memory_space<vmem>> -> memref<1x1x8x64xf32, #tpu.memory_space<vmem>>
    %dma_start3A_178 = tpu.memref_squeeze %dma_start3A_177 : memref<1x1x8x64xf32, #tpu.memory_space<vmem>> -> memref<8x64xf32, #tpu.memory_space<vmem>>
    %dma_start3A_179 = arith.constant 0 : i32
    %dma_start3A_180 = arith.constant 0 : i32
    %dma_start3A_181 = tpu.memref_slice %arg5[%shift_right_arithmetic3A_161, %dma_start3A_179, %dma_start3A_180] : memref<125000x8x64xf32, #tpu.memory_space<hbm>> -> memref<1x8x64xf32, #tpu.memory_space<hbm>>
    %dma_start3A_182 = tpu.memref_squeeze %dma_start3A_181 : memref<1x8x64xf32, #tpu.memory_space<hbm>> -> memref<8x64xf32, #tpu.memory_space<hbm>>
    tpu.enqueue_dma source(%dma_start3A_182 : memref<8x64xf32, #tpu.memory_space<hbm>>) target(%dma_start3A_178 : memref<8x64xf32, #tpu.memory_space<vmem>>) target_semaphore(%dma_start3A_174 : memref<!tpu.dma_semaphore, #tpu.memory_space<semaphore_mem>>)
    %slice3A_183 = vector.extract_strided_slice %get3A_7 {offsets = [2], sizes = [1], strides = [1]} : vector<16xi32> to vector<1xi32>
    %squeeze3A_184 = vector.extract %slice3A_183[0] : i32 from vector<1xi32>
    %shift_right_arithmetic3A_185 = arith.constant 3 : i32
    %shift_right_arithmetic3A_186 = arith.shrsi %squeeze3A_184, %shift_right_arithmetic3A_185 : i32
    %dma_start3A_187 = arith.constant 0 : i32
    %dma_start3A_188 = arith.constant 2 : i32
    %dma_start3A_189 = arith.constant 0 : i32
    %dma_start3A_190 = arith.constant 0 : i32
    %dma_start3A_191 = arith.constant 0 : i32
    %dma_start3A_192 = tpu.memref_slice %arg12[%dma_start3A_187, %dma_start3A_188, %dma_start3A_190, %dma_start3A_191] : memref<2x16x8x64xf32, #tpu.memory_space<vmem>> -> memref<1x1x8x64xf32, #tpu.memory_space<vmem>>
    %dma_start3A_193 = tpu.memref_squeeze %dma_start3A_192 : memref<1x1x8x64xf32, #tpu.memory_space<vmem>> -> memref<8x64xf32, #tpu.memory_space<vmem>>
    %dma_start3A_194 = arith.constant 0 : i32
    %dma_start3A_195 = arith.constant 0 : i32
    %dma_start3A_196 = tpu.memref_slice %arg5[%shift_right_arithmetic3A_186, %dma_start3A_194, %dma_start3A_195] : memref<125000x8x64xf32, #tpu.memory_space<hbm>> -> memref<1x8x64xf32, #tpu.memory_space<hbm>>
    %dma_start3A_197 = tpu.memref_squeeze %dma_start3A_196 : memref<1x8x64xf32, #tpu.memory_space<hbm>> -> memref<8x64xf32, #tpu.memory_space<hbm>>
    %dma_start3A_198 = tpu.memref_slice %arg15[%dma_start3A_189] : memref<2x!tpu.dma_semaphore, #tpu.memory_space<semaphore_mem>> -> memref<1x!tpu.dma_semaphore, #tpu.memory_space<semaphore_mem>>
    %dma_start3A_199 = tpu.memref_squeeze %dma_start3A_198 : memref<1x!tpu.dma_semaphore, #tpu.memory_space<semaphore_mem>> -> memref<!tpu.dma_semaphore, #tpu.memory_space<semaphore_mem>>
    %dma_start3A_200 = arith.constant 0 : i32
    %dma_start3A_201 = arith.constant 0 : i32
    %dma_start3A_202 = tpu.memref_slice %arg12[%dma_start3A_187, %dma_start3A_188, %dma_start3A_200, %dma_start3A_201] : memref<2x16x8x64xf32, #tpu.memory_space<vmem>> -> memref<1x1x8x64xf32, #tpu.memory_space<vmem>>
    %dma_start3A_203 = tpu.memref_squeeze %dma_start3A_202 : memref<1x1x8x64xf32, #tpu.memory_space<vmem>> -> memref<8x64xf32, #tpu.memory_space<vmem>>
    %dma_start3A_204 = arith.constant 0 : i32
    %dma_start3A_205 = arith.constant 0 : i32
    %dma_start3A_206 = tpu.memref_slice %arg5[%shift_right_arithmetic3A_186, %dma_start3A_204, %dma_start3A_205] : memref<125000x8x64xf32, #tpu.memory_space<hbm>> -> memref<1x8x64xf32, #tpu.memory_space<hbm>>
    %dma_start3A_207 = tpu.memref_squeeze %dma_start3A_206 : memref<1x8x64xf32, #tpu.memory_space<hbm>> -> memref<8x64xf32, #tpu.memory_space<hbm>>
    tpu.enqueue_dma source(%dma_start3A_207 : memref<8x64xf32, #tpu.memory_space<hbm>>) target(%dma_start3A_203 : memref<8x64xf32, #tpu.memory_space<vmem>>) target_semaphore(%dma_start3A_199 : memref<!tpu.dma_semaphore, #tpu.memory_space<semaphore_mem>>)
    %slice3A_208 = vector.extract_strided_slice %get3A_11 {offsets = [2], sizes = [1], strides = [1]} : vector<16xi32> to vector<1xi32>
    %squeeze3A_209 = vector.extract %slice3A_208[0] : i32 from vector<1xi32>
    %shift_right_arithmetic3A_210 = arith.constant 3 : i32
    %shift_right_arithmetic3A_211 = arith.shrsi %squeeze3A_209, %shift_right_arithmetic3A_210 : i32
    %dma_start3A_212 = arith.constant 0 : i32
    %dma_start3A_213 = arith.constant 2 : i32
    %dma_start3A_214 = arith.constant 0 : i32
    %dma_start3A_215 = arith.constant 0 : i32
    %dma_start3A_216 = arith.constant 0 : i32
    %dma_start3A_217 = tpu.memref_slice %arg13[%dma_start3A_212, %dma_start3A_213, %dma_start3A_215, %dma_start3A_216] : memref<2x16x8x64xf32, #tpu.memory_space<vmem>> -> memref<1x1x8x64xf32, #tpu.memory_space<vmem>>
    %dma_start3A_218 = tpu.memref_squeeze %dma_start3A_217 : memref<1x1x8x64xf32, #tpu.memory_space<vmem>> -> memref<8x64xf32, #tpu.memory_space<vmem>>
    %dma_start3A_219 = arith.constant 0 : i32
    %dma_start3A_220 = arith.constant 0 : i32
    %dma_start3A_221 = tpu.memref_slice %arg6[%shift_right_arithmetic3A_211, %dma_start3A_219, %dma_start3A_220] : memref<125x8x64xf32, #tpu.memory_space<hbm>> -> memref<1x8x64xf32, #tpu.memory_space<hbm>>
    %dma_start3A_222 = tpu.memref_squeeze %dma_start3A_221 : memref<1x8x64xf32, #tpu.memory_space<hbm>> -> memref<8x64xf32, #tpu.memory_space<hbm>>
    %dma_start3A_223 = tpu.memref_slice %arg15[%dma_start3A_214] : memref<2x!tpu.dma_semaphore, #tpu.memory_space<semaphore_mem>> -> memref<1x!tpu.dma_semaphore, #tpu.memory_space<semaphore_mem>>
    %dma_start3A_224 = tpu.memref_squeeze %dma_start3A_223 : memref<1x!tpu.dma_semaphore, #tpu.memory_space<semaphore_mem>> -> memref<!tpu.dma_semaphore, #tpu.memory_space<semaphore_mem>>
    %dma_start3A_225 = arith.constant 0 : i32
    %dma_start3A_226 = arith.constant 0 : i32
    %dma_start3A_227 = tpu.memref_slice %arg13[%dma_start3A_212, %dma_start3A_213, %dma_start3A_225, %dma_start3A_226] : memref<2x16x8x64xf32, #tpu.memory_space<vmem>> -> memref<1x1x8x64xf32, #tpu.memory_space<vmem>>
    %dma_start3A_228 = tpu.memref_squeeze %dma_start3A_227 : memref<1x1x8x64xf32, #tpu.memory_space<vmem>> -> memref<8x64xf32, #tpu.memory_space<vmem>>
    %dma_start3A_229 = arith.constant 0 : i32
    %dma_start3A_230 = arith.constant 0 : i32
    %dma_start3A_231 = tpu.memref_slice %arg6[%shift_right_arithmetic3A_211, %dma_start3A_229, %dma_start3A_230] : memref<125x8x64xf32, #tpu.memory_space<hbm>> -> memref<1x8x64xf32, #tpu.memory_space<hbm>>
    %dma_start3A_232 = tpu.memref_squeeze %dma_start3A_231 : memref<1x8x64xf32, #tpu.memory_space<hbm>> -> memref<8x64xf32, #tpu.memory_space<hbm>>
    tpu.enqueue_dma source(%dma_start3A_232 : memref<8x64xf32, #tpu.memory_space<hbm>>) target(%dma_start3A_228 : memref<8x64xf32, #tpu.memory_space<vmem>>) target_semaphore(%dma_start3A_224 : memref<!tpu.dma_semaphore, #tpu.memory_space<semaphore_mem>>)
    %slice3A_233 = vector.extract_strided_slice %get3A_3 {offsets = [3], sizes = [1], strides = [1]} : vector<16xi32> to vector<1xi32>
    %squeeze3A_234 = vector.extract %slice3A_233[0] : i32 from vector<1xi32>
    %shift_right_arithmetic3A_235 = arith.constant 3 : i32
    %shift_right_arithmetic3A_236 = arith.shrsi %squeeze3A_234, %shift_right_arithmetic3A_235 : i32
    %dma_start3A_237 = arith.constant 0 : i32
    %dma_start3A_238 = arith.constant 3 : i32
    %dma_start3A_239 = arith.constant 0 : i32
    %dma_start3A_240 = arith.constant 0 : i32
    %dma_start3A_241 = arith.constant 0 : i32
    %dma_start3A_242 = tpu.memref_slice %arg11[%dma_start3A_237, %dma_start3A_238, %dma_start3A_240, %dma_start3A_241] : memref<2x16x8x64xf32, #tpu.memory_space<vmem>> -> memref<1x1x8x64xf32, #tpu.memory_space<vmem>>
    %dma_start3A_243 = tpu.memref_squeeze %dma_start3A_242 : memref<1x1x8x64xf32, #tpu.memory_space<vmem>> -> memref<8x64xf32, #tpu.memory_space<vmem>>
    %dma_start3A_244 = arith.constant 0 : i32
    %dma_start3A_245 = arith.constant 0 : i32
    %dma_start3A_246 = tpu.memref_slice %arg5[%shift_right_arithmetic3A_236, %dma_start3A_244, %dma_start3A_245] : memref<125000x8x64xf32, #tpu.memory_space<hbm>> -> memref<1x8x64xf32, #tpu.memory_space<hbm>>
    %dma_start3A_247 = tpu.memref_squeeze %dma_start3A_246 : memref<1x8x64xf32, #tpu.memory_space<hbm>> -> memref<8x64xf32, #tpu.memory_space<hbm>>
    %dma_start3A_248 = tpu.memref_slice %arg15[%dma_start3A_239] : memref<2x!tpu.dma_semaphore, #tpu.memory_space<semaphore_mem>> -> memref<1x!tpu.dma_semaphore, #tpu.memory_space<semaphore_mem>>
    %dma_start3A_249 = tpu.memref_squeeze %dma_start3A_248 : memref<1x!tpu.dma_semaphore, #tpu.memory_space<semaphore_mem>> -> memref<!tpu.dma_semaphore, #tpu.memory_space<semaphore_mem>>
    %dma_start3A_250 = arith.constant 0 : i32
    %dma_start3A_251 = arith.constant 0 : i32
    %dma_start3A_252 = tpu.memref_slice %arg11[%dma_start3A_237, %dma_start3A_238, %dma_start3A_250, %dma_start3A_251] : memref<2x16x8x64xf32, #tpu.memory_space<vmem>> -> memref<1x1x8x64xf32, #tpu.memory_space<vmem>>
    %dma_start3A_253 = tpu.memref_squeeze %dma_start3A_252 : memref<1x1x8x64xf32, #tpu.memory_space<vmem>> -> memref<8x64xf32, #tpu.memory_space<vmem>>
    %dma_start3A_254 = arith.constant 0 : i32
    %dma_start3A_255 = arith.constant 0 : i32
    %dma_start3A_256 = tpu.memref_slice %arg5[%shift_right_arithmetic3A_236, %dma_start3A_254, %dma_start3A_255] : memref<125000x8x64xf32, #tpu.memory_space<hbm>> -> memref<1x8x64xf32, #tpu.memory_space<hbm>>
    %dma_start3A_257 = tpu.memref_squeeze %dma_start3A_256 : memref<1x8x64xf32, #tpu.memory_space<hbm>> -> memref<8x64xf32, #tpu.memory_space<hbm>>
    tpu.enqueue_dma source(%dma_start3A_257 : memref<8x64xf32, #tpu.memory_space<hbm>>) target(%dma_start3A_253 : memref<8x64xf32, #tpu.memory_space<vmem>>) target_semaphore(%dma_start3A_249 : memref<!tpu.dma_semaphore, #tpu.memory_space<semaphore_mem>>)
    %slice3A_258 = vector.extract_strided_slice %get3A_7 {offsets = [3], sizes = [1], strides = [1]} : vector<16xi32> to vector<1xi32>
    %squeeze3A_259 = vector.extract %slice3A_258[0] : i32 from vector<1xi32>
    %shift_right_arithmetic3A_260 = arith.constant 3 : i32
    %shift_right_arithmetic3A_261 = arith.shrsi %squeeze3A_259, %shift_right_arithmetic3A_260 : i32
    %dma_start3A_262 = arith.constant 0 : i32
    %dma_start3A_263 = arith.constant 3 : i32
    %dma_start3A_264 = arith.constant 0 : i32
    %dma_start3A_265 = arith.constant 0 : i32
    %dma_start3A_266 = arith.constant 0 : i32
    %dma_start3A_267 = tpu.memref_slice %arg12[%dma_start3A_262, %dma_start3A_263, %dma_start3A_265, %dma_start3A_266] : memref<2x16x8x64xf32, #tpu.memory_space<vmem>> -> memref<1x1x8x64xf32, #tpu.memory_space<vmem>>
    %dma_start3A_268 = tpu.memref_squeeze %dma_start3A_267 : memref<1x1x8x64xf32, #tpu.memory_space<vmem>> -> memref<8x64xf32, #tpu.memory_space<vmem>>
    %dma_start3A_269 = arith.constant 0 : i32
    %dma_start3A_270 = arith.constant 0 : i32
    %dma_start3A_271 = tpu.memref_slice %arg5[%shift_right_arithmetic3A_261, %dma_start3A_269, %dma_start3A_270] : memref<125000x8x64xf32, #tpu.memory_space<hbm>> -> memref<1x8x64xf32, #tpu.memory_space<hbm>>
    %dma_start3A_272 = tpu.memref_squeeze %dma_start3A_271 : memref<1x8x64xf32, #tpu.memory_space<hbm>> -> memref<8x64xf32, #tpu.memory_space<hbm>>
    %dma_start3A_273 = tpu.memref_slice %arg15[%dma_start3A_264] : memref<2x!tpu.dma_semaphore, #tpu.memory_space<semaphore_mem>> -> memref<1x!tpu.dma_semaphore, #tpu.memory_space<semaphore_mem>>
    %dma_start3A_274 = tpu.memref_squeeze %dma_start3A_273 : memref<1x!tpu.dma_semaphore, #tpu.memory_space<semaphore_mem>> -> memref<!tpu.dma_semaphore, #tpu.memory_space<semaphore_mem>>
    %dma_start3A_275 = arith.constant 0 : i32
    %dma_start3A_276 = arith.constant 0 : i32
    %dma_start3A_277 = tpu.memref_slice %arg12[%dma_start3A_262, %dma_start3A_263, %dma_start3A_275, %dma_start3A_276] : memref<2x16x8x64xf32, #tpu.memory_space<vmem>> -> memref<1x1x8x64xf32, #tpu.memory_space<vmem>>
    %dma_start3A_278 = tpu.memref_squeeze %dma_start3A_277 : memref<1x1x8x64xf32, #tpu.memory_space<vmem>> -> memref<8x64xf32, #tpu.memory_space<vmem>>
    %dma_start3A_279 = arith.constant 0 : i32
    %dma_start3A_280 = arith.constant 0 : i32
    %dma_start3A_281 = tpu.memref_slice %arg5[%shift_right_arithmetic3A_261, %dma_start3A_279, %dma_start3A_280] : memref<125000x8x64xf32, #tpu.memory_space<hbm>> -> memref<1x8x64xf32, #tpu.memory_space<hbm>>
    %dma_start3A_282 = tpu.memref_squeeze %dma_start3A_281 : memref<1x8x64xf32, #tpu.memory_space<hbm>> -> memref<8x64xf32, #tpu.memory_space<hbm>>
    tpu.enqueue_dma source(%dma_start3A_282 : memref<8x64xf32, #tpu.memory_space<hbm>>) target(%dma_start3A_278 : memref<8x64xf32, #tpu.memory_space<vmem>>) target_semaphore(%dma_start3A_274 : memref<!tpu.dma_semaphore, #tpu.memory_space<semaphore_mem>>)
    %slice3A_283 = vector.extract_strided_slice %get3A_11 {offsets = [3], sizes = [1], strides = [1]} : vector<16xi32> to vector<1xi32>
    %squeeze3A_284 = vector.extract %slice3A_283[0] : i32 from vector<1xi32>
    %shift_right_arithmetic3A_285 = arith.constant 3 : i32
    %shift_right_arithmetic3A_286 = arith.shrsi %squeeze3A_284, %shift_right_arithmetic3A_285 : i32
    %dma_start3A_287 = arith.constant 0 : i32
    %dma_start3A_288 = arith.constant 3 : i32
    %dma_start3A_289 = arith.constant 0 : i32
    %dma_start3A_290 = arith.constant 0 : i32
    %dma_start3A_291 = arith.constant 0 : i32
    %dma_start3A_292 = tpu.memref_slice %arg13[%dma_start3A_287, %dma_start3A_288, %dma_start3A_290, %dma_start3A_291] : memref<2x16x8x64xf32, #tpu.memory_space<vmem>> -> memref<1x1x8x64xf32, #tpu.memory_space<vmem>>
    %dma_start3A_293 = tpu.memref_squeeze %dma_start3A_292 : memref<1x1x8x64xf32, #tpu.memory_space<vmem>> -> memref<8x64xf32, #tpu.memory_space<vmem>>
    %dma_start3A_294 = arith.constant 0 : i32
    %dma_start3A_295 = arith.constant 0 : i32
    %dma_start3A_296 = tpu.memref_slice %arg6[%shift_right_arithmetic3A_286, %dma_start3A_294, %dma_start3A_295] : memref<125x8x64xf32, #tpu.memory_space<hbm>> -> memref<1x8x64xf32, #tpu.memory_space<hbm>>
    %dma_start3A_297 = tpu.memref_squeeze %dma_start3A_296 : memref<1x8x64xf32, #tpu.memory_space<hbm>> -> memref<8x64xf32, #tpu.memory_space<hbm>>
    %dma_start3A_298 = tpu.memref_slice %arg15[%dma_start3A_289] : memref<2x!tpu.dma_semaphore, #tpu.memory_space<semaphore_mem>> -> memref<1x!tpu.dma_semaphore, #tpu.memory_space<semaphore_mem>>
    %dma_start3A_299 = tpu.memref_squeeze %dma_start3A_298 : memref<1x!tpu.dma_semaphore, #tpu.memory_space<semaphore_mem>> -> memref<!tpu.dma_semaphore, #tpu.memory_space<semaphore_mem>>
    %dma_start3A_300 = arith.constant 0 : i32
    %dma_start3A_301 = arith.constant 0 : i32
    %dma_start3A_302 = tpu.memref_slice %arg13[%dma_start3A_287, %dma_start3A_288, %dma_start3A_300, %dma_start3A_301] : memref<2x16x8x64xf32, #tpu.memory_space<vmem>> -> memref<1x1x8x64xf32, #tpu.memory_space<vmem>>
    %dma_start3A_303 = tpu.memref_squeeze %dma_start3A_302 : memref<1x1x8x64xf32, #tpu.memory_space<vmem>> -> memref<8x64xf32, #tpu.memory_space<vmem>>
    %dma_start3A_304 = arith.constant 0 : i32
    %dma_start3A_305 = arith.constant 0 : i32
    %dma_start3A_306 = tpu.memref_slice %arg6[%shift_right_arithmetic3A_286, %dma_start3A_304, %dma_start3A_305] : memref<125x8x64xf32, #tpu.memory_space<hbm>> -> memref<1x8x64xf32, #tpu.memory_space<hbm>>
    %dma_start3A_307 = tpu.memref_squeeze %dma_start3A_306 : memref<1x8x64xf32, #tpu.memory_space<hbm>> -> memref<8x64xf32, #tpu.memory_space<hbm>>
    tpu.enqueue_dma source(%dma_start3A_307 : memref<8x64xf32, #tpu.memory_space<hbm>>) target(%dma_start3A_303 : memref<8x64xf32, #tpu.memory_space<vmem>>) target_semaphore(%dma_start3A_299 : memref<!tpu.dma_semaphore, #tpu.memory_space<semaphore_mem>>)
    %slice3A_308 = vector.extract_strided_slice %get3A_3 {offsets = [4], sizes = [1], strides = [1]} : vector<16xi32> to vector<1xi32>
    %squeeze3A_309 = vector.extract %slice3A_308[0] : i32 from vector<1xi32>
    %shift_right_arithmetic3A_310 = arith.constant 3 : i32
    %shift_right_arithmetic3A_311 = arith.shrsi %squeeze3A_309, %shift_right_arithmetic3A_310 : i32
    %dma_start3A_312 = arith.constant 0 : i32
    %dma_start3A_313 = arith.constant 4 : i32
    %dma_start3A_314 = arith.constant 0 : i32
    %dma_start3A_315 = arith.constant 0 : i32
    %dma_start3A_316 = arith.constant 0 : i32
    %dma_start3A_317 = tpu.memref_slice %arg11[%dma_start3A_312, %dma_start3A_313, %dma_start3A_315, %dma_start3A_316] : memref<2x16x8x64xf32, #tpu.memory_space<vmem>> -> memref<1x1x8x64xf32, #tpu.memory_space<vmem>>
    %dma_start3A_318 = tpu.memref_squeeze %dma_start3A_317 : memref<1x1x8x64xf32, #tpu.memory_space<vmem>> -> memref<8x64xf32, #tpu.memory_space<vmem>>
    %dma_start3A_319 = arith.constant 0 : i32
    %dma_start3A_320 = arith.constant 0 : i32
    %dma_start3A_321 = tpu.memref_slice %arg5[%shift_right_arithmetic3A_311, %dma_start3A_319, %dma_start3A_320] : memref<125000x8x64xf32, #tpu.memory_space<hbm>> -> memref<1x8x64xf32, #tpu.memory_space<hbm>>
    %dma_start3A_322 = tpu.memref_squeeze %dma_start3A_321 : memref<1x8x64xf32, #tpu.memory_space<hbm>> -> memref<8x64xf32, #tpu.memory_space<hbm>>
    %dma_start3A_323 = tpu.memref_slice %arg15[%dma_start3A_314] : memref<2x!tpu.dma_semaphore, #tpu.memory_space<semaphore_mem>> -> memref<1x!tpu.dma_semaphore, #tpu.memory_space<semaphore_mem>>
    %dma_start3A_324 = tpu.memref_squeeze %dma_start3A_323 : memref<1x!tpu.dma_semaphore, #tpu.memory_space<semaphore_mem>> -> memref<!tpu.dma_semaphore, #tpu.memory_space<semaphore_mem>>
    %dma_start3A_325 = arith.constant 0 : i32
    %dma_start3A_326 = arith.constant 0 : i32
    %dma_start3A_327 = tpu.memref_slice %arg11[%dma_start3A_312, %dma_start3A_313, %dma_start3A_325, %dma_start3A_326] : memref<2x16x8x64xf32, #tpu.memory_space<vmem>> -> memref<1x1x8x64xf32, #tpu.memory_space<vmem>>
    %dma_start3A_328 = tpu.memref_squeeze %dma_start3A_327 : memref<1x1x8x64xf32, #tpu.memory_space<vmem>> -> memref<8x64xf32, #tpu.memory_space<vmem>>
    %dma_start3A_329 = arith.constant 0 : i32
    %dma_start3A_330 = arith.constant 0 : i32
    %dma_start3A_331 = tpu.memref_slice %arg5[%shift_right_arithmetic3A_311, %dma_start3A_329, %dma_start3A_330] : memref<125000x8x64xf32, #tpu.memory_space<hbm>> -> memref<1x8x64xf32, #tpu.memory_space<hbm>>
    %dma_start3A_332 = tpu.memref_squeeze %dma_start3A_331 : memref<1x8x64xf32, #tpu.memory_space<hbm>> -> memref<8x64xf32, #tpu.memory_space<hbm>>
    tpu.enqueue_dma source(%dma_start3A_332 : memref<8x64xf32, #tpu.memory_space<hbm>>) target(%dma_start3A_328 : memref<8x64xf32, #tpu.memory_space<vmem>>) target_semaphore(%dma_start3A_324 : memref<!tpu.dma_semaphore, #tpu.memory_space<semaphore_mem>>)
    %slice3A_333 = vector.extract_strided_slice %get3A_7 {offsets = [4], sizes = [1], strides = [1]} : vector<16xi32> to vector<1xi32>
    %squeeze3A_334 = vector.extract %slice3A_333[0] : i32 from vector<1xi32>
    %shift_right_arithmetic3A_335 = arith.constant 3 : i32
    %shift_right_arithmetic3A_336 = arith.shrsi %squeeze3A_334, %shift_right_arithmetic3A_335 : i32
    %dma_start3A_337 = arith.constant 0 : i32
    %dma_start3A_338 = arith.constant 4 : i32
    %dma_start3A_339 = arith.constant 0 : i32
    %dma_start3A_340 = arith.constant 0 : i32
    %dma_start3A_341 = arith.constant 0 : i32
    %dma_start3A_342 = tpu.memref_slice %arg12[%dma_start3A_337, %dma_start3A_338, %dma_start3A_340, %dma_start3A_341] : memref<2x16x8x64xf32, #tpu.memory_space<vmem>> -> memref<1x1x8x64xf32, #tpu.memory_space<vmem>>
    %dma_start3A_343 = tpu.memref_squeeze %dma_start3A_342 : memref<1x1x8x64xf32, #tpu.memory_space<vmem>> -> memref<8x64xf32, #tpu.memory_space<vmem>>
    %dma_start3A_344 = arith.constant 0 : i32
    %dma_start3A_345 = arith.constant 0 : i32
    %dma_start3A_346 = tpu.memref_slice %arg5[%shift_right_arithmetic3A_336, %dma_start3A_344, %dma_start3A_345] : memref<125000x8x64xf32, #tpu.memory_space<hbm>> -> memref<1x8x64xf32, #tpu.memory_space<hbm>>
    %dma_start3A_347 = tpu.memref_squeeze %dma_start3A_346 : memref<1x8x64xf32, #tpu.memory_space<hbm>> -> memref<8x64xf32, #tpu.memory_space<hbm>>
    %dma_start3A_348 = tpu.memref_slice %arg15[%dma_start3A_339] : memref<2x!tpu.dma_semaphore, #tpu.memory_space<semaphore_mem>> -> memref<1x!tpu.dma_semaphore, #tpu.memory_space<semaphore_mem>>
    %dma_start3A_349 = tpu.memref_squeeze %dma_start3A_348 : memref<1x!tpu.dma_semaphore, #tpu.memory_space<semaphore_mem>> -> memref<!tpu.dma_semaphore, #tpu.memory_space<semaphore_mem>>
    %dma_start3A_350 = arith.constant 0 : i32
    %dma_start3A_351 = arith.constant 0 : i32
    %dma_start3A_352 = tpu.memref_slice %arg12[%dma_start3A_337, %dma_start3A_338, %dma_start3A_350, %dma_start3A_351] : memref<2x16x8x64xf32, #tpu.memory_space<vmem>> -> memref<1x1x8x64xf32, #tpu.memory_space<vmem>>
    %dma_start3A_353 = tpu.memref_squeeze %dma_start3A_352 : memref<1x1x8x64xf32, #tpu.memory_space<vmem>> -> memref<8x64xf32, #tpu.memory_space<vmem>>
    %dma_start3A_354 = arith.constant 0 : i32
    %dma_start3A_355 = arith.constant 0 : i32
    %dma_start3A_356 = tpu.memref_slice %arg5[%shift_right_arithmetic3A_336, %dma_start3A_354, %dma_start3A_355] : memref<125000x8x64xf32, #tpu.memory_space<hbm>> -> memref<1x8x64xf32, #tpu.memory_space<hbm>>
    %dma_start3A_357 = tpu.memref_squeeze %dma_start3A_356 : memref<1x8x64xf32, #tpu.memory_space<hbm>> -> memref<8x64xf32, #tpu.memory_space<hbm>>
    tpu.enqueue_dma source(%dma_start3A_357 : memref<8x64xf32, #tpu.memory_space<hbm>>) target(%dma_start3A_353 : memref<8x64xf32, #tpu.memory_space<vmem>>) target_semaphore(%dma_start3A_349 : memref<!tpu.dma_semaphore, #tpu.memory_space<semaphore_mem>>)
    %slice3A_358 = vector.extract_strided_slice %get3A_11 {offsets = [4], sizes = [1], strides = [1]} : vector<16xi32> to vector<1xi32>
    %squeeze3A_359 = vector.extract %slice3A_358[0] : i32 from vector<1xi32>
    %shift_right_arithmetic3A_360 = arith.constant 3 : i32
    %shift_right_arithmetic3A_361 = arith.shrsi %squeeze3A_359, %shift_right_arithmetic3A_360 : i32
    %dma_start3A_362 = arith.constant 0 : i32
    %dma_start3A_363 = arith.constant 4 : i32
    %dma_start3A_364 = arith.constant 0 : i32
    %dma_start3A_365 = arith.constant 0 : i32
    %dma_start3A_366 = arith.constant 0 : i32
    %dma_start3A_367 = tpu.memref_slice %arg13[%dma_start3A_362, %dma_start3A_363, %dma_start3A_365, %dma_start3A_366] : memref<2x16x8x64xf32, #tpu.memory_space<vmem>> -> memref<1x1x8x64xf32, #tpu.memory_space<vmem>>
    %dma_start3A_368 = tpu.memref_squeeze %dma_start3A_367 : memref<1x1x8x64xf32, #tpu.memory_space<vmem>> -> memref<8x64xf32, #tpu.memory_space<vmem>>
    %dma_start3A_369 = arith.constant 0 : i32
    %dma_start3A_370 = arith.constant 0 : i32
    %dma_start3A_371 = tpu.memref_slice %arg6[%shift_right_arithmetic3A_361, %dma_start3A_369, %dma_start3A_370] : memref<125x8x64xf32, #tpu.memory_space<hbm>> -> memref<1x8x64xf32, #tpu.memory_space<hbm>>
    %dma_start3A_372 = tpu.memref_squeeze %dma_start3A_371 : memref<1x8x64xf32, #tpu.memory_space<hbm>> -> memref<8x64xf32, #tpu.memory_space<hbm>>
    %dma_start3A_373 = tpu.memref_slice %arg15[%dma_start3A_364] : memref<2x!tpu.dma_semaphore, #tpu.memory_space<semaphore_mem>> -> memref<1x!tpu.dma_semaphore, #tpu.memory_space<semaphore_mem>>
    %dma_start3A_374 = tpu.memref_squeeze %dma_start3A_373 : memref<1x!tpu.dma_semaphore, #tpu.memory_space<semaphore_mem>> -> memref<!tpu.dma_semaphore, #tpu.memory_space<semaphore_mem>>
    %dma_start3A_375 = arith.constant 0 : i32
    %dma_start3A_376 = arith.constant 0 : i32
    %dma_start3A_377 = tpu.memref_slice %arg13[%dma_start3A_362, %dma_start3A_363, %dma_start3A_375, %dma_start3A_376] : memref<2x16x8x64xf32, #tpu.memory_space<vmem>> -> memref<1x1x8x64xf32, #tpu.memory_space<vmem>>
    %dma_start3A_378 = tpu.memref_squeeze %dma_start3A_377 : memref<1x1x8x64xf32, #tpu.memory_space<vmem>> -> memref<8x64xf32, #tpu.memory_space<vmem>>
    %dma_start3A_379 = arith.constant 0 : i32
    %dma_start3A_380 = arith.constant 0 : i32
    %dma_start3A_381 = tpu.memref_slice %arg6[%shift_right_arithmetic3A_361, %dma_start3A_379, %dma_start3A_380] : memref<125x8x64xf32, #tpu.memory_space<hbm>> -> memref<1x8x64xf32, #tpu.memory_space<hbm>>
    %dma_start3A_382 = tpu.memref_squeeze %dma_start3A_381 : memref<1x8x64xf32, #tpu.memory_space<hbm>> -> memref<8x64xf32, #tpu.memory_space<hbm>>
    tpu.enqueue_dma source(%dma_start3A_382 : memref<8x64xf32, #tpu.memory_space<hbm>>) target(%dma_start3A_378 : memref<8x64xf32, #tpu.memory_space<vmem>>) target_semaphore(%dma_start3A_374 : memref<!tpu.dma_semaphore, #tpu.memory_space<semaphore_mem>>)
    %slice3A_383 = vector.extract_strided_slice %get3A_3 {offsets = [5], sizes = [1], strides = [1]} : vector<16xi32> to vector<1xi32>
    %squeeze3A_384 = vector.extract %slice3A_383[0] : i32 from vector<1xi32>
    %shift_right_arithmetic3A_385 = arith.constant 3 : i32
    %shift_right_arithmetic3A_386 = arith.shrsi %squeeze3A_384, %shift_right_arithmetic3A_385 : i32
    %dma_start3A_387 = arith.constant 0 : i32
    %dma_start3A_388 = arith.constant 5 : i32
    %dma_start3A_389 = arith.constant 0 : i32
    %dma_start3A_390 = arith.constant 0 : i32
    %dma_start3A_391 = arith.constant 0 : i32
    %dma_start3A_392 = tpu.memref_slice %arg11[%dma_start3A_387, %dma_start3A_388, %dma_start3A_390, %dma_start3A_391] : memref<2x16x8x64xf32, #tpu.memory_space<vmem>> -> memref<1x1x8x64xf32, #tpu.memory_space<vmem>>
    %dma_start3A_393 = tpu.memref_squeeze %dma_start3A_392 : memref<1x1x8x64xf32, #tpu.memory_space<vmem>> -> memref<8x64xf32, #tpu.memory_space<vmem>>
    %dma_start3A_394 = arith.constant 0 : i32
    %dma_start3A_395 = arith.constant 0 : i32
    %dma_start3A_396 = tpu.memref_slice %arg5[%shift_right_arithmetic3A_386, %dma_start3A_394, %dma_start3A_395] : memref<125000x8x64xf32, #tpu.memory_space<hbm>> -> memref<1x8x64xf32, #tpu.memory_space<hbm>>
    %dma_start3A_397 = tpu.memref_squeeze %dma_start3A_396 : memref<1x8x64xf32, #tpu.memory_space<hbm>> -> memref<8x64xf32, #tpu.memory_space<hbm>>
    %dma_start3A_398 = tpu.memref_slice %arg15[%dma_start3A_389] : memref<2x!tpu.dma_semaphore, #tpu.memory_space<semaphore_mem>> -> memref<1x!tpu.dma_semaphore, #tpu.memory_space<semaphore_mem>>
    %dma_start3A_399 = tpu.memref_squeeze %dma_start3A_398 : memref<1x!tpu.dma_semaphore, #tpu.memory_space<semaphore_mem>> -> memref<!tpu.dma_semaphore, #tpu.memory_space<semaphore_mem>>
    %dma_start3A_400 = arith.constant 0 : i32
    %dma_start3A_401 = arith.constant 0 : i32
    %dma_start3A_402 = tpu.memref_slice %arg11[%dma_start3A_387, %dma_start3A_388, %dma_start3A_400, %dma_start3A_401] : memref<2x16x8x64xf32, #tpu.memory_space<vmem>> -> memref<1x1x8x64xf32, #tpu.memory_space<vmem>>
    %dma_start3A_403 = tpu.memref_squeeze %dma_start3A_402 : memref<1x1x8x64xf32, #tpu.memory_space<vmem>> -> memref<8x64xf32, #tpu.memory_space<vmem>>
    %dma_start3A_404 = arith.constant 0 : i32
    %dma_start3A_405 = arith.constant 0 : i32
    %dma_start3A_406 = tpu.memref_slice %arg5[%shift_right_arithmetic3A_386, %dma_start3A_404, %dma_start3A_405] : memref<125000x8x64xf32, #tpu.memory_space<hbm>> -> memref<1x8x64xf32, #tpu.memory_space<hbm>>
    %dma_start3A_407 = tpu.memref_squeeze %dma_start3A_406 : memref<1x8x64xf32, #tpu.memory_space<hbm>> -> memref<8x64xf32, #tpu.memory_space<hbm>>
    tpu.enqueue_dma source(%dma_start3A_407 : memref<8x64xf32, #tpu.memory_space<hbm>>) target(%dma_start3A_403 : memref<8x64xf32, #tpu.memory_space<vmem>>) target_semaphore(%dma_start3A_399 : memref<!tpu.dma_semaphore, #tpu.memory_space<semaphore_mem>>)
    %slice3A_408 = vector.extract_strided_slice %get3A_7 {offsets = [5], sizes = [1], strides = [1]} : vector<16xi32> to vector<1xi32>
    %squeeze3A_409 = vector.extract %slice3A_408[0] : i32 from vector<1xi32>
    %shift_right_arithmetic3A_410 = arith.constant 3 : i32
    %shift_right_arithmetic3A_411 = arith.shrsi %squeeze3A_409, %shift_right_arithmetic3A_410 : i32
    %dma_start3A_412 = arith.constant 0 : i32
    %dma_start3A_413 = arith.constant 5 : i32
    %dma_start3A_414 = arith.constant 0 : i32
    %dma_start3A_415 = arith.constant 0 : i32
    %dma_start3A_416 = arith.constant 0 : i32
    %dma_start3A_417 = tpu.memref_slice %arg12[%dma_start3A_412, %dma_start3A_413, %dma_start3A_415, %dma_start3A_416] : memref<2x16x8x64xf32, #tpu.memory_space<vmem>> -> memref<1x1x8x64xf32, #tpu.memory_space<vmem>>
    %dma_start3A_418 = tpu.memref_squeeze %dma_start3A_417 : memref<1x1x8x64xf32, #tpu.memory_space<vmem>> -> memref<8x64xf32, #tpu.memory_space<vmem>>
    %dma_start3A_419 = arith.constant 0 : i32
    %dma_start3A_420 = arith.constant 0 : i32
    %dma_start3A_421 = tpu.memref_slice %arg5[%shift_right_arithmetic3A_411, %dma_start3A_419, %dma_start3A_420] : memref<125000x8x64xf32, #tpu.memory_space<hbm>> -> memref<1x8x64xf32, #tpu.memory_space<hbm>>
    %dma_start3A_422 = tpu.memref_squeeze %dma_start3A_421 : memref<1x8x64xf32, #tpu.memory_space<hbm>> -> memref<8x64xf32, #tpu.memory_space<hbm>>
    %dma_start3A_423 = tpu.memref_slice %arg15[%dma_start3A_414] : memref<2x!tpu.dma_semaphore, #tpu.memory_space<semaphore_mem>> -> memref<1x!tpu.dma_semaphore, #tpu.memory_space<semaphore_mem>>
    %dma_start3A_424 = tpu.memref_squeeze %dma_start3A_423 : memref<1x!tpu.dma_semaphore, #tpu.memory_space<semaphore_mem>> -> memref<!tpu.dma_semaphore, #tpu.memory_space<semaphore_mem>>
    %dma_start3A_425 = arith.constant 0 : i32
    %dma_start3A_426 = arith.constant 0 : i32
    %dma_start3A_427 = tpu.memref_slice %arg12[%dma_start3A_412, %dma_start3A_413, %dma_start3A_425, %dma_start3A_426] : memref<2x16x8x64xf32, #tpu.memory_space<vmem>> -> memref<1x1x8x64xf32, #tpu.memory_space<vmem>>
    %dma_start3A_428 = tpu.memref_squeeze %dma_start3A_427 : memref<1x1x8x64xf32, #tpu.memory_space<vmem>> -> memref<8x64xf32, #tpu.memory_space<vmem>>
    %dma_start3A_429 = arith.constant 0 : i32
    %dma_start3A_430 = arith.constant 0 : i32
    %dma_start3A_431 = tpu.memref_slice %arg5[%shift_right_arithmetic3A_411, %dma_start3A_429, %dma_start3A_430] : memref<125000x8x64xf32, #tpu.memory_space<hbm>> -> memref<1x8x64xf32, #tpu.memory_space<hbm>>
    %dma_start3A_432 = tpu.memref_squeeze %dma_start3A_431 : memref<1x8x64xf32, #tpu.memory_space<hbm>> -> memref<8x64xf32, #tpu.memory_space<hbm>>
    tpu.enqueue_dma source(%dma_start3A_432 : memref<8x64xf32, #tpu.memory_space<hbm>>) target(%dma_start3A_428 : memref<8x64xf32, #tpu.memory_space<vmem>>) target_semaphore(%dma_start3A_424 : memref<!tpu.dma_semaphore, #tpu.memory_space<semaphore_mem>>)
    %slice3A_433 = vector.extract_strided_slice %get3A_11 {offsets = [5], sizes = [1], strides = [1]} : vector<16xi32> to vector<1xi32>
    %squeeze3A_434 = vector.extract %slice3A_433[0] : i32 from vector<1xi32>
    %shift_right_arithmetic3A_435 = arith.constant 3 : i32
    %shift_right_arithmetic3A_436 = arith.shrsi %squeeze3A_434, %shift_right_arithmetic3A_435 : i32
    %dma_start3A_437 = arith.constant 0 : i32
    %dma_start3A_438 = arith.constant 5 : i32
    %dma_start3A_439 = arith.constant 0 : i32
    %dma_start3A_440 = arith.constant 0 : i32
    %dma_start3A_441 = arith.constant 0 : i32
    %dma_start3A_442 = tpu.memref_slice %arg13[%dma_start3A_437, %dma_start3A_438, %dma_start3A_440, %dma_start3A_441] : memref<2x16x8x64xf32, #tpu.memory_space<vmem>> -> memref<1x1x8x64xf32, #tpu.memory_space<vmem>>
    %dma_start3A_443 = tpu.memref_squeeze %dma_start3A_442 : memref<1x1x8x64xf32, #tpu.memory_space<vmem>> -> memref<8x64xf32, #tpu.memory_space<vmem>>
    %dma_start3A_444 = arith.constant 0 : i32
    %dma_start3A_445 = arith.constant 0 : i32
    %dma_start3A_446 = tpu.memref_slice %arg6[%shift_right_arithmetic3A_436, %dma_start3A_444, %dma_start3A_445] : memref<125x8x64xf32, #tpu.memory_space<hbm>> -> memref<1x8x64xf32, #tpu.memory_space<hbm>>
    %dma_start3A_447 = tpu.memref_squeeze %dma_start3A_446 : memref<1x8x64xf32, #tpu.memory_space<hbm>> -> memref<8x64xf32, #tpu.memory_space<hbm>>
    %dma_start3A_448 = tpu.memref_slice %arg15[%dma_start3A_439] : memref<2x!tpu.dma_semaphore, #tpu.memory_space<semaphore_mem>> -> memref<1x!tpu.dma_semaphore, #tpu.memory_space<semaphore_mem>>
    %dma_start3A_449 = tpu.memref_squeeze %dma_start3A_448 : memref<1x!tpu.dma_semaphore, #tpu.memory_space<semaphore_mem>> -> memref<!tpu.dma_semaphore, #tpu.memory_space<semaphore_mem>>
    %dma_start3A_450 = arith.constant 0 : i32
    %dma_start3A_451 = arith.constant 0 : i32
    %dma_start3A_452 = tpu.memref_slice %arg13[%dma_start3A_437, %dma_start3A_438, %dma_start3A_450, %dma_start3A_451] : memref<2x16x8x64xf32, #tpu.memory_space<vmem>> -> memref<1x1x8x64xf32, #tpu.memory_space<vmem>>
    %dma_start3A_453 = tpu.memref_squeeze %dma_start3A_452 : memref<1x1x8x64xf32, #tpu.memory_space<vmem>> -> memref<8x64xf32, #tpu.memory_space<vmem>>
    %dma_start3A_454 = arith.constant 0 : i32
    %dma_start3A_455 = arith.constant 0 : i32
    %dma_start3A_456 = tpu.memref_slice %arg6[%shift_right_arithmetic3A_436, %dma_start3A_454, %dma_start3A_455] : memref<125x8x64xf32, #tpu.memory_space<hbm>> -> memref<1x8x64xf32, #tpu.memory_space<hbm>>
    %dma_start3A_457 = tpu.memref_squeeze %dma_start3A_456 : memref<1x8x64xf32, #tpu.memory_space<hbm>> -> memref<8x64xf32, #tpu.memory_space<hbm>>
    tpu.enqueue_dma source(%dma_start3A_457 : memref<8x64xf32, #tpu.memory_space<hbm>>) target(%dma_start3A_453 : memref<8x64xf32, #tpu.memory_space<vmem>>) target_semaphore(%dma_start3A_449 : memref<!tpu.dma_semaphore, #tpu.memory_space<semaphore_mem>>)
    %slice3A_458 = vector.extract_strided_slice %get3A_3 {offsets = [6], sizes = [1], strides = [1]} : vector<16xi32> to vector<1xi32>
    %squeeze3A_459 = vector.extract %slice3A_458[0] : i32 from vector<1xi32>
    %shift_right_arithmetic3A_460 = arith.constant 3 : i32
    %shift_right_arithmetic3A_461 = arith.shrsi %squeeze3A_459, %shift_right_arithmetic3A_460 : i32
    %dma_start3A_462 = arith.constant 0 : i32
    %dma_start3A_463 = arith.constant 6 : i32
    %dma_start3A_464 = arith.constant 0 : i32
    %dma_start3A_465 = arith.constant 0 : i32
    %dma_start3A_466 = arith.constant 0 : i32
    %dma_start3A_467 = tpu.memref_slice %arg11[%dma_start3A_462, %dma_start3A_463, %dma_start3A_465, %dma_start3A_466] : memref<2x16x8x64xf32, #tpu.memory_space<vmem>> -> memref<1x1x8x64xf32, #tpu.memory_space<vmem>>
    %dma_start3A_468 = tpu.memref_squeeze %dma_start3A_467 : memref<1x1x8x64xf32, #tpu.memory_space<vmem>> -> memref<8x64xf32, #tpu.memory_space<vmem>>
    %dma_start3A_469 = arith.constant 0 : i32
    %dma_start3A_470 = arith.constant 0 : i32
    %dma_start3A_471 = tpu.memref_slice %arg5[%shift_right_arithmetic3A_461, %dma_start3A_469, %dma_start3A_470] : memref<125000x8x64xf32, #tpu.memory_space<hbm>> -> memref<1x8x64xf32, #tpu.memory_space<hbm>>
    %dma_start3A_472 = tpu.memref_squeeze %dma_start3A_471 : memref<1x8x64xf32, #tpu.memory_space<hbm>> -> memref<8x64xf32, #tpu.memory_space<hbm>>
    %dma_start3A_473 = tpu.memref_slice %arg15[%dma_start3A_464] : memref<2x!tpu.dma_semaphore, #tpu.memory_space<semaphore_mem>> -> memref<1x!tpu.dma_semaphore, #tpu.memory_space<semaphore_mem>>
    %dma_start3A_474 = tpu.memref_squeeze %dma_start3A_473 : memref<1x!tpu.dma_semaphore, #tpu.memory_space<semaphore_mem>> -> memref<!tpu.dma_semaphore, #tpu.memory_space<semaphore_mem>>
    %dma_start3A_475 = arith.constant 0 : i32
    %dma_start3A_476 = arith.constant 0 : i32
    %dma_start3A_477 = tpu.memref_slice %arg11[%dma_start3A_462, %dma_start3A_463, %dma_start3A_475, %dma_start3A_476] : memref<2x16x8x64xf32, #tpu.memory_space<vmem>> -> memref<1x1x8x64xf32, #tpu.memory_space<vmem>>
    %dma_start3A_478 = tpu.memref_squeeze %dma_start3A_477 : memref<1x1x8x64xf32, #tpu.memory_space<vmem>> -> memref<8x64xf32, #tpu.memory_space<vmem>>
    %dma_start3A_479 = arith.constant 0 : i32
    %dma_start3A_480 = arith.constant 0 : i32
    %dma_start3A_481 = tpu.memref_slice %arg5[%shift_right_arithmetic3A_461, %dma_start3A_479, %dma_start3A_480] : memref<125000x8x64xf32, #tpu.memory_space<hbm>> -> memref<1x8x64xf32, #tpu.memory_space<hbm>>
    %dma_start3A_482 = tpu.memref_squeeze %dma_start3A_481 : memref<1x8x64xf32, #tpu.memory_space<hbm>> -> memref<8x64xf32, #tpu.memory_space<hbm>>
    tpu.enqueue_dma source(%dma_start3A_482 : memref<8x64xf32, #tpu.memory_space<hbm>>) target(%dma_start3A_478 : memref<8x64xf32, #tpu.memory_space<vmem>>) target_semaphore(%dma_start3A_474 : memref<!tpu.dma_semaphore, #tpu.memory_space<semaphore_mem>>)
    %slice3A_483 = vector.extract_strided_slice %get3A_7 {offsets = [6], sizes = [1], strides = [1]} : vector<16xi32> to vector<1xi32>
    %squeeze3A_484 = vector.extract %slice3A_483[0] : i32 from vector<1xi32>
    %shift_right_arithmetic3A_485 = arith.constant 3 : i32
    %shift_right_arithmetic3A_486 = arith.shrsi %squeeze3A_484, %shift_right_arithmetic3A_485 : i32
    %dma_start3A_487 = arith.constant 0 : i32
    %dma_start3A_488 = arith.constant 6 : i32
    %dma_start3A_489 = arith.constant 0 : i32
    %dma_start3A_490 = arith.constant 0 : i32
    %dma_start3A_491 = arith.constant 0 : i32
    %dma_start3A_492 = tpu.memref_slice %arg12[%dma_start3A_487, %dma_start3A_488, %dma_start3A_490, %dma_start3A_491] : memref<2x16x8x64xf32, #tpu.memory_space<vmem>> -> memref<1x1x8x64xf32, #tpu.memory_space<vmem>>
    %dma_start3A_493 = tpu.memref_squeeze %dma_start3A_492 : memref<1x1x8x64xf32, #tpu.memory_space<vmem>> -> memref<8x64xf32, #tpu.memory_space<vmem>>
    %dma_start3A_494 = arith.constant 0 : i32
    %dma_start3A_495 = arith.constant 0 : i32
    %dma_start3A_496 = tpu.memref_slice %arg5[%shift_right_arithmetic3A_486, %dma_start3A_494, %dma_start3A_495] : memref<125000x8x64xf32, #tpu.memory_space<hbm>> -> memref<1x8x64xf32, #tpu.memory_space<hbm>>
    %dma_start3A_497 = tpu.memref_squeeze %dma_start3A_496 : memref<1x8x64xf32, #tpu.memory_space<hbm>> -> memref<8x64xf32, #tpu.memory_space<hbm>>
    %dma_start3A_498 = tpu.memref_slice %arg15[%dma_start3A_489] : memref<2x!tpu.dma_semaphore, #tpu.memory_space<semaphore_mem>> -> memref<1x!tpu.dma_semaphore, #tpu.memory_space<semaphore_mem>>
    %dma_start3A_499 = tpu.memref_squeeze %dma_start3A_498 : memref<1x!tpu.dma_semaphore, #tpu.memory_space<semaphore_mem>> -> memref<!tpu.dma_semaphore, #tpu.memory_space<semaphore_mem>>
    %dma_start3A_500 = arith.constant 0 : i32
    %dma_start3A_501 = arith.constant 0 : i32
    %dma_start3A_502 = tpu.memref_slice %arg12[%dma_start3A_487, %dma_start3A_488, %dma_start3A_500, %dma_start3A_501] : memref<2x16x8x64xf32, #tpu.memory_space<vmem>> -> memref<1x1x8x64xf32, #tpu.memory_space<vmem>>
    %dma_start3A_503 = tpu.memref_squeeze %dma_start3A_502 : memref<1x1x8x64xf32, #tpu.memory_space<vmem>> -> memref<8x64xf32, #tpu.memory_space<vmem>>
    %dma_start3A_504 = arith.constant 0 : i32
    %dma_start3A_505 = arith.constant 0 : i32
    %dma_start3A_506 = tpu.memref_slice %arg5[%shift_right_arithmetic3A_486, %dma_start3A_504, %dma_start3A_505] : memref<125000x8x64xf32, #tpu.memory_space<hbm>> -> memref<1x8x64xf32, #tpu.memory_space<hbm>>
    %dma_start3A_507 = tpu.memref_squeeze %dma_start3A_506 : memref<1x8x64xf32, #tpu.memory_space<hbm>> -> memref<8x64xf32, #tpu.memory_space<hbm>>
    tpu.enqueue_dma source(%dma_start3A_507 : memref<8x64xf32, #tpu.memory_space<hbm>>) target(%dma_start3A_503 : memref<8x64xf32, #tpu.memory_space<vmem>>) target_semaphore(%dma_start3A_499 : memref<!tpu.dma_semaphore, #tpu.memory_space<semaphore_mem>>)
    %slice3A_508 = vector.extract_strided_slice %get3A_11 {offsets = [6], sizes = [1], strides = [1]} : vector<16xi32> to vector<1xi32>
    %squeeze3A_509 = vector.extract %slice3A_508[0] : i32 from vector<1xi32>
    %shift_right_arithmetic3A_510 = arith.constant 3 : i32
    %shift_right_arithmetic3A_511 = arith.shrsi %squeeze3A_509, %shift_right_arithmetic3A_510 : i32
    %dma_start3A_512 = arith.constant 0 : i32
    %dma_start3A_513 = arith.constant 6 : i32
    %dma_start3A_514 = arith.constant 0 : i32
    %dma_start3A_515 = arith.constant 0 : i32
    %dma_start3A_516 = arith.constant 0 : i32
    %dma_start3A_517 = tpu.memref_slice %arg13[%dma_start3A_512, %dma_start3A_513, %dma_start3A_515, %dma_start3A_516] : memref<2x16x8x64xf32, #tpu.memory_space<vmem>> -> memref<1x1x8x64xf32, #tpu.memory_space<vmem>>
    %dma_start3A_518 = tpu.memref_squeeze %dma_start3A_517 : memref<1x1x8x64xf32, #tpu.memory_space<vmem>> -> memref<8x64xf32, #tpu.memory_space<vmem>>
    %dma_start3A_519 = arith.constant 0 : i32
    %dma_start3A_520 = arith.constant 0 : i32
    %dma_start3A_521 = tpu.memref_slice %arg6[%shift_right_arithmetic3A_511, %dma_start3A_519, %dma_start3A_520] : memref<125x8x64xf32, #tpu.memory_space<hbm>> -> memref<1x8x64xf32, #tpu.memory_space<hbm>>
    %dma_start3A_522 = tpu.memref_squeeze %dma_start3A_521 : memref<1x8x64xf32, #tpu.memory_space<hbm>> -> memref<8x64xf32, #tpu.memory_space<hbm>>
    %dma_start3A_523 = tpu.memref_slice %arg15[%dma_start3A_514] : memref<2x!tpu.dma_semaphore, #tpu.memory_space<semaphore_mem>> -> memref<1x!tpu.dma_semaphore, #tpu.memory_space<semaphore_mem>>
    %dma_start3A_524 = tpu.memref_squeeze %dma_start3A_523 : memref<1x!tpu.dma_semaphore, #tpu.memory_space<semaphore_mem>> -> memref<!tpu.dma_semaphore, #tpu.memory_space<semaphore_mem>>
    %dma_start3A_525 = arith.constant 0 : i32
    %dma_start3A_526 = arith.constant 0 : i32
    %dma_start3A_527 = tpu.memref_slice %arg13[%dma_start3A_512, %dma_start3A_513, %dma_start3A_525, %dma_start3A_526] : memref<2x16x8x64xf32, #tpu.memory_space<vmem>> -> memref<1x1x8x64xf32, #tpu.memory_space<vmem>>
    %dma_start3A_528 = tpu.memref_squeeze %dma_start3A_527 : memref<1x1x8x64xf32, #tpu.memory_space<vmem>> -> memref<8x64xf32, #tpu.memory_space<vmem>>
    %dma_start3A_529 = arith.constant 0 : i32
    %dma_start3A_530 = arith.constant 0 : i32
    %dma_start3A_531 = tpu.memref_slice %arg6[%shift_right_arithmetic3A_511, %dma_start3A_529, %dma_start3A_530] : memref<125x8x64xf32, #tpu.memory_space<hbm>> -> memref<1x8x64xf32, #tpu.memory_space<hbm>>
    %dma_start3A_532 = tpu.memref_squeeze %dma_start3A_531 : memref<1x8x64xf32, #tpu.memory_space<hbm>> -> memref<8x64xf32, #tpu.memory_space<hbm>>
    tpu.enqueue_dma source(%dma_start3A_532 : memref<8x64xf32, #tpu.memory_space<hbm>>) target(%dma_start3A_528 : memref<8x64xf32, #tpu.memory_space<vmem>>) target_semaphore(%dma_start3A_524 : memref<!tpu.dma_semaphore, #tpu.memory_space<semaphore_mem>>)
    %slice3A_533 = vector.extract_strided_slice %get3A_3 {offsets = [7], sizes = [1], strides = [1]} : vector<16xi32> to vector<1xi32>
    %squeeze3A_534 = vector.extract %slice3A_533[0] : i32 from vector<1xi32>
    %shift_right_arithmetic3A_535 = arith.constant 3 : i32
    %shift_right_arithmetic3A_536 = arith.shrsi %squeeze3A_534, %shift_right_arithmetic3A_535 : i32
    %dma_start3A_537 = arith.constant 0 : i32
    %dma_start3A_538 = arith.constant 7 : i32
    %dma_start3A_539 = arith.constant 0 : i32
    %dma_start3A_540 = arith.constant 0 : i32
    %dma_start3A_541 = arith.constant 0 : i32
    %dma_start3A_542 = tpu.memref_slice %arg11[%dma_start3A_537, %dma_start3A_538, %dma_start3A_540, %dma_start3A_541] : memref<2x16x8x64xf32, #tpu.memory_space<vmem>> -> memref<1x1x8x64xf32, #tpu.memory_space<vmem>>
    %dma_start3A_543 = tpu.memref_squeeze %dma_start3A_542 : memref<1x1x8x64xf32, #tpu.memory_space<vmem>> -> memref<8x64xf32, #tpu.memory_space<vmem>>
    %dma_start3A_544 = arith.constant 0 : i32
    %dma_start3A_545 = arith.constant 0 : i32
    %dma_start3A_546 = tpu.memref_slice %arg5[%shift_right_arithmetic3A_536, %dma_start3A_544, %dma_start3A_545] : memref<125000x8x64xf32, #tpu.memory_space<hbm>> -> memref<1x8x64xf32, #tpu.memory_space<hbm>>
    %dma_start3A_547 = tpu.memref_squeeze %dma_start3A_546 : memref<1x8x64xf32, #tpu.memory_space<hbm>> -> memref<8x64xf32, #tpu.memory_space<hbm>>
    %dma_start3A_548 = tpu.memref_slice %arg15[%dma_start3A_539] : memref<2x!tpu.dma_semaphore, #tpu.memory_space<semaphore_mem>> -> memref<1x!tpu.dma_semaphore, #tpu.memory_space<semaphore_mem>>
    %dma_start3A_549 = tpu.memref_squeeze %dma_start3A_548 : memref<1x!tpu.dma_semaphore, #tpu.memory_space<semaphore_mem>> -> memref<!tpu.dma_semaphore, #tpu.memory_space<semaphore_mem>>
    %dma_start3A_550 = arith.constant 0 : i32
    %dma_start3A_551 = arith.constant 0 : i32
    %dma_start3A_552 = tpu.memref_slice %arg11[%dma_start3A_537, %dma_start3A_538, %dma_start3A_550, %dma_start3A_551] : memref<2x16x8x64xf32, #tpu.memory_space<vmem>> -> memref<1x1x8x64xf32, #tpu.memory_space<vmem>>
    %dma_start3A_553 = tpu.memref_squeeze %dma_start3A_552 : memref<1x1x8x64xf32, #tpu.memory_space<vmem>> -> memref<8x64xf32, #tpu.memory_space<vmem>>
    %dma_start3A_554 = arith.constant 0 : i32
    %dma_start3A_555 = arith.constant 0 : i32
    %dma_start3A_556 = tpu.memref_slice %arg5[%shift_right_arithmetic3A_536, %dma_start3A_554, %dma_start3A_555] : memref<125000x8x64xf32, #tpu.memory_space<hbm>> -> memref<1x8x64xf32, #tpu.memory_space<hbm>>
    %dma_start3A_557 = tpu.memref_squeeze %dma_start3A_556 : memref<1x8x64xf32, #tpu.memory_space<hbm>> -> memref<8x64xf32, #tpu.memory_space<hbm>>
    tpu.enqueue_dma source(%dma_start3A_557 : memref<8x64xf32, #tpu.memory_space<hbm>>) target(%dma_start3A_553 : memref<8x64xf32, #tpu.memory_space<vmem>>) target_semaphore(%dma_start3A_549 : memref<!tpu.dma_semaphore, #tpu.memory_space<semaphore_mem>>)
    %slice3A_558 = vector.extract_strided_slice %get3A_7 {offsets = [7], sizes = [1], strides = [1]} : vector<16xi32> to vector<1xi32>
    %squeeze3A_559 = vector.extract %slice3A_558[0] : i32 from vector<1xi32>
    %shift_right_arithmetic3A_560 = arith.constant 3 : i32
    %shift_right_arithmetic3A_561 = arith.shrsi %squeeze3A_559, %shift_right_arithmetic3A_560 : i32
    %dma_start3A_562 = arith.constant 0 : i32
    %dma_start3A_563 = arith.constant 7 : i32
    %dma_start3A_564 = arith.constant 0 : i32
    %dma_start3A_565 = arith.constant 0 : i32
    %dma_start3A_566 = arith.constant 0 : i32
    %dma_start3A_567 = tpu.memref_slice %arg12[%dma_start3A_562, %dma_start3A_563, %dma_start3A_565, %dma_start3A_566] : memref<2x16x8x64xf32, #tpu.memory_space<vmem>> -> memref<1x1x8x64xf32, #tpu.memory_space<vmem>>
    %dma_start3A_568 = tpu.memref_squeeze %dma_start3A_567 : memref<1x1x8x64xf32, #tpu.memory_space<vmem>> -> memref<8x64xf32, #tpu.memory_space<vmem>>
    %dma_start3A_569 = arith.constant 0 : i32
    %dma_start3A_570 = arith.constant 0 : i32
    %dma_start3A_571 = tpu.memref_slice %arg5[%shift_right_arithmetic3A_561, %dma_start3A_569, %dma_start3A_570] : memref<125000x8x64xf32, #tpu.memory_space<hbm>> -> memref<1x8x64xf32, #tpu.memory_space<hbm>>
    %dma_start3A_572 = tpu.memref_squeeze %dma_start3A_571 : memref<1x8x64xf32, #tpu.memory_space<hbm>> -> memref<8x64xf32, #tpu.memory_space<hbm>>
    %dma_start3A_573 = tpu.memref_slice %arg15[%dma_start3A_564] : memref<2x!tpu.dma_semaphore, #tpu.memory_space<semaphore_mem>> -> memref<1x!tpu.dma_semaphore, #tpu.memory_space<semaphore_mem>>
    %dma_start3A_574 = tpu.memref_squeeze %dma_start3A_573 : memref<1x!tpu.dma_semaphore, #tpu.memory_space<semaphore_mem>> -> memref<!tpu.dma_semaphore, #tpu.memory_space<semaphore_mem>>
    %dma_start3A_575 = arith.constant 0 : i32
    %dma_start3A_576 = arith.constant 0 : i32
    %dma_start3A_577 = tpu.memref_slice %arg12[%dma_start3A_562, %dma_start3A_563, %dma_start3A_575, %dma_start3A_576] : memref<2x16x8x64xf32, #tpu.memory_space<vmem>> -> memref<1x1x8x64xf32, #tpu.memory_space<vmem>>
    %dma_start3A_578 = tpu.memref_squeeze %dma_start3A_577 : memref<1x1x8x64xf32, #tpu.memory_space<vmem>> -> memref<8x64xf32, #tpu.memory_space<vmem>>
    %dma_start3A_579 = arith.constant 0 : i32
    %dma_start3A_580 = arith.constant 0 : i32
    %dma_start3A_581 = tpu.memref_slice %arg5[%shift_right_arithmetic3A_561, %dma_start3A_579, %dma_start3A_580] : memref<125000x8x64xf32, #tpu.memory_space<hbm>> -> memref<1x8x64xf32, #tpu.memory_space<hbm>>
    %dma_start3A_582 = tpu.memref_squeeze %dma_start3A_581 : memref<1x8x64xf32, #tpu.memory_space<hbm>> -> memref<8x64xf32, #tpu.memory_space<hbm>>
    tpu.enqueue_dma source(%dma_start3A_582 : memref<8x64xf32, #tpu.memory_space<hbm>>) target(%dma_start3A_578 : memref<8x64xf32, #tpu.memory_space<vmem>>) target_semaphore(%dma_start3A_574 : memref<!tpu.dma_semaphore, #tpu.memory_space<semaphore_mem>>)
    %slice3A_583 = vector.extract_strided_slice %get3A_11 {offsets = [7], sizes = [1], strides = [1]} : vector<16xi32> to vector<1xi32>
    %squeeze3A_584 = vector.extract %slice3A_583[0] : i32 from vector<1xi32>
    %shift_right_arithmetic3A_585 = arith.constant 3 : i32
    %shift_right_arithmetic3A_586 = arith.shrsi %squeeze3A_584, %shift_right_arithmetic3A_585 : i32
    %dma_start3A_587 = arith.constant 0 : i32
    %dma_start3A_588 = arith.constant 7 : i32
    %dma_start3A_589 = arith.constant 0 : i32
    %dma_start3A_590 = arith.constant 0 : i32
    %dma_start3A_591 = arith.constant 0 : i32
    %dma_start3A_592 = tpu.memref_slice %arg13[%dma_start3A_587, %dma_start3A_588, %dma_start3A_590, %dma_start3A_591] : memref<2x16x8x64xf32, #tpu.memory_space<vmem>> -> memref<1x1x8x64xf32, #tpu.memory_space<vmem>>
    %dma_start3A_593 = tpu.memref_squeeze %dma_start3A_592 : memref<1x1x8x64xf32, #tpu.memory_space<vmem>> -> memref<8x64xf32, #tpu.memory_space<vmem>>
    %dma_start3A_594 = arith.constant 0 : i32
    %dma_start3A_595 = arith.constant 0 : i32
    %dma_start3A_596 = tpu.memref_slice %arg6[%shift_right_arithmetic3A_586, %dma_start3A_594, %dma_start3A_595] : memref<125x8x64xf32, #tpu.memory_space<hbm>> -> memref<1x8x64xf32, #tpu.memory_space<hbm>>
    %dma_start3A_597 = tpu.memref_squeeze %dma_start3A_596 : memref<1x8x64xf32, #tpu.memory_space<hbm>> -> memref<8x64xf32, #tpu.memory_space<hbm>>
    %dma_start3A_598 = tpu.memref_slice %arg15[%dma_start3A_589] : memref<2x!tpu.dma_semaphore, #tpu.memory_space<semaphore_mem>> -> memref<1x!tpu.dma_semaphore, #tpu.memory_space<semaphore_mem>>
    %dma_start3A_599 = tpu.memref_squeeze %dma_start3A_598 : memref<1x!tpu.dma_semaphore, #tpu.memory_space<semaphore_mem>> -> memref<!tpu.dma_semaphore, #tpu.memory_space<semaphore_mem>>
    %dma_start3A_600 = arith.constant 0 : i32
    %dma_start3A_601 = arith.constant 0 : i32
    %dma_start3A_602 = tpu.memref_slice %arg13[%dma_start3A_587, %dma_start3A_588, %dma_start3A_600, %dma_start3A_601] : memref<2x16x8x64xf32, #tpu.memory_space<vmem>> -> memref<1x1x8x64xf32, #tpu.memory_space<vmem>>
    %dma_start3A_603 = tpu.memref_squeeze %dma_start3A_602 : memref<1x1x8x64xf32, #tpu.memory_space<vmem>> -> memref<8x64xf32, #tpu.memory_space<vmem>>
    %dma_start3A_604 = arith.constant 0 : i32
    %dma_start3A_605 = arith.constant 0 : i32
    %dma_start3A_606 = tpu.memref_slice %arg6[%shift_right_arithmetic3A_586, %dma_start3A_604, %dma_start3A_605] : memref<125x8x64xf32, #tpu.memory_space<hbm>> -> memref<1x8x64xf32, #tpu.memory_space<hbm>>
    %dma_start3A_607 = tpu.memref_squeeze %dma_start3A_606 : memref<1x8x64xf32, #tpu.memory_space<hbm>> -> memref<8x64xf32, #tpu.memory_space<hbm>>
    tpu.enqueue_dma source(%dma_start3A_607 : memref<8x64xf32, #tpu.memory_space<hbm>>) target(%dma_start3A_603 : memref<8x64xf32, #tpu.memory_space<vmem>>) target_semaphore(%dma_start3A_599 : memref<!tpu.dma_semaphore, #tpu.memory_space<semaphore_mem>>)
    %slice3A_608 = vector.extract_strided_slice %get3A_3 {offsets = [8], sizes = [1], strides = [1]} : vector<16xi32> to vector<1xi32>
    %squeeze3A_609 = vector.extract %slice3A_608[0] : i32 from vector<1xi32>
    %shift_right_arithmetic3A_610 = arith.constant 3 : i32
    %shift_right_arithmetic3A_611 = arith.shrsi %squeeze3A_609, %shift_right_arithmetic3A_610 : i32
    %dma_start3A_612 = arith.constant 0 : i32
    %dma_start3A_613 = arith.constant 8 : i32
    %dma_start3A_614 = arith.constant 0 : i32
    %dma_start3A_615 = arith.constant 0 : i32
    %dma_start3A_616 = arith.constant 0 : i32
    %dma_start3A_617 = tpu.memref_slice %arg11[%dma_start3A_612, %dma_start3A_613, %dma_start3A_615, %dma_start3A_616] : memref<2x16x8x64xf32, #tpu.memory_space<vmem>> -> memref<1x1x8x64xf32, #tpu.memory_space<vmem>>
    %dma_start3A_618 = tpu.memref_squeeze %dma_start3A_617 : memref<1x1x8x64xf32, #tpu.memory_space<vmem>> -> memref<8x64xf32, #tpu.memory_space<vmem>>
    %dma_start3A_619 = arith.constant 0 : i32
    %dma_start3A_620 = arith.constant 0 : i32
    %dma_start3A_621 = tpu.memref_slice %arg5[%shift_right_arithmetic3A_611, %dma_start3A_619, %dma_start3A_620] : memref<125000x8x64xf32, #tpu.memory_space<hbm>> -> memref<1x8x64xf32, #tpu.memory_space<hbm>>
    %dma_start3A_622 = tpu.memref_squeeze %dma_start3A_621 : memref<1x8x64xf32, #tpu.memory_space<hbm>> -> memref<8x64xf32, #tpu.memory_space<hbm>>
    %dma_start3A_623 = tpu.memref_slice %arg15[%dma_start3A_614] : memref<2x!tpu.dma_semaphore, #tpu.memory_space<semaphore_mem>> -> memref<1x!tpu.dma_semaphore, #tpu.memory_space<semaphore_mem>>
    %dma_start3A_624 = tpu.memref_squeeze %dma_start3A_623 : memref<1x!tpu.dma_semaphore, #tpu.memory_space<semaphore_mem>> -> memref<!tpu.dma_semaphore, #tpu.memory_space<semaphore_mem>>
    %dma_start3A_625 = arith.constant 0 : i32
    %dma_start3A_626 = arith.constant 0 : i32
    %dma_start3A_627 = tpu.memref_slice %arg11[%dma_start3A_612, %dma_start3A_613, %dma_start3A_625, %dma_start3A_626] : memref<2x16x8x64xf32, #tpu.memory_space<vmem>> -> memref<1x1x8x64xf32, #tpu.memory_space<vmem>>
    %dma_start3A_628 = tpu.memref_squeeze %dma_start3A_627 : memref<1x1x8x64xf32, #tpu.memory_space<vmem>> -> memref<8x64xf32, #tpu.memory_space<vmem>>
    %dma_start3A_629 = arith.constant 0 : i32
    %dma_start3A_630 = arith.constant 0 : i32
    %dma_start3A_631 = tpu.memref_slice %arg5[%shift_right_arithmetic3A_611, %dma_start3A_629, %dma_start3A_630] : memref<125000x8x64xf32, #tpu.memory_space<hbm>> -> memref<1x8x64xf32, #tpu.memory_space<hbm>>
    %dma_start3A_632 = tpu.memref_squeeze %dma_start3A_631 : memref<1x8x64xf32, #tpu.memory_space<hbm>> -> memref<8x64xf32, #tpu.memory_space<hbm>>
    tpu.enqueue_dma source(%dma_start3A_632 : memref<8x64xf32, #tpu.memory_space<hbm>>) target(%dma_start3A_628 : memref<8x64xf32, #tpu.memory_space<vmem>>) target_semaphore(%dma_start3A_624 : memref<!tpu.dma_semaphore, #tpu.memory_space<semaphore_mem>>)
    %slice3A_633 = vector.extract_strided_slice %get3A_7 {offsets = [8], sizes = [1], strides = [1]} : vector<16xi32> to vector<1xi32>
    %squeeze3A_634 = vector.extract %slice3A_633[0] : i32 from vector<1xi32>
    %shift_right_arithmetic3A_635 = arith.constant 3 : i32
    %shift_right_arithmetic3A_636 = arith.shrsi %squeeze3A_634, %shift_right_arithmetic3A_635 : i32
    %dma_start3A_637 = arith.constant 0 : i32
    %dma_start3A_638 = arith.constant 8 : i32
    %dma_start3A_639 = arith.constant 0 : i32
    %dma_start3A_640 = arith.constant 0 : i32
    %dma_start3A_641 = arith.constant 0 : i32
    %dma_start3A_642 = tpu.memref_slice %arg12[%dma_start3A_637, %dma_start3A_638, %dma_start3A_640, %dma_start3A_641] : memref<2x16x8x64xf32, #tpu.memory_space<vmem>> -> memref<1x1x8x64xf32, #tpu.memory_space<vmem>>
    %dma_start3A_643 = tpu.memref_squeeze %dma_start3A_642 : memref<1x1x8x64xf32, #tpu.memory_space<vmem>> -> memref<8x64xf32, #tpu.memory_space<vmem>>
    %dma_start3A_644 = arith.constant 0 : i32
    %dma_start3A_645 = arith.constant 0 : i32
    %dma_start3A_646 = tpu.memref_slice %arg5[%shift_right_arithmetic3A_636, %dma_start3A_644, %dma_start3A_645] : memref<125000x8x64xf32, #tpu.memory_space<hbm>> -> memref<1x8x64xf32, #tpu.memory_space<hbm>>
    %dma_start3A_647 = tpu.memref_squeeze %dma_start3A_646 : memref<1x8x64xf32, #tpu.memory_space<hbm>> -> memref<8x64xf32, #tpu.memory_space<hbm>>
    %dma_start3A_648 = tpu.memref_slice %arg15[%dma_start3A_639] : memref<2x!tpu.dma_semaphore, #tpu.memory_space<semaphore_mem>> -> memref<1x!tpu.dma_semaphore, #tpu.memory_space<semaphore_mem>>
    %dma_start3A_649 = tpu.memref_squeeze %dma_start3A_648 : memref<1x!tpu.dma_semaphore, #tpu.memory_space<semaphore_mem>> -> memref<!tpu.dma_semaphore, #tpu.memory_space<semaphore_mem>>
    %dma_start3A_650 = arith.constant 0 : i32
    %dma_start3A_651 = arith.constant 0 : i32
    %dma_start3A_652 = tpu.memref_slice %arg12[%dma_start3A_637, %dma_start3A_638, %dma_start3A_650, %dma_start3A_651] : memref<2x16x8x64xf32, #tpu.memory_space<vmem>> -> memref<1x1x8x64xf32, #tpu.memory_space<vmem>>
    %dma_start3A_653 = tpu.memref_squeeze %dma_start3A_652 : memref<1x1x8x64xf32, #tpu.memory_space<vmem>> -> memref<8x64xf32, #tpu.memory_space<vmem>>
    %dma_start3A_654 = arith.constant 0 : i32
    %dma_start3A_655 = arith.constant 0 : i32
    %dma_start3A_656 = tpu.memref_slice %arg5[%shift_right_arithmetic3A_636, %dma_start3A_654, %dma_start3A_655] : memref<125000x8x64xf32, #tpu.memory_space<hbm>> -> memref<1x8x64xf32, #tpu.memory_space<hbm>>
    %dma_start3A_657 = tpu.memref_squeeze %dma_start3A_656 : memref<1x8x64xf32, #tpu.memory_space<hbm>> -> memref<8x64xf32, #tpu.memory_space<hbm>>
    tpu.enqueue_dma source(%dma_start3A_657 : memref<8x64xf32, #tpu.memory_space<hbm>>) target(%dma_start3A_653 : memref<8x64xf32, #tpu.memory_space<vmem>>) target_semaphore(%dma_start3A_649 : memref<!tpu.dma_semaphore, #tpu.memory_space<semaphore_mem>>)
    %slice3A_658 = vector.extract_strided_slice %get3A_11 {offsets = [8], sizes = [1], strides = [1]} : vector<16xi32> to vector<1xi32>
    %squeeze3A_659 = vector.extract %slice3A_658[0] : i32 from vector<1xi32>
    %shift_right_arithmetic3A_660 = arith.constant 3 : i32
    %shift_right_arithmetic3A_661 = arith.shrsi %squeeze3A_659, %shift_right_arithmetic3A_660 : i32
    %dma_start3A_662 = arith.constant 0 : i32
    %dma_start3A_663 = arith.constant 8 : i32
    %dma_start3A_664 = arith.constant 0 : i32
    %dma_start3A_665 = arith.constant 0 : i32
    %dma_start3A_666 = arith.constant 0 : i32
    %dma_start3A_667 = tpu.memref_slice %arg13[%dma_start3A_662, %dma_start3A_663, %dma_start3A_665, %dma_start3A_666] : memref<2x16x8x64xf32, #tpu.memory_space<vmem>> -> memref<1x1x8x64xf32, #tpu.memory_space<vmem>>
    %dma_start3A_668 = tpu.memref_squeeze %dma_start3A_667 : memref<1x1x8x64xf32, #tpu.memory_space<vmem>> -> memref<8x64xf32, #tpu.memory_space<vmem>>
    %dma_start3A_669 = arith.constant 0 : i32
    %dma_start3A_670 = arith.constant 0 : i32
    %dma_start3A_671 = tpu.memref_slice %arg6[%shift_right_arithmetic3A_661, %dma_start3A_669, %dma_start3A_670] : memref<125x8x64xf32, #tpu.memory_space<hbm>> -> memref<1x8x64xf32, #tpu.memory_space<hbm>>
    %dma_start3A_672 = tpu.memref_squeeze %dma_start3A_671 : memref<1x8x64xf32, #tpu.memory_space<hbm>> -> memref<8x64xf32, #tpu.memory_space<hbm>>
    %dma_start3A_673 = tpu.memref_slice %arg15[%dma_start3A_664] : memref<2x!tpu.dma_semaphore, #tpu.memory_space<semaphore_mem>> -> memref<1x!tpu.dma_semaphore, #tpu.memory_space<semaphore_mem>>
    %dma_start3A_674 = tpu.memref_squeeze %dma_start3A_673 : memref<1x!tpu.dma_semaphore, #tpu.memory_space<semaphore_mem>> -> memref<!tpu.dma_semaphore, #tpu.memory_space<semaphore_mem>>
    %dma_start3A_675 = arith.constant 0 : i32
    %dma_start3A_676 = arith.constant 0 : i32
    %dma_start3A_677 = tpu.memref_slice %arg13[%dma_start3A_662, %dma_start3A_663, %dma_start3A_675, %dma_start3A_676] : memref<2x16x8x64xf32, #tpu.memory_space<vmem>> -> memref<1x1x8x64xf32, #tpu.memory_space<vmem>>
    %dma_start3A_678 = tpu.memref_squeeze %dma_start3A_677 : memref<1x1x8x64xf32, #tpu.memory_space<vmem>> -> memref<8x64xf32, #tpu.memory_space<vmem>>
    %dma_start3A_679 = arith.constant 0 : i32
    %dma_start3A_680 = arith.constant 0 : i32
    %dma_start3A_681 = tpu.memref_slice %arg6[%shift_right_arithmetic3A_661, %dma_start3A_679, %dma_start3A_680] : memref<125x8x64xf32, #tpu.memory_space<hbm>> -> memref<1x8x64xf32, #tpu.memory_space<hbm>>
    %dma_start3A_682 = tpu.memref_squeeze %dma_start3A_681 : memref<1x8x64xf32, #tpu.memory_space<hbm>> -> memref<8x64xf32, #tpu.memory_space<hbm>>
    tpu.enqueue_dma source(%dma_start3A_682 : memref<8x64xf32, #tpu.memory_space<hbm>>) target(%dma_start3A_678 : memref<8x64xf32, #tpu.memory_space<vmem>>) target_semaphore(%dma_start3A_674 : memref<!tpu.dma_semaphore, #tpu.memory_space<semaphore_mem>>)
    %slice3A_683 = vector.extract_strided_slice %get3A_3 {offsets = [9], sizes = [1], strides = [1]} : vector<16xi32> to vector<1xi32>
    %squeeze3A_684 = vector.extract %slice3A_683[0] : i32 from vector<1xi32>
    %shift_right_arithmetic3A_685 = arith.constant 3 : i32
    %shift_right_arithmetic3A_686 = arith.shrsi %squeeze3A_684, %shift_right_arithmetic3A_685 : i32
    %dma_start3A_687 = arith.constant 0 : i32
    %dma_start3A_688 = arith.constant 9 : i32
    %dma_start3A_689 = arith.constant 0 : i32
    %dma_start3A_690 = arith.constant 0 : i32
    %dma_start3A_691 = arith.constant 0 : i32
    %dma_start3A_692 = tpu.memref_slice %arg11[%dma_start3A_687, %dma_start3A_688, %dma_start3A_690, %dma_start3A_691] : memref<2x16x8x64xf32, #tpu.memory_space<vmem>> -> memref<1x1x8x64xf32, #tpu.memory_space<vmem>>
    %dma_start3A_693 = tpu.memref_squeeze %dma_start3A_692 : memref<1x1x8x64xf32, #tpu.memory_space<vmem>> -> memref<8x64xf32, #tpu.memory_space<vmem>>
    %dma_start3A_694 = arith.constant 0 : i32
    %dma_start3A_695 = arith.constant 0 : i32
    %dma_start3A_696 = tpu.memref_slice %arg5[%shift_right_arithmetic3A_686, %dma_start3A_694, %dma_start3A_695] : memref<125000x8x64xf32, #tpu.memory_space<hbm>> -> memref<1x8x64xf32, #tpu.memory_space<hbm>>
    %dma_start3A_697 = tpu.memref_squeeze %dma_start3A_696 : memref<1x8x64xf32, #tpu.memory_space<hbm>> -> memref<8x64xf32, #tpu.memory_space<hbm>>
    %dma_start3A_698 = tpu.memref_slice %arg15[%dma_start3A_689] : memref<2x!tpu.dma_semaphore, #tpu.memory_space<semaphore_mem>> -> memref<1x!tpu.dma_semaphore, #tpu.memory_space<semaphore_mem>>
    %dma_start3A_699 = tpu.memref_squeeze %dma_start3A_698 : memref<1x!tpu.dma_semaphore, #tpu.memory_space<semaphore_mem>> -> memref<!tpu.dma_semaphore, #tpu.memory_space<semaphore_mem>>
    %dma_start3A_700 = arith.constant 0 : i32
    %dma_start3A_701 = arith.constant 0 : i32
    %dma_start3A_702 = tpu.memref_slice %arg11[%dma_start3A_687, %dma_start3A_688, %dma_start3A_700, %dma_start3A_701] : memref<2x16x8x64xf32, #tpu.memory_space<vmem>> -> memref<1x1x8x64xf32, #tpu.memory_space<vmem>>
    %dma_start3A_703 = tpu.memref_squeeze %dma_start3A_702 : memref<1x1x8x64xf32, #tpu.memory_space<vmem>> -> memref<8x64xf32, #tpu.memory_space<vmem>>
    %dma_start3A_704 = arith.constant 0 : i32
    %dma_start3A_705 = arith.constant 0 : i32
    %dma_start3A_706 = tpu.memref_slice %arg5[%shift_right_arithmetic3A_686, %dma_start3A_704, %dma_start3A_705] : memref<125000x8x64xf32, #tpu.memory_space<hbm>> -> memref<1x8x64xf32, #tpu.memory_space<hbm>>
    %dma_start3A_707 = tpu.memref_squeeze %dma_start3A_706 : memref<1x8x64xf32, #tpu.memory_space<hbm>> -> memref<8x64xf32, #tpu.memory_space<hbm>>
    tpu.enqueue_dma source(%dma_start3A_707 : memref<8x64xf32, #tpu.memory_space<hbm>>) target(%dma_start3A_703 : memref<8x64xf32, #tpu.memory_space<vmem>>) target_semaphore(%dma_start3A_699 : memref<!tpu.dma_semaphore, #tpu.memory_space<semaphore_mem>>)
    %slice3A_708 = vector.extract_strided_slice %get3A_7 {offsets = [9], sizes = [1], strides = [1]} : vector<16xi32> to vector<1xi32>
    %squeeze3A_709 = vector.extract %slice3A_708[0] : i32 from vector<1xi32>
    %shift_right_arithmetic3A_710 = arith.constant 3 : i32
    %shift_right_arithmetic3A_711 = arith.shrsi %squeeze3A_709, %shift_right_arithmetic3A_710 : i32
    %dma_start3A_712 = arith.constant 0 : i32
    %dma_start3A_713 = arith.constant 9 : i32
    %dma_start3A_714 = arith.constant 0 : i32
    %dma_start3A_715 = arith.constant 0 : i32
    %dma_start3A_716 = arith.constant 0 : i32
    %dma_start3A_717 = tpu.memref_slice %arg12[%dma_start3A_712, %dma_start3A_713, %dma_start3A_715, %dma_start3A_716] : memref<2x16x8x64xf32, #tpu.memory_space<vmem>> -> memref<1x1x8x64xf32, #tpu.memory_space<vmem>>
    %dma_start3A_718 = tpu.memref_squeeze %dma_start3A_717 : memref<1x1x8x64xf32, #tpu.memory_space<vmem>> -> memref<8x64xf32, #tpu.memory_space<vmem>>
    %dma_start3A_719 = arith.constant 0 : i32
    %dma_start3A_720 = arith.constant 0 : i32
    %dma_start3A_721 = tpu.memref_slice %arg5[%shift_right_arithmetic3A_711, %dma_start3A_719, %dma_start3A_720] : memref<125000x8x64xf32, #tpu.memory_space<hbm>> -> memref<1x8x64xf32, #tpu.memory_space<hbm>>
    %dma_start3A_722 = tpu.memref_squeeze %dma_start3A_721 : memref<1x8x64xf32, #tpu.memory_space<hbm>> -> memref<8x64xf32, #tpu.memory_space<hbm>>
    %dma_start3A_723 = tpu.memref_slice %arg15[%dma_start3A_714] : memref<2x!tpu.dma_semaphore, #tpu.memory_space<semaphore_mem>> -> memref<1x!tpu.dma_semaphore, #tpu.memory_space<semaphore_mem>>
    %dma_start3A_724 = tpu.memref_squeeze %dma_start3A_723 : memref<1x!tpu.dma_semaphore, #tpu.memory_space<semaphore_mem>> -> memref<!tpu.dma_semaphore, #tpu.memory_space<semaphore_mem>>
    %dma_start3A_725 = arith.constant 0 : i32
    %dma_start3A_726 = arith.constant 0 : i32
    %dma_start3A_727 = tpu.memref_slice %arg12[%dma_start3A_712, %dma_start3A_713, %dma_start3A_725, %dma_start3A_726] : memref<2x16x8x64xf32, #tpu.memory_space<vmem>> -> memref<1x1x8x64xf32, #tpu.memory_space<vmem>>
    %dma_start3A_728 = tpu.memref_squeeze %dma_start3A_727 : memref<1x1x8x64xf32, #tpu.memory_space<vmem>> -> memref<8x64xf32, #tpu.memory_space<vmem>>
    %dma_start3A_729 = arith.constant 0 : i32
    %dma_start3A_730 = arith.constant 0 : i32
    %dma_start3A_731 = tpu.memref_slice %arg5[%shift_right_arithmetic3A_711, %dma_start3A_729, %dma_start3A_730] : memref<125000x8x64xf32, #tpu.memory_space<hbm>> -> memref<1x8x64xf32, #tpu.memory_space<hbm>>
    %dma_start3A_732 = tpu.memref_squeeze %dma_start3A_731 : memref<1x8x64xf32, #tpu.memory_space<hbm>> -> memref<8x64xf32, #tpu.memory_space<hbm>>
    tpu.enqueue_dma source(%dma_start3A_732 : memref<8x64xf32, #tpu.memory_space<hbm>>) target(%dma_start3A_728 : memref<8x64xf32, #tpu.memory_space<vmem>>) target_semaphore(%dma_start3A_724 : memref<!tpu.dma_semaphore, #tpu.memory_space<semaphore_mem>>)
    %slice3A_733 = vector.extract_strided_slice %get3A_11 {offsets = [9], sizes = [1], strides = [1]} : vector<16xi32> to vector<1xi32>
    %squeeze3A_734 = vector.extract %slice3A_733[0] : i32 from vector<1xi32>
    %shift_right_arithmetic3A_735 = arith.constant 3 : i32
    %shift_right_arithmetic3A_736 = arith.shrsi %squeeze3A_734, %shift_right_arithmetic3A_735 : i32
    %dma_start3A_737 = arith.constant 0 : i32
    %dma_start3A_738 = arith.constant 9 : i32
    %dma_start3A_739 = arith.constant 0 : i32
    %dma_start3A_740 = arith.constant 0 : i32
    %dma_start3A_741 = arith.constant 0 : i32
    %dma_start3A_742 = tpu.memref_slice %arg13[%dma_start3A_737, %dma_start3A_738, %dma_start3A_740, %dma_start3A_741] : memref<2x16x8x64xf32, #tpu.memory_space<vmem>> -> memref<1x1x8x64xf32, #tpu.memory_space<vmem>>
    %dma_start3A_743 = tpu.memref_squeeze %dma_start3A_742 : memref<1x1x8x64xf32, #tpu.memory_space<vmem>> -> memref<8x64xf32, #tpu.memory_space<vmem>>
    %dma_start3A_744 = arith.constant 0 : i32
    %dma_start3A_745 = arith.constant 0 : i32
    %dma_start3A_746 = tpu.memref_slice %arg6[%shift_right_arithmetic3A_736, %dma_start3A_744, %dma_start3A_745] : memref<125x8x64xf32, #tpu.memory_space<hbm>> -> memref<1x8x64xf32, #tpu.memory_space<hbm>>
    %dma_start3A_747 = tpu.memref_squeeze %dma_start3A_746 : memref<1x8x64xf32, #tpu.memory_space<hbm>> -> memref<8x64xf32, #tpu.memory_space<hbm>>
    %dma_start3A_748 = tpu.memref_slice %arg15[%dma_start3A_739] : memref<2x!tpu.dma_semaphore, #tpu.memory_space<semaphore_mem>> -> memref<1x!tpu.dma_semaphore, #tpu.memory_space<semaphore_mem>>
    %dma_start3A_749 = tpu.memref_squeeze %dma_start3A_748 : memref<1x!tpu.dma_semaphore, #tpu.memory_space<semaphore_mem>> -> memref<!tpu.dma_semaphore, #tpu.memory_space<semaphore_mem>>
    %dma_start3A_750 = arith.constant 0 : i32
    %dma_start3A_751 = arith.constant 0 : i32
    %dma_start3A_752 = tpu.memref_slice %arg13[%dma_start3A_737, %dma_start3A_738, %dma_start3A_750, %dma_start3A_751] : memref<2x16x8x64xf32, #tpu.memory_space<vmem>> -> memref<1x1x8x64xf32, #tpu.memory_space<vmem>>
    %dma_start3A_753 = tpu.memref_squeeze %dma_start3A_752 : memref<1x1x8x64xf32, #tpu.memory_space<vmem>> -> memref<8x64xf32, #tpu.memory_space<vmem>>
    %dma_start3A_754 = arith.constant 0 : i32
    %dma_start3A_755 = arith.constant 0 : i32
    %dma_start3A_756 = tpu.memref_slice %arg6[%shift_right_arithmetic3A_736, %dma_start3A_754, %dma_start3A_755] : memref<125x8x64xf32, #tpu.memory_space<hbm>> -> memref<1x8x64xf32, #tpu.memory_space<hbm>>
    %dma_start3A_757 = tpu.memref_squeeze %dma_start3A_756 : memref<1x8x64xf32, #tpu.memory_space<hbm>> -> memref<8x64xf32, #tpu.memory_space<hbm>>
    tpu.enqueue_dma source(%dma_start3A_757 : memref<8x64xf32, #tpu.memory_space<hbm>>) target(%dma_start3A_753 : memref<8x64xf32, #tpu.memory_space<vmem>>) target_semaphore(%dma_start3A_749 : memref<!tpu.dma_semaphore, #tpu.memory_space<semaphore_mem>>)
    %slice3A_758 = vector.extract_strided_slice %get3A_3 {offsets = [10], sizes = [1], strides = [1]} : vector<16xi32> to vector<1xi32>
    %squeeze3A_759 = vector.extract %slice3A_758[0] : i32 from vector<1xi32>
    %shift_right_arithmetic3A_760 = arith.constant 3 : i32
    %shift_right_arithmetic3A_761 = arith.shrsi %squeeze3A_759, %shift_right_arithmetic3A_760 : i32
    %dma_start3A_762 = arith.constant 0 : i32
    %dma_start3A_763 = arith.constant 10 : i32
    %dma_start3A_764 = arith.constant 0 : i32
    %dma_start3A_765 = arith.constant 0 : i32
    %dma_start3A_766 = arith.constant 0 : i32
    %dma_start3A_767 = tpu.memref_slice %arg11[%dma_start3A_762, %dma_start3A_763, %dma_start3A_765, %dma_start3A_766] : memref<2x16x8x64xf32, #tpu.memory_space<vmem>> -> memref<1x1x8x64xf32, #tpu.memory_space<vmem>>
    %dma_start3A_768 = tpu.memref_squeeze %dma_start3A_767 : memref<1x1x8x64xf32, #tpu.memory_space<vmem>> -> memref<8x64xf32, #tpu.memory_space<vmem>>
    %dma_start3A_769 = arith.constant 0 : i32
    %dma_start3A_770 = arith.constant 0 : i32
    %dma_start3A_771 = tpu.memref_slice %arg5[%shift_right_arithmetic3A_761, %dma_start3A_769, %dma_start3A_770] : memref<125000x8x64xf32, #tpu.memory_space<hbm>> -> memref<1x8x64xf32, #tpu.memory_space<hbm>>
    %dma_start3A_772 = tpu.memref_squeeze %dma_start3A_771 : memref<1x8x64xf32, #tpu.memory_space<hbm>> -> memref<8x64xf32, #tpu.memory_space<hbm>>
    %dma_start3A_773 = tpu.memref_slice %arg15[%dma_start3A_764] : memref<2x!tpu.dma_semaphore, #tpu.memory_space<semaphore_mem>> -> memref<1x!tpu.dma_semaphore, #tpu.memory_space<semaphore_mem>>
    %dma_start3A_774 = tpu.memref_squeeze %dma_start3A_773 : memref<1x!tpu.dma_semaphore, #tpu.memory_space<semaphore_mem>> -> memref<!tpu.dma_semaphore, #tpu.memory_space<semaphore_mem>>
    %dma_start3A_775 = arith.constant 0 : i32
    %dma_start3A_776 = arith.constant 0 : i32
    %dma_start3A_777 = tpu.memref_slice %arg11[%dma_start3A_762, %dma_start3A_763, %dma_start3A_775, %dma_start3A_776] : memref<2x16x8x64xf32, #tpu.memory_space<vmem>> -> memref<1x1x8x64xf32, #tpu.memory_space<vmem>>
    %dma_start3A_778 = tpu.memref_squeeze %dma_start3A_777 : memref<1x1x8x64xf32, #tpu.memory_space<vmem>> -> memref<8x64xf32, #tpu.memory_space<vmem>>
    %dma_start3A_779 = arith.constant 0 : i32
    %dma_start3A_780 = arith.constant 0 : i32
    %dma_start3A_781 = tpu.memref_slice %arg5[%shift_right_arithmetic3A_761, %dma_start3A_779, %dma_start3A_780] : memref<125000x8x64xf32, #tpu.memory_space<hbm>> -> memref<1x8x64xf32, #tpu.memory_space<hbm>>
    %dma_start3A_782 = tpu.memref_squeeze %dma_start3A_781 : memref<1x8x64xf32, #tpu.memory_space<hbm>> -> memref<8x64xf32, #tpu.memory_space<hbm>>
    tpu.enqueue_dma source(%dma_start3A_782 : memref<8x64xf32, #tpu.memory_space<hbm>>) target(%dma_start3A_778 : memref<8x64xf32, #tpu.memory_space<vmem>>) target_semaphore(%dma_start3A_774 : memref<!tpu.dma_semaphore, #tpu.memory_space<semaphore_mem>>)
    %slice3A_783 = vector.extract_strided_slice %get3A_7 {offsets = [10], sizes = [1], strides = [1]} : vector<16xi32> to vector<1xi32>
    %squeeze3A_784 = vector.extract %slice3A_783[0] : i32 from vector<1xi32>
    %shift_right_arithmetic3A_785 = arith.constant 3 : i32
    %shift_right_arithmetic3A_786 = arith.shrsi %squeeze3A_784, %shift_right_arithmetic3A_785 : i32
    %dma_start3A_787 = arith.constant 0 : i32
    %dma_start3A_788 = arith.constant 10 : i32
    %dma_start3A_789 = arith.constant 0 : i32
    %dma_start3A_790 = arith.constant 0 : i32
    %dma_start3A_791 = arith.constant 0 : i32
    %dma_start3A_792 = tpu.memref_slice %arg12[%dma_start3A_787, %dma_start3A_788, %dma_start3A_790, %dma_start3A_791] : memref<2x16x8x64xf32, #tpu.memory_space<vmem>> -> memref<1x1x8x64xf32, #tpu.memory_space<vmem>>
    %dma_start3A_793 = tpu.memref_squeeze %dma_start3A_792 : memref<1x1x8x64xf32, #tpu.memory_space<vmem>> -> memref<8x64xf32, #tpu.memory_space<vmem>>
    %dma_start3A_794 = arith.constant 0 : i32
    %dma_start3A_795 = arith.constant 0 : i32
    %dma_start3A_796 = tpu.memref_slice %arg5[%shift_right_arithmetic3A_786, %dma_start3A_794, %dma_start3A_795] : memref<125000x8x64xf32, #tpu.memory_space<hbm>> -> memref<1x8x64xf32, #tpu.memory_space<hbm>>
    %dma_start3A_797 = tpu.memref_squeeze %dma_start3A_796 : memref<1x8x64xf32, #tpu.memory_space<hbm>> -> memref<8x64xf32, #tpu.memory_space<hbm>>
    %dma_start3A_798 = tpu.memref_slice %arg15[%dma_start3A_789] : memref<2x!tpu.dma_semaphore, #tpu.memory_space<semaphore_mem>> -> memref<1x!tpu.dma_semaphore, #tpu.memory_space<semaphore_mem>>
    %dma_start3A_799 = tpu.memref_squeeze %dma_start3A_798 : memref<1x!tpu.dma_semaphore, #tpu.memory_space<semaphore_mem>> -> memref<!tpu.dma_semaphore, #tpu.memory_space<semaphore_mem>>
    %dma_start3A_800 = arith.constant 0 : i32
    %dma_start3A_801 = arith.constant 0 : i32
    %dma_start3A_802 = tpu.memref_slice %arg12[%dma_start3A_787, %dma_start3A_788, %dma_start3A_800, %dma_start3A_801] : memref<2x16x8x64xf32, #tpu.memory_space<vmem>> -> memref<1x1x8x64xf32, #tpu.memory_space<vmem>>
    %dma_start3A_803 = tpu.memref_squeeze %dma_start3A_802 : memref<1x1x8x64xf32, #tpu.memory_space<vmem>> -> memref<8x64xf32, #tpu.memory_space<vmem>>
    %dma_start3A_804 = arith.constant 0 : i32
    %dma_start3A_805 = arith.constant 0 : i32
    %dma_start3A_806 = tpu.memref_slice %arg5[%shift_right_arithmetic3A_786, %dma_start3A_804, %dma_start3A_805] : memref<125000x8x64xf32, #tpu.memory_space<hbm>> -> memref<1x8x64xf32, #tpu.memory_space<hbm>>
    %dma_start3A_807 = tpu.memref_squeeze %dma_start3A_806 : memref<1x8x64xf32, #tpu.memory_space<hbm>> -> memref<8x64xf32, #tpu.memory_space<hbm>>
    tpu.enqueue_dma source(%dma_start3A_807 : memref<8x64xf32, #tpu.memory_space<hbm>>) target(%dma_start3A_803 : memref<8x64xf32, #tpu.memory_space<vmem>>) target_semaphore(%dma_start3A_799 : memref<!tpu.dma_semaphore, #tpu.memory_space<semaphore_mem>>)
    %slice3A_808 = vector.extract_strided_slice %get3A_11 {offsets = [10], sizes = [1], strides = [1]} : vector<16xi32> to vector<1xi32>
    %squeeze3A_809 = vector.extract %slice3A_808[0] : i32 from vector<1xi32>
    %shift_right_arithmetic3A_810 = arith.constant 3 : i32
    %shift_right_arithmetic3A_811 = arith.shrsi %squeeze3A_809, %shift_right_arithmetic3A_810 : i32
    %dma_start3A_812 = arith.constant 0 : i32
    %dma_start3A_813 = arith.constant 10 : i32
    %dma_start3A_814 = arith.constant 0 : i32
    %dma_start3A_815 = arith.constant 0 : i32
    %dma_start3A_816 = arith.constant 0 : i32
    %dma_start3A_817 = tpu.memref_slice %arg13[%dma_start3A_812, %dma_start3A_813, %dma_start3A_815, %dma_start3A_816] : memref<2x16x8x64xf32, #tpu.memory_space<vmem>> -> memref<1x1x8x64xf32, #tpu.memory_space<vmem>>
    %dma_start3A_818 = tpu.memref_squeeze %dma_start3A_817 : memref<1x1x8x64xf32, #tpu.memory_space<vmem>> -> memref<8x64xf32, #tpu.memory_space<vmem>>
    %dma_start3A_819 = arith.constant 0 : i32
    %dma_start3A_820 = arith.constant 0 : i32
    %dma_start3A_821 = tpu.memref_slice %arg6[%shift_right_arithmetic3A_811, %dma_start3A_819, %dma_start3A_820] : memref<125x8x64xf32, #tpu.memory_space<hbm>> -> memref<1x8x64xf32, #tpu.memory_space<hbm>>
    %dma_start3A_822 = tpu.memref_squeeze %dma_start3A_821 : memref<1x8x64xf32, #tpu.memory_space<hbm>> -> memref<8x64xf32, #tpu.memory_space<hbm>>
    %dma_start3A_823 = tpu.memref_slice %arg15[%dma_start3A_814] : memref<2x!tpu.dma_semaphore, #tpu.memory_space<semaphore_mem>> -> memref<1x!tpu.dma_semaphore, #tpu.memory_space<semaphore_mem>>
    %dma_start3A_824 = tpu.memref_squeeze %dma_start3A_823 : memref<1x!tpu.dma_semaphore, #tpu.memory_space<semaphore_mem>> -> memref<!tpu.dma_semaphore, #tpu.memory_space<semaphore_mem>>
    %dma_start3A_825 = arith.constant 0 : i32
    %dma_start3A_826 = arith.constant 0 : i32
    %dma_start3A_827 = tpu.memref_slice %arg13[%dma_start3A_812, %dma_start3A_813, %dma_start3A_825, %dma_start3A_826] : memref<2x16x8x64xf32, #tpu.memory_space<vmem>> -> memref<1x1x8x64xf32, #tpu.memory_space<vmem>>
    %dma_start3A_828 = tpu.memref_squeeze %dma_start3A_827 : memref<1x1x8x64xf32, #tpu.memory_space<vmem>> -> memref<8x64xf32, #tpu.memory_space<vmem>>
    %dma_start3A_829 = arith.constant 0 : i32
    %dma_start3A_830 = arith.constant 0 : i32
    %dma_start3A_831 = tpu.memref_slice %arg6[%shift_right_arithmetic3A_811, %dma_start3A_829, %dma_start3A_830] : memref<125x8x64xf32, #tpu.memory_space<hbm>> -> memref<1x8x64xf32, #tpu.memory_space<hbm>>
    %dma_start3A_832 = tpu.memref_squeeze %dma_start3A_831 : memref<1x8x64xf32, #tpu.memory_space<hbm>> -> memref<8x64xf32, #tpu.memory_space<hbm>>
    tpu.enqueue_dma source(%dma_start3A_832 : memref<8x64xf32, #tpu.memory_space<hbm>>) target(%dma_start3A_828 : memref<8x64xf32, #tpu.memory_space<vmem>>) target_semaphore(%dma_start3A_824 : memref<!tpu.dma_semaphore, #tpu.memory_space<semaphore_mem>>)
    %slice3A_833 = vector.extract_strided_slice %get3A_3 {offsets = [11], sizes = [1], strides = [1]} : vector<16xi32> to vector<1xi32>
    %squeeze3A_834 = vector.extract %slice3A_833[0] : i32 from vector<1xi32>
    %shift_right_arithmetic3A_835 = arith.constant 3 : i32
    %shift_right_arithmetic3A_836 = arith.shrsi %squeeze3A_834, %shift_right_arithmetic3A_835 : i32
    %dma_start3A_837 = arith.constant 0 : i32
    %dma_start3A_838 = arith.constant 11 : i32
    %dma_start3A_839 = arith.constant 0 : i32
    %dma_start3A_840 = arith.constant 0 : i32
    %dma_start3A_841 = arith.constant 0 : i32
    %dma_start3A_842 = tpu.memref_slice %arg11[%dma_start3A_837, %dma_start3A_838, %dma_start3A_840, %dma_start3A_841] : memref<2x16x8x64xf32, #tpu.memory_space<vmem>> -> memref<1x1x8x64xf32, #tpu.memory_space<vmem>>
    %dma_start3A_843 = tpu.memref_squeeze %dma_start3A_842 : memref<1x1x8x64xf32, #tpu.memory_space<vmem>> -> memref<8x64xf32, #tpu.memory_space<vmem>>
    %dma_start3A_844 = arith.constant 0 : i32
    %dma_start3A_845 = arith.constant 0 : i32
    %dma_start3A_846 = tpu.memref_slice %arg5[%shift_right_arithmetic3A_836, %dma_start3A_844, %dma_start3A_845] : memref<125000x8x64xf32, #tpu.memory_space<hbm>> -> memref<1x8x64xf32, #tpu.memory_space<hbm>>
    %dma_start3A_847 = tpu.memref_squeeze %dma_start3A_846 : memref<1x8x64xf32, #tpu.memory_space<hbm>> -> memref<8x64xf32, #tpu.memory_space<hbm>>
    %dma_start3A_848 = tpu.memref_slice %arg15[%dma_start3A_839] : memref<2x!tpu.dma_semaphore, #tpu.memory_space<semaphore_mem>> -> memref<1x!tpu.dma_semaphore, #tpu.memory_space<semaphore_mem>>
    %dma_start3A_849 = tpu.memref_squeeze %dma_start3A_848 : memref<1x!tpu.dma_semaphore, #tpu.memory_space<semaphore_mem>> -> memref<!tpu.dma_semaphore, #tpu.memory_space<semaphore_mem>>
    %dma_start3A_850 = arith.constant 0 : i32
    %dma_start3A_851 = arith.constant 0 : i32
    %dma_start3A_852 = tpu.memref_slice %arg11[%dma_start3A_837, %dma_start3A_838, %dma_start3A_850, %dma_start3A_851] : memref<2x16x8x64xf32, #tpu.memory_space<vmem>> -> memref<1x1x8x64xf32, #tpu.memory_space<vmem>>
    %dma_start3A_853 = tpu.memref_squeeze %dma_start3A_852 : memref<1x1x8x64xf32, #tpu.memory_space<vmem>> -> memref<8x64xf32, #tpu.memory_space<vmem>>
    %dma_start3A_854 = arith.constant 0 : i32
    %dma_start3A_855 = arith.constant 0 : i32
    %dma_start3A_856 = tpu.memref_slice %arg5[%shift_right_arithmetic3A_836, %dma_start3A_854, %dma_start3A_855] : memref<125000x8x64xf32, #tpu.memory_space<hbm>> -> memref<1x8x64xf32, #tpu.memory_space<hbm>>
    %dma_start3A_857 = tpu.memref_squeeze %dma_start3A_856 : memref<1x8x64xf32, #tpu.memory_space<hbm>> -> memref<8x64xf32, #tpu.memory_space<hbm>>
    tpu.enqueue_dma source(%dma_start3A_857 : memref<8x64xf32, #tpu.memory_space<hbm>>) target(%dma_start3A_853 : memref<8x64xf32, #tpu.memory_space<vmem>>) target_semaphore(%dma_start3A_849 : memref<!tpu.dma_semaphore, #tpu.memory_space<semaphore_mem>>)
    %slice3A_858 = vector.extract_strided_slice %get3A_7 {offsets = [11], sizes = [1], strides = [1]} : vector<16xi32> to vector<1xi32>
    %squeeze3A_859 = vector.extract %slice3A_858[0] : i32 from vector<1xi32>
    %shift_right_arithmetic3A_860 = arith.constant 3 : i32
    %shift_right_arithmetic3A_861 = arith.shrsi %squeeze3A_859, %shift_right_arithmetic3A_860 : i32
    %dma_start3A_862 = arith.constant 0 : i32
    %dma_start3A_863 = arith.constant 11 : i32
    %dma_start3A_864 = arith.constant 0 : i32
    %dma_start3A_865 = arith.constant 0 : i32
    %dma_start3A_866 = arith.constant 0 : i32
    %dma_start3A_867 = tpu.memref_slice %arg12[%dma_start3A_862, %dma_start3A_863, %dma_start3A_865, %dma_start3A_866] : memref<2x16x8x64xf32, #tpu.memory_space<vmem>> -> memref<1x1x8x64xf32, #tpu.memory_space<vmem>>
    %dma_start3A_868 = tpu.memref_squeeze %dma_start3A_867 : memref<1x1x8x64xf32, #tpu.memory_space<vmem>> -> memref<8x64xf32, #tpu.memory_space<vmem>>
    %dma_start3A_869 = arith.constant 0 : i32
    %dma_start3A_870 = arith.constant 0 : i32
    %dma_start3A_871 = tpu.memref_slice %arg5[%shift_right_arithmetic3A_861, %dma_start3A_869, %dma_start3A_870] : memref<125000x8x64xf32, #tpu.memory_space<hbm>> -> memref<1x8x64xf32, #tpu.memory_space<hbm>>
    %dma_start3A_872 = tpu.memref_squeeze %dma_start3A_871 : memref<1x8x64xf32, #tpu.memory_space<hbm>> -> memref<8x64xf32, #tpu.memory_space<hbm>>
    %dma_start3A_873 = tpu.memref_slice %arg15[%dma_start3A_864] : memref<2x!tpu.dma_semaphore, #tpu.memory_space<semaphore_mem>> -> memref<1x!tpu.dma_semaphore, #tpu.memory_space<semaphore_mem>>
    %dma_start3A_874 = tpu.memref_squeeze %dma_start3A_873 : memref<1x!tpu.dma_semaphore, #tpu.memory_space<semaphore_mem>> -> memref<!tpu.dma_semaphore, #tpu.memory_space<semaphore_mem>>
    %dma_start3A_875 = arith.constant 0 : i32
    %dma_start3A_876 = arith.constant 0 : i32
    %dma_start3A_877 = tpu.memref_slice %arg12[%dma_start3A_862, %dma_start3A_863, %dma_start3A_875, %dma_start3A_876] : memref<2x16x8x64xf32, #tpu.memory_space<vmem>> -> memref<1x1x8x64xf32, #tpu.memory_space<vmem>>
    %dma_start3A_878 = tpu.memref_squeeze %dma_start3A_877 : memref<1x1x8x64xf32, #tpu.memory_space<vmem>> -> memref<8x64xf32, #tpu.memory_space<vmem>>
    %dma_start3A_879 = arith.constant 0 : i32
    %dma_start3A_880 = arith.constant 0 : i32
    %dma_start3A_881 = tpu.memref_slice %arg5[%shift_right_arithmetic3A_861, %dma_start3A_879, %dma_start3A_880] : memref<125000x8x64xf32, #tpu.memory_space<hbm>> -> memref<1x8x64xf32, #tpu.memory_space<hbm>>
    %dma_start3A_882 = tpu.memref_squeeze %dma_start3A_881 : memref<1x8x64xf32, #tpu.memory_space<hbm>> -> memref<8x64xf32, #tpu.memory_space<hbm>>
    tpu.enqueue_dma source(%dma_start3A_882 : memref<8x64xf32, #tpu.memory_space<hbm>>) target(%dma_start3A_878 : memref<8x64xf32, #tpu.memory_space<vmem>>) target_semaphore(%dma_start3A_874 : memref<!tpu.dma_semaphore, #tpu.memory_space<semaphore_mem>>)
    %slice3A_883 = vector.extract_strided_slice %get3A_11 {offsets = [11], sizes = [1], strides = [1]} : vector<16xi32> to vector<1xi32>
    %squeeze3A_884 = vector.extract %slice3A_883[0] : i32 from vector<1xi32>
    %shift_right_arithmetic3A_885 = arith.constant 3 : i32
    %shift_right_arithmetic3A_886 = arith.shrsi %squeeze3A_884, %shift_right_arithmetic3A_885 : i32
    %dma_start3A_887 = arith.constant 0 : i32
    %dma_start3A_888 = arith.constant 11 : i32
    %dma_start3A_889 = arith.constant 0 : i32
    %dma_start3A_890 = arith.constant 0 : i32
    %dma_start3A_891 = arith.constant 0 : i32
    %dma_start3A_892 = tpu.memref_slice %arg13[%dma_start3A_887, %dma_start3A_888, %dma_start3A_890, %dma_start3A_891] : memref<2x16x8x64xf32, #tpu.memory_space<vmem>> -> memref<1x1x8x64xf32, #tpu.memory_space<vmem>>
    %dma_start3A_893 = tpu.memref_squeeze %dma_start3A_892 : memref<1x1x8x64xf32, #tpu.memory_space<vmem>> -> memref<8x64xf32, #tpu.memory_space<vmem>>
    %dma_start3A_894 = arith.constant 0 : i32
    %dma_start3A_895 = arith.constant 0 : i32
    %dma_start3A_896 = tpu.memref_slice %arg6[%shift_right_arithmetic3A_886, %dma_start3A_894, %dma_start3A_895] : memref<125x8x64xf32, #tpu.memory_space<hbm>> -> memref<1x8x64xf32, #tpu.memory_space<hbm>>
    %dma_start3A_897 = tpu.memref_squeeze %dma_start3A_896 : memref<1x8x64xf32, #tpu.memory_space<hbm>> -> memref<8x64xf32, #tpu.memory_space<hbm>>
    %dma_start3A_898 = tpu.memref_slice %arg15[%dma_start3A_889] : memref<2x!tpu.dma_semaphore, #tpu.memory_space<semaphore_mem>> -> memref<1x!tpu.dma_semaphore, #tpu.memory_space<semaphore_mem>>
    %dma_start3A_899 = tpu.memref_squeeze %dma_start3A_898 : memref<1x!tpu.dma_semaphore, #tpu.memory_space<semaphore_mem>> -> memref<!tpu.dma_semaphore, #tpu.memory_space<semaphore_mem>>
    %dma_start3A_900 = arith.constant 0 : i32
    %dma_start3A_901 = arith.constant 0 : i32
    %dma_start3A_902 = tpu.memref_slice %arg13[%dma_start3A_887, %dma_start3A_888, %dma_start3A_900, %dma_start3A_901] : memref<2x16x8x64xf32, #tpu.memory_space<vmem>> -> memref<1x1x8x64xf32, #tpu.memory_space<vmem>>
    %dma_start3A_903 = tpu.memref_squeeze %dma_start3A_902 : memref<1x1x8x64xf32, #tpu.memory_space<vmem>> -> memref<8x64xf32, #tpu.memory_space<vmem>>
    %dma_start3A_904 = arith.constant 0 : i32
    %dma_start3A_905 = arith.constant 0 : i32
    %dma_start3A_906 = tpu.memref_slice %arg6[%shift_right_arithmetic3A_886, %dma_start3A_904, %dma_start3A_905] : memref<125x8x64xf32, #tpu.memory_space<hbm>> -> memref<1x8x64xf32, #tpu.memory_space<hbm>>
    %dma_start3A_907 = tpu.memref_squeeze %dma_start3A_906 : memref<1x8x64xf32, #tpu.memory_space<hbm>> -> memref<8x64xf32, #tpu.memory_space<hbm>>
    tpu.enqueue_dma source(%dma_start3A_907 : memref<8x64xf32, #tpu.memory_space<hbm>>) target(%dma_start3A_903 : memref<8x64xf32, #tpu.memory_space<vmem>>) target_semaphore(%dma_start3A_899 : memref<!tpu.dma_semaphore, #tpu.memory_space<semaphore_mem>>)
    %slice3A_908 = vector.extract_strided_slice %get3A_3 {offsets = [12], sizes = [1], strides = [1]} : vector<16xi32> to vector<1xi32>
    %squeeze3A_909 = vector.extract %slice3A_908[0] : i32 from vector<1xi32>
    %shift_right_arithmetic3A_910 = arith.constant 3 : i32
    %shift_right_arithmetic3A_911 = arith.shrsi %squeeze3A_909, %shift_right_arithmetic3A_910 : i32
    %dma_start3A_912 = arith.constant 0 : i32
    %dma_start3A_913 = arith.constant 12 : i32
    %dma_start3A_914 = arith.constant 0 : i32
    %dma_start3A_915 = arith.constant 0 : i32
    %dma_start3A_916 = arith.constant 0 : i32
    %dma_start3A_917 = tpu.memref_slice %arg11[%dma_start3A_912, %dma_start3A_913, %dma_start3A_915, %dma_start3A_916] : memref<2x16x8x64xf32, #tpu.memory_space<vmem>> -> memref<1x1x8x64xf32, #tpu.memory_space<vmem>>
    %dma_start3A_918 = tpu.memref_squeeze %dma_start3A_917 : memref<1x1x8x64xf32, #tpu.memory_space<vmem>> -> memref<8x64xf32, #tpu.memory_space<vmem>>
    %dma_start3A_919 = arith.constant 0 : i32
    %dma_start3A_920 = arith.constant 0 : i32
    %dma_start3A_921 = tpu.memref_slice %arg5[%shift_right_arithmetic3A_911, %dma_start3A_919, %dma_start3A_920] : memref<125000x8x64xf32, #tpu.memory_space<hbm>> -> memref<1x8x64xf32, #tpu.memory_space<hbm>>
    %dma_start3A_922 = tpu.memref_squeeze %dma_start3A_921 : memref<1x8x64xf32, #tpu.memory_space<hbm>> -> memref<8x64xf32, #tpu.memory_space<hbm>>
    %dma_start3A_923 = tpu.memref_slice %arg15[%dma_start3A_914] : memref<2x!tpu.dma_semaphore, #tpu.memory_space<semaphore_mem>> -> memref<1x!tpu.dma_semaphore, #tpu.memory_space<semaphore_mem>>
    %dma_start3A_924 = tpu.memref_squeeze %dma_start3A_923 : memref<1x!tpu.dma_semaphore, #tpu.memory_space<semaphore_mem>> -> memref<!tpu.dma_semaphore, #tpu.memory_space<semaphore_mem>>
    %dma_start3A_925 = arith.constant 0 : i32
    %dma_start3A_926 = arith.constant 0 : i32
    %dma_start3A_927 = tpu.memref_slice %arg11[%dma_start3A_912, %dma_start3A_913, %dma_start3A_925, %dma_start3A_926] : memref<2x16x8x64xf32, #tpu.memory_space<vmem>> -> memref<1x1x8x64xf32, #tpu.memory_space<vmem>>
    %dma_start3A_928 = tpu.memref_squeeze %dma_start3A_927 : memref<1x1x8x64xf32, #tpu.memory_space<vmem>> -> memref<8x64xf32, #tpu.memory_space<vmem>>
    %dma_start3A_929 = arith.constant 0 : i32
    %dma_start3A_930 = arith.constant 0 : i32
    %dma_start3A_931 = tpu.memref_slice %arg5[%shift_right_arithmetic3A_911, %dma_start3A_929, %dma_start3A_930] : memref<125000x8x64xf32, #tpu.memory_space<hbm>> -> memref<1x8x64xf32, #tpu.memory_space<hbm>>
    %dma_start3A_932 = tpu.memref_squeeze %dma_start3A_931 : memref<1x8x64xf32, #tpu.memory_space<hbm>> -> memref<8x64xf32, #tpu.memory_space<hbm>>
    tpu.enqueue_dma source(%dma_start3A_932 : memref<8x64xf32, #tpu.memory_space<hbm>>) target(%dma_start3A_928 : memref<8x64xf32, #tpu.memory_space<vmem>>) target_semaphore(%dma_start3A_924 : memref<!tpu.dma_semaphore, #tpu.memory_space<semaphore_mem>>)
    %slice3A_933 = vector.extract_strided_slice %get3A_7 {offsets = [12], sizes = [1], strides = [1]} : vector<16xi32> to vector<1xi32>
    %squeeze3A_934 = vector.extract %slice3A_933[0] : i32 from vector<1xi32>
    %shift_right_arithmetic3A_935 = arith.constant 3 : i32
    %shift_right_arithmetic3A_936 = arith.shrsi %squeeze3A_934, %shift_right_arithmetic3A_935 : i32
    %dma_start3A_937 = arith.constant 0 : i32
    %dma_start3A_938 = arith.constant 12 : i32
    %dma_start3A_939 = arith.constant 0 : i32
    %dma_start3A_940 = arith.constant 0 : i32
    %dma_start3A_941 = arith.constant 0 : i32
    %dma_start3A_942 = tpu.memref_slice %arg12[%dma_start3A_937, %dma_start3A_938, %dma_start3A_940, %dma_start3A_941] : memref<2x16x8x64xf32, #tpu.memory_space<vmem>> -> memref<1x1x8x64xf32, #tpu.memory_space<vmem>>
    %dma_start3A_943 = tpu.memref_squeeze %dma_start3A_942 : memref<1x1x8x64xf32, #tpu.memory_space<vmem>> -> memref<8x64xf32, #tpu.memory_space<vmem>>
    %dma_start3A_944 = arith.constant 0 : i32
    %dma_start3A_945 = arith.constant 0 : i32
    %dma_start3A_946 = tpu.memref_slice %arg5[%shift_right_arithmetic3A_936, %dma_start3A_944, %dma_start3A_945] : memref<125000x8x64xf32, #tpu.memory_space<hbm>> -> memref<1x8x64xf32, #tpu.memory_space<hbm>>
    %dma_start3A_947 = tpu.memref_squeeze %dma_start3A_946 : memref<1x8x64xf32, #tpu.memory_space<hbm>> -> memref<8x64xf32, #tpu.memory_space<hbm>>
    %dma_start3A_948 = tpu.memref_slice %arg15[%dma_start3A_939] : memref<2x!tpu.dma_semaphore, #tpu.memory_space<semaphore_mem>> -> memref<1x!tpu.dma_semaphore, #tpu.memory_space<semaphore_mem>>
    %dma_start3A_949 = tpu.memref_squeeze %dma_start3A_948 : memref<1x!tpu.dma_semaphore, #tpu.memory_space<semaphore_mem>> -> memref<!tpu.dma_semaphore, #tpu.memory_space<semaphore_mem>>
    %dma_start3A_950 = arith.constant 0 : i32
    %dma_start3A_951 = arith.constant 0 : i32
    %dma_start3A_952 = tpu.memref_slice %arg12[%dma_start3A_937, %dma_start3A_938, %dma_start3A_950, %dma_start3A_951] : memref<2x16x8x64xf32, #tpu.memory_space<vmem>> -> memref<1x1x8x64xf32, #tpu.memory_space<vmem>>
    %dma_start3A_953 = tpu.memref_squeeze %dma_start3A_952 : memref<1x1x8x64xf32, #tpu.memory_space<vmem>> -> memref<8x64xf32, #tpu.memory_space<vmem>>
    %dma_start3A_954 = arith.constant 0 : i32
    %dma_start3A_955 = arith.constant 0 : i32
    %dma_start3A_956 = tpu.memref_slice %arg5[%shift_right_arithmetic3A_936, %dma_start3A_954, %dma_start3A_955] : memref<125000x8x64xf32, #tpu.memory_space<hbm>> -> memref<1x8x64xf32, #tpu.memory_space<hbm>>
    %dma_start3A_957 = tpu.memref_squeeze %dma_start3A_956 : memref<1x8x64xf32, #tpu.memory_space<hbm>> -> memref<8x64xf32, #tpu.memory_space<hbm>>
    tpu.enqueue_dma source(%dma_start3A_957 : memref<8x64xf32, #tpu.memory_space<hbm>>) target(%dma_start3A_953 : memref<8x64xf32, #tpu.memory_space<vmem>>) target_semaphore(%dma_start3A_949 : memref<!tpu.dma_semaphore, #tpu.memory_space<semaphore_mem>>)
    %slice3A_958 = vector.extract_strided_slice %get3A_11 {offsets = [12], sizes = [1], strides = [1]} : vector<16xi32> to vector<1xi32>
    %squeeze3A_959 = vector.extract %slice3A_958[0] : i32 from vector<1xi32>
    %shift_right_arithmetic3A_960 = arith.constant 3 : i32
    %shift_right_arithmetic3A_961 = arith.shrsi %squeeze3A_959, %shift_right_arithmetic3A_960 : i32
    %dma_start3A_962 = arith.constant 0 : i32
    %dma_start3A_963 = arith.constant 12 : i32
    %dma_start3A_964 = arith.constant 0 : i32
    %dma_start3A_965 = arith.constant 0 : i32
    %dma_start3A_966 = arith.constant 0 : i32
    %dma_start3A_967 = tpu.memref_slice %arg13[%dma_start3A_962, %dma_start3A_963, %dma_start3A_965, %dma_start3A_966] : memref<2x16x8x64xf32, #tpu.memory_space<vmem>> -> memref<1x1x8x64xf32, #tpu.memory_space<vmem>>
    %dma_start3A_968 = tpu.memref_squeeze %dma_start3A_967 : memref<1x1x8x64xf32, #tpu.memory_space<vmem>> -> memref<8x64xf32, #tpu.memory_space<vmem>>
    %dma_start3A_969 = arith.constant 0 : i32
    %dma_start3A_970 = arith.constant 0 : i32
    %dma_start3A_971 = tpu.memref_slice %arg6[%shift_right_arithmetic3A_961, %dma_start3A_969, %dma_start3A_970] : memref<125x8x64xf32, #tpu.memory_space<hbm>> -> memref<1x8x64xf32, #tpu.memory_space<hbm>>
    %dma_start3A_972 = tpu.memref_squeeze %dma_start3A_971 : memref<1x8x64xf32, #tpu.memory_space<hbm>> -> memref<8x64xf32, #tpu.memory_space<hbm>>
    %dma_start3A_973 = tpu.memref_slice %arg15[%dma_start3A_964] : memref<2x!tpu.dma_semaphore, #tpu.memory_space<semaphore_mem>> -> memref<1x!tpu.dma_semaphore, #tpu.memory_space<semaphore_mem>>
    %dma_start3A_974 = tpu.memref_squeeze %dma_start3A_973 : memref<1x!tpu.dma_semaphore, #tpu.memory_space<semaphore_mem>> -> memref<!tpu.dma_semaphore, #tpu.memory_space<semaphore_mem>>
    %dma_start3A_975 = arith.constant 0 : i32
    %dma_start3A_976 = arith.constant 0 : i32
    %dma_start3A_977 = tpu.memref_slice %arg13[%dma_start3A_962, %dma_start3A_963, %dma_start3A_975, %dma_start3A_976] : memref<2x16x8x64xf32, #tpu.memory_space<vmem>> -> memref<1x1x8x64xf32, #tpu.memory_space<vmem>>
    %dma_start3A_978 = tpu.memref_squeeze %dma_start3A_977 : memref<1x1x8x64xf32, #tpu.memory_space<vmem>> -> memref<8x64xf32, #tpu.memory_space<vmem>>
    %dma_start3A_979 = arith.constant 0 : i32
    %dma_start3A_980 = arith.constant 0 : i32
    %dma_start3A_981 = tpu.memref_slice %arg6[%shift_right_arithmetic3A_961, %dma_start3A_979, %dma_start3A_980] : memref<125x8x64xf32, #tpu.memory_space<hbm>> -> memref<1x8x64xf32, #tpu.memory_space<hbm>>
    %dma_start3A_982 = tpu.memref_squeeze %dma_start3A_981 : memref<1x8x64xf32, #tpu.memory_space<hbm>> -> memref<8x64xf32, #tpu.memory_space<hbm>>
    tpu.enqueue_dma source(%dma_start3A_982 : memref<8x64xf32, #tpu.memory_space<hbm>>) target(%dma_start3A_978 : memref<8x64xf32, #tpu.memory_space<vmem>>) target_semaphore(%dma_start3A_974 : memref<!tpu.dma_semaphore, #tpu.memory_space<semaphore_mem>>)
    %slice3A_983 = vector.extract_strided_slice %get3A_3 {offsets = [13], sizes = [1], strides = [1]} : vector<16xi32> to vector<1xi32>
    %squeeze3A_984 = vector.extract %slice3A_983[0] : i32 from vector<1xi32>
    %shift_right_arithmetic3A_985 = arith.constant 3 : i32
    %shift_right_arithmetic3A_986 = arith.shrsi %squeeze3A_984, %shift_right_arithmetic3A_985 : i32
    %dma_start3A_987 = arith.constant 0 : i32
    %dma_start3A_988 = arith.constant 13 : i32
    %dma_start3A_989 = arith.constant 0 : i32
    %dma_start3A_990 = arith.constant 0 : i32
    %dma_start3A_991 = arith.constant 0 : i32
    %dma_start3A_992 = tpu.memref_slice %arg11[%dma_start3A_987, %dma_start3A_988, %dma_start3A_990, %dma_start3A_991] : memref<2x16x8x64xf32, #tpu.memory_space<vmem>> -> memref<1x1x8x64xf32, #tpu.memory_space<vmem>>
    %dma_start3A_993 = tpu.memref_squeeze %dma_start3A_992 : memref<1x1x8x64xf32, #tpu.memory_space<vmem>> -> memref<8x64xf32, #tpu.memory_space<vmem>>
    %dma_start3A_994 = arith.constant 0 : i32
    %dma_start3A_995 = arith.constant 0 : i32
    %dma_start3A_996 = tpu.memref_slice %arg5[%shift_right_arithmetic3A_986, %dma_start3A_994, %dma_start3A_995] : memref<125000x8x64xf32, #tpu.memory_space<hbm>> -> memref<1x8x64xf32, #tpu.memory_space<hbm>>
    %dma_start3A_997 = tpu.memref_squeeze %dma_start3A_996 : memref<1x8x64xf32, #tpu.memory_space<hbm>> -> memref<8x64xf32, #tpu.memory_space<hbm>>
    %dma_start3A_998 = tpu.memref_slice %arg15[%dma_start3A_989] : memref<2x!tpu.dma_semaphore, #tpu.memory_space<semaphore_mem>> -> memref<1x!tpu.dma_semaphore, #tpu.memory_space<semaphore_mem>>
    %dma_start3A_999 = tpu.memref_squeeze %dma_start3A_998 : memref<1x!tpu.dma_semaphore, #tpu.memory_space<semaphore_mem>> -> memref<!tpu.dma_semaphore, #tpu.memory_space<semaphore_mem>>
    %dma_start3A_1000 = arith.constant 0 : i32
    %dma_start3A_1001 = arith.constant 0 : i32
    %dma_start3A_1002 = tpu.memref_slice %arg11[%dma_start3A_987, %dma_start3A_988, %dma_start3A_1000, %dma_start3A_1001] : memref<2x16x8x64xf32, #tpu.memory_space<vmem>> -> memref<1x1x8x64xf32, #tpu.memory_space<vmem>>
    %dma_start3A_1003 = tpu.memref_squeeze %dma_start3A_1002 : memref<1x1x8x64xf32, #tpu.memory_space<vmem>> -> memref<8x64xf32, #tpu.memory_space<vmem>>
    %dma_start3A_1004 = arith.constant 0 : i32
    %dma_start3A_1005 = arith.constant 0 : i32
    %dma_start3A_1006 = tpu.memref_slice %arg5[%shift_right_arithmetic3A_986, %dma_start3A_1004, %dma_start3A_1005] : memref<125000x8x64xf32, #tpu.memory_space<hbm>> -> memref<1x8x64xf32, #tpu.memory_space<hbm>>
    %dma_start3A_1007 = tpu.memref_squeeze %dma_start3A_1006 : memref<1x8x64xf32, #tpu.memory_space<hbm>> -> memref<8x64xf32, #tpu.memory_space<hbm>>
    tpu.enqueue_dma source(%dma_start3A_1007 : memref<8x64xf32, #tpu.memory_space<hbm>>) target(%dma_start3A_1003 : memref<8x64xf32, #tpu.memory_space<vmem>>) target_semaphore(%dma_start3A_999 : memref<!tpu.dma_semaphore, #tpu.memory_space<semaphore_mem>>)
    %slice3A_1008 = vector.extract_strided_slice %get3A_7 {offsets = [13], sizes = [1], strides = [1]} : vector<16xi32> to vector<1xi32>
    %squeeze3A_1009 = vector.extract %slice3A_1008[0] : i32 from vector<1xi32>
    %shift_right_arithmetic3A_1010 = arith.constant 3 : i32
    %shift_right_arithmetic3A_1011 = arith.shrsi %squeeze3A_1009, %shift_right_arithmetic3A_1010 : i32
    %dma_start3A_1012 = arith.constant 0 : i32
    %dma_start3A_1013 = arith.constant 13 : i32
    %dma_start3A_1014 = arith.constant 0 : i32
    %dma_start3A_1015 = arith.constant 0 : i32
    %dma_start3A_1016 = arith.constant 0 : i32
    %dma_start3A_1017 = tpu.memref_slice %arg12[%dma_start3A_1012, %dma_start3A_1013, %dma_start3A_1015, %dma_start3A_1016] : memref<2x16x8x64xf32, #tpu.memory_space<vmem>> -> memref<1x1x8x64xf32, #tpu.memory_space<vmem>>
    %dma_start3A_1018 = tpu.memref_squeeze %dma_start3A_1017 : memref<1x1x8x64xf32, #tpu.memory_space<vmem>> -> memref<8x64xf32, #tpu.memory_space<vmem>>
    %dma_start3A_1019 = arith.constant 0 : i32
    %dma_start3A_1020 = arith.constant 0 : i32
    %dma_start3A_1021 = tpu.memref_slice %arg5[%shift_right_arithmetic3A_1011, %dma_start3A_1019, %dma_start3A_1020] : memref<125000x8x64xf32, #tpu.memory_space<hbm>> -> memref<1x8x64xf32, #tpu.memory_space<hbm>>
    %dma_start3A_1022 = tpu.memref_squeeze %dma_start3A_1021 : memref<1x8x64xf32, #tpu.memory_space<hbm>> -> memref<8x64xf32, #tpu.memory_space<hbm>>
    %dma_start3A_1023 = tpu.memref_slice %arg15[%dma_start3A_1014] : memref<2x!tpu.dma_semaphore, #tpu.memory_space<semaphore_mem>> -> memref<1x!tpu.dma_semaphore, #tpu.memory_space<semaphore_mem>>
    %dma_start3A_1024 = tpu.memref_squeeze %dma_start3A_1023 : memref<1x!tpu.dma_semaphore, #tpu.memory_space<semaphore_mem>> -> memref<!tpu.dma_semaphore, #tpu.memory_space<semaphore_mem>>
    %dma_start3A_1025 = arith.constant 0 : i32
    %dma_start3A_1026 = arith.constant 0 : i32
    %dma_start3A_1027 = tpu.memref_slice %arg12[%dma_start3A_1012, %dma_start3A_1013, %dma_start3A_1025, %dma_start3A_1026] : memref<2x16x8x64xf32, #tpu.memory_space<vmem>> -> memref<1x1x8x64xf32, #tpu.memory_space<vmem>>
    %dma_start3A_1028 = tpu.memref_squeeze %dma_start3A_1027 : memref<1x1x8x64xf32, #tpu.memory_space<vmem>> -> memref<8x64xf32, #tpu.memory_space<vmem>>
    %dma_start3A_1029 = arith.constant 0 : i32
    %dma_start3A_1030 = arith.constant 0 : i32
    %dma_start3A_1031 = tpu.memref_slice %arg5[%shift_right_arithmetic3A_1011, %dma_start3A_1029, %dma_start3A_1030] : memref<125000x8x64xf32, #tpu.memory_space<hbm>> -> memref<1x8x64xf32, #tpu.memory_space<hbm>>
    %dma_start3A_1032 = tpu.memref_squeeze %dma_start3A_1031 : memref<1x8x64xf32, #tpu.memory_space<hbm>> -> memref<8x64xf32, #tpu.memory_space<hbm>>
    tpu.enqueue_dma source(%dma_start3A_1032 : memref<8x64xf32, #tpu.memory_space<hbm>>) target(%dma_start3A_1028 : memref<8x64xf32, #tpu.memory_space<vmem>>) target_semaphore(%dma_start3A_1024 : memref<!tpu.dma_semaphore, #tpu.memory_space<semaphore_mem>>)
    %slice3A_1033 = vector.extract_strided_slice %get3A_11 {offsets = [13], sizes = [1], strides = [1]} : vector<16xi32> to vector<1xi32>
    %squeeze3A_1034 = vector.extract %slice3A_1033[0] : i32 from vector<1xi32>
    %shift_right_arithmetic3A_1035 = arith.constant 3 : i32
    %shift_right_arithmetic3A_1036 = arith.shrsi %squeeze3A_1034, %shift_right_arithmetic3A_1035 : i32
    %dma_start3A_1037 = arith.constant 0 : i32
    %dma_start3A_1038 = arith.constant 13 : i32
    %dma_start3A_1039 = arith.constant 0 : i32
    %dma_start3A_1040 = arith.constant 0 : i32
    %dma_start3A_1041 = arith.constant 0 : i32
    %dma_start3A_1042 = tpu.memref_slice %arg13[%dma_start3A_1037, %dma_start3A_1038, %dma_start3A_1040, %dma_start3A_1041] : memref<2x16x8x64xf32, #tpu.memory_space<vmem>> -> memref<1x1x8x64xf32, #tpu.memory_space<vmem>>
    %dma_start3A_1043 = tpu.memref_squeeze %dma_start3A_1042 : memref<1x1x8x64xf32, #tpu.memory_space<vmem>> -> memref<8x64xf32, #tpu.memory_space<vmem>>
    %dma_start3A_1044 = arith.constant 0 : i32
    %dma_start3A_1045 = arith.constant 0 : i32
    %dma_start3A_1046 = tpu.memref_slice %arg6[%shift_right_arithmetic3A_1036, %dma_start3A_1044, %dma_start3A_1045] : memref<125x8x64xf32, #tpu.memory_space<hbm>> -> memref<1x8x64xf32, #tpu.memory_space<hbm>>
    %dma_start3A_1047 = tpu.memref_squeeze %dma_start3A_1046 : memref<1x8x64xf32, #tpu.memory_space<hbm>> -> memref<8x64xf32, #tpu.memory_space<hbm>>
    %dma_start3A_1048 = tpu.memref_slice %arg15[%dma_start3A_1039] : memref<2x!tpu.dma_semaphore, #tpu.memory_space<semaphore_mem>> -> memref<1x!tpu.dma_semaphore, #tpu.memory_space<semaphore_mem>>
    %dma_start3A_1049 = tpu.memref_squeeze %dma_start3A_1048 : memref<1x!tpu.dma_semaphore, #tpu.memory_space<semaphore_mem>> -> memref<!tpu.dma_semaphore, #tpu.memory_space<semaphore_mem>>
    %dma_start3A_1050 = arith.constant 0 : i32
    %dma_start3A_1051 = arith.constant 0 : i32
    %dma_start3A_1052 = tpu.memref_slice %arg13[%dma_start3A_1037, %dma_start3A_1038, %dma_start3A_1050, %dma_start3A_1051] : memref<2x16x8x64xf32, #tpu.memory_space<vmem>> -> memref<1x1x8x64xf32, #tpu.memory_space<vmem>>
    %dma_start3A_1053 = tpu.memref_squeeze %dma_start3A_1052 : memref<1x1x8x64xf32, #tpu.memory_space<vmem>> -> memref<8x64xf32, #tpu.memory_space<vmem>>
    %dma_start3A_1054 = arith.constant 0 : i32
    %dma_start3A_1055 = arith.constant 0 : i32
    %dma_start3A_1056 = tpu.memref_slice %arg6[%shift_right_arithmetic3A_1036, %dma_start3A_1054, %dma_start3A_1055] : memref<125x8x64xf32, #tpu.memory_space<hbm>> -> memref<1x8x64xf32, #tpu.memory_space<hbm>>
    %dma_start3A_1057 = tpu.memref_squeeze %dma_start3A_1056 : memref<1x8x64xf32, #tpu.memory_space<hbm>> -> memref<8x64xf32, #tpu.memory_space<hbm>>
    tpu.enqueue_dma source(%dma_start3A_1057 : memref<8x64xf32, #tpu.memory_space<hbm>>) target(%dma_start3A_1053 : memref<8x64xf32, #tpu.memory_space<vmem>>) target_semaphore(%dma_start3A_1049 : memref<!tpu.dma_semaphore, #tpu.memory_space<semaphore_mem>>)
    %slice3A_1058 = vector.extract_strided_slice %get3A_3 {offsets = [14], sizes = [1], strides = [1]} : vector<16xi32> to vector<1xi32>
    %squeeze3A_1059 = vector.extract %slice3A_1058[0] : i32 from vector<1xi32>
    %shift_right_arithmetic3A_1060 = arith.constant 3 : i32
    %shift_right_arithmetic3A_1061 = arith.shrsi %squeeze3A_1059, %shift_right_arithmetic3A_1060 : i32
    %dma_start3A_1062 = arith.constant 0 : i32
    %dma_start3A_1063 = arith.constant 14 : i32
    %dma_start3A_1064 = arith.constant 0 : i32
    %dma_start3A_1065 = arith.constant 0 : i32
    %dma_start3A_1066 = arith.constant 0 : i32
    %dma_start3A_1067 = tpu.memref_slice %arg11[%dma_start3A_1062, %dma_start3A_1063, %dma_start3A_1065, %dma_start3A_1066] : memref<2x16x8x64xf32, #tpu.memory_space<vmem>> -> memref<1x1x8x64xf32, #tpu.memory_space<vmem>>
    %dma_start3A_1068 = tpu.memref_squeeze %dma_start3A_1067 : memref<1x1x8x64xf32, #tpu.memory_space<vmem>> -> memref<8x64xf32, #tpu.memory_space<vmem>>
    %dma_start3A_1069 = arith.constant 0 : i32
    %dma_start3A_1070 = arith.constant 0 : i32
    %dma_start3A_1071 = tpu.memref_slice %arg5[%shift_right_arithmetic3A_1061, %dma_start3A_1069, %dma_start3A_1070] : memref<125000x8x64xf32, #tpu.memory_space<hbm>> -> memref<1x8x64xf32, #tpu.memory_space<hbm>>
    %dma_start3A_1072 = tpu.memref_squeeze %dma_start3A_1071 : memref<1x8x64xf32, #tpu.memory_space<hbm>> -> memref<8x64xf32, #tpu.memory_space<hbm>>
    %dma_start3A_1073 = tpu.memref_slice %arg15[%dma_start3A_1064] : memref<2x!tpu.dma_semaphore, #tpu.memory_space<semaphore_mem>> -> memref<1x!tpu.dma_semaphore, #tpu.memory_space<semaphore_mem>>
    %dma_start3A_1074 = tpu.memref_squeeze %dma_start3A_1073 : memref<1x!tpu.dma_semaphore, #tpu.memory_space<semaphore_mem>> -> memref<!tpu.dma_semaphore, #tpu.memory_space<semaphore_mem>>
    %dma_start3A_1075 = arith.constant 0 : i32
    %dma_start3A_1076 = arith.constant 0 : i32
    %dma_start3A_1077 = tpu.memref_slice %arg11[%dma_start3A_1062, %dma_start3A_1063, %dma_start3A_1075, %dma_start3A_1076] : memref<2x16x8x64xf32, #tpu.memory_space<vmem>> -> memref<1x1x8x64xf32, #tpu.memory_space<vmem>>
    %dma_start3A_1078 = tpu.memref_squeeze %dma_start3A_1077 : memref<1x1x8x64xf32, #tpu.memory_space<vmem>> -> memref<8x64xf32, #tpu.memory_space<vmem>>
    %dma_start3A_1079 = arith.constant 0 : i32
    %dma_start3A_1080 = arith.constant 0 : i32
    %dma_start3A_1081 = tpu.memref_slice %arg5[%shift_right_arithmetic3A_1061, %dma_start3A_1079, %dma_start3A_1080] : memref<125000x8x64xf32, #tpu.memory_space<hbm>> -> memref<1x8x64xf32, #tpu.memory_space<hbm>>
    %dma_start3A_1082 = tpu.memref_squeeze %dma_start3A_1081 : memref<1x8x64xf32, #tpu.memory_space<hbm>> -> memref<8x64xf32, #tpu.memory_space<hbm>>
    tpu.enqueue_dma source(%dma_start3A_1082 : memref<8x64xf32, #tpu.memory_space<hbm>>) target(%dma_start3A_1078 : memref<8x64xf32, #tpu.memory_space<vmem>>) target_semaphore(%dma_start3A_1074 : memref<!tpu.dma_semaphore, #tpu.memory_space<semaphore_mem>>)
    %slice3A_1083 = vector.extract_strided_slice %get3A_7 {offsets = [14], sizes = [1], strides = [1]} : vector<16xi32> to vector<1xi32>
    %squeeze3A_1084 = vector.extract %slice3A_1083[0] : i32 from vector<1xi32>
    %shift_right_arithmetic3A_1085 = arith.constant 3 : i32
    %shift_right_arithmetic3A_1086 = arith.shrsi %squeeze3A_1084, %shift_right_arithmetic3A_1085 : i32
    %dma_start3A_1087 = arith.constant 0 : i32
    %dma_start3A_1088 = arith.constant 14 : i32
    %dma_start3A_1089 = arith.constant 0 : i32
    %dma_start3A_1090 = arith.constant 0 : i32
    %dma_start3A_1091 = arith.constant 0 : i32
    %dma_start3A_1092 = tpu.memref_slice %arg12[%dma_start3A_1087, %dma_start3A_1088, %dma_start3A_1090, %dma_start3A_1091] : memref<2x16x8x64xf32, #tpu.memory_space<vmem>> -> memref<1x1x8x64xf32, #tpu.memory_space<vmem>>
    %dma_start3A_1093 = tpu.memref_squeeze %dma_start3A_1092 : memref<1x1x8x64xf32, #tpu.memory_space<vmem>> -> memref<8x64xf32, #tpu.memory_space<vmem>>
    %dma_start3A_1094 = arith.constant 0 : i32
    %dma_start3A_1095 = arith.constant 0 : i32
    %dma_start3A_1096 = tpu.memref_slice %arg5[%shift_right_arithmetic3A_1086, %dma_start3A_1094, %dma_start3A_1095] : memref<125000x8x64xf32, #tpu.memory_space<hbm>> -> memref<1x8x64xf32, #tpu.memory_space<hbm>>
    %dma_start3A_1097 = tpu.memref_squeeze %dma_start3A_1096 : memref<1x8x64xf32, #tpu.memory_space<hbm>> -> memref<8x64xf32, #tpu.memory_space<hbm>>
    %dma_start3A_1098 = tpu.memref_slice %arg15[%dma_start3A_1089] : memref<2x!tpu.dma_semaphore, #tpu.memory_space<semaphore_mem>> -> memref<1x!tpu.dma_semaphore, #tpu.memory_space<semaphore_mem>>
    %dma_start3A_1099 = tpu.memref_squeeze %dma_start3A_1098 : memref<1x!tpu.dma_semaphore, #tpu.memory_space<semaphore_mem>> -> memref<!tpu.dma_semaphore, #tpu.memory_space<semaphore_mem>>
    %dma_start3A_1100 = arith.constant 0 : i32
    %dma_start3A_1101 = arith.constant 0 : i32
    %dma_start3A_1102 = tpu.memref_slice %arg12[%dma_start3A_1087, %dma_start3A_1088, %dma_start3A_1100, %dma_start3A_1101] : memref<2x16x8x64xf32, #tpu.memory_space<vmem>> -> memref<1x1x8x64xf32, #tpu.memory_space<vmem>>
    %dma_start3A_1103 = tpu.memref_squeeze %dma_start3A_1102 : memref<1x1x8x64xf32, #tpu.memory_space<vmem>> -> memref<8x64xf32, #tpu.memory_space<vmem>>
    %dma_start3A_1104 = arith.constant 0 : i32
    %dma_start3A_1105 = arith.constant 0 : i32
    %dma_start3A_1106 = tpu.memref_slice %arg5[%shift_right_arithmetic3A_1086, %dma_start3A_1104, %dma_start3A_1105] : memref<125000x8x64xf32, #tpu.memory_space<hbm>> -> memref<1x8x64xf32, #tpu.memory_space<hbm>>
    %dma_start3A_1107 = tpu.memref_squeeze %dma_start3A_1106 : memref<1x8x64xf32, #tpu.memory_space<hbm>> -> memref<8x64xf32, #tpu.memory_space<hbm>>
    tpu.enqueue_dma source(%dma_start3A_1107 : memref<8x64xf32, #tpu.memory_space<hbm>>) target(%dma_start3A_1103 : memref<8x64xf32, #tpu.memory_space<vmem>>) target_semaphore(%dma_start3A_1099 : memref<!tpu.dma_semaphore, #tpu.memory_space<semaphore_mem>>)
    %slice3A_1108 = vector.extract_strided_slice %get3A_11 {offsets = [14], sizes = [1], strides = [1]} : vector<16xi32> to vector<1xi32>
    %squeeze3A_1109 = vector.extract %slice3A_1108[0] : i32 from vector<1xi32>
    %shift_right_arithmetic3A_1110 = arith.constant 3 : i32
    %shift_right_arithmetic3A_1111 = arith.shrsi %squeeze3A_1109, %shift_right_arithmetic3A_1110 : i32
    %dma_start3A_1112 = arith.constant 0 : i32
    %dma_start3A_1113 = arith.constant 14 : i32
    %dma_start3A_1114 = arith.constant 0 : i32
    %dma_start3A_1115 = arith.constant 0 : i32
    %dma_start3A_1116 = arith.constant 0 : i32
    %dma_start3A_1117 = tpu.memref_slice %arg13[%dma_start3A_1112, %dma_start3A_1113, %dma_start3A_1115, %dma_start3A_1116] : memref<2x16x8x64xf32, #tpu.memory_space<vmem>> -> memref<1x1x8x64xf32, #tpu.memory_space<vmem>>
    %dma_start3A_1118 = tpu.memref_squeeze %dma_start3A_1117 : memref<1x1x8x64xf32, #tpu.memory_space<vmem>> -> memref<8x64xf32, #tpu.memory_space<vmem>>
    %dma_start3A_1119 = arith.constant 0 : i32
    %dma_start3A_1120 = arith.constant 0 : i32
    %dma_start3A_1121 = tpu.memref_slice %arg6[%shift_right_arithmetic3A_1111, %dma_start3A_1119, %dma_start3A_1120] : memref<125x8x64xf32, #tpu.memory_space<hbm>> -> memref<1x8x64xf32, #tpu.memory_space<hbm>>
    %dma_start3A_1122 = tpu.memref_squeeze %dma_start3A_1121 : memref<1x8x64xf32, #tpu.memory_space<hbm>> -> memref<8x64xf32, #tpu.memory_space<hbm>>
    %dma_start3A_1123 = tpu.memref_slice %arg15[%dma_start3A_1114] : memref<2x!tpu.dma_semaphore, #tpu.memory_space<semaphore_mem>> -> memref<1x!tpu.dma_semaphore, #tpu.memory_space<semaphore_mem>>
    %dma_start3A_1124 = tpu.memref_squeeze %dma_start3A_1123 : memref<1x!tpu.dma_semaphore, #tpu.memory_space<semaphore_mem>> -> memref<!tpu.dma_semaphore, #tpu.memory_space<semaphore_mem>>
    %dma_start3A_1125 = arith.constant 0 : i32
    %dma_start3A_1126 = arith.constant 0 : i32
    %dma_start3A_1127 = tpu.memref_slice %arg13[%dma_start3A_1112, %dma_start3A_1113, %dma_start3A_1125, %dma_start3A_1126] : memref<2x16x8x64xf32, #tpu.memory_space<vmem>> -> memref<1x1x8x64xf32, #tpu.memory_space<vmem>>
    %dma_start3A_1128 = tpu.memref_squeeze %dma_start3A_1127 : memref<1x1x8x64xf32, #tpu.memory_space<vmem>> -> memref<8x64xf32, #tpu.memory_space<vmem>>
    %dma_start3A_1129 = arith.constant 0 : i32
    %dma_start3A_1130 = arith.constant 0 : i32
    %dma_start3A_1131 = tpu.memref_slice %arg6[%shift_right_arithmetic3A_1111, %dma_start3A_1129, %dma_start3A_1130] : memref<125x8x64xf32, #tpu.memory_space<hbm>> -> memref<1x8x64xf32, #tpu.memory_space<hbm>>
    %dma_start3A_1132 = tpu.memref_squeeze %dma_start3A_1131 : memref<1x8x64xf32, #tpu.memory_space<hbm>> -> memref<8x64xf32, #tpu.memory_space<hbm>>
    tpu.enqueue_dma source(%dma_start3A_1132 : memref<8x64xf32, #tpu.memory_space<hbm>>) target(%dma_start3A_1128 : memref<8x64xf32, #tpu.memory_space<vmem>>) target_semaphore(%dma_start3A_1124 : memref<!tpu.dma_semaphore, #tpu.memory_space<semaphore_mem>>)
    %slice3A_1133 = vector.extract_strided_slice %get3A_3 {offsets = [15], sizes = [1], strides = [1]} : vector<16xi32> to vector<1xi32>
    %squeeze3A_1134 = vector.extract %slice3A_1133[0] : i32 from vector<1xi32>
    %shift_right_arithmetic3A_1135 = arith.constant 3 : i32
    %shift_right_arithmetic3A_1136 = arith.shrsi %squeeze3A_1134, %shift_right_arithmetic3A_1135 : i32
    %dma_start3A_1137 = arith.constant 0 : i32
    %dma_start3A_1138 = arith.constant 15 : i32
    %dma_start3A_1139 = arith.constant 0 : i32
    %dma_start3A_1140 = arith.constant 0 : i32
    %dma_start3A_1141 = arith.constant 0 : i32
    %dma_start3A_1142 = tpu.memref_slice %arg11[%dma_start3A_1137, %dma_start3A_1138, %dma_start3A_1140, %dma_start3A_1141] : memref<2x16x8x64xf32, #tpu.memory_space<vmem>> -> memref<1x1x8x64xf32, #tpu.memory_space<vmem>>
    %dma_start3A_1143 = tpu.memref_squeeze %dma_start3A_1142 : memref<1x1x8x64xf32, #tpu.memory_space<vmem>> -> memref<8x64xf32, #tpu.memory_space<vmem>>
    %dma_start3A_1144 = arith.constant 0 : i32
    %dma_start3A_1145 = arith.constant 0 : i32
    %dma_start3A_1146 = tpu.memref_slice %arg5[%shift_right_arithmetic3A_1136, %dma_start3A_1144, %dma_start3A_1145] : memref<125000x8x64xf32, #tpu.memory_space<hbm>> -> memref<1x8x64xf32, #tpu.memory_space<hbm>>
    %dma_start3A_1147 = tpu.memref_squeeze %dma_start3A_1146 : memref<1x8x64xf32, #tpu.memory_space<hbm>> -> memref<8x64xf32, #tpu.memory_space<hbm>>
    %dma_start3A_1148 = tpu.memref_slice %arg15[%dma_start3A_1139] : memref<2x!tpu.dma_semaphore, #tpu.memory_space<semaphore_mem>> -> memref<1x!tpu.dma_semaphore, #tpu.memory_space<semaphore_mem>>
    %dma_start3A_1149 = tpu.memref_squeeze %dma_start3A_1148 : memref<1x!tpu.dma_semaphore, #tpu.memory_space<semaphore_mem>> -> memref<!tpu.dma_semaphore, #tpu.memory_space<semaphore_mem>>
    %dma_start3A_1150 = arith.constant 0 : i32
    %dma_start3A_1151 = arith.constant 0 : i32
    %dma_start3A_1152 = tpu.memref_slice %arg11[%dma_start3A_1137, %dma_start3A_1138, %dma_start3A_1150, %dma_start3A_1151] : memref<2x16x8x64xf32, #tpu.memory_space<vmem>> -> memref<1x1x8x64xf32, #tpu.memory_space<vmem>>
    %dma_start3A_1153 = tpu.memref_squeeze %dma_start3A_1152 : memref<1x1x8x64xf32, #tpu.memory_space<vmem>> -> memref<8x64xf32, #tpu.memory_space<vmem>>
    %dma_start3A_1154 = arith.constant 0 : i32
    %dma_start3A_1155 = arith.constant 0 : i32
    %dma_start3A_1156 = tpu.memref_slice %arg5[%shift_right_arithmetic3A_1136, %dma_start3A_1154, %dma_start3A_1155] : memref<125000x8x64xf32, #tpu.memory_space<hbm>> -> memref<1x8x64xf32, #tpu.memory_space<hbm>>
    %dma_start3A_1157 = tpu.memref_squeeze %dma_start3A_1156 : memref<1x8x64xf32, #tpu.memory_space<hbm>> -> memref<8x64xf32, #tpu.memory_space<hbm>>
    tpu.enqueue_dma source(%dma_start3A_1157 : memref<8x64xf32, #tpu.memory_space<hbm>>) target(%dma_start3A_1153 : memref<8x64xf32, #tpu.memory_space<vmem>>) target_semaphore(%dma_start3A_1149 : memref<!tpu.dma_semaphore, #tpu.memory_space<semaphore_mem>>)
    %slice3A_1158 = vector.extract_strided_slice %get3A_7 {offsets = [15], sizes = [1], strides = [1]} : vector<16xi32> to vector<1xi32>
    %squeeze3A_1159 = vector.extract %slice3A_1158[0] : i32 from vector<1xi32>
    %shift_right_arithmetic3A_1160 = arith.constant 3 : i32
    %shift_right_arithmetic3A_1161 = arith.shrsi %squeeze3A_1159, %shift_right_arithmetic3A_1160 : i32
    %dma_start3A_1162 = arith.constant 0 : i32
    %dma_start3A_1163 = arith.constant 15 : i32
    %dma_start3A_1164 = arith.constant 0 : i32
    %dma_start3A_1165 = arith.constant 0 : i32
    %dma_start3A_1166 = arith.constant 0 : i32
    %dma_start3A_1167 = tpu.memref_slice %arg12[%dma_start3A_1162, %dma_start3A_1163, %dma_start3A_1165, %dma_start3A_1166] : memref<2x16x8x64xf32, #tpu.memory_space<vmem>> -> memref<1x1x8x64xf32, #tpu.memory_space<vmem>>
    %dma_start3A_1168 = tpu.memref_squeeze %dma_start3A_1167 : memref<1x1x8x64xf32, #tpu.memory_space<vmem>> -> memref<8x64xf32, #tpu.memory_space<vmem>>
    %dma_start3A_1169 = arith.constant 0 : i32
    %dma_start3A_1170 = arith.constant 0 : i32
    %dma_start3A_1171 = tpu.memref_slice %arg5[%shift_right_arithmetic3A_1161, %dma_start3A_1169, %dma_start3A_1170] : memref<125000x8x64xf32, #tpu.memory_space<hbm>> -> memref<1x8x64xf32, #tpu.memory_space<hbm>>
    %dma_start3A_1172 = tpu.memref_squeeze %dma_start3A_1171 : memref<1x8x64xf32, #tpu.memory_space<hbm>> -> memref<8x64xf32, #tpu.memory_space<hbm>>
    %dma_start3A_1173 = tpu.memref_slice %arg15[%dma_start3A_1164] : memref<2x!tpu.dma_semaphore, #tpu.memory_space<semaphore_mem>> -> memref<1x!tpu.dma_semaphore, #tpu.memory_space<semaphore_mem>>
    %dma_start3A_1174 = tpu.memref_squeeze %dma_start3A_1173 : memref<1x!tpu.dma_semaphore, #tpu.memory_space<semaphore_mem>> -> memref<!tpu.dma_semaphore, #tpu.memory_space<semaphore_mem>>
    %dma_start3A_1175 = arith.constant 0 : i32
    %dma_start3A_1176 = arith.constant 0 : i32
    %dma_start3A_1177 = tpu.memref_slice %arg12[%dma_start3A_1162, %dma_start3A_1163, %dma_start3A_1175, %dma_start3A_1176] : memref<2x16x8x64xf32, #tpu.memory_space<vmem>> -> memref<1x1x8x64xf32, #tpu.memory_space<vmem>>
    %dma_start3A_1178 = tpu.memref_squeeze %dma_start3A_1177 : memref<1x1x8x64xf32, #tpu.memory_space<vmem>> -> memref<8x64xf32, #tpu.memory_space<vmem>>
    %dma_start3A_1179 = arith.constant 0 : i32
    %dma_start3A_1180 = arith.constant 0 : i32
    %dma_start3A_1181 = tpu.memref_slice %arg5[%shift_right_arithmetic3A_1161, %dma_start3A_1179, %dma_start3A_1180] : memref<125000x8x64xf32, #tpu.memory_space<hbm>> -> memref<1x8x64xf32, #tpu.memory_space<hbm>>
    %dma_start3A_1182 = tpu.memref_squeeze %dma_start3A_1181 : memref<1x8x64xf32, #tpu.memory_space<hbm>> -> memref<8x64xf32, #tpu.memory_space<hbm>>
    tpu.enqueue_dma source(%dma_start3A_1182 : memref<8x64xf32, #tpu.memory_space<hbm>>) target(%dma_start3A_1178 : memref<8x64xf32, #tpu.memory_space<vmem>>) target_semaphore(%dma_start3A_1174 : memref<!tpu.dma_semaphore, #tpu.memory_space<semaphore_mem>>)
    %slice3A_1183 = vector.extract_strided_slice %get3A_11 {offsets = [15], sizes = [1], strides = [1]} : vector<16xi32> to vector<1xi32>
    %squeeze3A_1184 = vector.extract %slice3A_1183[0] : i32 from vector<1xi32>
    %shift_right_arithmetic3A_1185 = arith.constant 3 : i32
    %shift_right_arithmetic3A_1186 = arith.shrsi %squeeze3A_1184, %shift_right_arithmetic3A_1185 : i32
    %dma_start3A_1187 = arith.constant 0 : i32
    %dma_start3A_1188 = arith.constant 15 : i32
    %dma_start3A_1189 = arith.constant 0 : i32
    %dma_start3A_1190 = arith.constant 0 : i32
    %dma_start3A_1191 = arith.constant 0 : i32
    %dma_start3A_1192 = tpu.memref_slice %arg13[%dma_start3A_1187, %dma_start3A_1188, %dma_start3A_1190, %dma_start3A_1191] : memref<2x16x8x64xf32, #tpu.memory_space<vmem>> -> memref<1x1x8x64xf32, #tpu.memory_space<vmem>>
    %dma_start3A_1193 = tpu.memref_squeeze %dma_start3A_1192 : memref<1x1x8x64xf32, #tpu.memory_space<vmem>> -> memref<8x64xf32, #tpu.memory_space<vmem>>
    %dma_start3A_1194 = arith.constant 0 : i32
    %dma_start3A_1195 = arith.constant 0 : i32
    %dma_start3A_1196 = tpu.memref_slice %arg6[%shift_right_arithmetic3A_1186, %dma_start3A_1194, %dma_start3A_1195] : memref<125x8x64xf32, #tpu.memory_space<hbm>> -> memref<1x8x64xf32, #tpu.memory_space<hbm>>
    %dma_start3A_1197 = tpu.memref_squeeze %dma_start3A_1196 : memref<1x8x64xf32, #tpu.memory_space<hbm>> -> memref<8x64xf32, #tpu.memory_space<hbm>>
    %dma_start3A_1198 = tpu.memref_slice %arg15[%dma_start3A_1189] : memref<2x!tpu.dma_semaphore, #tpu.memory_space<semaphore_mem>> -> memref<1x!tpu.dma_semaphore, #tpu.memory_space<semaphore_mem>>
    %dma_start3A_1199 = tpu.memref_squeeze %dma_start3A_1198 : memref<1x!tpu.dma_semaphore, #tpu.memory_space<semaphore_mem>> -> memref<!tpu.dma_semaphore, #tpu.memory_space<semaphore_mem>>
    %dma_start3A_1200 = arith.constant 0 : i32
    %dma_start3A_1201 = arith.constant 0 : i32
    %dma_start3A_1202 = tpu.memref_slice %arg13[%dma_start3A_1187, %dma_start3A_1188, %dma_start3A_1200, %dma_start3A_1201] : memref<2x16x8x64xf32, #tpu.memory_space<vmem>> -> memref<1x1x8x64xf32, #tpu.memory_space<vmem>>
    %dma_start3A_1203 = tpu.memref_squeeze %dma_start3A_1202 : memref<1x1x8x64xf32, #tpu.memory_space<vmem>> -> memref<8x64xf32, #tpu.memory_space<vmem>>
    %dma_start3A_1204 = arith.constant 0 : i32
    %dma_start3A_1205 = arith.constant 0 : i32
    %dma_start3A_1206 = tpu.memref_slice %arg6[%shift_right_arithmetic3A_1186, %dma_start3A_1204, %dma_start3A_1205] : memref<125x8x64xf32, #tpu.memory_space<hbm>> -> memref<1x8x64xf32, #tpu.memory_space<hbm>>
    %dma_start3A_1207 = tpu.memref_squeeze %dma_start3A_1206 : memref<1x8x64xf32, #tpu.memory_space<hbm>> -> memref<8x64xf32, #tpu.memory_space<hbm>>
    tpu.enqueue_dma source(%dma_start3A_1207 : memref<8x64xf32, #tpu.memory_space<hbm>>) target(%dma_start3A_1203 : memref<8x64xf32, #tpu.memory_space<vmem>>) target_semaphore(%dma_start3A_1199 : memref<!tpu.dma_semaphore, #tpu.memory_space<semaphore_mem>>)
    %scan3A = arith.constant 0 : i32
    %scan3A_1208 = arith.constant 0 : i32
    %scan3A_1209 = arith.constant 32 : i32
    %scan3A_1210 = arith.addi %scan3A_1208, %scan3A_1209 : i32
    %scan3A_1211 = arith.constant 1 : i32
    %scan3A_1212 = scf.for %scan3A_1214 = %scan3A_1208 to %scan3A_1210 step %scan3A_1211 iter_args(%scan3A_1215 = %scan3A) -> (i32)  : i32 {
      %rem3A = arith.constant 2 : i32
      %rem3A_1216 = arith.remsi %scan3A_1214, %rem3A : i32
      %add3A_1217 = arith.constant 1 : i32
      %add3A_1218 = arith.addi %scan3A_1214, %add3A_1217 : i32
      %rem3A_1219 = arith.constant 2 : i32
      %rem3A_1220 = arith.remsi %add3A_1218, %rem3A_1219 : i32
      %add3A_1221 = arith.constant 1 : i32
      %add3A_1222 = arith.addi %scan3A_1214, %add3A_1221 : i32
      %lt3A = arith.constant 32 : i32
      %lt3A_1223 = arith.cmpi slt, %add3A_1222, %lt3A : i32
      %convert_element_type3A = arith.extui %lt3A_1223 : i1 to i32
      %cond3A = arith.constant 0 : i32
      %cond3A_1224 = arith.cmpi ne, %convert_element_type3A, %cond3A : i32
      scf.if %cond3A_1224 {
        %add3A_2965 = arith.constant 1 : i32
        %add3A_2966 = arith.addi %scan3A_1214, %add3A_2965 : i32
        %mul3A_2967 = arith.constant 16 : i32
        %mul3A_2968 = arith.muli %add3A_2966, %mul3A_2967 : i32
        %get3A_2969 = arith.constant 0 : i32
        %get3A_2970 = arith.index_cast %get3A_2969 : i32 to index
        %get3A_2971 = arith.index_cast %mul3A_2968 : i32 to index
        %get3A_2972 = tpu.vector_load %arg8[%get3A_2970, %get3A_2971] {strides = array<i32>} : memref<1x512xi32, #tpu.memory_space<vmem>>, vector<16xi32>,
        %mul3A_2973 = arith.constant 16 : i32
        %mul3A_2974 = arith.muli %add3A_2966, %mul3A_2973 : i32
        %get3A_2975 = arith.constant 0 : i32
        %get3A_2976 = arith.index_cast %get3A_2975 : i32 to index
        %get3A_2977 = arith.index_cast %mul3A_2974 : i32 to index
        %get3A_2978 = tpu.vector_load %arg9[%get3A_2976, %get3A_2977] {strides = array<i32>} : memref<1x512xi32, #tpu.memory_space<vmem>>, vector<16xi32>,
        %mul3A_2979 = arith.constant 16 : i32
        %mul3A_2980 = arith.muli %add3A_2966, %mul3A_2979 : i32
        %get3A_2981 = arith.constant 0 : i32
        %get3A_2982 = arith.index_cast %get3A_2981 : i32 to index
        %get3A_2983 = arith.index_cast %mul3A_2980 : i32 to index
        %get3A_2984 = tpu.vector_load %arg10[%get3A_2982, %get3A_2983] {strides = array<i32>} : memref<1x512xi32, #tpu.memory_space<vmem>>, vector<16xi32>,
        %slice3A_2985 = vector.extract_strided_slice %get3A_2972 {offsets = [0], sizes = [1], strides = [1]} : vector<16xi32> to vector<1xi32>
        %squeeze3A_2986 = vector.extract %slice3A_2985[0] : i32 from vector<1xi32>
        %shift_right_arithmetic3A_2987 = arith.constant 3 : i32
        %shift_right_arithmetic3A_2988 = arith.shrsi %squeeze3A_2986, %shift_right_arithmetic3A_2987 : i32
        %dma_start3A_2989 = arith.constant 0 : i32
        %dma_start3A_2990 = arith.constant 0 : i32
        %dma_start3A_2991 = arith.constant 0 : i32
        %dma_start3A_2992 = tpu.memref_slice %arg11[%rem3A_1220, %dma_start3A_2989, %dma_start3A_2990, %dma_start3A_2991] : memref<2x16x8x64xf32, #tpu.memory_space<vmem>> -> memref<1x1x8x64xf32, #tpu.memory_space<vmem>>
        %dma_start3A_2993 = tpu.memref_squeeze %dma_start3A_2992 : memref<1x1x8x64xf32, #tpu.memory_space<vmem>> -> memref<8x64xf32, #tpu.memory_space<vmem>>
        %dma_start3A_2994 = arith.constant 0 : i32
        %dma_start3A_2995 = arith.constant 0 : i32
        %dma_start3A_2996 = tpu.memref_slice %arg5[%shift_right_arithmetic3A_2988, %dma_start3A_2994, %dma_start3A_2995] : memref<125000x8x64xf32, #tpu.memory_space<hbm>> -> memref<1x8x64xf32, #tpu.memory_space<hbm>>
        %dma_start3A_2997 = tpu.memref_squeeze %dma_start3A_2996 : memref<1x8x64xf32, #tpu.memory_space<hbm>> -> memref<8x64xf32, #tpu.memory_space<hbm>>
        %dma_start3A_2998 = tpu.memref_slice %arg15[%rem3A_1220] : memref<2x!tpu.dma_semaphore, #tpu.memory_space<semaphore_mem>> -> memref<1x!tpu.dma_semaphore, #tpu.memory_space<semaphore_mem>>
        %dma_start3A_2999 = tpu.memref_squeeze %dma_start3A_2998 : memref<1x!tpu.dma_semaphore, #tpu.memory_space<semaphore_mem>> -> memref<!tpu.dma_semaphore, #tpu.memory_space<semaphore_mem>>
        %dma_start3A_3000 = arith.constant 0 : i32
        %dma_start3A_3001 = arith.constant 0 : i32
        %dma_start3A_3002 = tpu.memref_slice %arg11[%rem3A_1220, %dma_start3A_2989, %dma_start3A_3000, %dma_start3A_3001] : memref<2x16x8x64xf32, #tpu.memory_space<vmem>> -> memref<1x1x8x64xf32, #tpu.memory_space<vmem>>
        %dma_start3A_3003 = tpu.memref_squeeze %dma_start3A_3002 : memref<1x1x8x64xf32, #tpu.memory_space<vmem>> -> memref<8x64xf32, #tpu.memory_space<vmem>>
        %dma_start3A_3004 = arith.constant 0 : i32
        %dma_start3A_3005 = arith.constant 0 : i32
        %dma_start3A_3006 = tpu.memref_slice %arg5[%shift_right_arithmetic3A_2988, %dma_start3A_3004, %dma_start3A_3005] : memref<125000x8x64xf32, #tpu.memory_space<hbm>> -> memref<1x8x64xf32, #tpu.memory_space<hbm>>
        %dma_start3A_3007 = tpu.memref_squeeze %dma_start3A_3006 : memref<1x8x64xf32, #tpu.memory_space<hbm>> -> memref<8x64xf32, #tpu.memory_space<hbm>>
        tpu.enqueue_dma source(%dma_start3A_3007 : memref<8x64xf32, #tpu.memory_space<hbm>>) target(%dma_start3A_3003 : memref<8x64xf32, #tpu.memory_space<vmem>>) target_semaphore(%dma_start3A_2999 : memref<!tpu.dma_semaphore, #tpu.memory_space<semaphore_mem>>)
        %slice3A_3008 = vector.extract_strided_slice %get3A_2978 {offsets = [0], sizes = [1], strides = [1]} : vector<16xi32> to vector<1xi32>
        %squeeze3A_3009 = vector.extract %slice3A_3008[0] : i32 from vector<1xi32>
        %shift_right_arithmetic3A_3010 = arith.constant 3 : i32
        %shift_right_arithmetic3A_3011 = arith.shrsi %squeeze3A_3009, %shift_right_arithmetic3A_3010 : i32
        %dma_start3A_3012 = arith.constant 0 : i32
        %dma_start3A_3013 = arith.constant 0 : i32
        %dma_start3A_3014 = arith.constant 0 : i32
        %dma_start3A_3015 = tpu.memref_slice %arg12[%rem3A_1220, %dma_start3A_3012, %dma_start3A_3013, %dma_start3A_3014] : memref<2x16x8x64xf32, #tpu.memory_space<vmem>> -> memref<1x1x8x64xf32, #tpu.memory_space<vmem>>
        %dma_start3A_3016 = tpu.memref_squeeze %dma_start3A_3015 : memref<1x1x8x64xf32, #tpu.memory_space<vmem>> -> memref<8x64xf32, #tpu.memory_space<vmem>>
        %dma_start3A_3017 = arith.constant 0 : i32
        %dma_start3A_3018 = arith.constant 0 : i32
        %dma_start3A_3019 = tpu.memref_slice %arg5[%shift_right_arithmetic3A_3011, %dma_start3A_3017, %dma_start3A_3018] : memref<125000x8x64xf32, #tpu.memory_space<hbm>> -> memref<1x8x64xf32, #tpu.memory_space<hbm>>
        %dma_start3A_3020 = tpu.memref_squeeze %dma_start3A_3019 : memref<1x8x64xf32, #tpu.memory_space<hbm>> -> memref<8x64xf32, #tpu.memory_space<hbm>>
        %dma_start3A_3021 = tpu.memref_slice %arg15[%rem3A_1220] : memref<2x!tpu.dma_semaphore, #tpu.memory_space<semaphore_mem>> -> memref<1x!tpu.dma_semaphore, #tpu.memory_space<semaphore_mem>>
        %dma_start3A_3022 = tpu.memref_squeeze %dma_start3A_3021 : memref<1x!tpu.dma_semaphore, #tpu.memory_space<semaphore_mem>> -> memref<!tpu.dma_semaphore, #tpu.memory_space<semaphore_mem>>
        %dma_start3A_3023 = arith.constant 0 : i32
        %dma_start3A_3024 = arith.constant 0 : i32
        %dma_start3A_3025 = tpu.memref_slice %arg12[%rem3A_1220, %dma_start3A_3012, %dma_start3A_3023, %dma_start3A_3024] : memref<2x16x8x64xf32, #tpu.memory_space<vmem>> -> memref<1x1x8x64xf32, #tpu.memory_space<vmem>>
        %dma_start3A_3026 = tpu.memref_squeeze %dma_start3A_3025 : memref<1x1x8x64xf32, #tpu.memory_space<vmem>> -> memref<8x64xf32, #tpu.memory_space<vmem>>
        %dma_start3A_3027 = arith.constant 0 : i32
        %dma_start3A_3028 = arith.constant 0 : i32
        %dma_start3A_3029 = tpu.memref_slice %arg5[%shift_right_arithmetic3A_3011, %dma_start3A_3027, %dma_start3A_3028] : memref<125000x8x64xf32, #tpu.memory_space<hbm>> -> memref<1x8x64xf32, #tpu.memory_space<hbm>>
        %dma_start3A_3030 = tpu.memref_squeeze %dma_start3A_3029 : memref<1x8x64xf32, #tpu.memory_space<hbm>> -> memref<8x64xf32, #tpu.memory_space<hbm>>
        tpu.enqueue_dma source(%dma_start3A_3030 : memref<8x64xf32, #tpu.memory_space<hbm>>) target(%dma_start3A_3026 : memref<8x64xf32, #tpu.memory_space<vmem>>) target_semaphore(%dma_start3A_3022 : memref<!tpu.dma_semaphore, #tpu.memory_space<semaphore_mem>>)
        %slice3A_3031 = vector.extract_strided_slice %get3A_2984 {offsets = [0], sizes = [1], strides = [1]} : vector<16xi32> to vector<1xi32>
        %squeeze3A_3032 = vector.extract %slice3A_3031[0] : i32 from vector<1xi32>
        %shift_right_arithmetic3A_3033 = arith.constant 3 : i32
        %shift_right_arithmetic3A_3034 = arith.shrsi %squeeze3A_3032, %shift_right_arithmetic3A_3033 : i32
        %dma_start3A_3035 = arith.constant 0 : i32
        %dma_start3A_3036 = arith.constant 0 : i32
        %dma_start3A_3037 = arith.constant 0 : i32
        %dma_start3A_3038 = tpu.memref_slice %arg13[%rem3A_1220, %dma_start3A_3035, %dma_start3A_3036, %dma_start3A_3037] : memref<2x16x8x64xf32, #tpu.memory_space<vmem>> -> memref<1x1x8x64xf32, #tpu.memory_space<vmem>>
        %dma_start3A_3039 = tpu.memref_squeeze %dma_start3A_3038 : memref<1x1x8x64xf32, #tpu.memory_space<vmem>> -> memref<8x64xf32, #tpu.memory_space<vmem>>
        %dma_start3A_3040 = arith.constant 0 : i32
        %dma_start3A_3041 = arith.constant 0 : i32
        %dma_start3A_3042 = tpu.memref_slice %arg6[%shift_right_arithmetic3A_3034, %dma_start3A_3040, %dma_start3A_3041] : memref<125x8x64xf32, #tpu.memory_space<hbm>> -> memref<1x8x64xf32, #tpu.memory_space<hbm>>
        %dma_start3A_3043 = tpu.memref_squeeze %dma_start3A_3042 : memref<1x8x64xf32, #tpu.memory_space<hbm>> -> memref<8x64xf32, #tpu.memory_space<hbm>>
        %dma_start3A_3044 = tpu.memref_slice %arg15[%rem3A_1220] : memref<2x!tpu.dma_semaphore, #tpu.memory_space<semaphore_mem>> -> memref<1x!tpu.dma_semaphore, #tpu.memory_space<semaphore_mem>>
        %dma_start3A_3045 = tpu.memref_squeeze %dma_start3A_3044 : memref<1x!tpu.dma_semaphore, #tpu.memory_space<semaphore_mem>> -> memref<!tpu.dma_semaphore, #tpu.memory_space<semaphore_mem>>
        %dma_start3A_3046 = arith.constant 0 : i32
        %dma_start3A_3047 = arith.constant 0 : i32
        %dma_start3A_3048 = tpu.memref_slice %arg13[%rem3A_1220, %dma_start3A_3035, %dma_start3A_3046, %dma_start3A_3047] : memref<2x16x8x64xf32, #tpu.memory_space<vmem>> -> memref<1x1x8x64xf32, #tpu.memory_space<vmem>>
        %dma_start3A_3049 = tpu.memref_squeeze %dma_start3A_3048 : memref<1x1x8x64xf32, #tpu.memory_space<vmem>> -> memref<8x64xf32, #tpu.memory_space<vmem>>
        %dma_start3A_3050 = arith.constant 0 : i32
        %dma_start3A_3051 = arith.constant 0 : i32
        %dma_start3A_3052 = tpu.memref_slice %arg6[%shift_right_arithmetic3A_3034, %dma_start3A_3050, %dma_start3A_3051] : memref<125x8x64xf32, #tpu.memory_space<hbm>> -> memref<1x8x64xf32, #tpu.memory_space<hbm>>
        %dma_start3A_3053 = tpu.memref_squeeze %dma_start3A_3052 : memref<1x8x64xf32, #tpu.memory_space<hbm>> -> memref<8x64xf32, #tpu.memory_space<hbm>>
        tpu.enqueue_dma source(%dma_start3A_3053 : memref<8x64xf32, #tpu.memory_space<hbm>>) target(%dma_start3A_3049 : memref<8x64xf32, #tpu.memory_space<vmem>>) target_semaphore(%dma_start3A_3045 : memref<!tpu.dma_semaphore, #tpu.memory_space<semaphore_mem>>)
        %slice3A_3054 = vector.extract_strided_slice %get3A_2972 {offsets = [1], sizes = [1], strides = [1]} : vector<16xi32> to vector<1xi32>
        %squeeze3A_3055 = vector.extract %slice3A_3054[0] : i32 from vector<1xi32>
        %shift_right_arithmetic3A_3056 = arith.constant 3 : i32
        %shift_right_arithmetic3A_3057 = arith.shrsi %squeeze3A_3055, %shift_right_arithmetic3A_3056 : i32
        %dma_start3A_3058 = arith.constant 1 : i32
        %dma_start3A_3059 = arith.constant 0 : i32
        %dma_start3A_3060 = arith.constant 0 : i32
        %dma_start3A_3061 = tpu.memref_slice %arg11[%rem3A_1220, %dma_start3A_3058, %dma_start3A_3059, %dma_start3A_3060] : memref<2x16x8x64xf32, #tpu.memory_space<vmem>> -> memref<1x1x8x64xf32, #tpu.memory_space<vmem>>
        %dma_start3A_3062 = tpu.memref_squeeze %dma_start3A_3061 : memref<1x1x8x64xf32, #tpu.memory_space<vmem>> -> memref<8x64xf32, #tpu.memory_space<vmem>>
        %dma_start3A_3063 = arith.constant 0 : i32
        %dma_start3A_3064 = arith.constant 0 : i32
        %dma_start3A_3065 = tpu.memref_slice %arg5[%shift_right_arithmetic3A_3057, %dma_start3A_3063, %dma_start3A_3064] : memref<125000x8x64xf32, #tpu.memory_space<hbm>> -> memref<1x8x64xf32, #tpu.memory_space<hbm>>
        %dma_start3A_3066 = tpu.memref_squeeze %dma_start3A_3065 : memref<1x8x64xf32, #tpu.memory_space<hbm>> -> memref<8x64xf32, #tpu.memory_space<hbm>>
        %dma_start3A_3067 = tpu.memref_slice %arg15[%rem3A_1220] : memref<2x!tpu.dma_semaphore, #tpu.memory_space<semaphore_mem>> -> memref<1x!tpu.dma_semaphore, #tpu.memory_space<semaphore_mem>>
        %dma_start3A_3068 = tpu.memref_squeeze %dma_start3A_3067 : memref<1x!tpu.dma_semaphore, #tpu.memory_space<semaphore_mem>> -> memref<!tpu.dma_semaphore, #tpu.memory_space<semaphore_mem>>
        %dma_start3A_3069 = arith.constant 0 : i32
        %dma_start3A_3070 = arith.constant 0 : i32
        %dma_start3A_3071 = tpu.memref_slice %arg11[%rem3A_1220, %dma_start3A_3058, %dma_start3A_3069, %dma_start3A_3070] : memref<2x16x8x64xf32, #tpu.memory_space<vmem>> -> memref<1x1x8x64xf32, #tpu.memory_space<vmem>>
        %dma_start3A_3072 = tpu.memref_squeeze %dma_start3A_3071 : memref<1x1x8x64xf32, #tpu.memory_space<vmem>> -> memref<8x64xf32, #tpu.memory_space<vmem>>
        %dma_start3A_3073 = arith.constant 0 : i32
        %dma_start3A_3074 = arith.constant 0 : i32
        %dma_start3A_3075 = tpu.memref_slice %arg5[%shift_right_arithmetic3A_3057, %dma_start3A_3073, %dma_start3A_3074] : memref<125000x8x64xf32, #tpu.memory_space<hbm>> -> memref<1x8x64xf32, #tpu.memory_space<hbm>>
        %dma_start3A_3076 = tpu.memref_squeeze %dma_start3A_3075 : memref<1x8x64xf32, #tpu.memory_space<hbm>> -> memref<8x64xf32, #tpu.memory_space<hbm>>
        tpu.enqueue_dma source(%dma_start3A_3076 : memref<8x64xf32, #tpu.memory_space<hbm>>) target(%dma_start3A_3072 : memref<8x64xf32, #tpu.memory_space<vmem>>) target_semaphore(%dma_start3A_3068 : memref<!tpu.dma_semaphore, #tpu.memory_space<semaphore_mem>>)
        %slice3A_3077 = vector.extract_strided_slice %get3A_2978 {offsets = [1], sizes = [1], strides = [1]} : vector<16xi32> to vector<1xi32>
        %squeeze3A_3078 = vector.extract %slice3A_3077[0] : i32 from vector<1xi32>
        %shift_right_arithmetic3A_3079 = arith.constant 3 : i32
        %shift_right_arithmetic3A_3080 = arith.shrsi %squeeze3A_3078, %shift_right_arithmetic3A_3079 : i32
        %dma_start3A_3081 = arith.constant 1 : i32
        %dma_start3A_3082 = arith.constant 0 : i32
        %dma_start3A_3083 = arith.constant 0 : i32
        %dma_start3A_3084 = tpu.memref_slice %arg12[%rem3A_1220, %dma_start3A_3081, %dma_start3A_3082, %dma_start3A_3083] : memref<2x16x8x64xf32, #tpu.memory_space<vmem>> -> memref<1x1x8x64xf32, #tpu.memory_space<vmem>>
        %dma_start3A_3085 = tpu.memref_squeeze %dma_start3A_3084 : memref<1x1x8x64xf32, #tpu.memory_space<vmem>> -> memref<8x64xf32, #tpu.memory_space<vmem>>
        %dma_start3A_3086 = arith.constant 0 : i32
        %dma_start3A_3087 = arith.constant 0 : i32
        %dma_start3A_3088 = tpu.memref_slice %arg5[%shift_right_arithmetic3A_3080, %dma_start3A_3086, %dma_start3A_3087] : memref<125000x8x64xf32, #tpu.memory_space<hbm>> -> memref<1x8x64xf32, #tpu.memory_space<hbm>>
        %dma_start3A_3089 = tpu.memref_squeeze %dma_start3A_3088 : memref<1x8x64xf32, #tpu.memory_space<hbm>> -> memref<8x64xf32, #tpu.memory_space<hbm>>
        %dma_start3A_3090 = tpu.memref_slice %arg15[%rem3A_1220] : memref<2x!tpu.dma_semaphore, #tpu.memory_space<semaphore_mem>> -> memref<1x!tpu.dma_semaphore, #tpu.memory_space<semaphore_mem>>
        %dma_start3A_3091 = tpu.memref_squeeze %dma_start3A_3090 : memref<1x!tpu.dma_semaphore, #tpu.memory_space<semaphore_mem>> -> memref<!tpu.dma_semaphore, #tpu.memory_space<semaphore_mem>>
        %dma_start3A_3092 = arith.constant 0 : i32
        %dma_start3A_3093 = arith.constant 0 : i32
        %dma_start3A_3094 = tpu.memref_slice %arg12[%rem3A_1220, %dma_start3A_3081, %dma_start3A_3092, %dma_start3A_3093] : memref<2x16x8x64xf32, #tpu.memory_space<vmem>> -> memref<1x1x8x64xf32, #tpu.memory_space<vmem>>
        %dma_start3A_3095 = tpu.memref_squeeze %dma_start3A_3094 : memref<1x1x8x64xf32, #tpu.memory_space<vmem>> -> memref<8x64xf32, #tpu.memory_space<vmem>>
        %dma_start3A_3096 = arith.constant 0 : i32
        %dma_start3A_3097 = arith.constant 0 : i32
        %dma_start3A_3098 = tpu.memref_slice %arg5[%shift_right_arithmetic3A_3080, %dma_start3A_3096, %dma_start3A_3097] : memref<125000x8x64xf32, #tpu.memory_space<hbm>> -> memref<1x8x64xf32, #tpu.memory_space<hbm>>
        %dma_start3A_3099 = tpu.memref_squeeze %dma_start3A_3098 : memref<1x8x64xf32, #tpu.memory_space<hbm>> -> memref<8x64xf32, #tpu.memory_space<hbm>>
        tpu.enqueue_dma source(%dma_start3A_3099 : memref<8x64xf32, #tpu.memory_space<hbm>>) target(%dma_start3A_3095 : memref<8x64xf32, #tpu.memory_space<vmem>>) target_semaphore(%dma_start3A_3091 : memref<!tpu.dma_semaphore, #tpu.memory_space<semaphore_mem>>)
        %slice3A_3100 = vector.extract_strided_slice %get3A_2984 {offsets = [1], sizes = [1], strides = [1]} : vector<16xi32> to vector<1xi32>
        %squeeze3A_3101 = vector.extract %slice3A_3100[0] : i32 from vector<1xi32>
        %shift_right_arithmetic3A_3102 = arith.constant 3 : i32
        %shift_right_arithmetic3A_3103 = arith.shrsi %squeeze3A_3101, %shift_right_arithmetic3A_3102 : i32
        %dma_start3A_3104 = arith.constant 1 : i32
        %dma_start3A_3105 = arith.constant 0 : i32
        %dma_start3A_3106 = arith.constant 0 : i32
        %dma_start3A_3107 = tpu.memref_slice %arg13[%rem3A_1220, %dma_start3A_3104, %dma_start3A_3105, %dma_start3A_3106] : memref<2x16x8x64xf32, #tpu.memory_space<vmem>> -> memref<1x1x8x64xf32, #tpu.memory_space<vmem>>
        %dma_start3A_3108 = tpu.memref_squeeze %dma_start3A_3107 : memref<1x1x8x64xf32, #tpu.memory_space<vmem>> -> memref<8x64xf32, #tpu.memory_space<vmem>>
        %dma_start3A_3109 = arith.constant 0 : i32
        %dma_start3A_3110 = arith.constant 0 : i32
        %dma_start3A_3111 = tpu.memref_slice %arg6[%shift_right_arithmetic3A_3103, %dma_start3A_3109, %dma_start3A_3110] : memref<125x8x64xf32, #tpu.memory_space<hbm>> -> memref<1x8x64xf32, #tpu.memory_space<hbm>>
        %dma_start3A_3112 = tpu.memref_squeeze %dma_start3A_3111 : memref<1x8x64xf32, #tpu.memory_space<hbm>> -> memref<8x64xf32, #tpu.memory_space<hbm>>
        %dma_start3A_3113 = tpu.memref_slice %arg15[%rem3A_1220] : memref<2x!tpu.dma_semaphore, #tpu.memory_space<semaphore_mem>> -> memref<1x!tpu.dma_semaphore, #tpu.memory_space<semaphore_mem>>
        %dma_start3A_3114 = tpu.memref_squeeze %dma_start3A_3113 : memref<1x!tpu.dma_semaphore, #tpu.memory_space<semaphore_mem>> -> memref<!tpu.dma_semaphore, #tpu.memory_space<semaphore_mem>>
        %dma_start3A_3115 = arith.constant 0 : i32
        %dma_start3A_3116 = arith.constant 0 : i32
        %dma_start3A_3117 = tpu.memref_slice %arg13[%rem3A_1220, %dma_start3A_3104, %dma_start3A_3115, %dma_start3A_3116] : memref<2x16x8x64xf32, #tpu.memory_space<vmem>> -> memref<1x1x8x64xf32, #tpu.memory_space<vmem>>
        %dma_start3A_3118 = tpu.memref_squeeze %dma_start3A_3117 : memref<1x1x8x64xf32, #tpu.memory_space<vmem>> -> memref<8x64xf32, #tpu.memory_space<vmem>>
        %dma_start3A_3119 = arith.constant 0 : i32
        %dma_start3A_3120 = arith.constant 0 : i32
        %dma_start3A_3121 = tpu.memref_slice %arg6[%shift_right_arithmetic3A_3103, %dma_start3A_3119, %dma_start3A_3120] : memref<125x8x64xf32, #tpu.memory_space<hbm>> -> memref<1x8x64xf32, #tpu.memory_space<hbm>>
        %dma_start3A_3122 = tpu.memref_squeeze %dma_start3A_3121 : memref<1x8x64xf32, #tpu.memory_space<hbm>> -> memref<8x64xf32, #tpu.memory_space<hbm>>
        tpu.enqueue_dma source(%dma_start3A_3122 : memref<8x64xf32, #tpu.memory_space<hbm>>) target(%dma_start3A_3118 : memref<8x64xf32, #tpu.memory_space<vmem>>) target_semaphore(%dma_start3A_3114 : memref<!tpu.dma_semaphore, #tpu.memory_space<semaphore_mem>>)
        %slice3A_3123 = vector.extract_strided_slice %get3A_2972 {offsets = [2], sizes = [1], strides = [1]} : vector<16xi32> to vector<1xi32>
        %squeeze3A_3124 = vector.extract %slice3A_3123[0] : i32 from vector<1xi32>
        %shift_right_arithmetic3A_3125 = arith.constant 3 : i32
        %shift_right_arithmetic3A_3126 = arith.shrsi %squeeze3A_3124, %shift_right_arithmetic3A_3125 : i32
        %dma_start3A_3127 = arith.constant 2 : i32
        %dma_start3A_3128 = arith.constant 0 : i32
        %dma_start3A_3129 = arith.constant 0 : i32
        %dma_start3A_3130 = tpu.memref_slice %arg11[%rem3A_1220, %dma_start3A_3127, %dma_start3A_3128, %dma_start3A_3129] : memref<2x16x8x64xf32, #tpu.memory_space<vmem>> -> memref<1x1x8x64xf32, #tpu.memory_space<vmem>>
        %dma_start3A_3131 = tpu.memref_squeeze %dma_start3A_3130 : memref<1x1x8x64xf32, #tpu.memory_space<vmem>> -> memref<8x64xf32, #tpu.memory_space<vmem>>
        %dma_start3A_3132 = arith.constant 0 : i32
        %dma_start3A_3133 = arith.constant 0 : i32
        %dma_start3A_3134 = tpu.memref_slice %arg5[%shift_right_arithmetic3A_3126, %dma_start3A_3132, %dma_start3A_3133] : memref<125000x8x64xf32, #tpu.memory_space<hbm>> -> memref<1x8x64xf32, #tpu.memory_space<hbm>>
        %dma_start3A_3135 = tpu.memref_squeeze %dma_start3A_3134 : memref<1x8x64xf32, #tpu.memory_space<hbm>> -> memref<8x64xf32, #tpu.memory_space<hbm>>
        %dma_start3A_3136 = tpu.memref_slice %arg15[%rem3A_1220] : memref<2x!tpu.dma_semaphore, #tpu.memory_space<semaphore_mem>> -> memref<1x!tpu.dma_semaphore, #tpu.memory_space<semaphore_mem>>
        %dma_start3A_3137 = tpu.memref_squeeze %dma_start3A_3136 : memref<1x!tpu.dma_semaphore, #tpu.memory_space<semaphore_mem>> -> memref<!tpu.dma_semaphore, #tpu.memory_space<semaphore_mem>>
        %dma_start3A_3138 = arith.constant 0 : i32
        %dma_start3A_3139 = arith.constant 0 : i32
        %dma_start3A_3140 = tpu.memref_slice %arg11[%rem3A_1220, %dma_start3A_3127, %dma_start3A_3138, %dma_start3A_3139] : memref<2x16x8x64xf32, #tpu.memory_space<vmem>> -> memref<1x1x8x64xf32, #tpu.memory_space<vmem>>
        %dma_start3A_3141 = tpu.memref_squeeze %dma_start3A_3140 : memref<1x1x8x64xf32, #tpu.memory_space<vmem>> -> memref<8x64xf32, #tpu.memory_space<vmem>>
        %dma_start3A_3142 = arith.constant 0 : i32
        %dma_start3A_3143 = arith.constant 0 : i32
        %dma_start3A_3144 = tpu.memref_slice %arg5[%shift_right_arithmetic3A_3126, %dma_start3A_3142, %dma_start3A_3143] : memref<125000x8x64xf32, #tpu.memory_space<hbm>> -> memref<1x8x64xf32, #tpu.memory_space<hbm>>
        %dma_start3A_3145 = tpu.memref_squeeze %dma_start3A_3144 : memref<1x8x64xf32, #tpu.memory_space<hbm>> -> memref<8x64xf32, #tpu.memory_space<hbm>>
        tpu.enqueue_dma source(%dma_start3A_3145 : memref<8x64xf32, #tpu.memory_space<hbm>>) target(%dma_start3A_3141 : memref<8x64xf32, #tpu.memory_space<vmem>>) target_semaphore(%dma_start3A_3137 : memref<!tpu.dma_semaphore, #tpu.memory_space<semaphore_mem>>)
        %slice3A_3146 = vector.extract_strided_slice %get3A_2978 {offsets = [2], sizes = [1], strides = [1]} : vector<16xi32> to vector<1xi32>
        %squeeze3A_3147 = vector.extract %slice3A_3146[0] : i32 from vector<1xi32>
        %shift_right_arithmetic3A_3148 = arith.constant 3 : i32
        %shift_right_arithmetic3A_3149 = arith.shrsi %squeeze3A_3147, %shift_right_arithmetic3A_3148 : i32
        %dma_start3A_3150 = arith.constant 2 : i32
        %dma_start3A_3151 = arith.constant 0 : i32
        %dma_start3A_3152 = arith.constant 0 : i32
        %dma_start3A_3153 = tpu.memref_slice %arg12[%rem3A_1220, %dma_start3A_3150, %dma_start3A_3151, %dma_start3A_3152] : memref<2x16x8x64xf32, #tpu.memory_space<vmem>> -> memref<1x1x8x64xf32, #tpu.memory_space<vmem>>
        %dma_start3A_3154 = tpu.memref_squeeze %dma_start3A_3153 : memref<1x1x8x64xf32, #tpu.memory_space<vmem>> -> memref<8x64xf32, #tpu.memory_space<vmem>>
        %dma_start3A_3155 = arith.constant 0 : i32
        %dma_start3A_3156 = arith.constant 0 : i32
        %dma_start3A_3157 = tpu.memref_slice %arg5[%shift_right_arithmetic3A_3149, %dma_start3A_3155, %dma_start3A_3156] : memref<125000x8x64xf32, #tpu.memory_space<hbm>> -> memref<1x8x64xf32, #tpu.memory_space<hbm>>
        %dma_start3A_3158 = tpu.memref_squeeze %dma_start3A_3157 : memref<1x8x64xf32, #tpu.memory_space<hbm>> -> memref<8x64xf32, #tpu.memory_space<hbm>>
        %dma_start3A_3159 = tpu.memref_slice %arg15[%rem3A_1220] : memref<2x!tpu.dma_semaphore, #tpu.memory_space<semaphore_mem>> -> memref<1x!tpu.dma_semaphore, #tpu.memory_space<semaphore_mem>>
        %dma_start3A_3160 = tpu.memref_squeeze %dma_start3A_3159 : memref<1x!tpu.dma_semaphore, #tpu.memory_space<semaphore_mem>> -> memref<!tpu.dma_semaphore, #tpu.memory_space<semaphore_mem>>
        %dma_start3A_3161 = arith.constant 0 : i32
        %dma_start3A_3162 = arith.constant 0 : i32
        %dma_start3A_3163 = tpu.memref_slice %arg12[%rem3A_1220, %dma_start3A_3150, %dma_start3A_3161, %dma_start3A_3162] : memref<2x16x8x64xf32, #tpu.memory_space<vmem>> -> memref<1x1x8x64xf32, #tpu.memory_space<vmem>>
        %dma_start3A_3164 = tpu.memref_squeeze %dma_start3A_3163 : memref<1x1x8x64xf32, #tpu.memory_space<vmem>> -> memref<8x64xf32, #tpu.memory_space<vmem>>
        %dma_start3A_3165 = arith.constant 0 : i32
        %dma_start3A_3166 = arith.constant 0 : i32
        %dma_start3A_3167 = tpu.memref_slice %arg5[%shift_right_arithmetic3A_3149, %dma_start3A_3165, %dma_start3A_3166] : memref<125000x8x64xf32, #tpu.memory_space<hbm>> -> memref<1x8x64xf32, #tpu.memory_space<hbm>>
        %dma_start3A_3168 = tpu.memref_squeeze %dma_start3A_3167 : memref<1x8x64xf32, #tpu.memory_space<hbm>> -> memref<8x64xf32, #tpu.memory_space<hbm>>
        tpu.enqueue_dma source(%dma_start3A_3168 : memref<8x64xf32, #tpu.memory_space<hbm>>) target(%dma_start3A_3164 : memref<8x64xf32, #tpu.memory_space<vmem>>) target_semaphore(%dma_start3A_3160 : memref<!tpu.dma_semaphore, #tpu.memory_space<semaphore_mem>>)
        %slice3A_3169 = vector.extract_strided_slice %get3A_2984 {offsets = [2], sizes = [1], strides = [1]} : vector<16xi32> to vector<1xi32>
        %squeeze3A_3170 = vector.extract %slice3A_3169[0] : i32 from vector<1xi32>
        %shift_right_arithmetic3A_3171 = arith.constant 3 : i32
        %shift_right_arithmetic3A_3172 = arith.shrsi %squeeze3A_3170, %shift_right_arithmetic3A_3171 : i32
        %dma_start3A_3173 = arith.constant 2 : i32
        %dma_start3A_3174 = arith.constant 0 : i32
        %dma_start3A_3175 = arith.constant 0 : i32
        %dma_start3A_3176 = tpu.memref_slice %arg13[%rem3A_1220, %dma_start3A_3173, %dma_start3A_3174, %dma_start3A_3175] : memref<2x16x8x64xf32, #tpu.memory_space<vmem>> -> memref<1x1x8x64xf32, #tpu.memory_space<vmem>>
        %dma_start3A_3177 = tpu.memref_squeeze %dma_start3A_3176 : memref<1x1x8x64xf32, #tpu.memory_space<vmem>> -> memref<8x64xf32, #tpu.memory_space<vmem>>
        %dma_start3A_3178 = arith.constant 0 : i32
        %dma_start3A_3179 = arith.constant 0 : i32
        %dma_start3A_3180 = tpu.memref_slice %arg6[%shift_right_arithmetic3A_3172, %dma_start3A_3178, %dma_start3A_3179] : memref<125x8x64xf32, #tpu.memory_space<hbm>> -> memref<1x8x64xf32, #tpu.memory_space<hbm>>
        %dma_start3A_3181 = tpu.memref_squeeze %dma_start3A_3180 : memref<1x8x64xf32, #tpu.memory_space<hbm>> -> memref<8x64xf32, #tpu.memory_space<hbm>>
        %dma_start3A_3182 = tpu.memref_slice %arg15[%rem3A_1220] : memref<2x!tpu.dma_semaphore, #tpu.memory_space<semaphore_mem>> -> memref<1x!tpu.dma_semaphore, #tpu.memory_space<semaphore_mem>>
        %dma_start3A_3183 = tpu.memref_squeeze %dma_start3A_3182 : memref<1x!tpu.dma_semaphore, #tpu.memory_space<semaphore_mem>> -> memref<!tpu.dma_semaphore, #tpu.memory_space<semaphore_mem>>
        %dma_start3A_3184 = arith.constant 0 : i32
        %dma_start3A_3185 = arith.constant 0 : i32
        %dma_start3A_3186 = tpu.memref_slice %arg13[%rem3A_1220, %dma_start3A_3173, %dma_start3A_3184, %dma_start3A_3185] : memref<2x16x8x64xf32, #tpu.memory_space<vmem>> -> memref<1x1x8x64xf32, #tpu.memory_space<vmem>>
        %dma_start3A_3187 = tpu.memref_squeeze %dma_start3A_3186 : memref<1x1x8x64xf32, #tpu.memory_space<vmem>> -> memref<8x64xf32, #tpu.memory_space<vmem>>
        %dma_start3A_3188 = arith.constant 0 : i32
        %dma_start3A_3189 = arith.constant 0 : i32
        %dma_start3A_3190 = tpu.memref_slice %arg6[%shift_right_arithmetic3A_3172, %dma_start3A_3188, %dma_start3A_3189] : memref<125x8x64xf32, #tpu.memory_space<hbm>> -> memref<1x8x64xf32, #tpu.memory_space<hbm>>
        %dma_start3A_3191 = tpu.memref_squeeze %dma_start3A_3190 : memref<1x8x64xf32, #tpu.memory_space<hbm>> -> memref<8x64xf32, #tpu.memory_space<hbm>>
        tpu.enqueue_dma source(%dma_start3A_3191 : memref<8x64xf32, #tpu.memory_space<hbm>>) target(%dma_start3A_3187 : memref<8x64xf32, #tpu.memory_space<vmem>>) target_semaphore(%dma_start3A_3183 : memref<!tpu.dma_semaphore, #tpu.memory_space<semaphore_mem>>)
        %slice3A_3192 = vector.extract_strided_slice %get3A_2972 {offsets = [3], sizes = [1], strides = [1]} : vector<16xi32> to vector<1xi32>
        %squeeze3A_3193 = vector.extract %slice3A_3192[0] : i32 from vector<1xi32>
        %shift_right_arithmetic3A_3194 = arith.constant 3 : i32
        %shift_right_arithmetic3A_3195 = arith.shrsi %squeeze3A_3193, %shift_right_arithmetic3A_3194 : i32
        %dma_start3A_3196 = arith.constant 3 : i32
        %dma_start3A_3197 = arith.constant 0 : i32
        %dma_start3A_3198 = arith.constant 0 : i32
        %dma_start3A_3199 = tpu.memref_slice %arg11[%rem3A_1220, %dma_start3A_3196, %dma_start3A_3197, %dma_start3A_3198] : memref<2x16x8x64xf32, #tpu.memory_space<vmem>> -> memref<1x1x8x64xf32, #tpu.memory_space<vmem>>
        %dma_start3A_3200 = tpu.memref_squeeze %dma_start3A_3199 : memref<1x1x8x64xf32, #tpu.memory_space<vmem>> -> memref<8x64xf32, #tpu.memory_space<vmem>>
        %dma_start3A_3201 = arith.constant 0 : i32
        %dma_start3A_3202 = arith.constant 0 : i32
        %dma_start3A_3203 = tpu.memref_slice %arg5[%shift_right_arithmetic3A_3195, %dma_start3A_3201, %dma_start3A_3202] : memref<125000x8x64xf32, #tpu.memory_space<hbm>> -> memref<1x8x64xf32, #tpu.memory_space<hbm>>
        %dma_start3A_3204 = tpu.memref_squeeze %dma_start3A_3203 : memref<1x8x64xf32, #tpu.memory_space<hbm>> -> memref<8x64xf32, #tpu.memory_space<hbm>>
        %dma_start3A_3205 = tpu.memref_slice %arg15[%rem3A_1220] : memref<2x!tpu.dma_semaphore, #tpu.memory_space<semaphore_mem>> -> memref<1x!tpu.dma_semaphore, #tpu.memory_space<semaphore_mem>>
        %dma_start3A_3206 = tpu.memref_squeeze %dma_start3A_3205 : memref<1x!tpu.dma_semaphore, #tpu.memory_space<semaphore_mem>> -> memref<!tpu.dma_semaphore, #tpu.memory_space<semaphore_mem>>
        %dma_start3A_3207 = arith.constant 0 : i32
        %dma_start3A_3208 = arith.constant 0 : i32
        %dma_start3A_3209 = tpu.memref_slice %arg11[%rem3A_1220, %dma_start3A_3196, %dma_start3A_3207, %dma_start3A_3208] : memref<2x16x8x64xf32, #tpu.memory_space<vmem>> -> memref<1x1x8x64xf32, #tpu.memory_space<vmem>>
        %dma_start3A_3210 = tpu.memref_squeeze %dma_start3A_3209 : memref<1x1x8x64xf32, #tpu.memory_space<vmem>> -> memref<8x64xf32, #tpu.memory_space<vmem>>
        %dma_start3A_3211 = arith.constant 0 : i32
        %dma_start3A_3212 = arith.constant 0 : i32
        %dma_start3A_3213 = tpu.memref_slice %arg5[%shift_right_arithmetic3A_3195, %dma_start3A_3211, %dma_start3A_3212] : memref<125000x8x64xf32, #tpu.memory_space<hbm>> -> memref<1x8x64xf32, #tpu.memory_space<hbm>>
        %dma_start3A_3214 = tpu.memref_squeeze %dma_start3A_3213 : memref<1x8x64xf32, #tpu.memory_space<hbm>> -> memref<8x64xf32, #tpu.memory_space<hbm>>
        tpu.enqueue_dma source(%dma_start3A_3214 : memref<8x64xf32, #tpu.memory_space<hbm>>) target(%dma_start3A_3210 : memref<8x64xf32, #tpu.memory_space<vmem>>) target_semaphore(%dma_start3A_3206 : memref<!tpu.dma_semaphore, #tpu.memory_space<semaphore_mem>>)
        %slice3A_3215 = vector.extract_strided_slice %get3A_2978 {offsets = [3], sizes = [1], strides = [1]} : vector<16xi32> to vector<1xi32>
        %squeeze3A_3216 = vector.extract %slice3A_3215[0] : i32 from vector<1xi32>
        %shift_right_arithmetic3A_3217 = arith.constant 3 : i32
        %shift_right_arithmetic3A_3218 = arith.shrsi %squeeze3A_3216, %shift_right_arithmetic3A_3217 : i32
        %dma_start3A_3219 = arith.constant 3 : i32
        %dma_start3A_3220 = arith.constant 0 : i32
        %dma_start3A_3221 = arith.constant 0 : i32
        %dma_start3A_3222 = tpu.memref_slice %arg12[%rem3A_1220, %dma_start3A_3219, %dma_start3A_3220, %dma_start3A_3221] : memref<2x16x8x64xf32, #tpu.memory_space<vmem>> -> memref<1x1x8x64xf32, #tpu.memory_space<vmem>>
        %dma_start3A_3223 = tpu.memref_squeeze %dma_start3A_3222 : memref<1x1x8x64xf32, #tpu.memory_space<vmem>> -> memref<8x64xf32, #tpu.memory_space<vmem>>
        %dma_start3A_3224 = arith.constant 0 : i32
        %dma_start3A_3225 = arith.constant 0 : i32
        %dma_start3A_3226 = tpu.memref_slice %arg5[%shift_right_arithmetic3A_3218, %dma_start3A_3224, %dma_start3A_3225] : memref<125000x8x64xf32, #tpu.memory_space<hbm>> -> memref<1x8x64xf32, #tpu.memory_space<hbm>>
        %dma_start3A_3227 = tpu.memref_squeeze %dma_start3A_3226 : memref<1x8x64xf32, #tpu.memory_space<hbm>> -> memref<8x64xf32, #tpu.memory_space<hbm>>
        %dma_start3A_3228 = tpu.memref_slice %arg15[%rem3A_1220] : memref<2x!tpu.dma_semaphore, #tpu.memory_space<semaphore_mem>> -> memref<1x!tpu.dma_semaphore, #tpu.memory_space<semaphore_mem>>
        %dma_start3A_3229 = tpu.memref_squeeze %dma_start3A_3228 : memref<1x!tpu.dma_semaphore, #tpu.memory_space<semaphore_mem>> -> memref<!tpu.dma_semaphore, #tpu.memory_space<semaphore_mem>>
        %dma_start3A_3230 = arith.constant 0 : i32
        %dma_start3A_3231 = arith.constant 0 : i32
        %dma_start3A_3232 = tpu.memref_slice %arg12[%rem3A_1220, %dma_start3A_3219, %dma_start3A_3230, %dma_start3A_3231] : memref<2x16x8x64xf32, #tpu.memory_space<vmem>> -> memref<1x1x8x64xf32, #tpu.memory_space<vmem>>
        %dma_start3A_3233 = tpu.memref_squeeze %dma_start3A_3232 : memref<1x1x8x64xf32, #tpu.memory_space<vmem>> -> memref<8x64xf32, #tpu.memory_space<vmem>>
        %dma_start3A_3234 = arith.constant 0 : i32
        %dma_start3A_3235 = arith.constant 0 : i32
        %dma_start3A_3236 = tpu.memref_slice %arg5[%shift_right_arithmetic3A_3218, %dma_start3A_3234, %dma_start3A_3235] : memref<125000x8x64xf32, #tpu.memory_space<hbm>> -> memref<1x8x64xf32, #tpu.memory_space<hbm>>
        %dma_start3A_3237 = tpu.memref_squeeze %dma_start3A_3236 : memref<1x8x64xf32, #tpu.memory_space<hbm>> -> memref<8x64xf32, #tpu.memory_space<hbm>>
        tpu.enqueue_dma source(%dma_start3A_3237 : memref<8x64xf32, #tpu.memory_space<hbm>>) target(%dma_start3A_3233 : memref<8x64xf32, #tpu.memory_space<vmem>>) target_semaphore(%dma_start3A_3229 : memref<!tpu.dma_semaphore, #tpu.memory_space<semaphore_mem>>)
        %slice3A_3238 = vector.extract_strided_slice %get3A_2984 {offsets = [3], sizes = [1], strides = [1]} : vector<16xi32> to vector<1xi32>
        %squeeze3A_3239 = vector.extract %slice3A_3238[0] : i32 from vector<1xi32>
        %shift_right_arithmetic3A_3240 = arith.constant 3 : i32
        %shift_right_arithmetic3A_3241 = arith.shrsi %squeeze3A_3239, %shift_right_arithmetic3A_3240 : i32
        %dma_start3A_3242 = arith.constant 3 : i32
        %dma_start3A_3243 = arith.constant 0 : i32
        %dma_start3A_3244 = arith.constant 0 : i32
        %dma_start3A_3245 = tpu.memref_slice %arg13[%rem3A_1220, %dma_start3A_3242, %dma_start3A_3243, %dma_start3A_3244] : memref<2x16x8x64xf32, #tpu.memory_space<vmem>> -> memref<1x1x8x64xf32, #tpu.memory_space<vmem>>
        %dma_start3A_3246 = tpu.memref_squeeze %dma_start3A_3245 : memref<1x1x8x64xf32, #tpu.memory_space<vmem>> -> memref<8x64xf32, #tpu.memory_space<vmem>>
        %dma_start3A_3247 = arith.constant 0 : i32
        %dma_start3A_3248 = arith.constant 0 : i32
        %dma_start3A_3249 = tpu.memref_slice %arg6[%shift_right_arithmetic3A_3241, %dma_start3A_3247, %dma_start3A_3248] : memref<125x8x64xf32, #tpu.memory_space<hbm>> -> memref<1x8x64xf32, #tpu.memory_space<hbm>>
        %dma_start3A_3250 = tpu.memref_squeeze %dma_start3A_3249 : memref<1x8x64xf32, #tpu.memory_space<hbm>> -> memref<8x64xf32, #tpu.memory_space<hbm>>
        %dma_start3A_3251 = tpu.memref_slice %arg15[%rem3A_1220] : memref<2x!tpu.dma_semaphore, #tpu.memory_space<semaphore_mem>> -> memref<1x!tpu.dma_semaphore, #tpu.memory_space<semaphore_mem>>
        %dma_start3A_3252 = tpu.memref_squeeze %dma_start3A_3251 : memref<1x!tpu.dma_semaphore, #tpu.memory_space<semaphore_mem>> -> memref<!tpu.dma_semaphore, #tpu.memory_space<semaphore_mem>>
        %dma_start3A_3253 = arith.constant 0 : i32
        %dma_start3A_3254 = arith.constant 0 : i32
        %dma_start3A_3255 = tpu.memref_slice %arg13[%rem3A_1220, %dma_start3A_3242, %dma_start3A_3253, %dma_start3A_3254] : memref<2x16x8x64xf32, #tpu.memory_space<vmem>> -> memref<1x1x8x64xf32, #tpu.memory_space<vmem>>
        %dma_start3A_3256 = tpu.memref_squeeze %dma_start3A_3255 : memref<1x1x8x64xf32, #tpu.memory_space<vmem>> -> memref<8x64xf32, #tpu.memory_space<vmem>>
        %dma_start3A_3257 = arith.constant 0 : i32
        %dma_start3A_3258 = arith.constant 0 : i32
        %dma_start3A_3259 = tpu.memref_slice %arg6[%shift_right_arithmetic3A_3241, %dma_start3A_3257, %dma_start3A_3258] : memref<125x8x64xf32, #tpu.memory_space<hbm>> -> memref<1x8x64xf32, #tpu.memory_space<hbm>>
        %dma_start3A_3260 = tpu.memref_squeeze %dma_start3A_3259 : memref<1x8x64xf32, #tpu.memory_space<hbm>> -> memref<8x64xf32, #tpu.memory_space<hbm>>
        tpu.enqueue_dma source(%dma_start3A_3260 : memref<8x64xf32, #tpu.memory_space<hbm>>) target(%dma_start3A_3256 : memref<8x64xf32, #tpu.memory_space<vmem>>) target_semaphore(%dma_start3A_3252 : memref<!tpu.dma_semaphore, #tpu.memory_space<semaphore_mem>>)
        %slice3A_3261 = vector.extract_strided_slice %get3A_2972 {offsets = [4], sizes = [1], strides = [1]} : vector<16xi32> to vector<1xi32>
        %squeeze3A_3262 = vector.extract %slice3A_3261[0] : i32 from vector<1xi32>
        %shift_right_arithmetic3A_3263 = arith.constant 3 : i32
        %shift_right_arithmetic3A_3264 = arith.shrsi %squeeze3A_3262, %shift_right_arithmetic3A_3263 : i32
        %dma_start3A_3265 = arith.constant 4 : i32
        %dma_start3A_3266 = arith.constant 0 : i32
        %dma_start3A_3267 = arith.constant 0 : i32
        %dma_start3A_3268 = tpu.memref_slice %arg11[%rem3A_1220, %dma_start3A_3265, %dma_start3A_3266, %dma_start3A_3267] : memref<2x16x8x64xf32, #tpu.memory_space<vmem>> -> memref<1x1x8x64xf32, #tpu.memory_space<vmem>>
        %dma_start3A_3269 = tpu.memref_squeeze %dma_start3A_3268 : memref<1x1x8x64xf32, #tpu.memory_space<vmem>> -> memref<8x64xf32, #tpu.memory_space<vmem>>
        %dma_start3A_3270 = arith.constant 0 : i32
        %dma_start3A_3271 = arith.constant 0 : i32
        %dma_start3A_3272 = tpu.memref_slice %arg5[%shift_right_arithmetic3A_3264, %dma_start3A_3270, %dma_start3A_3271] : memref<125000x8x64xf32, #tpu.memory_space<hbm>> -> memref<1x8x64xf32, #tpu.memory_space<hbm>>
        %dma_start3A_3273 = tpu.memref_squeeze %dma_start3A_3272 : memref<1x8x64xf32, #tpu.memory_space<hbm>> -> memref<8x64xf32, #tpu.memory_space<hbm>>
        %dma_start3A_3274 = tpu.memref_slice %arg15[%rem3A_1220] : memref<2x!tpu.dma_semaphore, #tpu.memory_space<semaphore_mem>> -> memref<1x!tpu.dma_semaphore, #tpu.memory_space<semaphore_mem>>
        %dma_start3A_3275 = tpu.memref_squeeze %dma_start3A_3274 : memref<1x!tpu.dma_semaphore, #tpu.memory_space<semaphore_mem>> -> memref<!tpu.dma_semaphore, #tpu.memory_space<semaphore_mem>>
        %dma_start3A_3276 = arith.constant 0 : i32
        %dma_start3A_3277 = arith.constant 0 : i32
        %dma_start3A_3278 = tpu.memref_slice %arg11[%rem3A_1220, %dma_start3A_3265, %dma_start3A_3276, %dma_start3A_3277] : memref<2x16x8x64xf32, #tpu.memory_space<vmem>> -> memref<1x1x8x64xf32, #tpu.memory_space<vmem>>
        %dma_start3A_3279 = tpu.memref_squeeze %dma_start3A_3278 : memref<1x1x8x64xf32, #tpu.memory_space<vmem>> -> memref<8x64xf32, #tpu.memory_space<vmem>>
        %dma_start3A_3280 = arith.constant 0 : i32
        %dma_start3A_3281 = arith.constant 0 : i32
        %dma_start3A_3282 = tpu.memref_slice %arg5[%shift_right_arithmetic3A_3264, %dma_start3A_3280, %dma_start3A_3281] : memref<125000x8x64xf32, #tpu.memory_space<hbm>> -> memref<1x8x64xf32, #tpu.memory_space<hbm>>
        %dma_start3A_3283 = tpu.memref_squeeze %dma_start3A_3282 : memref<1x8x64xf32, #tpu.memory_space<hbm>> -> memref<8x64xf32, #tpu.memory_space<hbm>>
        tpu.enqueue_dma source(%dma_start3A_3283 : memref<8x64xf32, #tpu.memory_space<hbm>>) target(%dma_start3A_3279 : memref<8x64xf32, #tpu.memory_space<vmem>>) target_semaphore(%dma_start3A_3275 : memref<!tpu.dma_semaphore, #tpu.memory_space<semaphore_mem>>)
        %slice3A_3284 = vector.extract_strided_slice %get3A_2978 {offsets = [4], sizes = [1], strides = [1]} : vector<16xi32> to vector<1xi32>
        %squeeze3A_3285 = vector.extract %slice3A_3284[0] : i32 from vector<1xi32>
        %shift_right_arithmetic3A_3286 = arith.constant 3 : i32
        %shift_right_arithmetic3A_3287 = arith.shrsi %squeeze3A_3285, %shift_right_arithmetic3A_3286 : i32
        %dma_start3A_3288 = arith.constant 4 : i32
        %dma_start3A_3289 = arith.constant 0 : i32
        %dma_start3A_3290 = arith.constant 0 : i32
        %dma_start3A_3291 = tpu.memref_slice %arg12[%rem3A_1220, %dma_start3A_3288, %dma_start3A_3289, %dma_start3A_3290] : memref<2x16x8x64xf32, #tpu.memory_space<vmem>> -> memref<1x1x8x64xf32, #tpu.memory_space<vmem>>
        %dma_start3A_3292 = tpu.memref_squeeze %dma_start3A_3291 : memref<1x1x8x64xf32, #tpu.memory_space<vmem>> -> memref<8x64xf32, #tpu.memory_space<vmem>>
        %dma_start3A_3293 = arith.constant 0 : i32
        %dma_start3A_3294 = arith.constant 0 : i32
        %dma_start3A_3295 = tpu.memref_slice %arg5[%shift_right_arithmetic3A_3287, %dma_start3A_3293, %dma_start3A_3294] : memref<125000x8x64xf32, #tpu.memory_space<hbm>> -> memref<1x8x64xf32, #tpu.memory_space<hbm>>
        %dma_start3A_3296 = tpu.memref_squeeze %dma_start3A_3295 : memref<1x8x64xf32, #tpu.memory_space<hbm>> -> memref<8x64xf32, #tpu.memory_space<hbm>>
        %dma_start3A_3297 = tpu.memref_slice %arg15[%rem3A_1220] : memref<2x!tpu.dma_semaphore, #tpu.memory_space<semaphore_mem>> -> memref<1x!tpu.dma_semaphore, #tpu.memory_space<semaphore_mem>>
        %dma_start3A_3298 = tpu.memref_squeeze %dma_start3A_3297 : memref<1x!tpu.dma_semaphore, #tpu.memory_space<semaphore_mem>> -> memref<!tpu.dma_semaphore, #tpu.memory_space<semaphore_mem>>
        %dma_start3A_3299 = arith.constant 0 : i32
        %dma_start3A_3300 = arith.constant 0 : i32
        %dma_start3A_3301 = tpu.memref_slice %arg12[%rem3A_1220, %dma_start3A_3288, %dma_start3A_3299, %dma_start3A_3300] : memref<2x16x8x64xf32, #tpu.memory_space<vmem>> -> memref<1x1x8x64xf32, #tpu.memory_space<vmem>>
        %dma_start3A_3302 = tpu.memref_squeeze %dma_start3A_3301 : memref<1x1x8x64xf32, #tpu.memory_space<vmem>> -> memref<8x64xf32, #tpu.memory_space<vmem>>
        %dma_start3A_3303 = arith.constant 0 : i32
        %dma_start3A_3304 = arith.constant 0 : i32
        %dma_start3A_3305 = tpu.memref_slice %arg5[%shift_right_arithmetic3A_3287, %dma_start3A_3303, %dma_start3A_3304] : memref<125000x8x64xf32, #tpu.memory_space<hbm>> -> memref<1x8x64xf32, #tpu.memory_space<hbm>>
        %dma_start3A_3306 = tpu.memref_squeeze %dma_start3A_3305 : memref<1x8x64xf32, #tpu.memory_space<hbm>> -> memref<8x64xf32, #tpu.memory_space<hbm>>
        tpu.enqueue_dma source(%dma_start3A_3306 : memref<8x64xf32, #tpu.memory_space<hbm>>) target(%dma_start3A_3302 : memref<8x64xf32, #tpu.memory_space<vmem>>) target_semaphore(%dma_start3A_3298 : memref<!tpu.dma_semaphore, #tpu.memory_space<semaphore_mem>>)
        %slice3A_3307 = vector.extract_strided_slice %get3A_2984 {offsets = [4], sizes = [1], strides = [1]} : vector<16xi32> to vector<1xi32>
        %squeeze3A_3308 = vector.extract %slice3A_3307[0] : i32 from vector<1xi32>
        %shift_right_arithmetic3A_3309 = arith.constant 3 : i32
        %shift_right_arithmetic3A_3310 = arith.shrsi %squeeze3A_3308, %shift_right_arithmetic3A_3309 : i32
        %dma_start3A_3311 = arith.constant 4 : i32
        %dma_start3A_3312 = arith.constant 0 : i32
        %dma_start3A_3313 = arith.constant 0 : i32
        %dma_start3A_3314 = tpu.memref_slice %arg13[%rem3A_1220, %dma_start3A_3311, %dma_start3A_3312, %dma_start3A_3313] : memref<2x16x8x64xf32, #tpu.memory_space<vmem>> -> memref<1x1x8x64xf32, #tpu.memory_space<vmem>>
        %dma_start3A_3315 = tpu.memref_squeeze %dma_start3A_3314 : memref<1x1x8x64xf32, #tpu.memory_space<vmem>> -> memref<8x64xf32, #tpu.memory_space<vmem>>
        %dma_start3A_3316 = arith.constant 0 : i32
        %dma_start3A_3317 = arith.constant 0 : i32
        %dma_start3A_3318 = tpu.memref_slice %arg6[%shift_right_arithmetic3A_3310, %dma_start3A_3316, %dma_start3A_3317] : memref<125x8x64xf32, #tpu.memory_space<hbm>> -> memref<1x8x64xf32, #tpu.memory_space<hbm>>
        %dma_start3A_3319 = tpu.memref_squeeze %dma_start3A_3318 : memref<1x8x64xf32, #tpu.memory_space<hbm>> -> memref<8x64xf32, #tpu.memory_space<hbm>>
        %dma_start3A_3320 = tpu.memref_slice %arg15[%rem3A_1220] : memref<2x!tpu.dma_semaphore, #tpu.memory_space<semaphore_mem>> -> memref<1x!tpu.dma_semaphore, #tpu.memory_space<semaphore_mem>>
        %dma_start3A_3321 = tpu.memref_squeeze %dma_start3A_3320 : memref<1x!tpu.dma_semaphore, #tpu.memory_space<semaphore_mem>> -> memref<!tpu.dma_semaphore, #tpu.memory_space<semaphore_mem>>
        %dma_start3A_3322 = arith.constant 0 : i32
        %dma_start3A_3323 = arith.constant 0 : i32
        %dma_start3A_3324 = tpu.memref_slice %arg13[%rem3A_1220, %dma_start3A_3311, %dma_start3A_3322, %dma_start3A_3323] : memref<2x16x8x64xf32, #tpu.memory_space<vmem>> -> memref<1x1x8x64xf32, #tpu.memory_space<vmem>>
        %dma_start3A_3325 = tpu.memref_squeeze %dma_start3A_3324 : memref<1x1x8x64xf32, #tpu.memory_space<vmem>> -> memref<8x64xf32, #tpu.memory_space<vmem>>
        %dma_start3A_3326 = arith.constant 0 : i32
        %dma_start3A_3327 = arith.constant 0 : i32
        %dma_start3A_3328 = tpu.memref_slice %arg6[%shift_right_arithmetic3A_3310, %dma_start3A_3326, %dma_start3A_3327] : memref<125x8x64xf32, #tpu.memory_space<hbm>> -> memref<1x8x64xf32, #tpu.memory_space<hbm>>
        %dma_start3A_3329 = tpu.memref_squeeze %dma_start3A_3328 : memref<1x8x64xf32, #tpu.memory_space<hbm>> -> memref<8x64xf32, #tpu.memory_space<hbm>>
        tpu.enqueue_dma source(%dma_start3A_3329 : memref<8x64xf32, #tpu.memory_space<hbm>>) target(%dma_start3A_3325 : memref<8x64xf32, #tpu.memory_space<vmem>>) target_semaphore(%dma_start3A_3321 : memref<!tpu.dma_semaphore, #tpu.memory_space<semaphore_mem>>)
        %slice3A_3330 = vector.extract_strided_slice %get3A_2972 {offsets = [5], sizes = [1], strides = [1]} : vector<16xi32> to vector<1xi32>
        %squeeze3A_3331 = vector.extract %slice3A_3330[0] : i32 from vector<1xi32>
        %shift_right_arithmetic3A_3332 = arith.constant 3 : i32
        %shift_right_arithmetic3A_3333 = arith.shrsi %squeeze3A_3331, %shift_right_arithmetic3A_3332 : i32
        %dma_start3A_3334 = arith.constant 5 : i32
        %dma_start3A_3335 = arith.constant 0 : i32
        %dma_start3A_3336 = arith.constant 0 : i32
        %dma_start3A_3337 = tpu.memref_slice %arg11[%rem3A_1220, %dma_start3A_3334, %dma_start3A_3335, %dma_start3A_3336] : memref<2x16x8x64xf32, #tpu.memory_space<vmem>> -> memref<1x1x8x64xf32, #tpu.memory_space<vmem>>
        %dma_start3A_3338 = tpu.memref_squeeze %dma_start3A_3337 : memref<1x1x8x64xf32, #tpu.memory_space<vmem>> -> memref<8x64xf32, #tpu.memory_space<vmem>>
        %dma_start3A_3339 = arith.constant 0 : i32
        %dma_start3A_3340 = arith.constant 0 : i32
        %dma_start3A_3341 = tpu.memref_slice %arg5[%shift_right_arithmetic3A_3333, %dma_start3A_3339, %dma_start3A_3340] : memref<125000x8x64xf32, #tpu.memory_space<hbm>> -> memref<1x8x64xf32, #tpu.memory_space<hbm>>
        %dma_start3A_3342 = tpu.memref_squeeze %dma_start3A_3341 : memref<1x8x64xf32, #tpu.memory_space<hbm>> -> memref<8x64xf32, #tpu.memory_space<hbm>>
        %dma_start3A_3343 = tpu.memref_slice %arg15[%rem3A_1220] : memref<2x!tpu.dma_semaphore, #tpu.memory_space<semaphore_mem>> -> memref<1x!tpu.dma_semaphore, #tpu.memory_space<semaphore_mem>>
        %dma_start3A_3344 = tpu.memref_squeeze %dma_start3A_3343 : memref<1x!tpu.dma_semaphore, #tpu.memory_space<semaphore_mem>> -> memref<!tpu.dma_semaphore, #tpu.memory_space<semaphore_mem>>
        %dma_start3A_3345 = arith.constant 0 : i32
        %dma_start3A_3346 = arith.constant 0 : i32
        %dma_start3A_3347 = tpu.memref_slice %arg11[%rem3A_1220, %dma_start3A_3334, %dma_start3A_3345, %dma_start3A_3346] : memref<2x16x8x64xf32, #tpu.memory_space<vmem>> -> memref<1x1x8x64xf32, #tpu.memory_space<vmem>>
        %dma_start3A_3348 = tpu.memref_squeeze %dma_start3A_3347 : memref<1x1x8x64xf32, #tpu.memory_space<vmem>> -> memref<8x64xf32, #tpu.memory_space<vmem>>
        %dma_start3A_3349 = arith.constant 0 : i32
        %dma_start3A_3350 = arith.constant 0 : i32
        %dma_start3A_3351 = tpu.memref_slice %arg5[%shift_right_arithmetic3A_3333, %dma_start3A_3349, %dma_start3A_3350] : memref<125000x8x64xf32, #tpu.memory_space<hbm>> -> memref<1x8x64xf32, #tpu.memory_space<hbm>>
        %dma_start3A_3352 = tpu.memref_squeeze %dma_start3A_3351 : memref<1x8x64xf32, #tpu.memory_space<hbm>> -> memref<8x64xf32, #tpu.memory_space<hbm>>
        tpu.enqueue_dma source(%dma_start3A_3352 : memref<8x64xf32, #tpu.memory_space<hbm>>) target(%dma_start3A_3348 : memref<8x64xf32, #tpu.memory_space<vmem>>) target_semaphore(%dma_start3A_3344 : memref<!tpu.dma_semaphore, #tpu.memory_space<semaphore_mem>>)
        %slice3A_3353 = vector.extract_strided_slice %get3A_2978 {offsets = [5], sizes = [1], strides = [1]} : vector<16xi32> to vector<1xi32>
        %squeeze3A_3354 = vector.extract %slice3A_3353[0] : i32 from vector<1xi32>
        %shift_right_arithmetic3A_3355 = arith.constant 3 : i32
        %shift_right_arithmetic3A_3356 = arith.shrsi %squeeze3A_3354, %shift_right_arithmetic3A_3355 : i32
        %dma_start3A_3357 = arith.constant 5 : i32
        %dma_start3A_3358 = arith.constant 0 : i32
        %dma_start3A_3359 = arith.constant 0 : i32
        %dma_start3A_3360 = tpu.memref_slice %arg12[%rem3A_1220, %dma_start3A_3357, %dma_start3A_3358, %dma_start3A_3359] : memref<2x16x8x64xf32, #tpu.memory_space<vmem>> -> memref<1x1x8x64xf32, #tpu.memory_space<vmem>>
        %dma_start3A_3361 = tpu.memref_squeeze %dma_start3A_3360 : memref<1x1x8x64xf32, #tpu.memory_space<vmem>> -> memref<8x64xf32, #tpu.memory_space<vmem>>
        %dma_start3A_3362 = arith.constant 0 : i32
        %dma_start3A_3363 = arith.constant 0 : i32
        %dma_start3A_3364 = tpu.memref_slice %arg5[%shift_right_arithmetic3A_3356, %dma_start3A_3362, %dma_start3A_3363] : memref<125000x8x64xf32, #tpu.memory_space<hbm>> -> memref<1x8x64xf32, #tpu.memory_space<hbm>>
        %dma_start3A_3365 = tpu.memref_squeeze %dma_start3A_3364 : memref<1x8x64xf32, #tpu.memory_space<hbm>> -> memref<8x64xf32, #tpu.memory_space<hbm>>
        %dma_start3A_3366 = tpu.memref_slice %arg15[%rem3A_1220] : memref<2x!tpu.dma_semaphore, #tpu.memory_space<semaphore_mem>> -> memref<1x!tpu.dma_semaphore, #tpu.memory_space<semaphore_mem>>
        %dma_start3A_3367 = tpu.memref_squeeze %dma_start3A_3366 : memref<1x!tpu.dma_semaphore, #tpu.memory_space<semaphore_mem>> -> memref<!tpu.dma_semaphore, #tpu.memory_space<semaphore_mem>>
        %dma_start3A_3368 = arith.constant 0 : i32
        %dma_start3A_3369 = arith.constant 0 : i32
        %dma_start3A_3370 = tpu.memref_slice %arg12[%rem3A_1220, %dma_start3A_3357, %dma_start3A_3368, %dma_start3A_3369] : memref<2x16x8x64xf32, #tpu.memory_space<vmem>> -> memref<1x1x8x64xf32, #tpu.memory_space<vmem>>
        %dma_start3A_3371 = tpu.memref_squeeze %dma_start3A_3370 : memref<1x1x8x64xf32, #tpu.memory_space<vmem>> -> memref<8x64xf32, #tpu.memory_space<vmem>>
        %dma_start3A_3372 = arith.constant 0 : i32
        %dma_start3A_3373 = arith.constant 0 : i32
        %dma_start3A_3374 = tpu.memref_slice %arg5[%shift_right_arithmetic3A_3356, %dma_start3A_3372, %dma_start3A_3373] : memref<125000x8x64xf32, #tpu.memory_space<hbm>> -> memref<1x8x64xf32, #tpu.memory_space<hbm>>
        %dma_start3A_3375 = tpu.memref_squeeze %dma_start3A_3374 : memref<1x8x64xf32, #tpu.memory_space<hbm>> -> memref<8x64xf32, #tpu.memory_space<hbm>>
        tpu.enqueue_dma source(%dma_start3A_3375 : memref<8x64xf32, #tpu.memory_space<hbm>>) target(%dma_start3A_3371 : memref<8x64xf32, #tpu.memory_space<vmem>>) target_semaphore(%dma_start3A_3367 : memref<!tpu.dma_semaphore, #tpu.memory_space<semaphore_mem>>)
        %slice3A_3376 = vector.extract_strided_slice %get3A_2984 {offsets = [5], sizes = [1], strides = [1]} : vector<16xi32> to vector<1xi32>
        %squeeze3A_3377 = vector.extract %slice3A_3376[0] : i32 from vector<1xi32>
        %shift_right_arithmetic3A_3378 = arith.constant 3 : i32
        %shift_right_arithmetic3A_3379 = arith.shrsi %squeeze3A_3377, %shift_right_arithmetic3A_3378 : i32
        %dma_start3A_3380 = arith.constant 5 : i32
        %dma_start3A_3381 = arith.constant 0 : i32
        %dma_start3A_3382 = arith.constant 0 : i32
        %dma_start3A_3383 = tpu.memref_slice %arg13[%rem3A_1220, %dma_start3A_3380, %dma_start3A_3381, %dma_start3A_3382] : memref<2x16x8x64xf32, #tpu.memory_space<vmem>> -> memref<1x1x8x64xf32, #tpu.memory_space<vmem>>
        %dma_start3A_3384 = tpu.memref_squeeze %dma_start3A_3383 : memref<1x1x8x64xf32, #tpu.memory_space<vmem>> -> memref<8x64xf32, #tpu.memory_space<vmem>>
        %dma_start3A_3385 = arith.constant 0 : i32
        %dma_start3A_3386 = arith.constant 0 : i32
        %dma_start3A_3387 = tpu.memref_slice %arg6[%shift_right_arithmetic3A_3379, %dma_start3A_3385, %dma_start3A_3386] : memref<125x8x64xf32, #tpu.memory_space<hbm>> -> memref<1x8x64xf32, #tpu.memory_space<hbm>>
        %dma_start3A_3388 = tpu.memref_squeeze %dma_start3A_3387 : memref<1x8x64xf32, #tpu.memory_space<hbm>> -> memref<8x64xf32, #tpu.memory_space<hbm>>
        %dma_start3A_3389 = tpu.memref_slice %arg15[%rem3A_1220] : memref<2x!tpu.dma_semaphore, #tpu.memory_space<semaphore_mem>> -> memref<1x!tpu.dma_semaphore, #tpu.memory_space<semaphore_mem>>
        %dma_start3A_3390 = tpu.memref_squeeze %dma_start3A_3389 : memref<1x!tpu.dma_semaphore, #tpu.memory_space<semaphore_mem>> -> memref<!tpu.dma_semaphore, #tpu.memory_space<semaphore_mem>>
        %dma_start3A_3391 = arith.constant 0 : i32
        %dma_start3A_3392 = arith.constant 0 : i32
        %dma_start3A_3393 = tpu.memref_slice %arg13[%rem3A_1220, %dma_start3A_3380, %dma_start3A_3391, %dma_start3A_3392] : memref<2x16x8x64xf32, #tpu.memory_space<vmem>> -> memref<1x1x8x64xf32, #tpu.memory_space<vmem>>
        %dma_start3A_3394 = tpu.memref_squeeze %dma_start3A_3393 : memref<1x1x8x64xf32, #tpu.memory_space<vmem>> -> memref<8x64xf32, #tpu.memory_space<vmem>>
        %dma_start3A_3395 = arith.constant 0 : i32
        %dma_start3A_3396 = arith.constant 0 : i32
        %dma_start3A_3397 = tpu.memref_slice %arg6[%shift_right_arithmetic3A_3379, %dma_start3A_3395, %dma_start3A_3396] : memref<125x8x64xf32, #tpu.memory_space<hbm>> -> memref<1x8x64xf32, #tpu.memory_space<hbm>>
        %dma_start3A_3398 = tpu.memref_squeeze %dma_start3A_3397 : memref<1x8x64xf32, #tpu.memory_space<hbm>> -> memref<8x64xf32, #tpu.memory_space<hbm>>
        tpu.enqueue_dma source(%dma_start3A_3398 : memref<8x64xf32, #tpu.memory_space<hbm>>) target(%dma_start3A_3394 : memref<8x64xf32, #tpu.memory_space<vmem>>) target_semaphore(%dma_start3A_3390 : memref<!tpu.dma_semaphore, #tpu.memory_space<semaphore_mem>>)
        %slice3A_3399 = vector.extract_strided_slice %get3A_2972 {offsets = [6], sizes = [1], strides = [1]} : vector<16xi32> to vector<1xi32>
        %squeeze3A_3400 = vector.extract %slice3A_3399[0] : i32 from vector<1xi32>
        %shift_right_arithmetic3A_3401 = arith.constant 3 : i32
        %shift_right_arithmetic3A_3402 = arith.shrsi %squeeze3A_3400, %shift_right_arithmetic3A_3401 : i32
        %dma_start3A_3403 = arith.constant 6 : i32
        %dma_start3A_3404 = arith.constant 0 : i32
        %dma_start3A_3405 = arith.constant 0 : i32
        %dma_start3A_3406 = tpu.memref_slice %arg11[%rem3A_1220, %dma_start3A_3403, %dma_start3A_3404, %dma_start3A_3405] : memref<2x16x8x64xf32, #tpu.memory_space<vmem>> -> memref<1x1x8x64xf32, #tpu.memory_space<vmem>>
        %dma_start3A_3407 = tpu.memref_squeeze %dma_start3A_3406 : memref<1x1x8x64xf32, #tpu.memory_space<vmem>> -> memref<8x64xf32, #tpu.memory_space<vmem>>
        %dma_start3A_3408 = arith.constant 0 : i32
        %dma_start3A_3409 = arith.constant 0 : i32
        %dma_start3A_3410 = tpu.memref_slice %arg5[%shift_right_arithmetic3A_3402, %dma_start3A_3408, %dma_start3A_3409] : memref<125000x8x64xf32, #tpu.memory_space<hbm>> -> memref<1x8x64xf32, #tpu.memory_space<hbm>>
        %dma_start3A_3411 = tpu.memref_squeeze %dma_start3A_3410 : memref<1x8x64xf32, #tpu.memory_space<hbm>> -> memref<8x64xf32, #tpu.memory_space<hbm>>
        %dma_start3A_3412 = tpu.memref_slice %arg15[%rem3A_1220] : memref<2x!tpu.dma_semaphore, #tpu.memory_space<semaphore_mem>> -> memref<1x!tpu.dma_semaphore, #tpu.memory_space<semaphore_mem>>
        %dma_start3A_3413 = tpu.memref_squeeze %dma_start3A_3412 : memref<1x!tpu.dma_semaphore, #tpu.memory_space<semaphore_mem>> -> memref<!tpu.dma_semaphore, #tpu.memory_space<semaphore_mem>>
        %dma_start3A_3414 = arith.constant 0 : i32
        %dma_start3A_3415 = arith.constant 0 : i32
        %dma_start3A_3416 = tpu.memref_slice %arg11[%rem3A_1220, %dma_start3A_3403, %dma_start3A_3414, %dma_start3A_3415] : memref<2x16x8x64xf32, #tpu.memory_space<vmem>> -> memref<1x1x8x64xf32, #tpu.memory_space<vmem>>
        %dma_start3A_3417 = tpu.memref_squeeze %dma_start3A_3416 : memref<1x1x8x64xf32, #tpu.memory_space<vmem>> -> memref<8x64xf32, #tpu.memory_space<vmem>>
        %dma_start3A_3418 = arith.constant 0 : i32
        %dma_start3A_3419 = arith.constant 0 : i32
        %dma_start3A_3420 = tpu.memref_slice %arg5[%shift_right_arithmetic3A_3402, %dma_start3A_3418, %dma_start3A_3419] : memref<125000x8x64xf32, #tpu.memory_space<hbm>> -> memref<1x8x64xf32, #tpu.memory_space<hbm>>
        %dma_start3A_3421 = tpu.memref_squeeze %dma_start3A_3420 : memref<1x8x64xf32, #tpu.memory_space<hbm>> -> memref<8x64xf32, #tpu.memory_space<hbm>>
        tpu.enqueue_dma source(%dma_start3A_3421 : memref<8x64xf32, #tpu.memory_space<hbm>>) target(%dma_start3A_3417 : memref<8x64xf32, #tpu.memory_space<vmem>>) target_semaphore(%dma_start3A_3413 : memref<!tpu.dma_semaphore, #tpu.memory_space<semaphore_mem>>)
        %slice3A_3422 = vector.extract_strided_slice %get3A_2978 {offsets = [6], sizes = [1], strides = [1]} : vector<16xi32> to vector<1xi32>
        %squeeze3A_3423 = vector.extract %slice3A_3422[0] : i32 from vector<1xi32>
        %shift_right_arithmetic3A_3424 = arith.constant 3 : i32
        %shift_right_arithmetic3A_3425 = arith.shrsi %squeeze3A_3423, %shift_right_arithmetic3A_3424 : i32
        %dma_start3A_3426 = arith.constant 6 : i32
        %dma_start3A_3427 = arith.constant 0 : i32
        %dma_start3A_3428 = arith.constant 0 : i32
        %dma_start3A_3429 = tpu.memref_slice %arg12[%rem3A_1220, %dma_start3A_3426, %dma_start3A_3427, %dma_start3A_3428] : memref<2x16x8x64xf32, #tpu.memory_space<vmem>> -> memref<1x1x8x64xf32, #tpu.memory_space<vmem>>
        %dma_start3A_3430 = tpu.memref_squeeze %dma_start3A_3429 : memref<1x1x8x64xf32, #tpu.memory_space<vmem>> -> memref<8x64xf32, #tpu.memory_space<vmem>>
        %dma_start3A_3431 = arith.constant 0 : i32
        %dma_start3A_3432 = arith.constant 0 : i32
        %dma_start3A_3433 = tpu.memref_slice %arg5[%shift_right_arithmetic3A_3425, %dma_start3A_3431, %dma_start3A_3432] : memref<125000x8x64xf32, #tpu.memory_space<hbm>> -> memref<1x8x64xf32, #tpu.memory_space<hbm>>
        %dma_start3A_3434 = tpu.memref_squeeze %dma_start3A_3433 : memref<1x8x64xf32, #tpu.memory_space<hbm>> -> memref<8x64xf32, #tpu.memory_space<hbm>>
        %dma_start3A_3435 = tpu.memref_slice %arg15[%rem3A_1220] : memref<2x!tpu.dma_semaphore, #tpu.memory_space<semaphore_mem>> -> memref<1x!tpu.dma_semaphore, #tpu.memory_space<semaphore_mem>>
        %dma_start3A_3436 = tpu.memref_squeeze %dma_start3A_3435 : memref<1x!tpu.dma_semaphore, #tpu.memory_space<semaphore_mem>> -> memref<!tpu.dma_semaphore, #tpu.memory_space<semaphore_mem>>
        %dma_start3A_3437 = arith.constant 0 : i32
        %dma_start3A_3438 = arith.constant 0 : i32
        %dma_start3A_3439 = tpu.memref_slice %arg12[%rem3A_1220, %dma_start3A_3426, %dma_start3A_3437, %dma_start3A_3438] : memref<2x16x8x64xf32, #tpu.memory_space<vmem>> -> memref<1x1x8x64xf32, #tpu.memory_space<vmem>>
        %dma_start3A_3440 = tpu.memref_squeeze %dma_start3A_3439 : memref<1x1x8x64xf32, #tpu.memory_space<vmem>> -> memref<8x64xf32, #tpu.memory_space<vmem>>
        %dma_start3A_3441 = arith.constant 0 : i32
        %dma_start3A_3442 = arith.constant 0 : i32
        %dma_start3A_3443 = tpu.memref_slice %arg5[%shift_right_arithmetic3A_3425, %dma_start3A_3441, %dma_start3A_3442] : memref<125000x8x64xf32, #tpu.memory_space<hbm>> -> memref<1x8x64xf32, #tpu.memory_space<hbm>>
        %dma_start3A_3444 = tpu.memref_squeeze %dma_start3A_3443 : memref<1x8x64xf32, #tpu.memory_space<hbm>> -> memref<8x64xf32, #tpu.memory_space<hbm>>
        tpu.enqueue_dma source(%dma_start3A_3444 : memref<8x64xf32, #tpu.memory_space<hbm>>) target(%dma_start3A_3440 : memref<8x64xf32, #tpu.memory_space<vmem>>) target_semaphore(%dma_start3A_3436 : memref<!tpu.dma_semaphore, #tpu.memory_space<semaphore_mem>>)
        %slice3A_3445 = vector.extract_strided_slice %get3A_2984 {offsets = [6], sizes = [1], strides = [1]} : vector<16xi32> to vector<1xi32>
        %squeeze3A_3446 = vector.extract %slice3A_3445[0] : i32 from vector<1xi32>
        %shift_right_arithmetic3A_3447 = arith.constant 3 : i32
        %shift_right_arithmetic3A_3448 = arith.shrsi %squeeze3A_3446, %shift_right_arithmetic3A_3447 : i32
        %dma_start3A_3449 = arith.constant 6 : i32
        %dma_start3A_3450 = arith.constant 0 : i32
        %dma_start3A_3451 = arith.constant 0 : i32
        %dma_start3A_3452 = tpu.memref_slice %arg13[%rem3A_1220, %dma_start3A_3449, %dma_start3A_3450, %dma_start3A_3451] : memref<2x16x8x64xf32, #tpu.memory_space<vmem>> -> memref<1x1x8x64xf32, #tpu.memory_space<vmem>>
        %dma_start3A_3453 = tpu.memref_squeeze %dma_start3A_3452 : memref<1x1x8x64xf32, #tpu.memory_space<vmem>> -> memref<8x64xf32, #tpu.memory_space<vmem>>
        %dma_start3A_3454 = arith.constant 0 : i32
        %dma_start3A_3455 = arith.constant 0 : i32
        %dma_start3A_3456 = tpu.memref_slice %arg6[%shift_right_arithmetic3A_3448, %dma_start3A_3454, %dma_start3A_3455] : memref<125x8x64xf32, #tpu.memory_space<hbm>> -> memref<1x8x64xf32, #tpu.memory_space<hbm>>
        %dma_start3A_3457 = tpu.memref_squeeze %dma_start3A_3456 : memref<1x8x64xf32, #tpu.memory_space<hbm>> -> memref<8x64xf32, #tpu.memory_space<hbm>>
        %dma_start3A_3458 = tpu.memref_slice %arg15[%rem3A_1220] : memref<2x!tpu.dma_semaphore, #tpu.memory_space<semaphore_mem>> -> memref<1x!tpu.dma_semaphore, #tpu.memory_space<semaphore_mem>>
        %dma_start3A_3459 = tpu.memref_squeeze %dma_start3A_3458 : memref<1x!tpu.dma_semaphore, #tpu.memory_space<semaphore_mem>> -> memref<!tpu.dma_semaphore, #tpu.memory_space<semaphore_mem>>
        %dma_start3A_3460 = arith.constant 0 : i32
        %dma_start3A_3461 = arith.constant 0 : i32
        %dma_start3A_3462 = tpu.memref_slice %arg13[%rem3A_1220, %dma_start3A_3449, %dma_start3A_3460, %dma_start3A_3461] : memref<2x16x8x64xf32, #tpu.memory_space<vmem>> -> memref<1x1x8x64xf32, #tpu.memory_space<vmem>>
        %dma_start3A_3463 = tpu.memref_squeeze %dma_start3A_3462 : memref<1x1x8x64xf32, #tpu.memory_space<vmem>> -> memref<8x64xf32, #tpu.memory_space<vmem>>
        %dma_start3A_3464 = arith.constant 0 : i32
        %dma_start3A_3465 = arith.constant 0 : i32
        %dma_start3A_3466 = tpu.memref_slice %arg6[%shift_right_arithmetic3A_3448, %dma_start3A_3464, %dma_start3A_3465] : memref<125x8x64xf32, #tpu.memory_space<hbm>> -> memref<1x8x64xf32, #tpu.memory_space<hbm>>
        %dma_start3A_3467 = tpu.memref_squeeze %dma_start3A_3466 : memref<1x8x64xf32, #tpu.memory_space<hbm>> -> memref<8x64xf32, #tpu.memory_space<hbm>>
        tpu.enqueue_dma source(%dma_start3A_3467 : memref<8x64xf32, #tpu.memory_space<hbm>>) target(%dma_start3A_3463 : memref<8x64xf32, #tpu.memory_space<vmem>>) target_semaphore(%dma_start3A_3459 : memref<!tpu.dma_semaphore, #tpu.memory_space<semaphore_mem>>)
        %slice3A_3468 = vector.extract_strided_slice %get3A_2972 {offsets = [7], sizes = [1], strides = [1]} : vector<16xi32> to vector<1xi32>
        %squeeze3A_3469 = vector.extract %slice3A_3468[0] : i32 from vector<1xi32>
        %shift_right_arithmetic3A_3470 = arith.constant 3 : i32
        %shift_right_arithmetic3A_3471 = arith.shrsi %squeeze3A_3469, %shift_right_arithmetic3A_3470 : i32
        %dma_start3A_3472 = arith.constant 7 : i32
        %dma_start3A_3473 = arith.constant 0 : i32
        %dma_start3A_3474 = arith.constant 0 : i32
        %dma_start3A_3475 = tpu.memref_slice %arg11[%rem3A_1220, %dma_start3A_3472, %dma_start3A_3473, %dma_start3A_3474] : memref<2x16x8x64xf32, #tpu.memory_space<vmem>> -> memref<1x1x8x64xf32, #tpu.memory_space<vmem>>
        %dma_start3A_3476 = tpu.memref_squeeze %dma_start3A_3475 : memref<1x1x8x64xf32, #tpu.memory_space<vmem>> -> memref<8x64xf32, #tpu.memory_space<vmem>>
        %dma_start3A_3477 = arith.constant 0 : i32
        %dma_start3A_3478 = arith.constant 0 : i32
        %dma_start3A_3479 = tpu.memref_slice %arg5[%shift_right_arithmetic3A_3471, %dma_start3A_3477, %dma_start3A_3478] : memref<125000x8x64xf32, #tpu.memory_space<hbm>> -> memref<1x8x64xf32, #tpu.memory_space<hbm>>
        %dma_start3A_3480 = tpu.memref_squeeze %dma_start3A_3479 : memref<1x8x64xf32, #tpu.memory_space<hbm>> -> memref<8x64xf32, #tpu.memory_space<hbm>>
        %dma_start3A_3481 = tpu.memref_slice %arg15[%rem3A_1220] : memref<2x!tpu.dma_semaphore, #tpu.memory_space<semaphore_mem>> -> memref<1x!tpu.dma_semaphore, #tpu.memory_space<semaphore_mem>>
        %dma_start3A_3482 = tpu.memref_squeeze %dma_start3A_3481 : memref<1x!tpu.dma_semaphore, #tpu.memory_space<semaphore_mem>> -> memref<!tpu.dma_semaphore, #tpu.memory_space<semaphore_mem>>
        %dma_start3A_3483 = arith.constant 0 : i32
        %dma_start3A_3484 = arith.constant 0 : i32
        %dma_start3A_3485 = tpu.memref_slice %arg11[%rem3A_1220, %dma_start3A_3472, %dma_start3A_3483, %dma_start3A_3484] : memref<2x16x8x64xf32, #tpu.memory_space<vmem>> -> memref<1x1x8x64xf32, #tpu.memory_space<vmem>>
        %dma_start3A_3486 = tpu.memref_squeeze %dma_start3A_3485 : memref<1x1x8x64xf32, #tpu.memory_space<vmem>> -> memref<8x64xf32, #tpu.memory_space<vmem>>
        %dma_start3A_3487 = arith.constant 0 : i32
        %dma_start3A_3488 = arith.constant 0 : i32
        %dma_start3A_3489 = tpu.memref_slice %arg5[%shift_right_arithmetic3A_3471, %dma_start3A_3487, %dma_start3A_3488] : memref<125000x8x64xf32, #tpu.memory_space<hbm>> -> memref<1x8x64xf32, #tpu.memory_space<hbm>>
        %dma_start3A_3490 = tpu.memref_squeeze %dma_start3A_3489 : memref<1x8x64xf32, #tpu.memory_space<hbm>> -> memref<8x64xf32, #tpu.memory_space<hbm>>
        tpu.enqueue_dma source(%dma_start3A_3490 : memref<8x64xf32, #tpu.memory_space<hbm>>) target(%dma_start3A_3486 : memref<8x64xf32, #tpu.memory_space<vmem>>) target_semaphore(%dma_start3A_3482 : memref<!tpu.dma_semaphore, #tpu.memory_space<semaphore_mem>>)
        %slice3A_3491 = vector.extract_strided_slice %get3A_2978 {offsets = [7], sizes = [1], strides = [1]} : vector<16xi32> to vector<1xi32>
        %squeeze3A_3492 = vector.extract %slice3A_3491[0] : i32 from vector<1xi32>
        %shift_right_arithmetic3A_3493 = arith.constant 3 : i32
        %shift_right_arithmetic3A_3494 = arith.shrsi %squeeze3A_3492, %shift_right_arithmetic3A_3493 : i32
        %dma_start3A_3495 = arith.constant 7 : i32
        %dma_start3A_3496 = arith.constant 0 : i32
        %dma_start3A_3497 = arith.constant 0 : i32
        %dma_start3A_3498 = tpu.memref_slice %arg12[%rem3A_1220, %dma_start3A_3495, %dma_start3A_3496, %dma_start3A_3497] : memref<2x16x8x64xf32, #tpu.memory_space<vmem>> -> memref<1x1x8x64xf32, #tpu.memory_space<vmem>>
        %dma_start3A_3499 = tpu.memref_squeeze %dma_start3A_3498 : memref<1x1x8x64xf32, #tpu.memory_space<vmem>> -> memref<8x64xf32, #tpu.memory_space<vmem>>
        %dma_start3A_3500 = arith.constant 0 : i32
        %dma_start3A_3501 = arith.constant 0 : i32
        %dma_start3A_3502 = tpu.memref_slice %arg5[%shift_right_arithmetic3A_3494, %dma_start3A_3500, %dma_start3A_3501] : memref<125000x8x64xf32, #tpu.memory_space<hbm>> -> memref<1x8x64xf32, #tpu.memory_space<hbm>>
        %dma_start3A_3503 = tpu.memref_squeeze %dma_start3A_3502 : memref<1x8x64xf32, #tpu.memory_space<hbm>> -> memref<8x64xf32, #tpu.memory_space<hbm>>
        %dma_start3A_3504 = tpu.memref_slice %arg15[%rem3A_1220] : memref<2x!tpu.dma_semaphore, #tpu.memory_space<semaphore_mem>> -> memref<1x!tpu.dma_semaphore, #tpu.memory_space<semaphore_mem>>
        %dma_start3A_3505 = tpu.memref_squeeze %dma_start3A_3504 : memref<1x!tpu.dma_semaphore, #tpu.memory_space<semaphore_mem>> -> memref<!tpu.dma_semaphore, #tpu.memory_space<semaphore_mem>>
        %dma_start3A_3506 = arith.constant 0 : i32
        %dma_start3A_3507 = arith.constant 0 : i32
        %dma_start3A_3508 = tpu.memref_slice %arg12[%rem3A_1220, %dma_start3A_3495, %dma_start3A_3506, %dma_start3A_3507] : memref<2x16x8x64xf32, #tpu.memory_space<vmem>> -> memref<1x1x8x64xf32, #tpu.memory_space<vmem>>
        %dma_start3A_3509 = tpu.memref_squeeze %dma_start3A_3508 : memref<1x1x8x64xf32, #tpu.memory_space<vmem>> -> memref<8x64xf32, #tpu.memory_space<vmem>>
        %dma_start3A_3510 = arith.constant 0 : i32
        %dma_start3A_3511 = arith.constant 0 : i32
        %dma_start3A_3512 = tpu.memref_slice %arg5[%shift_right_arithmetic3A_3494, %dma_start3A_3510, %dma_start3A_3511] : memref<125000x8x64xf32, #tpu.memory_space<hbm>> -> memref<1x8x64xf32, #tpu.memory_space<hbm>>
        %dma_start3A_3513 = tpu.memref_squeeze %dma_start3A_3512 : memref<1x8x64xf32, #tpu.memory_space<hbm>> -> memref<8x64xf32, #tpu.memory_space<hbm>>
        tpu.enqueue_dma source(%dma_start3A_3513 : memref<8x64xf32, #tpu.memory_space<hbm>>) target(%dma_start3A_3509 : memref<8x64xf32, #tpu.memory_space<vmem>>) target_semaphore(%dma_start3A_3505 : memref<!tpu.dma_semaphore, #tpu.memory_space<semaphore_mem>>)
        %slice3A_3514 = vector.extract_strided_slice %get3A_2984 {offsets = [7], sizes = [1], strides = [1]} : vector<16xi32> to vector<1xi32>
        %squeeze3A_3515 = vector.extract %slice3A_3514[0] : i32 from vector<1xi32>
        %shift_right_arithmetic3A_3516 = arith.constant 3 : i32
        %shift_right_arithmetic3A_3517 = arith.shrsi %squeeze3A_3515, %shift_right_arithmetic3A_3516 : i32
        %dma_start3A_3518 = arith.constant 7 : i32
        %dma_start3A_3519 = arith.constant 0 : i32
        %dma_start3A_3520 = arith.constant 0 : i32
        %dma_start3A_3521 = tpu.memref_slice %arg13[%rem3A_1220, %dma_start3A_3518, %dma_start3A_3519, %dma_start3A_3520] : memref<2x16x8x64xf32, #tpu.memory_space<vmem>> -> memref<1x1x8x64xf32, #tpu.memory_space<vmem>>
        %dma_start3A_3522 = tpu.memref_squeeze %dma_start3A_3521 : memref<1x1x8x64xf32, #tpu.memory_space<vmem>> -> memref<8x64xf32, #tpu.memory_space<vmem>>
        %dma_start3A_3523 = arith.constant 0 : i32
        %dma_start3A_3524 = arith.constant 0 : i32
        %dma_start3A_3525 = tpu.memref_slice %arg6[%shift_right_arithmetic3A_3517, %dma_start3A_3523, %dma_start3A_3524] : memref<125x8x64xf32, #tpu.memory_space<hbm>> -> memref<1x8x64xf32, #tpu.memory_space<hbm>>
        %dma_start3A_3526 = tpu.memref_squeeze %dma_start3A_3525 : memref<1x8x64xf32, #tpu.memory_space<hbm>> -> memref<8x64xf32, #tpu.memory_space<hbm>>
        %dma_start3A_3527 = tpu.memref_slice %arg15[%rem3A_1220] : memref<2x!tpu.dma_semaphore, #tpu.memory_space<semaphore_mem>> -> memref<1x!tpu.dma_semaphore, #tpu.memory_space<semaphore_mem>>
        %dma_start3A_3528 = tpu.memref_squeeze %dma_start3A_3527 : memref<1x!tpu.dma_semaphore, #tpu.memory_space<semaphore_mem>> -> memref<!tpu.dma_semaphore, #tpu.memory_space<semaphore_mem>>
        %dma_start3A_3529 = arith.constant 0 : i32
        %dma_start3A_3530 = arith.constant 0 : i32
        %dma_start3A_3531 = tpu.memref_slice %arg13[%rem3A_1220, %dma_start3A_3518, %dma_start3A_3529, %dma_start3A_3530] : memref<2x16x8x64xf32, #tpu.memory_space<vmem>> -> memref<1x1x8x64xf32, #tpu.memory_space<vmem>>
        %dma_start3A_3532 = tpu.memref_squeeze %dma_start3A_3531 : memref<1x1x8x64xf32, #tpu.memory_space<vmem>> -> memref<8x64xf32, #tpu.memory_space<vmem>>
        %dma_start3A_3533 = arith.constant 0 : i32
        %dma_start3A_3534 = arith.constant 0 : i32
        %dma_start3A_3535 = tpu.memref_slice %arg6[%shift_right_arithmetic3A_3517, %dma_start3A_3533, %dma_start3A_3534] : memref<125x8x64xf32, #tpu.memory_space<hbm>> -> memref<1x8x64xf32, #tpu.memory_space<hbm>>
        %dma_start3A_3536 = tpu.memref_squeeze %dma_start3A_3535 : memref<1x8x64xf32, #tpu.memory_space<hbm>> -> memref<8x64xf32, #tpu.memory_space<hbm>>
        tpu.enqueue_dma source(%dma_start3A_3536 : memref<8x64xf32, #tpu.memory_space<hbm>>) target(%dma_start3A_3532 : memref<8x64xf32, #tpu.memory_space<vmem>>) target_semaphore(%dma_start3A_3528 : memref<!tpu.dma_semaphore, #tpu.memory_space<semaphore_mem>>)
        %slice3A_3537 = vector.extract_strided_slice %get3A_2972 {offsets = [8], sizes = [1], strides = [1]} : vector<16xi32> to vector<1xi32>
        %squeeze3A_3538 = vector.extract %slice3A_3537[0] : i32 from vector<1xi32>
        %shift_right_arithmetic3A_3539 = arith.constant 3 : i32
        %shift_right_arithmetic3A_3540 = arith.shrsi %squeeze3A_3538, %shift_right_arithmetic3A_3539 : i32
        %dma_start3A_3541 = arith.constant 8 : i32
        %dma_start3A_3542 = arith.constant 0 : i32
        %dma_start3A_3543 = arith.constant 0 : i32
        %dma_start3A_3544 = tpu.memref_slice %arg11[%rem3A_1220, %dma_start3A_3541, %dma_start3A_3542, %dma_start3A_3543] : memref<2x16x8x64xf32, #tpu.memory_space<vmem>> -> memref<1x1x8x64xf32, #tpu.memory_space<vmem>>
        %dma_start3A_3545 = tpu.memref_squeeze %dma_start3A_3544 : memref<1x1x8x64xf32, #tpu.memory_space<vmem>> -> memref<8x64xf32, #tpu.memory_space<vmem>>
        %dma_start3A_3546 = arith.constant 0 : i32
        %dma_start3A_3547 = arith.constant 0 : i32
        %dma_start3A_3548 = tpu.memref_slice %arg5[%shift_right_arithmetic3A_3540, %dma_start3A_3546, %dma_start3A_3547] : memref<125000x8x64xf32, #tpu.memory_space<hbm>> -> memref<1x8x64xf32, #tpu.memory_space<hbm>>
        %dma_start3A_3549 = tpu.memref_squeeze %dma_start3A_3548 : memref<1x8x64xf32, #tpu.memory_space<hbm>> -> memref<8x64xf32, #tpu.memory_space<hbm>>
        %dma_start3A_3550 = tpu.memref_slice %arg15[%rem3A_1220] : memref<2x!tpu.dma_semaphore, #tpu.memory_space<semaphore_mem>> -> memref<1x!tpu.dma_semaphore, #tpu.memory_space<semaphore_mem>>
        %dma_start3A_3551 = tpu.memref_squeeze %dma_start3A_3550 : memref<1x!tpu.dma_semaphore, #tpu.memory_space<semaphore_mem>> -> memref<!tpu.dma_semaphore, #tpu.memory_space<semaphore_mem>>
        %dma_start3A_3552 = arith.constant 0 : i32
        %dma_start3A_3553 = arith.constant 0 : i32
        %dma_start3A_3554 = tpu.memref_slice %arg11[%rem3A_1220, %dma_start3A_3541, %dma_start3A_3552, %dma_start3A_3553] : memref<2x16x8x64xf32, #tpu.memory_space<vmem>> -> memref<1x1x8x64xf32, #tpu.memory_space<vmem>>
        %dma_start3A_3555 = tpu.memref_squeeze %dma_start3A_3554 : memref<1x1x8x64xf32, #tpu.memory_space<vmem>> -> memref<8x64xf32, #tpu.memory_space<vmem>>
        %dma_start3A_3556 = arith.constant 0 : i32
        %dma_start3A_3557 = arith.constant 0 : i32
        %dma_start3A_3558 = tpu.memref_slice %arg5[%shift_right_arithmetic3A_3540, %dma_start3A_3556, %dma_start3A_3557] : memref<125000x8x64xf32, #tpu.memory_space<hbm>> -> memref<1x8x64xf32, #tpu.memory_space<hbm>>
        %dma_start3A_3559 = tpu.memref_squeeze %dma_start3A_3558 : memref<1x8x64xf32, #tpu.memory_space<hbm>> -> memref<8x64xf32, #tpu.memory_space<hbm>>
        tpu.enqueue_dma source(%dma_start3A_3559 : memref<8x64xf32, #tpu.memory_space<hbm>>) target(%dma_start3A_3555 : memref<8x64xf32, #tpu.memory_space<vmem>>) target_semaphore(%dma_start3A_3551 : memref<!tpu.dma_semaphore, #tpu.memory_space<semaphore_mem>>)
        %slice3A_3560 = vector.extract_strided_slice %get3A_2978 {offsets = [8], sizes = [1], strides = [1]} : vector<16xi32> to vector<1xi32>
        %squeeze3A_3561 = vector.extract %slice3A_3560[0] : i32 from vector<1xi32>
        %shift_right_arithmetic3A_3562 = arith.constant 3 : i32
        %shift_right_arithmetic3A_3563 = arith.shrsi %squeeze3A_3561, %shift_right_arithmetic3A_3562 : i32
        %dma_start3A_3564 = arith.constant 8 : i32
        %dma_start3A_3565 = arith.constant 0 : i32
        %dma_start3A_3566 = arith.constant 0 : i32
        %dma_start3A_3567 = tpu.memref_slice %arg12[%rem3A_1220, %dma_start3A_3564, %dma_start3A_3565, %dma_start3A_3566] : memref<2x16x8x64xf32, #tpu.memory_space<vmem>> -> memref<1x1x8x64xf32, #tpu.memory_space<vmem>>
        %dma_start3A_3568 = tpu.memref_squeeze %dma_start3A_3567 : memref<1x1x8x64xf32, #tpu.memory_space<vmem>> -> memref<8x64xf32, #tpu.memory_space<vmem>>
        %dma_start3A_3569 = arith.constant 0 : i32
        %dma_start3A_3570 = arith.constant 0 : i32
        %dma_start3A_3571 = tpu.memref_slice %arg5[%shift_right_arithmetic3A_3563, %dma_start3A_3569, %dma_start3A_3570] : memref<125000x8x64xf32, #tpu.memory_space<hbm>> -> memref<1x8x64xf32, #tpu.memory_space<hbm>>
        %dma_start3A_3572 = tpu.memref_squeeze %dma_start3A_3571 : memref<1x8x64xf32, #tpu.memory_space<hbm>> -> memref<8x64xf32, #tpu.memory_space<hbm>>
        %dma_start3A_3573 = tpu.memref_slice %arg15[%rem3A_1220] : memref<2x!tpu.dma_semaphore, #tpu.memory_space<semaphore_mem>> -> memref<1x!tpu.dma_semaphore, #tpu.memory_space<semaphore_mem>>
        %dma_start3A_3574 = tpu.memref_squeeze %dma_start3A_3573 : memref<1x!tpu.dma_semaphore, #tpu.memory_space<semaphore_mem>> -> memref<!tpu.dma_semaphore, #tpu.memory_space<semaphore_mem>>
        %dma_start3A_3575 = arith.constant 0 : i32
        %dma_start3A_3576 = arith.constant 0 : i32
        %dma_start3A_3577 = tpu.memref_slice %arg12[%rem3A_1220, %dma_start3A_3564, %dma_start3A_3575, %dma_start3A_3576] : memref<2x16x8x64xf32, #tpu.memory_space<vmem>> -> memref<1x1x8x64xf32, #tpu.memory_space<vmem>>
        %dma_start3A_3578 = tpu.memref_squeeze %dma_start3A_3577 : memref<1x1x8x64xf32, #tpu.memory_space<vmem>> -> memref<8x64xf32, #tpu.memory_space<vmem>>
        %dma_start3A_3579 = arith.constant 0 : i32
        %dma_start3A_3580 = arith.constant 0 : i32
        %dma_start3A_3581 = tpu.memref_slice %arg5[%shift_right_arithmetic3A_3563, %dma_start3A_3579, %dma_start3A_3580] : memref<125000x8x64xf32, #tpu.memory_space<hbm>> -> memref<1x8x64xf32, #tpu.memory_space<hbm>>
        %dma_start3A_3582 = tpu.memref_squeeze %dma_start3A_3581 : memref<1x8x64xf32, #tpu.memory_space<hbm>> -> memref<8x64xf32, #tpu.memory_space<hbm>>
        tpu.enqueue_dma source(%dma_start3A_3582 : memref<8x64xf32, #tpu.memory_space<hbm>>) target(%dma_start3A_3578 : memref<8x64xf32, #tpu.memory_space<vmem>>) target_semaphore(%dma_start3A_3574 : memref<!tpu.dma_semaphore, #tpu.memory_space<semaphore_mem>>)
        %slice3A_3583 = vector.extract_strided_slice %get3A_2984 {offsets = [8], sizes = [1], strides = [1]} : vector<16xi32> to vector<1xi32>
        %squeeze3A_3584 = vector.extract %slice3A_3583[0] : i32 from vector<1xi32>
        %shift_right_arithmetic3A_3585 = arith.constant 3 : i32
        %shift_right_arithmetic3A_3586 = arith.shrsi %squeeze3A_3584, %shift_right_arithmetic3A_3585 : i32
        %dma_start3A_3587 = arith.constant 8 : i32
        %dma_start3A_3588 = arith.constant 0 : i32
        %dma_start3A_3589 = arith.constant 0 : i32
        %dma_start3A_3590 = tpu.memref_slice %arg13[%rem3A_1220, %dma_start3A_3587, %dma_start3A_3588, %dma_start3A_3589] : memref<2x16x8x64xf32, #tpu.memory_space<vmem>> -> memref<1x1x8x64xf32, #tpu.memory_space<vmem>>
        %dma_start3A_3591 = tpu.memref_squeeze %dma_start3A_3590 : memref<1x1x8x64xf32, #tpu.memory_space<vmem>> -> memref<8x64xf32, #tpu.memory_space<vmem>>
        %dma_start3A_3592 = arith.constant 0 : i32
        %dma_start3A_3593 = arith.constant 0 : i32
        %dma_start3A_3594 = tpu.memref_slice %arg6[%shift_right_arithmetic3A_3586, %dma_start3A_3592, %dma_start3A_3593] : memref<125x8x64xf32, #tpu.memory_space<hbm>> -> memref<1x8x64xf32, #tpu.memory_space<hbm>>
        %dma_start3A_3595 = tpu.memref_squeeze %dma_start3A_3594 : memref<1x8x64xf32, #tpu.memory_space<hbm>> -> memref<8x64xf32, #tpu.memory_space<hbm>>
        %dma_start3A_3596 = tpu.memref_slice %arg15[%rem3A_1220] : memref<2x!tpu.dma_semaphore, #tpu.memory_space<semaphore_mem>> -> memref<1x!tpu.dma_semaphore, #tpu.memory_space<semaphore_mem>>
        %dma_start3A_3597 = tpu.memref_squeeze %dma_start3A_3596 : memref<1x!tpu.dma_semaphore, #tpu.memory_space<semaphore_mem>> -> memref<!tpu.dma_semaphore, #tpu.memory_space<semaphore_mem>>
        %dma_start3A_3598 = arith.constant 0 : i32
        %dma_start3A_3599 = arith.constant 0 : i32
        %dma_start3A_3600 = tpu.memref_slice %arg13[%rem3A_1220, %dma_start3A_3587, %dma_start3A_3598, %dma_start3A_3599] : memref<2x16x8x64xf32, #tpu.memory_space<vmem>> -> memref<1x1x8x64xf32, #tpu.memory_space<vmem>>
        %dma_start3A_3601 = tpu.memref_squeeze %dma_start3A_3600 : memref<1x1x8x64xf32, #tpu.memory_space<vmem>> -> memref<8x64xf32, #tpu.memory_space<vmem>>
        %dma_start3A_3602 = arith.constant 0 : i32
        %dma_start3A_3603 = arith.constant 0 : i32
        %dma_start3A_3604 = tpu.memref_slice %arg6[%shift_right_arithmetic3A_3586, %dma_start3A_3602, %dma_start3A_3603] : memref<125x8x64xf32, #tpu.memory_space<hbm>> -> memref<1x8x64xf32, #tpu.memory_space<hbm>>
        %dma_start3A_3605 = tpu.memref_squeeze %dma_start3A_3604 : memref<1x8x64xf32, #tpu.memory_space<hbm>> -> memref<8x64xf32, #tpu.memory_space<hbm>>
        tpu.enqueue_dma source(%dma_start3A_3605 : memref<8x64xf32, #tpu.memory_space<hbm>>) target(%dma_start3A_3601 : memref<8x64xf32, #tpu.memory_space<vmem>>) target_semaphore(%dma_start3A_3597 : memref<!tpu.dma_semaphore, #tpu.memory_space<semaphore_mem>>)
        %slice3A_3606 = vector.extract_strided_slice %get3A_2972 {offsets = [9], sizes = [1], strides = [1]} : vector<16xi32> to vector<1xi32>
        %squeeze3A_3607 = vector.extract %slice3A_3606[0] : i32 from vector<1xi32>
        %shift_right_arithmetic3A_3608 = arith.constant 3 : i32
        %shift_right_arithmetic3A_3609 = arith.shrsi %squeeze3A_3607, %shift_right_arithmetic3A_3608 : i32
        %dma_start3A_3610 = arith.constant 9 : i32
        %dma_start3A_3611 = arith.constant 0 : i32
        %dma_start3A_3612 = arith.constant 0 : i32
        %dma_start3A_3613 = tpu.memref_slice %arg11[%rem3A_1220, %dma_start3A_3610, %dma_start3A_3611, %dma_start3A_3612] : memref<2x16x8x64xf32, #tpu.memory_space<vmem>> -> memref<1x1x8x64xf32, #tpu.memory_space<vmem>>
        %dma_start3A_3614 = tpu.memref_squeeze %dma_start3A_3613 : memref<1x1x8x64xf32, #tpu.memory_space<vmem>> -> memref<8x64xf32, #tpu.memory_space<vmem>>
        %dma_start3A_3615 = arith.constant 0 : i32
        %dma_start3A_3616 = arith.constant 0 : i32
        %dma_start3A_3617 = tpu.memref_slice %arg5[%shift_right_arithmetic3A_3609, %dma_start3A_3615, %dma_start3A_3616] : memref<125000x8x64xf32, #tpu.memory_space<hbm>> -> memref<1x8x64xf32, #tpu.memory_space<hbm>>
        %dma_start3A_3618 = tpu.memref_squeeze %dma_start3A_3617 : memref<1x8x64xf32, #tpu.memory_space<hbm>> -> memref<8x64xf32, #tpu.memory_space<hbm>>
        %dma_start3A_3619 = tpu.memref_slice %arg15[%rem3A_1220] : memref<2x!tpu.dma_semaphore, #tpu.memory_space<semaphore_mem>> -> memref<1x!tpu.dma_semaphore, #tpu.memory_space<semaphore_mem>>
        %dma_start3A_3620 = tpu.memref_squeeze %dma_start3A_3619 : memref<1x!tpu.dma_semaphore, #tpu.memory_space<semaphore_mem>> -> memref<!tpu.dma_semaphore, #tpu.memory_space<semaphore_mem>>
        %dma_start3A_3621 = arith.constant 0 : i32
        %dma_start3A_3622 = arith.constant 0 : i32
        %dma_start3A_3623 = tpu.memref_slice %arg11[%rem3A_1220, %dma_start3A_3610, %dma_start3A_3621, %dma_start3A_3622] : memref<2x16x8x64xf32, #tpu.memory_space<vmem>> -> memref<1x1x8x64xf32, #tpu.memory_space<vmem>>
        %dma_start3A_3624 = tpu.memref_squeeze %dma_start3A_3623 : memref<1x1x8x64xf32, #tpu.memory_space<vmem>> -> memref<8x64xf32, #tpu.memory_space<vmem>>
        %dma_start3A_3625 = arith.constant 0 : i32
        %dma_start3A_3626 = arith.constant 0 : i32
        %dma_start3A_3627 = tpu.memref_slice %arg5[%shift_right_arithmetic3A_3609, %dma_start3A_3625, %dma_start3A_3626] : memref<125000x8x64xf32, #tpu.memory_space<hbm>> -> memref<1x8x64xf32, #tpu.memory_space<hbm>>
        %dma_start3A_3628 = tpu.memref_squeeze %dma_start3A_3627 : memref<1x8x64xf32, #tpu.memory_space<hbm>> -> memref<8x64xf32, #tpu.memory_space<hbm>>
        tpu.enqueue_dma source(%dma_start3A_3628 : memref<8x64xf32, #tpu.memory_space<hbm>>) target(%dma_start3A_3624 : memref<8x64xf32, #tpu.memory_space<vmem>>) target_semaphore(%dma_start3A_3620 : memref<!tpu.dma_semaphore, #tpu.memory_space<semaphore_mem>>)
        %slice3A_3629 = vector.extract_strided_slice %get3A_2978 {offsets = [9], sizes = [1], strides = [1]} : vector<16xi32> to vector<1xi32>
        %squeeze3A_3630 = vector.extract %slice3A_3629[0] : i32 from vector<1xi32>
        %shift_right_arithmetic3A_3631 = arith.constant 3 : i32
        %shift_right_arithmetic3A_3632 = arith.shrsi %squeeze3A_3630, %shift_right_arithmetic3A_3631 : i32
        %dma_start3A_3633 = arith.constant 9 : i32
        %dma_start3A_3634 = arith.constant 0 : i32
        %dma_start3A_3635 = arith.constant 0 : i32
        %dma_start3A_3636 = tpu.memref_slice %arg12[%rem3A_1220, %dma_start3A_3633, %dma_start3A_3634, %dma_start3A_3635] : memref<2x16x8x64xf32, #tpu.memory_space<vmem>> -> memref<1x1x8x64xf32, #tpu.memory_space<vmem>>
        %dma_start3A_3637 = tpu.memref_squeeze %dma_start3A_3636 : memref<1x1x8x64xf32, #tpu.memory_space<vmem>> -> memref<8x64xf32, #tpu.memory_space<vmem>>
        %dma_start3A_3638 = arith.constant 0 : i32
        %dma_start3A_3639 = arith.constant 0 : i32
        %dma_start3A_3640 = tpu.memref_slice %arg5[%shift_right_arithmetic3A_3632, %dma_start3A_3638, %dma_start3A_3639] : memref<125000x8x64xf32, #tpu.memory_space<hbm>> -> memref<1x8x64xf32, #tpu.memory_space<hbm>>
        %dma_start3A_3641 = tpu.memref_squeeze %dma_start3A_3640 : memref<1x8x64xf32, #tpu.memory_space<hbm>> -> memref<8x64xf32, #tpu.memory_space<hbm>>
        %dma_start3A_3642 = tpu.memref_slice %arg15[%rem3A_1220] : memref<2x!tpu.dma_semaphore, #tpu.memory_space<semaphore_mem>> -> memref<1x!tpu.dma_semaphore, #tpu.memory_space<semaphore_mem>>
        %dma_start3A_3643 = tpu.memref_squeeze %dma_start3A_3642 : memref<1x!tpu.dma_semaphore, #tpu.memory_space<semaphore_mem>> -> memref<!tpu.dma_semaphore, #tpu.memory_space<semaphore_mem>>
        %dma_start3A_3644 = arith.constant 0 : i32
        %dma_start3A_3645 = arith.constant 0 : i32
        %dma_start3A_3646 = tpu.memref_slice %arg12[%rem3A_1220, %dma_start3A_3633, %dma_start3A_3644, %dma_start3A_3645] : memref<2x16x8x64xf32, #tpu.memory_space<vmem>> -> memref<1x1x8x64xf32, #tpu.memory_space<vmem>>
        %dma_start3A_3647 = tpu.memref_squeeze %dma_start3A_3646 : memref<1x1x8x64xf32, #tpu.memory_space<vmem>> -> memref<8x64xf32, #tpu.memory_space<vmem>>
        %dma_start3A_3648 = arith.constant 0 : i32
        %dma_start3A_3649 = arith.constant 0 : i32
        %dma_start3A_3650 = tpu.memref_slice %arg5[%shift_right_arithmetic3A_3632, %dma_start3A_3648, %dma_start3A_3649] : memref<125000x8x64xf32, #tpu.memory_space<hbm>> -> memref<1x8x64xf32, #tpu.memory_space<hbm>>
        %dma_start3A_3651 = tpu.memref_squeeze %dma_start3A_3650 : memref<1x8x64xf32, #tpu.memory_space<hbm>> -> memref<8x64xf32, #tpu.memory_space<hbm>>
        tpu.enqueue_dma source(%dma_start3A_3651 : memref<8x64xf32, #tpu.memory_space<hbm>>) target(%dma_start3A_3647 : memref<8x64xf32, #tpu.memory_space<vmem>>) target_semaphore(%dma_start3A_3643 : memref<!tpu.dma_semaphore, #tpu.memory_space<semaphore_mem>>)
        %slice3A_3652 = vector.extract_strided_slice %get3A_2984 {offsets = [9], sizes = [1], strides = [1]} : vector<16xi32> to vector<1xi32>
        %squeeze3A_3653 = vector.extract %slice3A_3652[0] : i32 from vector<1xi32>
        %shift_right_arithmetic3A_3654 = arith.constant 3 : i32
        %shift_right_arithmetic3A_3655 = arith.shrsi %squeeze3A_3653, %shift_right_arithmetic3A_3654 : i32
        %dma_start3A_3656 = arith.constant 9 : i32
        %dma_start3A_3657 = arith.constant 0 : i32
        %dma_start3A_3658 = arith.constant 0 : i32
        %dma_start3A_3659 = tpu.memref_slice %arg13[%rem3A_1220, %dma_start3A_3656, %dma_start3A_3657, %dma_start3A_3658] : memref<2x16x8x64xf32, #tpu.memory_space<vmem>> -> memref<1x1x8x64xf32, #tpu.memory_space<vmem>>
        %dma_start3A_3660 = tpu.memref_squeeze %dma_start3A_3659 : memref<1x1x8x64xf32, #tpu.memory_space<vmem>> -> memref<8x64xf32, #tpu.memory_space<vmem>>
        %dma_start3A_3661 = arith.constant 0 : i32
        %dma_start3A_3662 = arith.constant 0 : i32
        %dma_start3A_3663 = tpu.memref_slice %arg6[%shift_right_arithmetic3A_3655, %dma_start3A_3661, %dma_start3A_3662] : memref<125x8x64xf32, #tpu.memory_space<hbm>> -> memref<1x8x64xf32, #tpu.memory_space<hbm>>
        %dma_start3A_3664 = tpu.memref_squeeze %dma_start3A_3663 : memref<1x8x64xf32, #tpu.memory_space<hbm>> -> memref<8x64xf32, #tpu.memory_space<hbm>>
        %dma_start3A_3665 = tpu.memref_slice %arg15[%rem3A_1220] : memref<2x!tpu.dma_semaphore, #tpu.memory_space<semaphore_mem>> -> memref<1x!tpu.dma_semaphore, #tpu.memory_space<semaphore_mem>>
        %dma_start3A_3666 = tpu.memref_squeeze %dma_start3A_3665 : memref<1x!tpu.dma_semaphore, #tpu.memory_space<semaphore_mem>> -> memref<!tpu.dma_semaphore, #tpu.memory_space<semaphore_mem>>
        %dma_start3A_3667 = arith.constant 0 : i32
        %dma_start3A_3668 = arith.constant 0 : i32
        %dma_start3A_3669 = tpu.memref_slice %arg13[%rem3A_1220, %dma_start3A_3656, %dma_start3A_3667, %dma_start3A_3668] : memref<2x16x8x64xf32, #tpu.memory_space<vmem>> -> memref<1x1x8x64xf32, #tpu.memory_space<vmem>>
        %dma_start3A_3670 = tpu.memref_squeeze %dma_start3A_3669 : memref<1x1x8x64xf32, #tpu.memory_space<vmem>> -> memref<8x64xf32, #tpu.memory_space<vmem>>
        %dma_start3A_3671 = arith.constant 0 : i32
        %dma_start3A_3672 = arith.constant 0 : i32
        %dma_start3A_3673 = tpu.memref_slice %arg6[%shift_right_arithmetic3A_3655, %dma_start3A_3671, %dma_start3A_3672] : memref<125x8x64xf32, #tpu.memory_space<hbm>> -> memref<1x8x64xf32, #tpu.memory_space<hbm>>
        %dma_start3A_3674 = tpu.memref_squeeze %dma_start3A_3673 : memref<1x8x64xf32, #tpu.memory_space<hbm>> -> memref<8x64xf32, #tpu.memory_space<hbm>>
        tpu.enqueue_dma source(%dma_start3A_3674 : memref<8x64xf32, #tpu.memory_space<hbm>>) target(%dma_start3A_3670 : memref<8x64xf32, #tpu.memory_space<vmem>>) target_semaphore(%dma_start3A_3666 : memref<!tpu.dma_semaphore, #tpu.memory_space<semaphore_mem>>)
        %slice3A_3675 = vector.extract_strided_slice %get3A_2972 {offsets = [10], sizes = [1], strides = [1]} : vector<16xi32> to vector<1xi32>
        %squeeze3A_3676 = vector.extract %slice3A_3675[0] : i32 from vector<1xi32>
        %shift_right_arithmetic3A_3677 = arith.constant 3 : i32
        %shift_right_arithmetic3A_3678 = arith.shrsi %squeeze3A_3676, %shift_right_arithmetic3A_3677 : i32
        %dma_start3A_3679 = arith.constant 10 : i32
        %dma_start3A_3680 = arith.constant 0 : i32
        %dma_start3A_3681 = arith.constant 0 : i32
        %dma_start3A_3682 = tpu.memref_slice %arg11[%rem3A_1220, %dma_start3A_3679, %dma_start3A_3680, %dma_start3A_3681] : memref<2x16x8x64xf32, #tpu.memory_space<vmem>> -> memref<1x1x8x64xf32, #tpu.memory_space<vmem>>
        %dma_start3A_3683 = tpu.memref_squeeze %dma_start3A_3682 : memref<1x1x8x64xf32, #tpu.memory_space<vmem>> -> memref<8x64xf32, #tpu.memory_space<vmem>>
        %dma_start3A_3684 = arith.constant 0 : i32
        %dma_start3A_3685 = arith.constant 0 : i32
        %dma_start3A_3686 = tpu.memref_slice %arg5[%shift_right_arithmetic3A_3678, %dma_start3A_3684, %dma_start3A_3685] : memref<125000x8x64xf32, #tpu.memory_space<hbm>> -> memref<1x8x64xf32, #tpu.memory_space<hbm>>
        %dma_start3A_3687 = tpu.memref_squeeze %dma_start3A_3686 : memref<1x8x64xf32, #tpu.memory_space<hbm>> -> memref<8x64xf32, #tpu.memory_space<hbm>>
        %dma_start3A_3688 = tpu.memref_slice %arg15[%rem3A_1220] : memref<2x!tpu.dma_semaphore, #tpu.memory_space<semaphore_mem>> -> memref<1x!tpu.dma_semaphore, #tpu.memory_space<semaphore_mem>>
        %dma_start3A_3689 = tpu.memref_squeeze %dma_start3A_3688 : memref<1x!tpu.dma_semaphore, #tpu.memory_space<semaphore_mem>> -> memref<!tpu.dma_semaphore, #tpu.memory_space<semaphore_mem>>
        %dma_start3A_3690 = arith.constant 0 : i32
        %dma_start3A_3691 = arith.constant 0 : i32
        %dma_start3A_3692 = tpu.memref_slice %arg11[%rem3A_1220, %dma_start3A_3679, %dma_start3A_3690, %dma_start3A_3691] : memref<2x16x8x64xf32, #tpu.memory_space<vmem>> -> memref<1x1x8x64xf32, #tpu.memory_space<vmem>>
        %dma_start3A_3693 = tpu.memref_squeeze %dma_start3A_3692 : memref<1x1x8x64xf32, #tpu.memory_space<vmem>> -> memref<8x64xf32, #tpu.memory_space<vmem>>
        %dma_start3A_3694 = arith.constant 0 : i32
        %dma_start3A_3695 = arith.constant 0 : i32
        %dma_start3A_3696 = tpu.memref_slice %arg5[%shift_right_arithmetic3A_3678, %dma_start3A_3694, %dma_start3A_3695] : memref<125000x8x64xf32, #tpu.memory_space<hbm>> -> memref<1x8x64xf32, #tpu.memory_space<hbm>>
        %dma_start3A_3697 = tpu.memref_squeeze %dma_start3A_3696 : memref<1x8x64xf32, #tpu.memory_space<hbm>> -> memref<8x64xf32, #tpu.memory_space<hbm>>
        tpu.enqueue_dma source(%dma_start3A_3697 : memref<8x64xf32, #tpu.memory_space<hbm>>) target(%dma_start3A_3693 : memref<8x64xf32, #tpu.memory_space<vmem>>) target_semaphore(%dma_start3A_3689 : memref<!tpu.dma_semaphore, #tpu.memory_space<semaphore_mem>>)
        %slice3A_3698 = vector.extract_strided_slice %get3A_2978 {offsets = [10], sizes = [1], strides = [1]} : vector<16xi32> to vector<1xi32>
        %squeeze3A_3699 = vector.extract %slice3A_3698[0] : i32 from vector<1xi32>
        %shift_right_arithmetic3A_3700 = arith.constant 3 : i32
        %shift_right_arithmetic3A_3701 = arith.shrsi %squeeze3A_3699, %shift_right_arithmetic3A_3700 : i32
        %dma_start3A_3702 = arith.constant 10 : i32
        %dma_start3A_3703 = arith.constant 0 : i32
        %dma_start3A_3704 = arith.constant 0 : i32
        %dma_start3A_3705 = tpu.memref_slice %arg12[%rem3A_1220, %dma_start3A_3702, %dma_start3A_3703, %dma_start3A_3704] : memref<2x16x8x64xf32, #tpu.memory_space<vmem>> -> memref<1x1x8x64xf32, #tpu.memory_space<vmem>>
        %dma_start3A_3706 = tpu.memref_squeeze %dma_start3A_3705 : memref<1x1x8x64xf32, #tpu.memory_space<vmem>> -> memref<8x64xf32, #tpu.memory_space<vmem>>
        %dma_start3A_3707 = arith.constant 0 : i32
        %dma_start3A_3708 = arith.constant 0 : i32
        %dma_start3A_3709 = tpu.memref_slice %arg5[%shift_right_arithmetic3A_3701, %dma_start3A_3707, %dma_start3A_3708] : memref<125000x8x64xf32, #tpu.memory_space<hbm>> -> memref<1x8x64xf32, #tpu.memory_space<hbm>>
        %dma_start3A_3710 = tpu.memref_squeeze %dma_start3A_3709 : memref<1x8x64xf32, #tpu.memory_space<hbm>> -> memref<8x64xf32, #tpu.memory_space<hbm>>
        %dma_start3A_3711 = tpu.memref_slice %arg15[%rem3A_1220] : memref<2x!tpu.dma_semaphore, #tpu.memory_space<semaphore_mem>> -> memref<1x!tpu.dma_semaphore, #tpu.memory_space<semaphore_mem>>
        %dma_start3A_3712 = tpu.memref_squeeze %dma_start3A_3711 : memref<1x!tpu.dma_semaphore, #tpu.memory_space<semaphore_mem>> -> memref<!tpu.dma_semaphore, #tpu.memory_space<semaphore_mem>>
        %dma_start3A_3713 = arith.constant 0 : i32
        %dma_start3A_3714 = arith.constant 0 : i32
        %dma_start3A_3715 = tpu.memref_slice %arg12[%rem3A_1220, %dma_start3A_3702, %dma_start3A_3713, %dma_start3A_3714] : memref<2x16x8x64xf32, #tpu.memory_space<vmem>> -> memref<1x1x8x64xf32, #tpu.memory_space<vmem>>
        %dma_start3A_3716 = tpu.memref_squeeze %dma_start3A_3715 : memref<1x1x8x64xf32, #tpu.memory_space<vmem>> -> memref<8x64xf32, #tpu.memory_space<vmem>>
        %dma_start3A_3717 = arith.constant 0 : i32
        %dma_start3A_3718 = arith.constant 0 : i32
        %dma_start3A_3719 = tpu.memref_slice %arg5[%shift_right_arithmetic3A_3701, %dma_start3A_3717, %dma_start3A_3718] : memref<125000x8x64xf32, #tpu.memory_space<hbm>> -> memref<1x8x64xf32, #tpu.memory_space<hbm>>
        %dma_start3A_3720 = tpu.memref_squeeze %dma_start3A_3719 : memref<1x8x64xf32, #tpu.memory_space<hbm>> -> memref<8x64xf32, #tpu.memory_space<hbm>>
        tpu.enqueue_dma source(%dma_start3A_3720 : memref<8x64xf32, #tpu.memory_space<hbm>>) target(%dma_start3A_3716 : memref<8x64xf32, #tpu.memory_space<vmem>>) target_semaphore(%dma_start3A_3712 : memref<!tpu.dma_semaphore, #tpu.memory_space<semaphore_mem>>)
        %slice3A_3721 = vector.extract_strided_slice %get3A_2984 {offsets = [10], sizes = [1], strides = [1]} : vector<16xi32> to vector<1xi32>
        %squeeze3A_3722 = vector.extract %slice3A_3721[0] : i32 from vector<1xi32>
        %shift_right_arithmetic3A_3723 = arith.constant 3 : i32
        %shift_right_arithmetic3A_3724 = arith.shrsi %squeeze3A_3722, %shift_right_arithmetic3A_3723 : i32
        %dma_start3A_3725 = arith.constant 10 : i32
        %dma_start3A_3726 = arith.constant 0 : i32
        %dma_start3A_3727 = arith.constant 0 : i32
        %dma_start3A_3728 = tpu.memref_slice %arg13[%rem3A_1220, %dma_start3A_3725, %dma_start3A_3726, %dma_start3A_3727] : memref<2x16x8x64xf32, #tpu.memory_space<vmem>> -> memref<1x1x8x64xf32, #tpu.memory_space<vmem>>
        %dma_start3A_3729 = tpu.memref_squeeze %dma_start3A_3728 : memref<1x1x8x64xf32, #tpu.memory_space<vmem>> -> memref<8x64xf32, #tpu.memory_space<vmem>>
        %dma_start3A_3730 = arith.constant 0 : i32
        %dma_start3A_3731 = arith.constant 0 : i32
        %dma_start3A_3732 = tpu.memref_slice %arg6[%shift_right_arithmetic3A_3724, %dma_start3A_3730, %dma_start3A_3731] : memref<125x8x64xf32, #tpu.memory_space<hbm>> -> memref<1x8x64xf32, #tpu.memory_space<hbm>>
        %dma_start3A_3733 = tpu.memref_squeeze %dma_start3A_3732 : memref<1x8x64xf32, #tpu.memory_space<hbm>> -> memref<8x64xf32, #tpu.memory_space<hbm>>
        %dma_start3A_3734 = tpu.memref_slice %arg15[%rem3A_1220] : memref<2x!tpu.dma_semaphore, #tpu.memory_space<semaphore_mem>> -> memref<1x!tpu.dma_semaphore, #tpu.memory_space<semaphore_mem>>
        %dma_start3A_3735 = tpu.memref_squeeze %dma_start3A_3734 : memref<1x!tpu.dma_semaphore, #tpu.memory_space<semaphore_mem>> -> memref<!tpu.dma_semaphore, #tpu.memory_space<semaphore_mem>>
        %dma_start3A_3736 = arith.constant 0 : i32
        %dma_start3A_3737 = arith.constant 0 : i32
        %dma_start3A_3738 = tpu.memref_slice %arg13[%rem3A_1220, %dma_start3A_3725, %dma_start3A_3736, %dma_start3A_3737] : memref<2x16x8x64xf32, #tpu.memory_space<vmem>> -> memref<1x1x8x64xf32, #tpu.memory_space<vmem>>
        %dma_start3A_3739 = tpu.memref_squeeze %dma_start3A_3738 : memref<1x1x8x64xf32, #tpu.memory_space<vmem>> -> memref<8x64xf32, #tpu.memory_space<vmem>>
        %dma_start3A_3740 = arith.constant 0 : i32
        %dma_start3A_3741 = arith.constant 0 : i32
        %dma_start3A_3742 = tpu.memref_slice %arg6[%shift_right_arithmetic3A_3724, %dma_start3A_3740, %dma_start3A_3741] : memref<125x8x64xf32, #tpu.memory_space<hbm>> -> memref<1x8x64xf32, #tpu.memory_space<hbm>>
        %dma_start3A_3743 = tpu.memref_squeeze %dma_start3A_3742 : memref<1x8x64xf32, #tpu.memory_space<hbm>> -> memref<8x64xf32, #tpu.memory_space<hbm>>
        tpu.enqueue_dma source(%dma_start3A_3743 : memref<8x64xf32, #tpu.memory_space<hbm>>) target(%dma_start3A_3739 : memref<8x64xf32, #tpu.memory_space<vmem>>) target_semaphore(%dma_start3A_3735 : memref<!tpu.dma_semaphore, #tpu.memory_space<semaphore_mem>>)
        %slice3A_3744 = vector.extract_strided_slice %get3A_2972 {offsets = [11], sizes = [1], strides = [1]} : vector<16xi32> to vector<1xi32>
        %squeeze3A_3745 = vector.extract %slice3A_3744[0] : i32 from vector<1xi32>
        %shift_right_arithmetic3A_3746 = arith.constant 3 : i32
        %shift_right_arithmetic3A_3747 = arith.shrsi %squeeze3A_3745, %shift_right_arithmetic3A_3746 : i32
        %dma_start3A_3748 = arith.constant 11 : i32
        %dma_start3A_3749 = arith.constant 0 : i32
        %dma_start3A_3750 = arith.constant 0 : i32
        %dma_start3A_3751 = tpu.memref_slice %arg11[%rem3A_1220, %dma_start3A_3748, %dma_start3A_3749, %dma_start3A_3750] : memref<2x16x8x64xf32, #tpu.memory_space<vmem>> -> memref<1x1x8x64xf32, #tpu.memory_space<vmem>>
        %dma_start3A_3752 = tpu.memref_squeeze %dma_start3A_3751 : memref<1x1x8x64xf32, #tpu.memory_space<vmem>> -> memref<8x64xf32, #tpu.memory_space<vmem>>
        %dma_start3A_3753 = arith.constant 0 : i32
        %dma_start3A_3754 = arith.constant 0 : i32
        %dma_start3A_3755 = tpu.memref_slice %arg5[%shift_right_arithmetic3A_3747, %dma_start3A_3753, %dma_start3A_3754] : memref<125000x8x64xf32, #tpu.memory_space<hbm>> -> memref<1x8x64xf32, #tpu.memory_space<hbm>>
        %dma_start3A_3756 = tpu.memref_squeeze %dma_start3A_3755 : memref<1x8x64xf32, #tpu.memory_space<hbm>> -> memref<8x64xf32, #tpu.memory_space<hbm>>
        %dma_start3A_3757 = tpu.memref_slice %arg15[%rem3A_1220] : memref<2x!tpu.dma_semaphore, #tpu.memory_space<semaphore_mem>> -> memref<1x!tpu.dma_semaphore, #tpu.memory_space<semaphore_mem>>
        %dma_start3A_3758 = tpu.memref_squeeze %dma_start3A_3757 : memref<1x!tpu.dma_semaphore, #tpu.memory_space<semaphore_mem>> -> memref<!tpu.dma_semaphore, #tpu.memory_space<semaphore_mem>>
        %dma_start3A_3759 = arith.constant 0 : i32
        %dma_start3A_3760 = arith.constant 0 : i32
        %dma_start3A_3761 = tpu.memref_slice %arg11[%rem3A_1220, %dma_start3A_3748, %dma_start3A_3759, %dma_start3A_3760] : memref<2x16x8x64xf32, #tpu.memory_space<vmem>> -> memref<1x1x8x64xf32, #tpu.memory_space<vmem>>
        %dma_start3A_3762 = tpu.memref_squeeze %dma_start3A_3761 : memref<1x1x8x64xf32, #tpu.memory_space<vmem>> -> memref<8x64xf32, #tpu.memory_space<vmem>>
        %dma_start3A_3763 = arith.constant 0 : i32
        %dma_start3A_3764 = arith.constant 0 : i32
        %dma_start3A_3765 = tpu.memref_slice %arg5[%shift_right_arithmetic3A_3747, %dma_start3A_3763, %dma_start3A_3764] : memref<125000x8x64xf32, #tpu.memory_space<hbm>> -> memref<1x8x64xf32, #tpu.memory_space<hbm>>
        %dma_start3A_3766 = tpu.memref_squeeze %dma_start3A_3765 : memref<1x8x64xf32, #tpu.memory_space<hbm>> -> memref<8x64xf32, #tpu.memory_space<hbm>>
        tpu.enqueue_dma source(%dma_start3A_3766 : memref<8x64xf32, #tpu.memory_space<hbm>>) target(%dma_start3A_3762 : memref<8x64xf32, #tpu.memory_space<vmem>>) target_semaphore(%dma_start3A_3758 : memref<!tpu.dma_semaphore, #tpu.memory_space<semaphore_mem>>)
        %slice3A_3767 = vector.extract_strided_slice %get3A_2978 {offsets = [11], sizes = [1], strides = [1]} : vector<16xi32> to vector<1xi32>
        %squeeze3A_3768 = vector.extract %slice3A_3767[0] : i32 from vector<1xi32>
        %shift_right_arithmetic3A_3769 = arith.constant 3 : i32
        %shift_right_arithmetic3A_3770 = arith.shrsi %squeeze3A_3768, %shift_right_arithmetic3A_3769 : i32
        %dma_start3A_3771 = arith.constant 11 : i32
        %dma_start3A_3772 = arith.constant 0 : i32
        %dma_start3A_3773 = arith.constant 0 : i32
        %dma_start3A_3774 = tpu.memref_slice %arg12[%rem3A_1220, %dma_start3A_3771, %dma_start3A_3772, %dma_start3A_3773] : memref<2x16x8x64xf32, #tpu.memory_space<vmem>> -> memref<1x1x8x64xf32, #tpu.memory_space<vmem>>
        %dma_start3A_3775 = tpu.memref_squeeze %dma_start3A_3774 : memref<1x1x8x64xf32, #tpu.memory_space<vmem>> -> memref<8x64xf32, #tpu.memory_space<vmem>>
        %dma_start3A_3776 = arith.constant 0 : i32
        %dma_start3A_3777 = arith.constant 0 : i32
        %dma_start3A_3778 = tpu.memref_slice %arg5[%shift_right_arithmetic3A_3770, %dma_start3A_3776, %dma_start3A_3777] : memref<125000x8x64xf32, #tpu.memory_space<hbm>> -> memref<1x8x64xf32, #tpu.memory_space<hbm>>
        %dma_start3A_3779 = tpu.memref_squeeze %dma_start3A_3778 : memref<1x8x64xf32, #tpu.memory_space<hbm>> -> memref<8x64xf32, #tpu.memory_space<hbm>>
        %dma_start3A_3780 = tpu.memref_slice %arg15[%rem3A_1220] : memref<2x!tpu.dma_semaphore, #tpu.memory_space<semaphore_mem>> -> memref<1x!tpu.dma_semaphore, #tpu.memory_space<semaphore_mem>>
        %dma_start3A_3781 = tpu.memref_squeeze %dma_start3A_3780 : memref<1x!tpu.dma_semaphore, #tpu.memory_space<semaphore_mem>> -> memref<!tpu.dma_semaphore, #tpu.memory_space<semaphore_mem>>
        %dma_start3A_3782 = arith.constant 0 : i32
        %dma_start3A_3783 = arith.constant 0 : i32
        %dma_start3A_3784 = tpu.memref_slice %arg12[%rem3A_1220, %dma_start3A_3771, %dma_start3A_3782, %dma_start3A_3783] : memref<2x16x8x64xf32, #tpu.memory_space<vmem>> -> memref<1x1x8x64xf32, #tpu.memory_space<vmem>>
        %dma_start3A_3785 = tpu.memref_squeeze %dma_start3A_3784 : memref<1x1x8x64xf32, #tpu.memory_space<vmem>> -> memref<8x64xf32, #tpu.memory_space<vmem>>
        %dma_start3A_3786 = arith.constant 0 : i32
        %dma_start3A_3787 = arith.constant 0 : i32
        %dma_start3A_3788 = tpu.memref_slice %arg5[%shift_right_arithmetic3A_3770, %dma_start3A_3786, %dma_start3A_3787] : memref<125000x8x64xf32, #tpu.memory_space<hbm>> -> memref<1x8x64xf32, #tpu.memory_space<hbm>>
        %dma_start3A_3789 = tpu.memref_squeeze %dma_start3A_3788 : memref<1x8x64xf32, #tpu.memory_space<hbm>> -> memref<8x64xf32, #tpu.memory_space<hbm>>
        tpu.enqueue_dma source(%dma_start3A_3789 : memref<8x64xf32, #tpu.memory_space<hbm>>) target(%dma_start3A_3785 : memref<8x64xf32, #tpu.memory_space<vmem>>) target_semaphore(%dma_start3A_3781 : memref<!tpu.dma_semaphore, #tpu.memory_space<semaphore_mem>>)
        %slice3A_3790 = vector.extract_strided_slice %get3A_2984 {offsets = [11], sizes = [1], strides = [1]} : vector<16xi32> to vector<1xi32>
        %squeeze3A_3791 = vector.extract %slice3A_3790[0] : i32 from vector<1xi32>
        %shift_right_arithmetic3A_3792 = arith.constant 3 : i32
        %shift_right_arithmetic3A_3793 = arith.shrsi %squeeze3A_3791, %shift_right_arithmetic3A_3792 : i32
        %dma_start3A_3794 = arith.constant 11 : i32
        %dma_start3A_3795 = arith.constant 0 : i32
        %dma_start3A_3796 = arith.constant 0 : i32
        %dma_start3A_3797 = tpu.memref_slice %arg13[%rem3A_1220, %dma_start3A_3794, %dma_start3A_3795, %dma_start3A_3796] : memref<2x16x8x64xf32, #tpu.memory_space<vmem>> -> memref<1x1x8x64xf32, #tpu.memory_space<vmem>>
        %dma_start3A_3798 = tpu.memref_squeeze %dma_start3A_3797 : memref<1x1x8x64xf32, #tpu.memory_space<vmem>> -> memref<8x64xf32, #tpu.memory_space<vmem>>
        %dma_start3A_3799 = arith.constant 0 : i32
        %dma_start3A_3800 = arith.constant 0 : i32
        %dma_start3A_3801 = tpu.memref_slice %arg6[%shift_right_arithmetic3A_3793, %dma_start3A_3799, %dma_start3A_3800] : memref<125x8x64xf32, #tpu.memory_space<hbm>> -> memref<1x8x64xf32, #tpu.memory_space<hbm>>
        %dma_start3A_3802 = tpu.memref_squeeze %dma_start3A_3801 : memref<1x8x64xf32, #tpu.memory_space<hbm>> -> memref<8x64xf32, #tpu.memory_space<hbm>>
        %dma_start3A_3803 = tpu.memref_slice %arg15[%rem3A_1220] : memref<2x!tpu.dma_semaphore, #tpu.memory_space<semaphore_mem>> -> memref<1x!tpu.dma_semaphore, #tpu.memory_space<semaphore_mem>>
        %dma_start3A_3804 = tpu.memref_squeeze %dma_start3A_3803 : memref<1x!tpu.dma_semaphore, #tpu.memory_space<semaphore_mem>> -> memref<!tpu.dma_semaphore, #tpu.memory_space<semaphore_mem>>
        %dma_start3A_3805 = arith.constant 0 : i32
        %dma_start3A_3806 = arith.constant 0 : i32
        %dma_start3A_3807 = tpu.memref_slice %arg13[%rem3A_1220, %dma_start3A_3794, %dma_start3A_3805, %dma_start3A_3806] : memref<2x16x8x64xf32, #tpu.memory_space<vmem>> -> memref<1x1x8x64xf32, #tpu.memory_space<vmem>>
        %dma_start3A_3808 = tpu.memref_squeeze %dma_start3A_3807 : memref<1x1x8x64xf32, #tpu.memory_space<vmem>> -> memref<8x64xf32, #tpu.memory_space<vmem>>
        %dma_start3A_3809 = arith.constant 0 : i32
        %dma_start3A_3810 = arith.constant 0 : i32
        %dma_start3A_3811 = tpu.memref_slice %arg6[%shift_right_arithmetic3A_3793, %dma_start3A_3809, %dma_start3A_3810] : memref<125x8x64xf32, #tpu.memory_space<hbm>> -> memref<1x8x64xf32, #tpu.memory_space<hbm>>
        %dma_start3A_3812 = tpu.memref_squeeze %dma_start3A_3811 : memref<1x8x64xf32, #tpu.memory_space<hbm>> -> memref<8x64xf32, #tpu.memory_space<hbm>>
        tpu.enqueue_dma source(%dma_start3A_3812 : memref<8x64xf32, #tpu.memory_space<hbm>>) target(%dma_start3A_3808 : memref<8x64xf32, #tpu.memory_space<vmem>>) target_semaphore(%dma_start3A_3804 : memref<!tpu.dma_semaphore, #tpu.memory_space<semaphore_mem>>)
        %slice3A_3813 = vector.extract_strided_slice %get3A_2972 {offsets = [12], sizes = [1], strides = [1]} : vector<16xi32> to vector<1xi32>
        %squeeze3A_3814 = vector.extract %slice3A_3813[0] : i32 from vector<1xi32>
        %shift_right_arithmetic3A_3815 = arith.constant 3 : i32
        %shift_right_arithmetic3A_3816 = arith.shrsi %squeeze3A_3814, %shift_right_arithmetic3A_3815 : i32
        %dma_start3A_3817 = arith.constant 12 : i32
        %dma_start3A_3818 = arith.constant 0 : i32
        %dma_start3A_3819 = arith.constant 0 : i32
        %dma_start3A_3820 = tpu.memref_slice %arg11[%rem3A_1220, %dma_start3A_3817, %dma_start3A_3818, %dma_start3A_3819] : memref<2x16x8x64xf32, #tpu.memory_space<vmem>> -> memref<1x1x8x64xf32, #tpu.memory_space<vmem>>
        %dma_start3A_3821 = tpu.memref_squeeze %dma_start3A_3820 : memref<1x1x8x64xf32, #tpu.memory_space<vmem>> -> memref<8x64xf32, #tpu.memory_space<vmem>>
        %dma_start3A_3822 = arith.constant 0 : i32
        %dma_start3A_3823 = arith.constant 0 : i32
        %dma_start3A_3824 = tpu.memref_slice %arg5[%shift_right_arithmetic3A_3816, %dma_start3A_3822, %dma_start3A_3823] : memref<125000x8x64xf32, #tpu.memory_space<hbm>> -> memref<1x8x64xf32, #tpu.memory_space<hbm>>
        %dma_start3A_3825 = tpu.memref_squeeze %dma_start3A_3824 : memref<1x8x64xf32, #tpu.memory_space<hbm>> -> memref<8x64xf32, #tpu.memory_space<hbm>>
        %dma_start3A_3826 = tpu.memref_slice %arg15[%rem3A_1220] : memref<2x!tpu.dma_semaphore, #tpu.memory_space<semaphore_mem>> -> memref<1x!tpu.dma_semaphore, #tpu.memory_space<semaphore_mem>>
        %dma_start3A_3827 = tpu.memref_squeeze %dma_start3A_3826 : memref<1x!tpu.dma_semaphore, #tpu.memory_space<semaphore_mem>> -> memref<!tpu.dma_semaphore, #tpu.memory_space<semaphore_mem>>
        %dma_start3A_3828 = arith.constant 0 : i32
        %dma_start3A_3829 = arith.constant 0 : i32
        %dma_start3A_3830 = tpu.memref_slice %arg11[%rem3A_1220, %dma_start3A_3817, %dma_start3A_3828, %dma_start3A_3829] : memref<2x16x8x64xf32, #tpu.memory_space<vmem>> -> memref<1x1x8x64xf32, #tpu.memory_space<vmem>>
        %dma_start3A_3831 = tpu.memref_squeeze %dma_start3A_3830 : memref<1x1x8x64xf32, #tpu.memory_space<vmem>> -> memref<8x64xf32, #tpu.memory_space<vmem>>
        %dma_start3A_3832 = arith.constant 0 : i32
        %dma_start3A_3833 = arith.constant 0 : i32
        %dma_start3A_3834 = tpu.memref_slice %arg5[%shift_right_arithmetic3A_3816, %dma_start3A_3832, %dma_start3A_3833] : memref<125000x8x64xf32, #tpu.memory_space<hbm>> -> memref<1x8x64xf32, #tpu.memory_space<hbm>>
        %dma_start3A_3835 = tpu.memref_squeeze %dma_start3A_3834 : memref<1x8x64xf32, #tpu.memory_space<hbm>> -> memref<8x64xf32, #tpu.memory_space<hbm>>
        tpu.enqueue_dma source(%dma_start3A_3835 : memref<8x64xf32, #tpu.memory_space<hbm>>) target(%dma_start3A_3831 : memref<8x64xf32, #tpu.memory_space<vmem>>) target_semaphore(%dma_start3A_3827 : memref<!tpu.dma_semaphore, #tpu.memory_space<semaphore_mem>>)
        %slice3A_3836 = vector.extract_strided_slice %get3A_2978 {offsets = [12], sizes = [1], strides = [1]} : vector<16xi32> to vector<1xi32>
        %squeeze3A_3837 = vector.extract %slice3A_3836[0] : i32 from vector<1xi32>
        %shift_right_arithmetic3A_3838 = arith.constant 3 : i32
        %shift_right_arithmetic3A_3839 = arith.shrsi %squeeze3A_3837, %shift_right_arithmetic3A_3838 : i32
        %dma_start3A_3840 = arith.constant 12 : i32
        %dma_start3A_3841 = arith.constant 0 : i32
        %dma_start3A_3842 = arith.constant 0 : i32
        %dma_start3A_3843 = tpu.memref_slice %arg12[%rem3A_1220, %dma_start3A_3840, %dma_start3A_3841, %dma_start3A_3842] : memref<2x16x8x64xf32, #tpu.memory_space<vmem>> -> memref<1x1x8x64xf32, #tpu.memory_space<vmem>>
        %dma_start3A_3844 = tpu.memref_squeeze %dma_start3A_3843 : memref<1x1x8x64xf32, #tpu.memory_space<vmem>> -> memref<8x64xf32, #tpu.memory_space<vmem>>
        %dma_start3A_3845 = arith.constant 0 : i32
        %dma_start3A_3846 = arith.constant 0 : i32
        %dma_start3A_3847 = tpu.memref_slice %arg5[%shift_right_arithmetic3A_3839, %dma_start3A_3845, %dma_start3A_3846] : memref<125000x8x64xf32, #tpu.memory_space<hbm>> -> memref<1x8x64xf32, #tpu.memory_space<hbm>>
        %dma_start3A_3848 = tpu.memref_squeeze %dma_start3A_3847 : memref<1x8x64xf32, #tpu.memory_space<hbm>> -> memref<8x64xf32, #tpu.memory_space<hbm>>
        %dma_start3A_3849 = tpu.memref_slice %arg15[%rem3A_1220] : memref<2x!tpu.dma_semaphore, #tpu.memory_space<semaphore_mem>> -> memref<1x!tpu.dma_semaphore, #tpu.memory_space<semaphore_mem>>
        %dma_start3A_3850 = tpu.memref_squeeze %dma_start3A_3849 : memref<1x!tpu.dma_semaphore, #tpu.memory_space<semaphore_mem>> -> memref<!tpu.dma_semaphore, #tpu.memory_space<semaphore_mem>>
        %dma_start3A_3851 = arith.constant 0 : i32
        %dma_start3A_3852 = arith.constant 0 : i32
        %dma_start3A_3853 = tpu.memref_slice %arg12[%rem3A_1220, %dma_start3A_3840, %dma_start3A_3851, %dma_start3A_3852] : memref<2x16x8x64xf32, #tpu.memory_space<vmem>> -> memref<1x1x8x64xf32, #tpu.memory_space<vmem>>
        %dma_start3A_3854 = tpu.memref_squeeze %dma_start3A_3853 : memref<1x1x8x64xf32, #tpu.memory_space<vmem>> -> memref<8x64xf32, #tpu.memory_space<vmem>>
        %dma_start3A_3855 = arith.constant 0 : i32
        %dma_start3A_3856 = arith.constant 0 : i32
        %dma_start3A_3857 = tpu.memref_slice %arg5[%shift_right_arithmetic3A_3839, %dma_start3A_3855, %dma_start3A_3856] : memref<125000x8x64xf32, #tpu.memory_space<hbm>> -> memref<1x8x64xf32, #tpu.memory_space<hbm>>
        %dma_start3A_3858 = tpu.memref_squeeze %dma_start3A_3857 : memref<1x8x64xf32, #tpu.memory_space<hbm>> -> memref<8x64xf32, #tpu.memory_space<hbm>>
        tpu.enqueue_dma source(%dma_start3A_3858 : memref<8x64xf32, #tpu.memory_space<hbm>>) target(%dma_start3A_3854 : memref<8x64xf32, #tpu.memory_space<vmem>>) target_semaphore(%dma_start3A_3850 : memref<!tpu.dma_semaphore, #tpu.memory_space<semaphore_mem>>)
        %slice3A_3859 = vector.extract_strided_slice %get3A_2984 {offsets = [12], sizes = [1], strides = [1]} : vector<16xi32> to vector<1xi32>
        %squeeze3A_3860 = vector.extract %slice3A_3859[0] : i32 from vector<1xi32>
        %shift_right_arithmetic3A_3861 = arith.constant 3 : i32
        %shift_right_arithmetic3A_3862 = arith.shrsi %squeeze3A_3860, %shift_right_arithmetic3A_3861 : i32
        %dma_start3A_3863 = arith.constant 12 : i32
        %dma_start3A_3864 = arith.constant 0 : i32
        %dma_start3A_3865 = arith.constant 0 : i32
        %dma_start3A_3866 = tpu.memref_slice %arg13[%rem3A_1220, %dma_start3A_3863, %dma_start3A_3864, %dma_start3A_3865] : memref<2x16x8x64xf32, #tpu.memory_space<vmem>> -> memref<1x1x8x64xf32, #tpu.memory_space<vmem>>
        %dma_start3A_3867 = tpu.memref_squeeze %dma_start3A_3866 : memref<1x1x8x64xf32, #tpu.memory_space<vmem>> -> memref<8x64xf32, #tpu.memory_space<vmem>>
        %dma_start3A_3868 = arith.constant 0 : i32
        %dma_start3A_3869 = arith.constant 0 : i32
        %dma_start3A_3870 = tpu.memref_slice %arg6[%shift_right_arithmetic3A_3862, %dma_start3A_3868, %dma_start3A_3869] : memref<125x8x64xf32, #tpu.memory_space<hbm>> -> memref<1x8x64xf32, #tpu.memory_space<hbm>>
        %dma_start3A_3871 = tpu.memref_squeeze %dma_start3A_3870 : memref<1x8x64xf32, #tpu.memory_space<hbm>> -> memref<8x64xf32, #tpu.memory_space<hbm>>
        %dma_start3A_3872 = tpu.memref_slice %arg15[%rem3A_1220] : memref<2x!tpu.dma_semaphore, #tpu.memory_space<semaphore_mem>> -> memref<1x!tpu.dma_semaphore, #tpu.memory_space<semaphore_mem>>
        %dma_start3A_3873 = tpu.memref_squeeze %dma_start3A_3872 : memref<1x!tpu.dma_semaphore, #tpu.memory_space<semaphore_mem>> -> memref<!tpu.dma_semaphore, #tpu.memory_space<semaphore_mem>>
        %dma_start3A_3874 = arith.constant 0 : i32
        %dma_start3A_3875 = arith.constant 0 : i32
        %dma_start3A_3876 = tpu.memref_slice %arg13[%rem3A_1220, %dma_start3A_3863, %dma_start3A_3874, %dma_start3A_3875] : memref<2x16x8x64xf32, #tpu.memory_space<vmem>> -> memref<1x1x8x64xf32, #tpu.memory_space<vmem>>
        %dma_start3A_3877 = tpu.memref_squeeze %dma_start3A_3876 : memref<1x1x8x64xf32, #tpu.memory_space<vmem>> -> memref<8x64xf32, #tpu.memory_space<vmem>>
        %dma_start3A_3878 = arith.constant 0 : i32
        %dma_start3A_3879 = arith.constant 0 : i32
        %dma_start3A_3880 = tpu.memref_slice %arg6[%shift_right_arithmetic3A_3862, %dma_start3A_3878, %dma_start3A_3879] : memref<125x8x64xf32, #tpu.memory_space<hbm>> -> memref<1x8x64xf32, #tpu.memory_space<hbm>>
        %dma_start3A_3881 = tpu.memref_squeeze %dma_start3A_3880 : memref<1x8x64xf32, #tpu.memory_space<hbm>> -> memref<8x64xf32, #tpu.memory_space<hbm>>
        tpu.enqueue_dma source(%dma_start3A_3881 : memref<8x64xf32, #tpu.memory_space<hbm>>) target(%dma_start3A_3877 : memref<8x64xf32, #tpu.memory_space<vmem>>) target_semaphore(%dma_start3A_3873 : memref<!tpu.dma_semaphore, #tpu.memory_space<semaphore_mem>>)
        %slice3A_3882 = vector.extract_strided_slice %get3A_2972 {offsets = [13], sizes = [1], strides = [1]} : vector<16xi32> to vector<1xi32>
        %squeeze3A_3883 = vector.extract %slice3A_3882[0] : i32 from vector<1xi32>
        %shift_right_arithmetic3A_3884 = arith.constant 3 : i32
        %shift_right_arithmetic3A_3885 = arith.shrsi %squeeze3A_3883, %shift_right_arithmetic3A_3884 : i32
        %dma_start3A_3886 = arith.constant 13 : i32
        %dma_start3A_3887 = arith.constant 0 : i32
        %dma_start3A_3888 = arith.constant 0 : i32
        %dma_start3A_3889 = tpu.memref_slice %arg11[%rem3A_1220, %dma_start3A_3886, %dma_start3A_3887, %dma_start3A_3888] : memref<2x16x8x64xf32, #tpu.memory_space<vmem>> -> memref<1x1x8x64xf32, #tpu.memory_space<vmem>>
        %dma_start3A_3890 = tpu.memref_squeeze %dma_start3A_3889 : memref<1x1x8x64xf32, #tpu.memory_space<vmem>> -> memref<8x64xf32, #tpu.memory_space<vmem>>
        %dma_start3A_3891 = arith.constant 0 : i32
        %dma_start3A_3892 = arith.constant 0 : i32
        %dma_start3A_3893 = tpu.memref_slice %arg5[%shift_right_arithmetic3A_3885, %dma_start3A_3891, %dma_start3A_3892] : memref<125000x8x64xf32, #tpu.memory_space<hbm>> -> memref<1x8x64xf32, #tpu.memory_space<hbm>>
        %dma_start3A_3894 = tpu.memref_squeeze %dma_start3A_3893 : memref<1x8x64xf32, #tpu.memory_space<hbm>> -> memref<8x64xf32, #tpu.memory_space<hbm>>
        %dma_start3A_3895 = tpu.memref_slice %arg15[%rem3A_1220] : memref<2x!tpu.dma_semaphore, #tpu.memory_space<semaphore_mem>> -> memref<1x!tpu.dma_semaphore, #tpu.memory_space<semaphore_mem>>
        %dma_start3A_3896 = tpu.memref_squeeze %dma_start3A_3895 : memref<1x!tpu.dma_semaphore, #tpu.memory_space<semaphore_mem>> -> memref<!tpu.dma_semaphore, #tpu.memory_space<semaphore_mem>>
        %dma_start3A_3897 = arith.constant 0 : i32
        %dma_start3A_3898 = arith.constant 0 : i32
        %dma_start3A_3899 = tpu.memref_slice %arg11[%rem3A_1220, %dma_start3A_3886, %dma_start3A_3897, %dma_start3A_3898] : memref<2x16x8x64xf32, #tpu.memory_space<vmem>> -> memref<1x1x8x64xf32, #tpu.memory_space<vmem>>
        %dma_start3A_3900 = tpu.memref_squeeze %dma_start3A_3899 : memref<1x1x8x64xf32, #tpu.memory_space<vmem>> -> memref<8x64xf32, #tpu.memory_space<vmem>>
        %dma_start3A_3901 = arith.constant 0 : i32
        %dma_start3A_3902 = arith.constant 0 : i32
        %dma_start3A_3903 = tpu.memref_slice %arg5[%shift_right_arithmetic3A_3885, %dma_start3A_3901, %dma_start3A_3902] : memref<125000x8x64xf32, #tpu.memory_space<hbm>> -> memref<1x8x64xf32, #tpu.memory_space<hbm>>
        %dma_start3A_3904 = tpu.memref_squeeze %dma_start3A_3903 : memref<1x8x64xf32, #tpu.memory_space<hbm>> -> memref<8x64xf32, #tpu.memory_space<hbm>>
        tpu.enqueue_dma source(%dma_start3A_3904 : memref<8x64xf32, #tpu.memory_space<hbm>>) target(%dma_start3A_3900 : memref<8x64xf32, #tpu.memory_space<vmem>>) target_semaphore(%dma_start3A_3896 : memref<!tpu.dma_semaphore, #tpu.memory_space<semaphore_mem>>)
        %slice3A_3905 = vector.extract_strided_slice %get3A_2978 {offsets = [13], sizes = [1], strides = [1]} : vector<16xi32> to vector<1xi32>
        %squeeze3A_3906 = vector.extract %slice3A_3905[0] : i32 from vector<1xi32>
        %shift_right_arithmetic3A_3907 = arith.constant 3 : i32
        %shift_right_arithmetic3A_3908 = arith.shrsi %squeeze3A_3906, %shift_right_arithmetic3A_3907 : i32
        %dma_start3A_3909 = arith.constant 13 : i32
        %dma_start3A_3910 = arith.constant 0 : i32
        %dma_start3A_3911 = arith.constant 0 : i32
        %dma_start3A_3912 = tpu.memref_slice %arg12[%rem3A_1220, %dma_start3A_3909, %dma_start3A_3910, %dma_start3A_3911] : memref<2x16x8x64xf32, #tpu.memory_space<vmem>> -> memref<1x1x8x64xf32, #tpu.memory_space<vmem>>
        %dma_start3A_3913 = tpu.memref_squeeze %dma_start3A_3912 : memref<1x1x8x64xf32, #tpu.memory_space<vmem>> -> memref<8x64xf32, #tpu.memory_space<vmem>>
        %dma_start3A_3914 = arith.constant 0 : i32
        %dma_start3A_3915 = arith.constant 0 : i32
        %dma_start3A_3916 = tpu.memref_slice %arg5[%shift_right_arithmetic3A_3908, %dma_start3A_3914, %dma_start3A_3915] : memref<125000x8x64xf32, #tpu.memory_space<hbm>> -> memref<1x8x64xf32, #tpu.memory_space<hbm>>
        %dma_start3A_3917 = tpu.memref_squeeze %dma_start3A_3916 : memref<1x8x64xf32, #tpu.memory_space<hbm>> -> memref<8x64xf32, #tpu.memory_space<hbm>>
        %dma_start3A_3918 = tpu.memref_slice %arg15[%rem3A_1220] : memref<2x!tpu.dma_semaphore, #tpu.memory_space<semaphore_mem>> -> memref<1x!tpu.dma_semaphore, #tpu.memory_space<semaphore_mem>>
        %dma_start3A_3919 = tpu.memref_squeeze %dma_start3A_3918 : memref<1x!tpu.dma_semaphore, #tpu.memory_space<semaphore_mem>> -> memref<!tpu.dma_semaphore, #tpu.memory_space<semaphore_mem>>
        %dma_start3A_3920 = arith.constant 0 : i32
        %dma_start3A_3921 = arith.constant 0 : i32
        %dma_start3A_3922 = tpu.memref_slice %arg12[%rem3A_1220, %dma_start3A_3909, %dma_start3A_3920, %dma_start3A_3921] : memref<2x16x8x64xf32, #tpu.memory_space<vmem>> -> memref<1x1x8x64xf32, #tpu.memory_space<vmem>>
        %dma_start3A_3923 = tpu.memref_squeeze %dma_start3A_3922 : memref<1x1x8x64xf32, #tpu.memory_space<vmem>> -> memref<8x64xf32, #tpu.memory_space<vmem>>
        %dma_start3A_3924 = arith.constant 0 : i32
        %dma_start3A_3925 = arith.constant 0 : i32
        %dma_start3A_3926 = tpu.memref_slice %arg5[%shift_right_arithmetic3A_3908, %dma_start3A_3924, %dma_start3A_3925] : memref<125000x8x64xf32, #tpu.memory_space<hbm>> -> memref<1x8x64xf32, #tpu.memory_space<hbm>>
        %dma_start3A_3927 = tpu.memref_squeeze %dma_start3A_3926 : memref<1x8x64xf32, #tpu.memory_space<hbm>> -> memref<8x64xf32, #tpu.memory_space<hbm>>
        tpu.enqueue_dma source(%dma_start3A_3927 : memref<8x64xf32, #tpu.memory_space<hbm>>) target(%dma_start3A_3923 : memref<8x64xf32, #tpu.memory_space<vmem>>) target_semaphore(%dma_start3A_3919 : memref<!tpu.dma_semaphore, #tpu.memory_space<semaphore_mem>>)
        %slice3A_3928 = vector.extract_strided_slice %get3A_2984 {offsets = [13], sizes = [1], strides = [1]} : vector<16xi32> to vector<1xi32>
        %squeeze3A_3929 = vector.extract %slice3A_3928[0] : i32 from vector<1xi32>
        %shift_right_arithmetic3A_3930 = arith.constant 3 : i32
        %shift_right_arithmetic3A_3931 = arith.shrsi %squeeze3A_3929, %shift_right_arithmetic3A_3930 : i32
        %dma_start3A_3932 = arith.constant 13 : i32
        %dma_start3A_3933 = arith.constant 0 : i32
        %dma_start3A_3934 = arith.constant 0 : i32
        %dma_start3A_3935 = tpu.memref_slice %arg13[%rem3A_1220, %dma_start3A_3932, %dma_start3A_3933, %dma_start3A_3934] : memref<2x16x8x64xf32, #tpu.memory_space<vmem>> -> memref<1x1x8x64xf32, #tpu.memory_space<vmem>>
        %dma_start3A_3936 = tpu.memref_squeeze %dma_start3A_3935 : memref<1x1x8x64xf32, #tpu.memory_space<vmem>> -> memref<8x64xf32, #tpu.memory_space<vmem>>
        %dma_start3A_3937 = arith.constant 0 : i32
        %dma_start3A_3938 = arith.constant 0 : i32
        %dma_start3A_3939 = tpu.memref_slice %arg6[%shift_right_arithmetic3A_3931, %dma_start3A_3937, %dma_start3A_3938] : memref<125x8x64xf32, #tpu.memory_space<hbm>> -> memref<1x8x64xf32, #tpu.memory_space<hbm>>
        %dma_start3A_3940 = tpu.memref_squeeze %dma_start3A_3939 : memref<1x8x64xf32, #tpu.memory_space<hbm>> -> memref<8x64xf32, #tpu.memory_space<hbm>>
        %dma_start3A_3941 = tpu.memref_slice %arg15[%rem3A_1220] : memref<2x!tpu.dma_semaphore, #tpu.memory_space<semaphore_mem>> -> memref<1x!tpu.dma_semaphore, #tpu.memory_space<semaphore_mem>>
        %dma_start3A_3942 = tpu.memref_squeeze %dma_start3A_3941 : memref<1x!tpu.dma_semaphore, #tpu.memory_space<semaphore_mem>> -> memref<!tpu.dma_semaphore, #tpu.memory_space<semaphore_mem>>
        %dma_start3A_3943 = arith.constant 0 : i32
        %dma_start3A_3944 = arith.constant 0 : i32
        %dma_start3A_3945 = tpu.memref_slice %arg13[%rem3A_1220, %dma_start3A_3932, %dma_start3A_3943, %dma_start3A_3944] : memref<2x16x8x64xf32, #tpu.memory_space<vmem>> -> memref<1x1x8x64xf32, #tpu.memory_space<vmem>>
        %dma_start3A_3946 = tpu.memref_squeeze %dma_start3A_3945 : memref<1x1x8x64xf32, #tpu.memory_space<vmem>> -> memref<8x64xf32, #tpu.memory_space<vmem>>
        %dma_start3A_3947 = arith.constant 0 : i32
        %dma_start3A_3948 = arith.constant 0 : i32
        %dma_start3A_3949 = tpu.memref_slice %arg6[%shift_right_arithmetic3A_3931, %dma_start3A_3947, %dma_start3A_3948] : memref<125x8x64xf32, #tpu.memory_space<hbm>> -> memref<1x8x64xf32, #tpu.memory_space<hbm>>
        %dma_start3A_3950 = tpu.memref_squeeze %dma_start3A_3949 : memref<1x8x64xf32, #tpu.memory_space<hbm>> -> memref<8x64xf32, #tpu.memory_space<hbm>>
        tpu.enqueue_dma source(%dma_start3A_3950 : memref<8x64xf32, #tpu.memory_space<hbm>>) target(%dma_start3A_3946 : memref<8x64xf32, #tpu.memory_space<vmem>>) target_semaphore(%dma_start3A_3942 : memref<!tpu.dma_semaphore, #tpu.memory_space<semaphore_mem>>)
        %slice3A_3951 = vector.extract_strided_slice %get3A_2972 {offsets = [14], sizes = [1], strides = [1]} : vector<16xi32> to vector<1xi32>
        %squeeze3A_3952 = vector.extract %slice3A_3951[0] : i32 from vector<1xi32>
        %shift_right_arithmetic3A_3953 = arith.constant 3 : i32
        %shift_right_arithmetic3A_3954 = arith.shrsi %squeeze3A_3952, %shift_right_arithmetic3A_3953 : i32
        %dma_start3A_3955 = arith.constant 14 : i32
        %dma_start3A_3956 = arith.constant 0 : i32
        %dma_start3A_3957 = arith.constant 0 : i32
        %dma_start3A_3958 = tpu.memref_slice %arg11[%rem3A_1220, %dma_start3A_3955, %dma_start3A_3956, %dma_start3A_3957] : memref<2x16x8x64xf32, #tpu.memory_space<vmem>> -> memref<1x1x8x64xf32, #tpu.memory_space<vmem>>
        %dma_start3A_3959 = tpu.memref_squeeze %dma_start3A_3958 : memref<1x1x8x64xf32, #tpu.memory_space<vmem>> -> memref<8x64xf32, #tpu.memory_space<vmem>>
        %dma_start3A_3960 = arith.constant 0 : i32
        %dma_start3A_3961 = arith.constant 0 : i32
        %dma_start3A_3962 = tpu.memref_slice %arg5[%shift_right_arithmetic3A_3954, %dma_start3A_3960, %dma_start3A_3961] : memref<125000x8x64xf32, #tpu.memory_space<hbm>> -> memref<1x8x64xf32, #tpu.memory_space<hbm>>
        %dma_start3A_3963 = tpu.memref_squeeze %dma_start3A_3962 : memref<1x8x64xf32, #tpu.memory_space<hbm>> -> memref<8x64xf32, #tpu.memory_space<hbm>>
        %dma_start3A_3964 = tpu.memref_slice %arg15[%rem3A_1220] : memref<2x!tpu.dma_semaphore, #tpu.memory_space<semaphore_mem>> -> memref<1x!tpu.dma_semaphore, #tpu.memory_space<semaphore_mem>>
        %dma_start3A_3965 = tpu.memref_squeeze %dma_start3A_3964 : memref<1x!tpu.dma_semaphore, #tpu.memory_space<semaphore_mem>> -> memref<!tpu.dma_semaphore, #tpu.memory_space<semaphore_mem>>
        %dma_start3A_3966 = arith.constant 0 : i32
        %dma_start3A_3967 = arith.constant 0 : i32
        %dma_start3A_3968 = tpu.memref_slice %arg11[%rem3A_1220, %dma_start3A_3955, %dma_start3A_3966, %dma_start3A_3967] : memref<2x16x8x64xf32, #tpu.memory_space<vmem>> -> memref<1x1x8x64xf32, #tpu.memory_space<vmem>>
        %dma_start3A_3969 = tpu.memref_squeeze %dma_start3A_3968 : memref<1x1x8x64xf32, #tpu.memory_space<vmem>> -> memref<8x64xf32, #tpu.memory_space<vmem>>
        %dma_start3A_3970 = arith.constant 0 : i32
        %dma_start3A_3971 = arith.constant 0 : i32
        %dma_start3A_3972 = tpu.memref_slice %arg5[%shift_right_arithmetic3A_3954, %dma_start3A_3970, %dma_start3A_3971] : memref<125000x8x64xf32, #tpu.memory_space<hbm>> -> memref<1x8x64xf32, #tpu.memory_space<hbm>>
        %dma_start3A_3973 = tpu.memref_squeeze %dma_start3A_3972 : memref<1x8x64xf32, #tpu.memory_space<hbm>> -> memref<8x64xf32, #tpu.memory_space<hbm>>
        tpu.enqueue_dma source(%dma_start3A_3973 : memref<8x64xf32, #tpu.memory_space<hbm>>) target(%dma_start3A_3969 : memref<8x64xf32, #tpu.memory_space<vmem>>) target_semaphore(%dma_start3A_3965 : memref<!tpu.dma_semaphore, #tpu.memory_space<semaphore_mem>>)
        %slice3A_3974 = vector.extract_strided_slice %get3A_2978 {offsets = [14], sizes = [1], strides = [1]} : vector<16xi32> to vector<1xi32>
        %squeeze3A_3975 = vector.extract %slice3A_3974[0] : i32 from vector<1xi32>
        %shift_right_arithmetic3A_3976 = arith.constant 3 : i32
        %shift_right_arithmetic3A_3977 = arith.shrsi %squeeze3A_3975, %shift_right_arithmetic3A_3976 : i32
        %dma_start3A_3978 = arith.constant 14 : i32
        %dma_start3A_3979 = arith.constant 0 : i32
        %dma_start3A_3980 = arith.constant 0 : i32
        %dma_start3A_3981 = tpu.memref_slice %arg12[%rem3A_1220, %dma_start3A_3978, %dma_start3A_3979, %dma_start3A_3980] : memref<2x16x8x64xf32, #tpu.memory_space<vmem>> -> memref<1x1x8x64xf32, #tpu.memory_space<vmem>>
        %dma_start3A_3982 = tpu.memref_squeeze %dma_start3A_3981 : memref<1x1x8x64xf32, #tpu.memory_space<vmem>> -> memref<8x64xf32, #tpu.memory_space<vmem>>
        %dma_start3A_3983 = arith.constant 0 : i32
        %dma_start3A_3984 = arith.constant 0 : i32
        %dma_start3A_3985 = tpu.memref_slice %arg5[%shift_right_arithmetic3A_3977, %dma_start3A_3983, %dma_start3A_3984] : memref<125000x8x64xf32, #tpu.memory_space<hbm>> -> memref<1x8x64xf32, #tpu.memory_space<hbm>>
        %dma_start3A_3986 = tpu.memref_squeeze %dma_start3A_3985 : memref<1x8x64xf32, #tpu.memory_space<hbm>> -> memref<8x64xf32, #tpu.memory_space<hbm>>
        %dma_start3A_3987 = tpu.memref_slice %arg15[%rem3A_1220] : memref<2x!tpu.dma_semaphore, #tpu.memory_space<semaphore_mem>> -> memref<1x!tpu.dma_semaphore, #tpu.memory_space<semaphore_mem>>
        %dma_start3A_3988 = tpu.memref_squeeze %dma_start3A_3987 : memref<1x!tpu.dma_semaphore, #tpu.memory_space<semaphore_mem>> -> memref<!tpu.dma_semaphore, #tpu.memory_space<semaphore_mem>>
        %dma_start3A_3989 = arith.constant 0 : i32
        %dma_start3A_3990 = arith.constant 0 : i32
        %dma_start3A_3991 = tpu.memref_slice %arg12[%rem3A_1220, %dma_start3A_3978, %dma_start3A_3989, %dma_start3A_3990] : memref<2x16x8x64xf32, #tpu.memory_space<vmem>> -> memref<1x1x8x64xf32, #tpu.memory_space<vmem>>
        %dma_start3A_3992 = tpu.memref_squeeze %dma_start3A_3991 : memref<1x1x8x64xf32, #tpu.memory_space<vmem>> -> memref<8x64xf32, #tpu.memory_space<vmem>>
        %dma_start3A_3993 = arith.constant 0 : i32
        %dma_start3A_3994 = arith.constant 0 : i32
        %dma_start3A_3995 = tpu.memref_slice %arg5[%shift_right_arithmetic3A_3977, %dma_start3A_3993, %dma_start3A_3994] : memref<125000x8x64xf32, #tpu.memory_space<hbm>> -> memref<1x8x64xf32, #tpu.memory_space<hbm>>
        %dma_start3A_3996 = tpu.memref_squeeze %dma_start3A_3995 : memref<1x8x64xf32, #tpu.memory_space<hbm>> -> memref<8x64xf32, #tpu.memory_space<hbm>>
        tpu.enqueue_dma source(%dma_start3A_3996 : memref<8x64xf32, #tpu.memory_space<hbm>>) target(%dma_start3A_3992 : memref<8x64xf32, #tpu.memory_space<vmem>>) target_semaphore(%dma_start3A_3988 : memref<!tpu.dma_semaphore, #tpu.memory_space<semaphore_mem>>)
        %slice3A_3997 = vector.extract_strided_slice %get3A_2984 {offsets = [14], sizes = [1], strides = [1]} : vector<16xi32> to vector<1xi32>
        %squeeze3A_3998 = vector.extract %slice3A_3997[0] : i32 from vector<1xi32>
        %shift_right_arithmetic3A_3999 = arith.constant 3 : i32
        %shift_right_arithmetic3A_4000 = arith.shrsi %squeeze3A_3998, %shift_right_arithmetic3A_3999 : i32
        %dma_start3A_4001 = arith.constant 14 : i32
        %dma_start3A_4002 = arith.constant 0 : i32
        %dma_start3A_4003 = arith.constant 0 : i32
        %dma_start3A_4004 = tpu.memref_slice %arg13[%rem3A_1220, %dma_start3A_4001, %dma_start3A_4002, %dma_start3A_4003] : memref<2x16x8x64xf32, #tpu.memory_space<vmem>> -> memref<1x1x8x64xf32, #tpu.memory_space<vmem>>
        %dma_start3A_4005 = tpu.memref_squeeze %dma_start3A_4004 : memref<1x1x8x64xf32, #tpu.memory_space<vmem>> -> memref<8x64xf32, #tpu.memory_space<vmem>>
        %dma_start3A_4006 = arith.constant 0 : i32
        %dma_start3A_4007 = arith.constant 0 : i32
        %dma_start3A_4008 = tpu.memref_slice %arg6[%shift_right_arithmetic3A_4000, %dma_start3A_4006, %dma_start3A_4007] : memref<125x8x64xf32, #tpu.memory_space<hbm>> -> memref<1x8x64xf32, #tpu.memory_space<hbm>>
        %dma_start3A_4009 = tpu.memref_squeeze %dma_start3A_4008 : memref<1x8x64xf32, #tpu.memory_space<hbm>> -> memref<8x64xf32, #tpu.memory_space<hbm>>
        %dma_start3A_4010 = tpu.memref_slice %arg15[%rem3A_1220] : memref<2x!tpu.dma_semaphore, #tpu.memory_space<semaphore_mem>> -> memref<1x!tpu.dma_semaphore, #tpu.memory_space<semaphore_mem>>
        %dma_start3A_4011 = tpu.memref_squeeze %dma_start3A_4010 : memref<1x!tpu.dma_semaphore, #tpu.memory_space<semaphore_mem>> -> memref<!tpu.dma_semaphore, #tpu.memory_space<semaphore_mem>>
        %dma_start3A_4012 = arith.constant 0 : i32
        %dma_start3A_4013 = arith.constant 0 : i32
        %dma_start3A_4014 = tpu.memref_slice %arg13[%rem3A_1220, %dma_start3A_4001, %dma_start3A_4012, %dma_start3A_4013] : memref<2x16x8x64xf32, #tpu.memory_space<vmem>> -> memref<1x1x8x64xf32, #tpu.memory_space<vmem>>
        %dma_start3A_4015 = tpu.memref_squeeze %dma_start3A_4014 : memref<1x1x8x64xf32, #tpu.memory_space<vmem>> -> memref<8x64xf32, #tpu.memory_space<vmem>>
        %dma_start3A_4016 = arith.constant 0 : i32
        %dma_start3A_4017 = arith.constant 0 : i32
        %dma_start3A_4018 = tpu.memref_slice %arg6[%shift_right_arithmetic3A_4000, %dma_start3A_4016, %dma_start3A_4017] : memref<125x8x64xf32, #tpu.memory_space<hbm>> -> memref<1x8x64xf32, #tpu.memory_space<hbm>>
        %dma_start3A_4019 = tpu.memref_squeeze %dma_start3A_4018 : memref<1x8x64xf32, #tpu.memory_space<hbm>> -> memref<8x64xf32, #tpu.memory_space<hbm>>
        tpu.enqueue_dma source(%dma_start3A_4019 : memref<8x64xf32, #tpu.memory_space<hbm>>) target(%dma_start3A_4015 : memref<8x64xf32, #tpu.memory_space<vmem>>) target_semaphore(%dma_start3A_4011 : memref<!tpu.dma_semaphore, #tpu.memory_space<semaphore_mem>>)
        %slice3A_4020 = vector.extract_strided_slice %get3A_2972 {offsets = [15], sizes = [1], strides = [1]} : vector<16xi32> to vector<1xi32>
        %squeeze3A_4021 = vector.extract %slice3A_4020[0] : i32 from vector<1xi32>
        %shift_right_arithmetic3A_4022 = arith.constant 3 : i32
        %shift_right_arithmetic3A_4023 = arith.shrsi %squeeze3A_4021, %shift_right_arithmetic3A_4022 : i32
        %dma_start3A_4024 = arith.constant 15 : i32
        %dma_start3A_4025 = arith.constant 0 : i32
        %dma_start3A_4026 = arith.constant 0 : i32
        %dma_start3A_4027 = tpu.memref_slice %arg11[%rem3A_1220, %dma_start3A_4024, %dma_start3A_4025, %dma_start3A_4026] : memref<2x16x8x64xf32, #tpu.memory_space<vmem>> -> memref<1x1x8x64xf32, #tpu.memory_space<vmem>>
        %dma_start3A_4028 = tpu.memref_squeeze %dma_start3A_4027 : memref<1x1x8x64xf32, #tpu.memory_space<vmem>> -> memref<8x64xf32, #tpu.memory_space<vmem>>
        %dma_start3A_4029 = arith.constant 0 : i32
        %dma_start3A_4030 = arith.constant 0 : i32
        %dma_start3A_4031 = tpu.memref_slice %arg5[%shift_right_arithmetic3A_4023, %dma_start3A_4029, %dma_start3A_4030] : memref<125000x8x64xf32, #tpu.memory_space<hbm>> -> memref<1x8x64xf32, #tpu.memory_space<hbm>>
        %dma_start3A_4032 = tpu.memref_squeeze %dma_start3A_4031 : memref<1x8x64xf32, #tpu.memory_space<hbm>> -> memref<8x64xf32, #tpu.memory_space<hbm>>
        %dma_start3A_4033 = tpu.memref_slice %arg15[%rem3A_1220] : memref<2x!tpu.dma_semaphore, #tpu.memory_space<semaphore_mem>> -> memref<1x!tpu.dma_semaphore, #tpu.memory_space<semaphore_mem>>
        %dma_start3A_4034 = tpu.memref_squeeze %dma_start3A_4033 : memref<1x!tpu.dma_semaphore, #tpu.memory_space<semaphore_mem>> -> memref<!tpu.dma_semaphore, #tpu.memory_space<semaphore_mem>>
        %dma_start3A_4035 = arith.constant 0 : i32
        %dma_start3A_4036 = arith.constant 0 : i32
        %dma_start3A_4037 = tpu.memref_slice %arg11[%rem3A_1220, %dma_start3A_4024, %dma_start3A_4035, %dma_start3A_4036] : memref<2x16x8x64xf32, #tpu.memory_space<vmem>> -> memref<1x1x8x64xf32, #tpu.memory_space<vmem>>
        %dma_start3A_4038 = tpu.memref_squeeze %dma_start3A_4037 : memref<1x1x8x64xf32, #tpu.memory_space<vmem>> -> memref<8x64xf32, #tpu.memory_space<vmem>>
        %dma_start3A_4039 = arith.constant 0 : i32
        %dma_start3A_4040 = arith.constant 0 : i32
        %dma_start3A_4041 = tpu.memref_slice %arg5[%shift_right_arithmetic3A_4023, %dma_start3A_4039, %dma_start3A_4040] : memref<125000x8x64xf32, #tpu.memory_space<hbm>> -> memref<1x8x64xf32, #tpu.memory_space<hbm>>
        %dma_start3A_4042 = tpu.memref_squeeze %dma_start3A_4041 : memref<1x8x64xf32, #tpu.memory_space<hbm>> -> memref<8x64xf32, #tpu.memory_space<hbm>>
        tpu.enqueue_dma source(%dma_start3A_4042 : memref<8x64xf32, #tpu.memory_space<hbm>>) target(%dma_start3A_4038 : memref<8x64xf32, #tpu.memory_space<vmem>>) target_semaphore(%dma_start3A_4034 : memref<!tpu.dma_semaphore, #tpu.memory_space<semaphore_mem>>)
        %slice3A_4043 = vector.extract_strided_slice %get3A_2978 {offsets = [15], sizes = [1], strides = [1]} : vector<16xi32> to vector<1xi32>
        %squeeze3A_4044 = vector.extract %slice3A_4043[0] : i32 from vector<1xi32>
        %shift_right_arithmetic3A_4045 = arith.constant 3 : i32
        %shift_right_arithmetic3A_4046 = arith.shrsi %squeeze3A_4044, %shift_right_arithmetic3A_4045 : i32
        %dma_start3A_4047 = arith.constant 15 : i32
        %dma_start3A_4048 = arith.constant 0 : i32
        %dma_start3A_4049 = arith.constant 0 : i32
        %dma_start3A_4050 = tpu.memref_slice %arg12[%rem3A_1220, %dma_start3A_4047, %dma_start3A_4048, %dma_start3A_4049] : memref<2x16x8x64xf32, #tpu.memory_space<vmem>> -> memref<1x1x8x64xf32, #tpu.memory_space<vmem>>
        %dma_start3A_4051 = tpu.memref_squeeze %dma_start3A_4050 : memref<1x1x8x64xf32, #tpu.memory_space<vmem>> -> memref<8x64xf32, #tpu.memory_space<vmem>>
        %dma_start3A_4052 = arith.constant 0 : i32
        %dma_start3A_4053 = arith.constant 0 : i32
        %dma_start3A_4054 = tpu.memref_slice %arg5[%shift_right_arithmetic3A_4046, %dma_start3A_4052, %dma_start3A_4053] : memref<125000x8x64xf32, #tpu.memory_space<hbm>> -> memref<1x8x64xf32, #tpu.memory_space<hbm>>
        %dma_start3A_4055 = tpu.memref_squeeze %dma_start3A_4054 : memref<1x8x64xf32, #tpu.memory_space<hbm>> -> memref<8x64xf32, #tpu.memory_space<hbm>>
        %dma_start3A_4056 = tpu.memref_slice %arg15[%rem3A_1220] : memref<2x!tpu.dma_semaphore, #tpu.memory_space<semaphore_mem>> -> memref<1x!tpu.dma_semaphore, #tpu.memory_space<semaphore_mem>>
        %dma_start3A_4057 = tpu.memref_squeeze %dma_start3A_4056 : memref<1x!tpu.dma_semaphore, #tpu.memory_space<semaphore_mem>> -> memref<!tpu.dma_semaphore, #tpu.memory_space<semaphore_mem>>
        %dma_start3A_4058 = arith.constant 0 : i32
        %dma_start3A_4059 = arith.constant 0 : i32
        %dma_start3A_4060 = tpu.memref_slice %arg12[%rem3A_1220, %dma_start3A_4047, %dma_start3A_4058, %dma_start3A_4059] : memref<2x16x8x64xf32, #tpu.memory_space<vmem>> -> memref<1x1x8x64xf32, #tpu.memory_space<vmem>>
        %dma_start3A_4061 = tpu.memref_squeeze %dma_start3A_4060 : memref<1x1x8x64xf32, #tpu.memory_space<vmem>> -> memref<8x64xf32, #tpu.memory_space<vmem>>
        %dma_start3A_4062 = arith.constant 0 : i32
        %dma_start3A_4063 = arith.constant 0 : i32
        %dma_start3A_4064 = tpu.memref_slice %arg5[%shift_right_arithmetic3A_4046, %dma_start3A_4062, %dma_start3A_4063] : memref<125000x8x64xf32, #tpu.memory_space<hbm>> -> memref<1x8x64xf32, #tpu.memory_space<hbm>>
        %dma_start3A_4065 = tpu.memref_squeeze %dma_start3A_4064 : memref<1x8x64xf32, #tpu.memory_space<hbm>> -> memref<8x64xf32, #tpu.memory_space<hbm>>
        tpu.enqueue_dma source(%dma_start3A_4065 : memref<8x64xf32, #tpu.memory_space<hbm>>) target(%dma_start3A_4061 : memref<8x64xf32, #tpu.memory_space<vmem>>) target_semaphore(%dma_start3A_4057 : memref<!tpu.dma_semaphore, #tpu.memory_space<semaphore_mem>>)
        %slice3A_4066 = vector.extract_strided_slice %get3A_2984 {offsets = [15], sizes = [1], strides = [1]} : vector<16xi32> to vector<1xi32>
        %squeeze3A_4067 = vector.extract %slice3A_4066[0] : i32 from vector<1xi32>
        %shift_right_arithmetic3A_4068 = arith.constant 3 : i32
        %shift_right_arithmetic3A_4069 = arith.shrsi %squeeze3A_4067, %shift_right_arithmetic3A_4068 : i32
        %dma_start3A_4070 = arith.constant 15 : i32
        %dma_start3A_4071 = arith.constant 0 : i32
        %dma_start3A_4072 = arith.constant 0 : i32
        %dma_start3A_4073 = tpu.memref_slice %arg13[%rem3A_1220, %dma_start3A_4070, %dma_start3A_4071, %dma_start3A_4072] : memref<2x16x8x64xf32, #tpu.memory_space<vmem>> -> memref<1x1x8x64xf32, #tpu.memory_space<vmem>>
        %dma_start3A_4074 = tpu.memref_squeeze %dma_start3A_4073 : memref<1x1x8x64xf32, #tpu.memory_space<vmem>> -> memref<8x64xf32, #tpu.memory_space<vmem>>
        %dma_start3A_4075 = arith.constant 0 : i32
        %dma_start3A_4076 = arith.constant 0 : i32
        %dma_start3A_4077 = tpu.memref_slice %arg6[%shift_right_arithmetic3A_4069, %dma_start3A_4075, %dma_start3A_4076] : memref<125x8x64xf32, #tpu.memory_space<hbm>> -> memref<1x8x64xf32, #tpu.memory_space<hbm>>
        %dma_start3A_4078 = tpu.memref_squeeze %dma_start3A_4077 : memref<1x8x64xf32, #tpu.memory_space<hbm>> -> memref<8x64xf32, #tpu.memory_space<hbm>>
        %dma_start3A_4079 = tpu.memref_slice %arg15[%rem3A_1220] : memref<2x!tpu.dma_semaphore, #tpu.memory_space<semaphore_mem>> -> memref<1x!tpu.dma_semaphore, #tpu.memory_space<semaphore_mem>>
        %dma_start3A_4080 = tpu.memref_squeeze %dma_start3A_4079 : memref<1x!tpu.dma_semaphore, #tpu.memory_space<semaphore_mem>> -> memref<!tpu.dma_semaphore, #tpu.memory_space<semaphore_mem>>
        %dma_start3A_4081 = arith.constant 0 : i32
        %dma_start3A_4082 = arith.constant 0 : i32
        %dma_start3A_4083 = tpu.memref_slice %arg13[%rem3A_1220, %dma_start3A_4070, %dma_start3A_4081, %dma_start3A_4082] : memref<2x16x8x64xf32, #tpu.memory_space<vmem>> -> memref<1x1x8x64xf32, #tpu.memory_space<vmem>>
        %dma_start3A_4084 = tpu.memref_squeeze %dma_start3A_4083 : memref<1x1x8x64xf32, #tpu.memory_space<vmem>> -> memref<8x64xf32, #tpu.memory_space<vmem>>
        %dma_start3A_4085 = arith.constant 0 : i32
        %dma_start3A_4086 = arith.constant 0 : i32
        %dma_start3A_4087 = tpu.memref_slice %arg6[%shift_right_arithmetic3A_4069, %dma_start3A_4085, %dma_start3A_4086] : memref<125x8x64xf32, #tpu.memory_space<hbm>> -> memref<1x8x64xf32, #tpu.memory_space<hbm>>
        %dma_start3A_4088 = tpu.memref_squeeze %dma_start3A_4087 : memref<1x8x64xf32, #tpu.memory_space<hbm>> -> memref<8x64xf32, #tpu.memory_space<hbm>>
        tpu.enqueue_dma source(%dma_start3A_4088 : memref<8x64xf32, #tpu.memory_space<hbm>>) target(%dma_start3A_4084 : memref<8x64xf32, #tpu.memory_space<vmem>>) target_semaphore(%dma_start3A_4080 : memref<!tpu.dma_semaphore, #tpu.memory_space<semaphore_mem>>)
      } else {
      }
      %scan3A_1225 = arith.constant 0 : i32
      %scan3A_1226 = arith.constant 0 : i32
      %scan3A_1227 = arith.constant 48 : i32
      %scan3A_1228 = arith.addi %scan3A_1226, %scan3A_1227 : i32
      %scan3A_1229 = arith.constant 1 : i32
      %scan3A_1230 = scf.for %scan3A_2965 = %scan3A_1226 to %scan3A_1228 step %scan3A_1229 iter_args(%scan3A_2966 = %scan3A_1225) -> (i32)  : i32 {
        %dma_wait3A = arith.constant 0 : i32
        %dma_wait3A_2967 = arith.constant 0 : i32
        %dma_wait3A_2968 = arith.constant 0 : i32
        %dma_wait3A_2969 = arith.constant 0 : i32
        %dma_wait3A_2970 = tpu.memref_slice %arg11[%rem3A_1216, %dma_wait3A_2967, %dma_wait3A_2968, %dma_wait3A_2969] : memref<2x16x8x64xf32, #tpu.memory_space<vmem>> -> memref<1x1x8x64xf32, #tpu.memory_space<vmem>>
        %dma_wait3A_2971 = tpu.memref_squeeze %dma_wait3A_2970 : memref<1x1x8x64xf32, #tpu.memory_space<vmem>> -> memref<8x64xf32, #tpu.memory_space<vmem>>
        %dma_wait3A_2972 = arith.constant 0 : i32
        %dma_wait3A_2973 = arith.constant 0 : i32
        %dma_wait3A_2974 = tpu.memref_slice %arg5[%dma_wait3A, %dma_wait3A_2972, %dma_wait3A_2973] : memref<125000x8x64xf32, #tpu.memory_space<hbm>> -> memref<1x8x64xf32, #tpu.memory_space<hbm>>
        %dma_wait3A_2975 = tpu.memref_squeeze %dma_wait3A_2974 : memref<1x8x64xf32, #tpu.memory_space<hbm>> -> memref<8x64xf32, #tpu.memory_space<hbm>>
        %dma_wait3A_2976 = tpu.memref_slice %arg15[%rem3A_1216] : memref<2x!tpu.dma_semaphore, #tpu.memory_space<semaphore_mem>> -> memref<1x!tpu.dma_semaphore, #tpu.memory_space<semaphore_mem>>
        %dma_wait3A_2977 = tpu.memref_squeeze %dma_wait3A_2976 : memref<1x!tpu.dma_semaphore, #tpu.memory_space<semaphore_mem>> -> memref<!tpu.dma_semaphore, #tpu.memory_space<semaphore_mem>>
        %dma_wait3A_2978 = arith.constant 0 : i32
        %dma_wait3A_2979 = arith.constant 0 : i32
        %dma_wait3A_2980 = tpu.memref_slice %arg11[%rem3A_1216, %dma_wait3A_2967, %dma_wait3A_2978, %dma_wait3A_2979] : memref<2x16x8x64xf32, #tpu.memory_space<vmem>> -> memref<1x1x8x64xf32, #tpu.memory_space<vmem>>
        %dma_wait3A_2981 = tpu.memref_squeeze %dma_wait3A_2980 : memref<1x1x8x64xf32, #tpu.memory_space<vmem>> -> memref<8x64xf32, #tpu.memory_space<vmem>>
        %dma_wait3A_2982 = arith.constant 0 : i32
        %dma_wait3A_2983 = arith.constant 0 : i32
        %dma_wait3A_2984 = tpu.memref_slice %arg5[%dma_wait3A, %dma_wait3A_2982, %dma_wait3A_2983] : memref<125000x8x64xf32, #tpu.memory_space<hbm>> -> memref<1x8x64xf32, #tpu.memory_space<hbm>>
        %dma_wait3A_2985 = tpu.memref_squeeze %dma_wait3A_2984 : memref<1x8x64xf32, #tpu.memory_space<hbm>> -> memref<8x64xf32, #tpu.memory_space<hbm>>
        tpu.wait_dma2 semaphore(%dma_wait3A_2977 : memref<!tpu.dma_semaphore, #tpu.memory_space<semaphore_mem>>) src(%dma_wait3A_2985 : memref<8x64xf32, #tpu.memory_space<hbm>>) dst(%dma_wait3A_2981 : memref<8x64xf32, #tpu.memory_space<vmem>>)
        %scan3A_2986 = arith.constant 0 : i32
        scf.yield %scan3A_2986 : i32
      }
      %scan3A_1231 = arith.constant 48 : i32
      %mul3A_1232 = arith.constant 16 : i32
      %mul3A_1233 = arith.muli %scan3A_1214, %mul3A_1232 : i32
      %get3A_1234 = arith.constant 0 : i32
      %get3A_1235 = arith.index_cast %get3A_1234 : i32 to index
      %get3A_1236 = arith.index_cast %mul3A_1233 : i32 to index
      %get3A_1237 = tpu.vector_load %arg8[%get3A_1235, %get3A_1236] {strides = array<i32>} : memref<1x512xi32, #tpu.memory_space<vmem>>, vector<16xi32>,
      %mul3A_1238 = arith.constant 16 : i32
      %mul3A_1239 = arith.muli %scan3A_1214, %mul3A_1238 : i32
      %get3A_1240 = arith.constant 0 : i32
      %get3A_1241 = arith.index_cast %get3A_1240 : i32 to index
      %get3A_1242 = arith.index_cast %mul3A_1239 : i32 to index
      %get3A_1243 = tpu.vector_load %arg9[%get3A_1241, %get3A_1242] {strides = array<i32>} : memref<1x512xi32, #tpu.memory_space<vmem>>, vector<16xi32>,
      %mul3A_1244 = arith.constant 16 : i32
      %mul3A_1245 = arith.muli %scan3A_1214, %mul3A_1244 : i32
      %get3A_1246 = arith.constant 0 : i32
      %get3A_1247 = arith.index_cast %get3A_1246 : i32 to index
      %get3A_1248 = arith.index_cast %mul3A_1245 : i32 to index
      %get3A_1249 = tpu.vector_load %arg10[%get3A_1247, %get3A_1248] {strides = array<i32>} : memref<1x512xi32, #tpu.memory_space<vmem>>, vector<16xi32>,
      %broadcast_in_dim3A = arith.constant 0.000000e+00 : f32
      %broadcast_in_dim3A_1250 = vector.broadcast %broadcast_in_dim3A : f32 to vector<16xf32>
      %slice3A_1251 = vector.extract_strided_slice %get3A_1237 {offsets = [0], sizes = [1], strides = [1]} : vector<16xi32> to vector<1xi32>
      %squeeze3A_1252 = vector.extract %slice3A_1251[0] : i32 from vector<1xi32>
      %and3A = arith.constant 7 : i32
      %and3A_1253 = arith.andi %squeeze3A_1252, %and3A : i32
      %slice3A_1254 = vector.extract_strided_slice %get3A_1243 {offsets = [0], sizes = [1], strides = [1]} : vector<16xi32> to vector<1xi32>
      %squeeze3A_1255 = vector.extract %slice3A_1254[0] : i32 from vector<1xi32>
      %and3A_1256 = arith.constant 7 : i32
      %and3A_1257 = arith.andi %squeeze3A_1255, %and3A_1256 : i32
      %slice3A_1258 = vector.extract_strided_slice %get3A_1249 {offsets = [0], sizes = [1], strides = [1]} : vector<16xi32> to vector<1xi32>
      %squeeze3A_1259 = vector.extract %slice3A_1258[0] : i32 from vector<1xi32>
      %and3A_1260 = arith.constant 7 : i32
      %and3A_1261 = arith.andi %squeeze3A_1259, %and3A_1260 : i32
      %broadcast_in_dim3A_1262 = arith.constant 0.000000e+00 : f32
      %broadcast_in_dim3A_1263 = vector.broadcast %broadcast_in_dim3A_1262 : f32 to vector<16xf32>
      %get3A_1264 = arith.constant 0 : i32
      %get3A_1265 = arith.index_cast %rem3A_1216 : i32 to index
      %get3A_1266 = arith.index_cast %get3A_1264 : i32 to index
      %get3A_1267 = arith.index_cast %and3A_1253 : i32 to index
      %get3A_1268 = arith.constant 0 : index
      %get3A_1269 = tpu.vector_load %arg11[%get3A_1265, %get3A_1266, %get3A_1267, %get3A_1268] {strides = array<i32>} : memref<2x16x8x64xf32, #tpu.memory_space<vmem>>, vector<16xf32>,
      %get3A_1270 = arith.constant 0 : i32
      %get3A_1271 = arith.index_cast %rem3A_1216 : i32 to index
      %get3A_1272 = arith.index_cast %get3A_1270 : i32 to index
      %get3A_1273 = arith.index_cast %and3A_1261 : i32 to index
      %get3A_1274 = arith.constant 0 : index
      %get3A_1275 = tpu.vector_load %arg13[%get3A_1271, %get3A_1272, %get3A_1273, %get3A_1274] {strides = array<i32>} : memref<2x16x8x64xf32, #tpu.memory_space<vmem>>, vector<16xf32>,
      %get3A_1276 = arith.constant 0 : i32
      %get3A_1277 = arith.index_cast %rem3A_1216 : i32 to index
      %get3A_1278 = arith.index_cast %get3A_1276 : i32 to index
      %get3A_1279 = arith.index_cast %and3A_1257 : i32 to index
      %get3A_1280 = arith.constant 0 : index
      %get3A_1281 = tpu.vector_load %arg12[%get3A_1277, %get3A_1278, %get3A_1279, %get3A_1280] {strides = array<i32>} : memref<2x16x8x64xf32, #tpu.memory_space<vmem>>, vector<16xf32>,
      %add3A_1282 = arith.addf %get3A_1269, %get3A_1275 : vector<16xf32>
      %mul3A_1283 = arith.mulf %add3A_1282, %get3A_1281 : vector<16xf32>
      %add3A_1284 = arith.addf %broadcast_in_dim3A_1263, %mul3A_1283 : vector<16xf32>
      %get3A_1285 = arith.constant 0 : i32
      %get3A_1286 = arith.index_cast %rem3A_1216 : i32 to index
      %get3A_1287 = arith.index_cast %get3A_1285 : i32 to index
      %get3A_1288 = arith.index_cast %and3A_1253 : i32 to index
      %get3A_1289 = arith.constant 16 : index
      %get3A_1290 = tpu.vector_load %arg11[%get3A_1286, %get3A_1287, %get3A_1288, %get3A_1289] {strides = array<i32>} : memref<2x16x8x64xf32, #tpu.memory_space<vmem>>, vector<16xf32>,
      %get3A_1291 = arith.constant 0 : i32
      %get3A_1292 = arith.index_cast %rem3A_1216 : i32 to index
      %get3A_1293 = arith.index_cast %get3A_1291 : i32 to index
      %get3A_1294 = arith.index_cast %and3A_1261 : i32 to index
      %get3A_1295 = arith.constant 16 : index
      %get3A_1296 = tpu.vector_load %arg13[%get3A_1292, %get3A_1293, %get3A_1294, %get3A_1295] {strides = array<i32>} : memref<2x16x8x64xf32, #tpu.memory_space<vmem>>, vector<16xf32>,
      %get3A_1297 = arith.constant 0 : i32
      %get3A_1298 = arith.index_cast %rem3A_1216 : i32 to index
      %get3A_1299 = arith.index_cast %get3A_1297 : i32 to index
      %get3A_1300 = arith.index_cast %and3A_1257 : i32 to index
      %get3A_1301 = arith.constant 16 : index
      %get3A_1302 = tpu.vector_load %arg12[%get3A_1298, %get3A_1299, %get3A_1300, %get3A_1301] {strides = array<i32>} : memref<2x16x8x64xf32, #tpu.memory_space<vmem>>, vector<16xf32>,
      %add3A_1303 = arith.addf %get3A_1290, %get3A_1296 : vector<16xf32>
      %mul3A_1304 = arith.mulf %add3A_1303, %get3A_1302 : vector<16xf32>
      %add3A_1305 = arith.addf %add3A_1284, %mul3A_1304 : vector<16xf32>
      %get3A_1306 = arith.constant 0 : i32
      %get3A_1307 = arith.index_cast %rem3A_1216 : i32 to index
      %get3A_1308 = arith.index_cast %get3A_1306 : i32 to index
      %get3A_1309 = arith.index_cast %and3A_1253 : i32 to index
      %get3A_1310 = arith.constant 32 : index
      %get3A_1311 = tpu.vector_load %arg11[%get3A_1307, %get3A_1308, %get3A_1309, %get3A_1310] {strides = array<i32>} : memref<2x16x8x64xf32, #tpu.memory_space<vmem>>, vector<16xf32>,
      %get3A_1312 = arith.constant 0 : i32
      %get3A_1313 = arith.index_cast %rem3A_1216 : i32 to index
      %get3A_1314 = arith.index_cast %get3A_1312 : i32 to index
      %get3A_1315 = arith.index_cast %and3A_1261 : i32 to index
      %get3A_1316 = arith.constant 32 : index
      %get3A_1317 = tpu.vector_load %arg13[%get3A_1313, %get3A_1314, %get3A_1315, %get3A_1316] {strides = array<i32>} : memref<2x16x8x64xf32, #tpu.memory_space<vmem>>, vector<16xf32>,
      %get3A_1318 = arith.constant 0 : i32
      %get3A_1319 = arith.index_cast %rem3A_1216 : i32 to index
      %get3A_1320 = arith.index_cast %get3A_1318 : i32 to index
      %get3A_1321 = arith.index_cast %and3A_1257 : i32 to index
      %get3A_1322 = arith.constant 32 : index
      %get3A_1323 = tpu.vector_load %arg12[%get3A_1319, %get3A_1320, %get3A_1321, %get3A_1322] {strides = array<i32>} : memref<2x16x8x64xf32, #tpu.memory_space<vmem>>, vector<16xf32>,
      %add3A_1324 = arith.addf %get3A_1311, %get3A_1317 : vector<16xf32>
      %mul3A_1325 = arith.mulf %add3A_1324, %get3A_1323 : vector<16xf32>
      %add3A_1326 = arith.addf %add3A_1305, %mul3A_1325 : vector<16xf32>
      %get3A_1327 = arith.constant 0 : i32
      %get3A_1328 = arith.index_cast %rem3A_1216 : i32 to index
      %get3A_1329 = arith.index_cast %get3A_1327 : i32 to index
      %get3A_1330 = arith.index_cast %and3A_1253 : i32 to index
      %get3A_1331 = arith.constant 48 : index
      %get3A_1332 = tpu.vector_load %arg11[%get3A_1328, %get3A_1329, %get3A_1330, %get3A_1331] {strides = array<i32>} : memref<2x16x8x64xf32, #tpu.memory_space<vmem>>, vector<16xf32>,
      %get3A_1333 = arith.constant 0 : i32
      %get3A_1334 = arith.index_cast %rem3A_1216 : i32 to index
      %get3A_1335 = arith.index_cast %get3A_1333 : i32 to index
      %get3A_1336 = arith.index_cast %and3A_1261 : i32 to index
      %get3A_1337 = arith.constant 48 : index
      %get3A_1338 = tpu.vector_load %arg13[%get3A_1334, %get3A_1335, %get3A_1336, %get3A_1337] {strides = array<i32>} : memref<2x16x8x64xf32, #tpu.memory_space<vmem>>, vector<16xf32>,
      %get3A_1339 = arith.constant 0 : i32
      %get3A_1340 = arith.index_cast %rem3A_1216 : i32 to index
      %get3A_1341 = arith.index_cast %get3A_1339 : i32 to index
      %get3A_1342 = arith.index_cast %and3A_1257 : i32 to index
      %get3A_1343 = arith.constant 48 : index
      %get3A_1344 = tpu.vector_load %arg12[%get3A_1340, %get3A_1341, %get3A_1342, %get3A_1343] {strides = array<i32>} : memref<2x16x8x64xf32, #tpu.memory_space<vmem>>, vector<16xf32>,
      %add3A_1345 = arith.addf %get3A_1332, %get3A_1338 : vector<16xf32>
      %mul3A_1346 = arith.mulf %add3A_1345, %get3A_1344 : vector<16xf32>
      %add3A_1347 = arith.addf %add3A_1326, %mul3A_1346 : vector<16xf32>
      %eq3A = arith.constant 0 : i32
      %eq3A_1348 = vector.broadcast %eq3A : i32 to vector<16xi32>
      %eq3A_1349 = arith.cmpi eq, %iota3A, %eq3A_1348 : vector<16xi32>
      %reduce_sum3A = arith.constant true
      %reduce_sum3A_1350 = vector.broadcast %reduce_sum3A : i1 to vector<16xi1>
      %reduce_sum3A_1351 = tpu.scan <sum>, %add3A_1347 masked %reduce_sum3A_1350 : vector<16xf32>, vector<16xi1> -> vector<16xf32>
      %reduce_sum3A_1352 = vector.extract %reduce_sum3A_1351[15] : f32 from vector<16xf32>
      %broadcast_in_dim3A_1353 = vector.broadcast %reduce_sum3A_1352 : f32 to vector<16xf32>
      %select_n3A = arith.select %eq3A_1349, %broadcast_in_dim3A_1353, %broadcast_in_dim3A_1250 : vector<16xi1>, vector<16xf32>
      %slice3A_1354 = vector.extract_strided_slice %get3A_1237 {offsets = [1], sizes = [1], strides = [1]} : vector<16xi32> to vector<1xi32>
      %squeeze3A_1355 = vector.extract %slice3A_1354[0] : i32 from vector<1xi32>
      %and3A_1356 = arith.constant 7 : i32
      %and3A_1357 = arith.andi %squeeze3A_1355, %and3A_1356 : i32
      %slice3A_1358 = vector.extract_strided_slice %get3A_1243 {offsets = [1], sizes = [1], strides = [1]} : vector<16xi32> to vector<1xi32>
      %squeeze3A_1359 = vector.extract %slice3A_1358[0] : i32 from vector<1xi32>
      %and3A_1360 = arith.constant 7 : i32
      %and3A_1361 = arith.andi %squeeze3A_1359, %and3A_1360 : i32
      %slice3A_1362 = vector.extract_strided_slice %get3A_1249 {offsets = [1], sizes = [1], strides = [1]} : vector<16xi32> to vector<1xi32>
      %squeeze3A_1363 = vector.extract %slice3A_1362[0] : i32 from vector<1xi32>
      %and3A_1364 = arith.constant 7 : i32
      %and3A_1365 = arith.andi %squeeze3A_1363, %and3A_1364 : i32
      %broadcast_in_dim3A_1366 = arith.constant 0.000000e+00 : f32
      %broadcast_in_dim3A_1367 = vector.broadcast %broadcast_in_dim3A_1366 : f32 to vector<16xf32>
      %get3A_1368 = arith.constant 1 : i32
      %get3A_1369 = arith.index_cast %rem3A_1216 : i32 to index
      %get3A_1370 = arith.index_cast %get3A_1368 : i32 to index
      %get3A_1371 = arith.index_cast %and3A_1357 : i32 to index
      %get3A_1372 = arith.constant 0 : index
      %get3A_1373 = tpu.vector_load %arg11[%get3A_1369, %get3A_1370, %get3A_1371, %get3A_1372] {strides = array<i32>} : memref<2x16x8x64xf32, #tpu.memory_space<vmem>>, vector<16xf32>,
      %get3A_1374 = arith.constant 1 : i32
      %get3A_1375 = arith.index_cast %rem3A_1216 : i32 to index
      %get3A_1376 = arith.index_cast %get3A_1374 : i32 to index
      %get3A_1377 = arith.index_cast %and3A_1365 : i32 to index
      %get3A_1378 = arith.constant 0 : index
      %get3A_1379 = tpu.vector_load %arg13[%get3A_1375, %get3A_1376, %get3A_1377, %get3A_1378] {strides = array<i32>} : memref<2x16x8x64xf32, #tpu.memory_space<vmem>>, vector<16xf32>,
      %get3A_1380 = arith.constant 1 : i32
      %get3A_1381 = arith.index_cast %rem3A_1216 : i32 to index
      %get3A_1382 = arith.index_cast %get3A_1380 : i32 to index
      %get3A_1383 = arith.index_cast %and3A_1361 : i32 to index
      %get3A_1384 = arith.constant 0 : index
      %get3A_1385 = tpu.vector_load %arg12[%get3A_1381, %get3A_1382, %get3A_1383, %get3A_1384] {strides = array<i32>} : memref<2x16x8x64xf32, #tpu.memory_space<vmem>>, vector<16xf32>,
      %add3A_1386 = arith.addf %get3A_1373, %get3A_1379 : vector<16xf32>
      %mul3A_1387 = arith.mulf %add3A_1386, %get3A_1385 : vector<16xf32>
      %add3A_1388 = arith.addf %broadcast_in_dim3A_1367, %mul3A_1387 : vector<16xf32>
      %get3A_1389 = arith.constant 1 : i32
      %get3A_1390 = arith.index_cast %rem3A_1216 : i32 to index
      %get3A_1391 = arith.index_cast %get3A_1389 : i32 to index
      %get3A_1392 = arith.index_cast %and3A_1357 : i32 to index
      %get3A_1393 = arith.constant 16 : index
      %get3A_1394 = tpu.vector_load %arg11[%get3A_1390, %get3A_1391, %get3A_1392, %get3A_1393] {strides = array<i32>} : memref<2x16x8x64xf32, #tpu.memory_space<vmem>>, vector<16xf32>,
      %get3A_1395 = arith.constant 1 : i32
      %get3A_1396 = arith.index_cast %rem3A_1216 : i32 to index
      %get3A_1397 = arith.index_cast %get3A_1395 : i32 to index
      %get3A_1398 = arith.index_cast %and3A_1365 : i32 to index
      %get3A_1399 = arith.constant 16 : index
      %get3A_1400 = tpu.vector_load %arg13[%get3A_1396, %get3A_1397, %get3A_1398, %get3A_1399] {strides = array<i32>} : memref<2x16x8x64xf32, #tpu.memory_space<vmem>>, vector<16xf32>,
      %get3A_1401 = arith.constant 1 : i32
      %get3A_1402 = arith.index_cast %rem3A_1216 : i32 to index
      %get3A_1403 = arith.index_cast %get3A_1401 : i32 to index
      %get3A_1404 = arith.index_cast %and3A_1361 : i32 to index
      %get3A_1405 = arith.constant 16 : index
      %get3A_1406 = tpu.vector_load %arg12[%get3A_1402, %get3A_1403, %get3A_1404, %get3A_1405] {strides = array<i32>} : memref<2x16x8x64xf32, #tpu.memory_space<vmem>>, vector<16xf32>,
      %add3A_1407 = arith.addf %get3A_1394, %get3A_1400 : vector<16xf32>
      %mul3A_1408 = arith.mulf %add3A_1407, %get3A_1406 : vector<16xf32>
      %add3A_1409 = arith.addf %add3A_1388, %mul3A_1408 : vector<16xf32>
      %get3A_1410 = arith.constant 1 : i32
      %get3A_1411 = arith.index_cast %rem3A_1216 : i32 to index
      %get3A_1412 = arith.index_cast %get3A_1410 : i32 to index
      %get3A_1413 = arith.index_cast %and3A_1357 : i32 to index
      %get3A_1414 = arith.constant 32 : index
      %get3A_1415 = tpu.vector_load %arg11[%get3A_1411, %get3A_1412, %get3A_1413, %get3A_1414] {strides = array<i32>} : memref<2x16x8x64xf32, #tpu.memory_space<vmem>>, vector<16xf32>,
      %get3A_1416 = arith.constant 1 : i32
      %get3A_1417 = arith.index_cast %rem3A_1216 : i32 to index
      %get3A_1418 = arith.index_cast %get3A_1416 : i32 to index
      %get3A_1419 = arith.index_cast %and3A_1365 : i32 to index
      %get3A_1420 = arith.constant 32 : index
      %get3A_1421 = tpu.vector_load %arg13[%get3A_1417, %get3A_1418, %get3A_1419, %get3A_1420] {strides = array<i32>} : memref<2x16x8x64xf32, #tpu.memory_space<vmem>>, vector<16xf32>,
      %get3A_1422 = arith.constant 1 : i32
      %get3A_1423 = arith.index_cast %rem3A_1216 : i32 to index
      %get3A_1424 = arith.index_cast %get3A_1422 : i32 to index
      %get3A_1425 = arith.index_cast %and3A_1361 : i32 to index
      %get3A_1426 = arith.constant 32 : index
      %get3A_1427 = tpu.vector_load %arg12[%get3A_1423, %get3A_1424, %get3A_1425, %get3A_1426] {strides = array<i32>} : memref<2x16x8x64xf32, #tpu.memory_space<vmem>>, vector<16xf32>,
      %add3A_1428 = arith.addf %get3A_1415, %get3A_1421 : vector<16xf32>
      %mul3A_1429 = arith.mulf %add3A_1428, %get3A_1427 : vector<16xf32>
      %add3A_1430 = arith.addf %add3A_1409, %mul3A_1429 : vector<16xf32>
      %get3A_1431 = arith.constant 1 : i32
      %get3A_1432 = arith.index_cast %rem3A_1216 : i32 to index
      %get3A_1433 = arith.index_cast %get3A_1431 : i32 to index
      %get3A_1434 = arith.index_cast %and3A_1357 : i32 to index
      %get3A_1435 = arith.constant 48 : index
      %get3A_1436 = tpu.vector_load %arg11[%get3A_1432, %get3A_1433, %get3A_1434, %get3A_1435] {strides = array<i32>} : memref<2x16x8x64xf32, #tpu.memory_space<vmem>>, vector<16xf32>,
      %get3A_1437 = arith.constant 1 : i32
      %get3A_1438 = arith.index_cast %rem3A_1216 : i32 to index
      %get3A_1439 = arith.index_cast %get3A_1437 : i32 to index
      %get3A_1440 = arith.index_cast %and3A_1365 : i32 to index
      %get3A_1441 = arith.constant 48 : index
      %get3A_1442 = tpu.vector_load %arg13[%get3A_1438, %get3A_1439, %get3A_1440, %get3A_1441] {strides = array<i32>} : memref<2x16x8x64xf32, #tpu.memory_space<vmem>>, vector<16xf32>,
      %get3A_1443 = arith.constant 1 : i32
      %get3A_1444 = arith.index_cast %rem3A_1216 : i32 to index
      %get3A_1445 = arith.index_cast %get3A_1443 : i32 to index
      %get3A_1446 = arith.index_cast %and3A_1361 : i32 to index
      %get3A_1447 = arith.constant 48 : index
      %get3A_1448 = tpu.vector_load %arg12[%get3A_1444, %get3A_1445, %get3A_1446, %get3A_1447] {strides = array<i32>} : memref<2x16x8x64xf32, #tpu.memory_space<vmem>>, vector<16xf32>,
      %add3A_1449 = arith.addf %get3A_1436, %get3A_1442 : vector<16xf32>
      %mul3A_1450 = arith.mulf %add3A_1449, %get3A_1448 : vector<16xf32>
      %add3A_1451 = arith.addf %add3A_1430, %mul3A_1450 : vector<16xf32>
      %eq3A_1452 = arith.constant 1 : i32
      %eq3A_1453 = vector.broadcast %eq3A_1452 : i32 to vector<16xi32>
      %eq3A_1454 = arith.cmpi eq, %iota3A, %eq3A_1453 : vector<16xi32>
      %reduce_sum3A_1455 = arith.constant true
      %reduce_sum3A_1456 = vector.broadcast %reduce_sum3A_1455 : i1 to vector<16xi1>
      %reduce_sum3A_1457 = tpu.scan <sum>, %add3A_1451 masked %reduce_sum3A_1456 : vector<16xf32>, vector<16xi1> -> vector<16xf32>
      %reduce_sum3A_1458 = vector.extract %reduce_sum3A_1457[15] : f32 from vector<16xf32>
      %broadcast_in_dim3A_1459 = vector.broadcast %reduce_sum3A_1458 : f32 to vector<16xf32>
      %select_n3A_1460 = arith.select %eq3A_1454, %broadcast_in_dim3A_1459, %select_n3A : vector<16xi1>, vector<16xf32>
      %slice3A_1461 = vector.extract_strided_slice %get3A_1237 {offsets = [2], sizes = [1], strides = [1]} : vector<16xi32> to vector<1xi32>
      %squeeze3A_1462 = vector.extract %slice3A_1461[0] : i32 from vector<1xi32>
      %and3A_1463 = arith.constant 7 : i32
      %and3A_1464 = arith.andi %squeeze3A_1462, %and3A_1463 : i32
      %slice3A_1465 = vector.extract_strided_slice %get3A_1243 {offsets = [2], sizes = [1], strides = [1]} : vector<16xi32> to vector<1xi32>
      %squeeze3A_1466 = vector.extract %slice3A_1465[0] : i32 from vector<1xi32>
      %and3A_1467 = arith.constant 7 : i32
      %and3A_1468 = arith.andi %squeeze3A_1466, %and3A_1467 : i32
      %slice3A_1469 = vector.extract_strided_slice %get3A_1249 {offsets = [2], sizes = [1], strides = [1]} : vector<16xi32> to vector<1xi32>
      %squeeze3A_1470 = vector.extract %slice3A_1469[0] : i32 from vector<1xi32>
      %and3A_1471 = arith.constant 7 : i32
      %and3A_1472 = arith.andi %squeeze3A_1470, %and3A_1471 : i32
      %broadcast_in_dim3A_1473 = arith.constant 0.000000e+00 : f32
      %broadcast_in_dim3A_1474 = vector.broadcast %broadcast_in_dim3A_1473 : f32 to vector<16xf32>
      %get3A_1475 = arith.constant 2 : i32
      %get3A_1476 = arith.index_cast %rem3A_1216 : i32 to index
      %get3A_1477 = arith.index_cast %get3A_1475 : i32 to index
      %get3A_1478 = arith.index_cast %and3A_1464 : i32 to index
      %get3A_1479 = arith.constant 0 : index
      %get3A_1480 = tpu.vector_load %arg11[%get3A_1476, %get3A_1477, %get3A_1478, %get3A_1479] {strides = array<i32>} : memref<2x16x8x64xf32, #tpu.memory_space<vmem>>, vector<16xf32>,
      %get3A_1481 = arith.constant 2 : i32
      %get3A_1482 = arith.index_cast %rem3A_1216 : i32 to index
      %get3A_1483 = arith.index_cast %get3A_1481 : i32 to index
      %get3A_1484 = arith.index_cast %and3A_1472 : i32 to index
      %get3A_1485 = arith.constant 0 : index
      %get3A_1486 = tpu.vector_load %arg13[%get3A_1482, %get3A_1483, %get3A_1484, %get3A_1485] {strides = array<i32>} : memref<2x16x8x64xf32, #tpu.memory_space<vmem>>, vector<16xf32>,
      %get3A_1487 = arith.constant 2 : i32
      %get3A_1488 = arith.index_cast %rem3A_1216 : i32 to index
      %get3A_1489 = arith.index_cast %get3A_1487 : i32 to index
      %get3A_1490 = arith.index_cast %and3A_1468 : i32 to index
      %get3A_1491 = arith.constant 0 : index
      %get3A_1492 = tpu.vector_load %arg12[%get3A_1488, %get3A_1489, %get3A_1490, %get3A_1491] {strides = array<i32>} : memref<2x16x8x64xf32, #tpu.memory_space<vmem>>, vector<16xf32>,
      %add3A_1493 = arith.addf %get3A_1480, %get3A_1486 : vector<16xf32>
      %mul3A_1494 = arith.mulf %add3A_1493, %get3A_1492 : vector<16xf32>
      %add3A_1495 = arith.addf %broadcast_in_dim3A_1474, %mul3A_1494 : vector<16xf32>
      %get3A_1496 = arith.constant 2 : i32
      %get3A_1497 = arith.index_cast %rem3A_1216 : i32 to index
      %get3A_1498 = arith.index_cast %get3A_1496 : i32 to index
      %get3A_1499 = arith.index_cast %and3A_1464 : i32 to index
      %get3A_1500 = arith.constant 16 : index
      %get3A_1501 = tpu.vector_load %arg11[%get3A_1497, %get3A_1498, %get3A_1499, %get3A_1500] {strides = array<i32>} : memref<2x16x8x64xf32, #tpu.memory_space<vmem>>, vector<16xf32>,
      %get3A_1502 = arith.constant 2 : i32
      %get3A_1503 = arith.index_cast %rem3A_1216 : i32 to index
      %get3A_1504 = arith.index_cast %get3A_1502 : i32 to index
      %get3A_1505 = arith.index_cast %and3A_1472 : i32 to index
      %get3A_1506 = arith.constant 16 : index
      %get3A_1507 = tpu.vector_load %arg13[%get3A_1503, %get3A_1504, %get3A_1505, %get3A_1506] {strides = array<i32>} : memref<2x16x8x64xf32, #tpu.memory_space<vmem>>, vector<16xf32>,
      %get3A_1508 = arith.constant 2 : i32
      %get3A_1509 = arith.index_cast %rem3A_1216 : i32 to index
      %get3A_1510 = arith.index_cast %get3A_1508 : i32 to index
      %get3A_1511 = arith.index_cast %and3A_1468 : i32 to index
      %get3A_1512 = arith.constant 16 : index
      %get3A_1513 = tpu.vector_load %arg12[%get3A_1509, %get3A_1510, %get3A_1511, %get3A_1512] {strides = array<i32>} : memref<2x16x8x64xf32, #tpu.memory_space<vmem>>, vector<16xf32>,
      %add3A_1514 = arith.addf %get3A_1501, %get3A_1507 : vector<16xf32>
      %mul3A_1515 = arith.mulf %add3A_1514, %get3A_1513 : vector<16xf32>
      %add3A_1516 = arith.addf %add3A_1495, %mul3A_1515 : vector<16xf32>
      %get3A_1517 = arith.constant 2 : i32
      %get3A_1518 = arith.index_cast %rem3A_1216 : i32 to index
      %get3A_1519 = arith.index_cast %get3A_1517 : i32 to index
      %get3A_1520 = arith.index_cast %and3A_1464 : i32 to index
      %get3A_1521 = arith.constant 32 : index
      %get3A_1522 = tpu.vector_load %arg11[%get3A_1518, %get3A_1519, %get3A_1520, %get3A_1521] {strides = array<i32>} : memref<2x16x8x64xf32, #tpu.memory_space<vmem>>, vector<16xf32>,
      %get3A_1523 = arith.constant 2 : i32
      %get3A_1524 = arith.index_cast %rem3A_1216 : i32 to index
      %get3A_1525 = arith.index_cast %get3A_1523 : i32 to index
      %get3A_1526 = arith.index_cast %and3A_1472 : i32 to index
      %get3A_1527 = arith.constant 32 : index
      %get3A_1528 = tpu.vector_load %arg13[%get3A_1524, %get3A_1525, %get3A_1526, %get3A_1527] {strides = array<i32>} : memref<2x16x8x64xf32, #tpu.memory_space<vmem>>, vector<16xf32>,
      %get3A_1529 = arith.constant 2 : i32
      %get3A_1530 = arith.index_cast %rem3A_1216 : i32 to index
      %get3A_1531 = arith.index_cast %get3A_1529 : i32 to index
      %get3A_1532 = arith.index_cast %and3A_1468 : i32 to index
      %get3A_1533 = arith.constant 32 : index
      %get3A_1534 = tpu.vector_load %arg12[%get3A_1530, %get3A_1531, %get3A_1532, %get3A_1533] {strides = array<i32>} : memref<2x16x8x64xf32, #tpu.memory_space<vmem>>, vector<16xf32>,
      %add3A_1535 = arith.addf %get3A_1522, %get3A_1528 : vector<16xf32>
      %mul3A_1536 = arith.mulf %add3A_1535, %get3A_1534 : vector<16xf32>
      %add3A_1537 = arith.addf %add3A_1516, %mul3A_1536 : vector<16xf32>
      %get3A_1538 = arith.constant 2 : i32
      %get3A_1539 = arith.index_cast %rem3A_1216 : i32 to index
      %get3A_1540 = arith.index_cast %get3A_1538 : i32 to index
      %get3A_1541 = arith.index_cast %and3A_1464 : i32 to index
      %get3A_1542 = arith.constant 48 : index
      %get3A_1543 = tpu.vector_load %arg11[%get3A_1539, %get3A_1540, %get3A_1541, %get3A_1542] {strides = array<i32>} : memref<2x16x8x64xf32, #tpu.memory_space<vmem>>, vector<16xf32>,
      %get3A_1544 = arith.constant 2 : i32
      %get3A_1545 = arith.index_cast %rem3A_1216 : i32 to index
      %get3A_1546 = arith.index_cast %get3A_1544 : i32 to index
      %get3A_1547 = arith.index_cast %and3A_1472 : i32 to index
      %get3A_1548 = arith.constant 48 : index
      %get3A_1549 = tpu.vector_load %arg13[%get3A_1545, %get3A_1546, %get3A_1547, %get3A_1548] {strides = array<i32>} : memref<2x16x8x64xf32, #tpu.memory_space<vmem>>, vector<16xf32>,
      %get3A_1550 = arith.constant 2 : i32
      %get3A_1551 = arith.index_cast %rem3A_1216 : i32 to index
      %get3A_1552 = arith.index_cast %get3A_1550 : i32 to index
      %get3A_1553 = arith.index_cast %and3A_1468 : i32 to index
      %get3A_1554 = arith.constant 48 : index
      %get3A_1555 = tpu.vector_load %arg12[%get3A_1551, %get3A_1552, %get3A_1553, %get3A_1554] {strides = array<i32>} : memref<2x16x8x64xf32, #tpu.memory_space<vmem>>, vector<16xf32>,
      %add3A_1556 = arith.addf %get3A_1543, %get3A_1549 : vector<16xf32>
      %mul3A_1557 = arith.mulf %add3A_1556, %get3A_1555 : vector<16xf32>
      %add3A_1558 = arith.addf %add3A_1537, %mul3A_1557 : vector<16xf32>
      %eq3A_1559 = arith.constant 2 : i32
      %eq3A_1560 = vector.broadcast %eq3A_1559 : i32 to vector<16xi32>
      %eq3A_1561 = arith.cmpi eq, %iota3A, %eq3A_1560 : vector<16xi32>
      %reduce_sum3A_1562 = arith.constant true
      %reduce_sum3A_1563 = vector.broadcast %reduce_sum3A_1562 : i1 to vector<16xi1>
      %reduce_sum3A_1564 = tpu.scan <sum>, %add3A_1558 masked %reduce_sum3A_1563 : vector<16xf32>, vector<16xi1> -> vector<16xf32>
      %reduce_sum3A_1565 = vector.extract %reduce_sum3A_1564[15] : f32 from vector<16xf32>
      %broadcast_in_dim3A_1566 = vector.broadcast %reduce_sum3A_1565 : f32 to vector<16xf32>
      %select_n3A_1567 = arith.select %eq3A_1561, %broadcast_in_dim3A_1566, %select_n3A_1460 : vector<16xi1>, vector<16xf32>
      %slice3A_1568 = vector.extract_strided_slice %get3A_1237 {offsets = [3], sizes = [1], strides = [1]} : vector<16xi32> to vector<1xi32>
      %squeeze3A_1569 = vector.extract %slice3A_1568[0] : i32 from vector<1xi32>
      %and3A_1570 = arith.constant 7 : i32
      %and3A_1571 = arith.andi %squeeze3A_1569, %and3A_1570 : i32
      %slice3A_1572 = vector.extract_strided_slice %get3A_1243 {offsets = [3], sizes = [1], strides = [1]} : vector<16xi32> to vector<1xi32>
      %squeeze3A_1573 = vector.extract %slice3A_1572[0] : i32 from vector<1xi32>
      %and3A_1574 = arith.constant 7 : i32
      %and3A_1575 = arith.andi %squeeze3A_1573, %and3A_1574 : i32
      %slice3A_1576 = vector.extract_strided_slice %get3A_1249 {offsets = [3], sizes = [1], strides = [1]} : vector<16xi32> to vector<1xi32>
      %squeeze3A_1577 = vector.extract %slice3A_1576[0] : i32 from vector<1xi32>
      %and3A_1578 = arith.constant 7 : i32
      %and3A_1579 = arith.andi %squeeze3A_1577, %and3A_1578 : i32
      %broadcast_in_dim3A_1580 = arith.constant 0.000000e+00 : f32
      %broadcast_in_dim3A_1581 = vector.broadcast %broadcast_in_dim3A_1580 : f32 to vector<16xf32>
      %get3A_1582 = arith.constant 3 : i32
      %get3A_1583 = arith.index_cast %rem3A_1216 : i32 to index
      %get3A_1584 = arith.index_cast %get3A_1582 : i32 to index
      %get3A_1585 = arith.index_cast %and3A_1571 : i32 to index
      %get3A_1586 = arith.constant 0 : index
      %get3A_1587 = tpu.vector_load %arg11[%get3A_1583, %get3A_1584, %get3A_1585, %get3A_1586] {strides = array<i32>} : memref<2x16x8x64xf32, #tpu.memory_space<vmem>>, vector<16xf32>,
      %get3A_1588 = arith.constant 3 : i32
      %get3A_1589 = arith.index_cast %rem3A_1216 : i32 to index
      %get3A_1590 = arith.index_cast %get3A_1588 : i32 to index
      %get3A_1591 = arith.index_cast %and3A_1579 : i32 to index
      %get3A_1592 = arith.constant 0 : index
      %get3A_1593 = tpu.vector_load %arg13[%get3A_1589, %get3A_1590, %get3A_1591, %get3A_1592] {strides = array<i32>} : memref<2x16x8x64xf32, #tpu.memory_space<vmem>>, vector<16xf32>,
      %get3A_1594 = arith.constant 3 : i32
      %get3A_1595 = arith.index_cast %rem3A_1216 : i32 to index
      %get3A_1596 = arith.index_cast %get3A_1594 : i32 to index
      %get3A_1597 = arith.index_cast %and3A_1575 : i32 to index
      %get3A_1598 = arith.constant 0 : index
      %get3A_1599 = tpu.vector_load %arg12[%get3A_1595, %get3A_1596, %get3A_1597, %get3A_1598] {strides = array<i32>} : memref<2x16x8x64xf32, #tpu.memory_space<vmem>>, vector<16xf32>,
      %add3A_1600 = arith.addf %get3A_1587, %get3A_1593 : vector<16xf32>
      %mul3A_1601 = arith.mulf %add3A_1600, %get3A_1599 : vector<16xf32>
      %add3A_1602 = arith.addf %broadcast_in_dim3A_1581, %mul3A_1601 : vector<16xf32>
      %get3A_1603 = arith.constant 3 : i32
      %get3A_1604 = arith.index_cast %rem3A_1216 : i32 to index
      %get3A_1605 = arith.index_cast %get3A_1603 : i32 to index
      %get3A_1606 = arith.index_cast %and3A_1571 : i32 to index
      %get3A_1607 = arith.constant 16 : index
      %get3A_1608 = tpu.vector_load %arg11[%get3A_1604, %get3A_1605, %get3A_1606, %get3A_1607] {strides = array<i32>} : memref<2x16x8x64xf32, #tpu.memory_space<vmem>>, vector<16xf32>,
      %get3A_1609 = arith.constant 3 : i32
      %get3A_1610 = arith.index_cast %rem3A_1216 : i32 to index
      %get3A_1611 = arith.index_cast %get3A_1609 : i32 to index
      %get3A_1612 = arith.index_cast %and3A_1579 : i32 to index
      %get3A_1613 = arith.constant 16 : index
      %get3A_1614 = tpu.vector_load %arg13[%get3A_1610, %get3A_1611, %get3A_1612, %get3A_1613] {strides = array<i32>} : memref<2x16x8x64xf32, #tpu.memory_space<vmem>>, vector<16xf32>,
      %get3A_1615 = arith.constant 3 : i32
      %get3A_1616 = arith.index_cast %rem3A_1216 : i32 to index
      %get3A_1617 = arith.index_cast %get3A_1615 : i32 to index
      %get3A_1618 = arith.index_cast %and3A_1575 : i32 to index
      %get3A_1619 = arith.constant 16 : index
      %get3A_1620 = tpu.vector_load %arg12[%get3A_1616, %get3A_1617, %get3A_1618, %get3A_1619] {strides = array<i32>} : memref<2x16x8x64xf32, #tpu.memory_space<vmem>>, vector<16xf32>,
      %add3A_1621 = arith.addf %get3A_1608, %get3A_1614 : vector<16xf32>
      %mul3A_1622 = arith.mulf %add3A_1621, %get3A_1620 : vector<16xf32>
      %add3A_1623 = arith.addf %add3A_1602, %mul3A_1622 : vector<16xf32>
      %get3A_1624 = arith.constant 3 : i32
      %get3A_1625 = arith.index_cast %rem3A_1216 : i32 to index
      %get3A_1626 = arith.index_cast %get3A_1624 : i32 to index
      %get3A_1627 = arith.index_cast %and3A_1571 : i32 to index
      %get3A_1628 = arith.constant 32 : index
      %get3A_1629 = tpu.vector_load %arg11[%get3A_1625, %get3A_1626, %get3A_1627, %get3A_1628] {strides = array<i32>} : memref<2x16x8x64xf32, #tpu.memory_space<vmem>>, vector<16xf32>,
      %get3A_1630 = arith.constant 3 : i32
      %get3A_1631 = arith.index_cast %rem3A_1216 : i32 to index
      %get3A_1632 = arith.index_cast %get3A_1630 : i32 to index
      %get3A_1633 = arith.index_cast %and3A_1579 : i32 to index
      %get3A_1634 = arith.constant 32 : index
      %get3A_1635 = tpu.vector_load %arg13[%get3A_1631, %get3A_1632, %get3A_1633, %get3A_1634] {strides = array<i32>} : memref<2x16x8x64xf32, #tpu.memory_space<vmem>>, vector<16xf32>,
      %get3A_1636 = arith.constant 3 : i32
      %get3A_1637 = arith.index_cast %rem3A_1216 : i32 to index
      %get3A_1638 = arith.index_cast %get3A_1636 : i32 to index
      %get3A_1639 = arith.index_cast %and3A_1575 : i32 to index
      %get3A_1640 = arith.constant 32 : index
      %get3A_1641 = tpu.vector_load %arg12[%get3A_1637, %get3A_1638, %get3A_1639, %get3A_1640] {strides = array<i32>} : memref<2x16x8x64xf32, #tpu.memory_space<vmem>>, vector<16xf32>,
      %add3A_1642 = arith.addf %get3A_1629, %get3A_1635 : vector<16xf32>
      %mul3A_1643 = arith.mulf %add3A_1642, %get3A_1641 : vector<16xf32>
      %add3A_1644 = arith.addf %add3A_1623, %mul3A_1643 : vector<16xf32>
      %get3A_1645 = arith.constant 3 : i32
      %get3A_1646 = arith.index_cast %rem3A_1216 : i32 to index
      %get3A_1647 = arith.index_cast %get3A_1645 : i32 to index
      %get3A_1648 = arith.index_cast %and3A_1571 : i32 to index
      %get3A_1649 = arith.constant 48 : index
      %get3A_1650 = tpu.vector_load %arg11[%get3A_1646, %get3A_1647, %get3A_1648, %get3A_1649] {strides = array<i32>} : memref<2x16x8x64xf32, #tpu.memory_space<vmem>>, vector<16xf32>,
      %get3A_1651 = arith.constant 3 : i32
      %get3A_1652 = arith.index_cast %rem3A_1216 : i32 to index
      %get3A_1653 = arith.index_cast %get3A_1651 : i32 to index
      %get3A_1654 = arith.index_cast %and3A_1579 : i32 to index
      %get3A_1655 = arith.constant 48 : index
      %get3A_1656 = tpu.vector_load %arg13[%get3A_1652, %get3A_1653, %get3A_1654, %get3A_1655] {strides = array<i32>} : memref<2x16x8x64xf32, #tpu.memory_space<vmem>>, vector<16xf32>,
      %get3A_1657 = arith.constant 3 : i32
      %get3A_1658 = arith.index_cast %rem3A_1216 : i32 to index
      %get3A_1659 = arith.index_cast %get3A_1657 : i32 to index
      %get3A_1660 = arith.index_cast %and3A_1575 : i32 to index
      %get3A_1661 = arith.constant 48 : index
      %get3A_1662 = tpu.vector_load %arg12[%get3A_1658, %get3A_1659, %get3A_1660, %get3A_1661] {strides = array<i32>} : memref<2x16x8x64xf32, #tpu.memory_space<vmem>>, vector<16xf32>,
      %add3A_1663 = arith.addf %get3A_1650, %get3A_1656 : vector<16xf32>
      %mul3A_1664 = arith.mulf %add3A_1663, %get3A_1662 : vector<16xf32>
      %add3A_1665 = arith.addf %add3A_1644, %mul3A_1664 : vector<16xf32>
      %eq3A_1666 = arith.constant 3 : i32
      %eq3A_1667 = vector.broadcast %eq3A_1666 : i32 to vector<16xi32>
      %eq3A_1668 = arith.cmpi eq, %iota3A, %eq3A_1667 : vector<16xi32>
      %reduce_sum3A_1669 = arith.constant true
      %reduce_sum3A_1670 = vector.broadcast %reduce_sum3A_1669 : i1 to vector<16xi1>
      %reduce_sum3A_1671 = tpu.scan <sum>, %add3A_1665 masked %reduce_sum3A_1670 : vector<16xf32>, vector<16xi1> -> vector<16xf32>
      %reduce_sum3A_1672 = vector.extract %reduce_sum3A_1671[15] : f32 from vector<16xf32>
      %broadcast_in_dim3A_1673 = vector.broadcast %reduce_sum3A_1672 : f32 to vector<16xf32>
      %select_n3A_1674 = arith.select %eq3A_1668, %broadcast_in_dim3A_1673, %select_n3A_1567 : vector<16xi1>, vector<16xf32>
      %slice3A_1675 = vector.extract_strided_slice %get3A_1237 {offsets = [4], sizes = [1], strides = [1]} : vector<16xi32> to vector<1xi32>
      %squeeze3A_1676 = vector.extract %slice3A_1675[0] : i32 from vector<1xi32>
      %and3A_1677 = arith.constant 7 : i32
      %and3A_1678 = arith.andi %squeeze3A_1676, %and3A_1677 : i32
      %slice3A_1679 = vector.extract_strided_slice %get3A_1243 {offsets = [4], sizes = [1], strides = [1]} : vector<16xi32> to vector<1xi32>
      %squeeze3A_1680 = vector.extract %slice3A_1679[0] : i32 from vector<1xi32>
      %and3A_1681 = arith.constant 7 : i32
      %and3A_1682 = arith.andi %squeeze3A_1680, %and3A_1681 : i32
      %slice3A_1683 = vector.extract_strided_slice %get3A_1249 {offsets = [4], sizes = [1], strides = [1]} : vector<16xi32> to vector<1xi32>
      %squeeze3A_1684 = vector.extract %slice3A_1683[0] : i32 from vector<1xi32>
      %and3A_1685 = arith.constant 7 : i32
      %and3A_1686 = arith.andi %squeeze3A_1684, %and3A_1685 : i32
      %broadcast_in_dim3A_1687 = arith.constant 0.000000e+00 : f32
      %broadcast_in_dim3A_1688 = vector.broadcast %broadcast_in_dim3A_1687 : f32 to vector<16xf32>
      %get3A_1689 = arith.constant 4 : i32
      %get3A_1690 = arith.index_cast %rem3A_1216 : i32 to index
      %get3A_1691 = arith.index_cast %get3A_1689 : i32 to index
      %get3A_1692 = arith.index_cast %and3A_1678 : i32 to index
      %get3A_1693 = arith.constant 0 : index
      %get3A_1694 = tpu.vector_load %arg11[%get3A_1690, %get3A_1691, %get3A_1692, %get3A_1693] {strides = array<i32>} : memref<2x16x8x64xf32, #tpu.memory_space<vmem>>, vector<16xf32>,
      %get3A_1695 = arith.constant 4 : i32
      %get3A_1696 = arith.index_cast %rem3A_1216 : i32 to index
      %get3A_1697 = arith.index_cast %get3A_1695 : i32 to index
      %get3A_1698 = arith.index_cast %and3A_1686 : i32 to index
      %get3A_1699 = arith.constant 0 : index
      %get3A_1700 = tpu.vector_load %arg13[%get3A_1696, %get3A_1697, %get3A_1698, %get3A_1699] {strides = array<i32>} : memref<2x16x8x64xf32, #tpu.memory_space<vmem>>, vector<16xf32>,
      %get3A_1701 = arith.constant 4 : i32
      %get3A_1702 = arith.index_cast %rem3A_1216 : i32 to index
      %get3A_1703 = arith.index_cast %get3A_1701 : i32 to index
      %get3A_1704 = arith.index_cast %and3A_1682 : i32 to index
      %get3A_1705 = arith.constant 0 : index
      %get3A_1706 = tpu.vector_load %arg12[%get3A_1702, %get3A_1703, %get3A_1704, %get3A_1705] {strides = array<i32>} : memref<2x16x8x64xf32, #tpu.memory_space<vmem>>, vector<16xf32>,
      %add3A_1707 = arith.addf %get3A_1694, %get3A_1700 : vector<16xf32>
      %mul3A_1708 = arith.mulf %add3A_1707, %get3A_1706 : vector<16xf32>
      %add3A_1709 = arith.addf %broadcast_in_dim3A_1688, %mul3A_1708 : vector<16xf32>
      %get3A_1710 = arith.constant 4 : i32
      %get3A_1711 = arith.index_cast %rem3A_1216 : i32 to index
      %get3A_1712 = arith.index_cast %get3A_1710 : i32 to index
      %get3A_1713 = arith.index_cast %and3A_1678 : i32 to index
      %get3A_1714 = arith.constant 16 : index
      %get3A_1715 = tpu.vector_load %arg11[%get3A_1711, %get3A_1712, %get3A_1713, %get3A_1714] {strides = array<i32>} : memref<2x16x8x64xf32, #tpu.memory_space<vmem>>, vector<16xf32>,
      %get3A_1716 = arith.constant 4 : i32
      %get3A_1717 = arith.index_cast %rem3A_1216 : i32 to index
      %get3A_1718 = arith.index_cast %get3A_1716 : i32 to index
      %get3A_1719 = arith.index_cast %and3A_1686 : i32 to index
      %get3A_1720 = arith.constant 16 : index
      %get3A_1721 = tpu.vector_load %arg13[%get3A_1717, %get3A_1718, %get3A_1719, %get3A_1720] {strides = array<i32>} : memref<2x16x8x64xf32, #tpu.memory_space<vmem>>, vector<16xf32>,
      %get3A_1722 = arith.constant 4 : i32
      %get3A_1723 = arith.index_cast %rem3A_1216 : i32 to index
      %get3A_1724 = arith.index_cast %get3A_1722 : i32 to index
      %get3A_1725 = arith.index_cast %and3A_1682 : i32 to index
      %get3A_1726 = arith.constant 16 : index
      %get3A_1727 = tpu.vector_load %arg12[%get3A_1723, %get3A_1724, %get3A_1725, %get3A_1726] {strides = array<i32>} : memref<2x16x8x64xf32, #tpu.memory_space<vmem>>, vector<16xf32>,
      %add3A_1728 = arith.addf %get3A_1715, %get3A_1721 : vector<16xf32>
      %mul3A_1729 = arith.mulf %add3A_1728, %get3A_1727 : vector<16xf32>
      %add3A_1730 = arith.addf %add3A_1709, %mul3A_1729 : vector<16xf32>
      %get3A_1731 = arith.constant 4 : i32
      %get3A_1732 = arith.index_cast %rem3A_1216 : i32 to index
      %get3A_1733 = arith.index_cast %get3A_1731 : i32 to index
      %get3A_1734 = arith.index_cast %and3A_1678 : i32 to index
      %get3A_1735 = arith.constant 32 : index
      %get3A_1736 = tpu.vector_load %arg11[%get3A_1732, %get3A_1733, %get3A_1734, %get3A_1735] {strides = array<i32>} : memref<2x16x8x64xf32, #tpu.memory_space<vmem>>, vector<16xf32>,
      %get3A_1737 = arith.constant 4 : i32
      %get3A_1738 = arith.index_cast %rem3A_1216 : i32 to index
      %get3A_1739 = arith.index_cast %get3A_1737 : i32 to index
      %get3A_1740 = arith.index_cast %and3A_1686 : i32 to index
      %get3A_1741 = arith.constant 32 : index
      %get3A_1742 = tpu.vector_load %arg13[%get3A_1738, %get3A_1739, %get3A_1740, %get3A_1741] {strides = array<i32>} : memref<2x16x8x64xf32, #tpu.memory_space<vmem>>, vector<16xf32>,
      %get3A_1743 = arith.constant 4 : i32
      %get3A_1744 = arith.index_cast %rem3A_1216 : i32 to index
      %get3A_1745 = arith.index_cast %get3A_1743 : i32 to index
      %get3A_1746 = arith.index_cast %and3A_1682 : i32 to index
      %get3A_1747 = arith.constant 32 : index
      %get3A_1748 = tpu.vector_load %arg12[%get3A_1744, %get3A_1745, %get3A_1746, %get3A_1747] {strides = array<i32>} : memref<2x16x8x64xf32, #tpu.memory_space<vmem>>, vector<16xf32>,
      %add3A_1749 = arith.addf %get3A_1736, %get3A_1742 : vector<16xf32>
      %mul3A_1750 = arith.mulf %add3A_1749, %get3A_1748 : vector<16xf32>
      %add3A_1751 = arith.addf %add3A_1730, %mul3A_1750 : vector<16xf32>
      %get3A_1752 = arith.constant 4 : i32
      %get3A_1753 = arith.index_cast %rem3A_1216 : i32 to index
      %get3A_1754 = arith.index_cast %get3A_1752 : i32 to index
      %get3A_1755 = arith.index_cast %and3A_1678 : i32 to index
      %get3A_1756 = arith.constant 48 : index
      %get3A_1757 = tpu.vector_load %arg11[%get3A_1753, %get3A_1754, %get3A_1755, %get3A_1756] {strides = array<i32>} : memref<2x16x8x64xf32, #tpu.memory_space<vmem>>, vector<16xf32>,
      %get3A_1758 = arith.constant 4 : i32
      %get3A_1759 = arith.index_cast %rem3A_1216 : i32 to index
      %get3A_1760 = arith.index_cast %get3A_1758 : i32 to index
      %get3A_1761 = arith.index_cast %and3A_1686 : i32 to index
      %get3A_1762 = arith.constant 48 : index
      %get3A_1763 = tpu.vector_load %arg13[%get3A_1759, %get3A_1760, %get3A_1761, %get3A_1762] {strides = array<i32>} : memref<2x16x8x64xf32, #tpu.memory_space<vmem>>, vector<16xf32>,
      %get3A_1764 = arith.constant 4 : i32
      %get3A_1765 = arith.index_cast %rem3A_1216 : i32 to index
      %get3A_1766 = arith.index_cast %get3A_1764 : i32 to index
      %get3A_1767 = arith.index_cast %and3A_1682 : i32 to index
      %get3A_1768 = arith.constant 48 : index
      %get3A_1769 = tpu.vector_load %arg12[%get3A_1765, %get3A_1766, %get3A_1767, %get3A_1768] {strides = array<i32>} : memref<2x16x8x64xf32, #tpu.memory_space<vmem>>, vector<16xf32>,
      %add3A_1770 = arith.addf %get3A_1757, %get3A_1763 : vector<16xf32>
      %mul3A_1771 = arith.mulf %add3A_1770, %get3A_1769 : vector<16xf32>
      %add3A_1772 = arith.addf %add3A_1751, %mul3A_1771 : vector<16xf32>
      %eq3A_1773 = arith.constant 4 : i32
      %eq3A_1774 = vector.broadcast %eq3A_1773 : i32 to vector<16xi32>
      %eq3A_1775 = arith.cmpi eq, %iota3A, %eq3A_1774 : vector<16xi32>
      %reduce_sum3A_1776 = arith.constant true
      %reduce_sum3A_1777 = vector.broadcast %reduce_sum3A_1776 : i1 to vector<16xi1>
      %reduce_sum3A_1778 = tpu.scan <sum>, %add3A_1772 masked %reduce_sum3A_1777 : vector<16xf32>, vector<16xi1> -> vector<16xf32>
      %reduce_sum3A_1779 = vector.extract %reduce_sum3A_1778[15] : f32 from vector<16xf32>
      %broadcast_in_dim3A_1780 = vector.broadcast %reduce_sum3A_1779 : f32 to vector<16xf32>
      %select_n3A_1781 = arith.select %eq3A_1775, %broadcast_in_dim3A_1780, %select_n3A_1674 : vector<16xi1>, vector<16xf32>
      %slice3A_1782 = vector.extract_strided_slice %get3A_1237 {offsets = [5], sizes = [1], strides = [1]} : vector<16xi32> to vector<1xi32>
      %squeeze3A_1783 = vector.extract %slice3A_1782[0] : i32 from vector<1xi32>
      %and3A_1784 = arith.constant 7 : i32
      %and3A_1785 = arith.andi %squeeze3A_1783, %and3A_1784 : i32
      %slice3A_1786 = vector.extract_strided_slice %get3A_1243 {offsets = [5], sizes = [1], strides = [1]} : vector<16xi32> to vector<1xi32>
      %squeeze3A_1787 = vector.extract %slice3A_1786[0] : i32 from vector<1xi32>
      %and3A_1788 = arith.constant 7 : i32
      %and3A_1789 = arith.andi %squeeze3A_1787, %and3A_1788 : i32
      %slice3A_1790 = vector.extract_strided_slice %get3A_1249 {offsets = [5], sizes = [1], strides = [1]} : vector<16xi32> to vector<1xi32>
      %squeeze3A_1791 = vector.extract %slice3A_1790[0] : i32 from vector<1xi32>
      %and3A_1792 = arith.constant 7 : i32
      %and3A_1793 = arith.andi %squeeze3A_1791, %and3A_1792 : i32
      %broadcast_in_dim3A_1794 = arith.constant 0.000000e+00 : f32
      %broadcast_in_dim3A_1795 = vector.broadcast %broadcast_in_dim3A_1794 : f32 to vector<16xf32>
      %get3A_1796 = arith.constant 5 : i32
      %get3A_1797 = arith.index_cast %rem3A_1216 : i32 to index
      %get3A_1798 = arith.index_cast %get3A_1796 : i32 to index
      %get3A_1799 = arith.index_cast %and3A_1785 : i32 to index
      %get3A_1800 = arith.constant 0 : index
      %get3A_1801 = tpu.vector_load %arg11[%get3A_1797, %get3A_1798, %get3A_1799, %get3A_1800] {strides = array<i32>} : memref<2x16x8x64xf32, #tpu.memory_space<vmem>>, vector<16xf32>,
      %get3A_1802 = arith.constant 5 : i32
      %get3A_1803 = arith.index_cast %rem3A_1216 : i32 to index
      %get3A_1804 = arith.index_cast %get3A_1802 : i32 to index
      %get3A_1805 = arith.index_cast %and3A_1793 : i32 to index
      %get3A_1806 = arith.constant 0 : index
      %get3A_1807 = tpu.vector_load %arg13[%get3A_1803, %get3A_1804, %get3A_1805, %get3A_1806] {strides = array<i32>} : memref<2x16x8x64xf32, #tpu.memory_space<vmem>>, vector<16xf32>,
      %get3A_1808 = arith.constant 5 : i32
      %get3A_1809 = arith.index_cast %rem3A_1216 : i32 to index
      %get3A_1810 = arith.index_cast %get3A_1808 : i32 to index
      %get3A_1811 = arith.index_cast %and3A_1789 : i32 to index
      %get3A_1812 = arith.constant 0 : index
      %get3A_1813 = tpu.vector_load %arg12[%get3A_1809, %get3A_1810, %get3A_1811, %get3A_1812] {strides = array<i32>} : memref<2x16x8x64xf32, #tpu.memory_space<vmem>>, vector<16xf32>,
      %add3A_1814 = arith.addf %get3A_1801, %get3A_1807 : vector<16xf32>
      %mul3A_1815 = arith.mulf %add3A_1814, %get3A_1813 : vector<16xf32>
      %add3A_1816 = arith.addf %broadcast_in_dim3A_1795, %mul3A_1815 : vector<16xf32>
      %get3A_1817 = arith.constant 5 : i32
      %get3A_1818 = arith.index_cast %rem3A_1216 : i32 to index
      %get3A_1819 = arith.index_cast %get3A_1817 : i32 to index
      %get3A_1820 = arith.index_cast %and3A_1785 : i32 to index
      %get3A_1821 = arith.constant 16 : index
      %get3A_1822 = tpu.vector_load %arg11[%get3A_1818, %get3A_1819, %get3A_1820, %get3A_1821] {strides = array<i32>} : memref<2x16x8x64xf32, #tpu.memory_space<vmem>>, vector<16xf32>,
      %get3A_1823 = arith.constant 5 : i32
      %get3A_1824 = arith.index_cast %rem3A_1216 : i32 to index
      %get3A_1825 = arith.index_cast %get3A_1823 : i32 to index
      %get3A_1826 = arith.index_cast %and3A_1793 : i32 to index
      %get3A_1827 = arith.constant 16 : index
      %get3A_1828 = tpu.vector_load %arg13[%get3A_1824, %get3A_1825, %get3A_1826, %get3A_1827] {strides = array<i32>} : memref<2x16x8x64xf32, #tpu.memory_space<vmem>>, vector<16xf32>,
      %get3A_1829 = arith.constant 5 : i32
      %get3A_1830 = arith.index_cast %rem3A_1216 : i32 to index
      %get3A_1831 = arith.index_cast %get3A_1829 : i32 to index
      %get3A_1832 = arith.index_cast %and3A_1789 : i32 to index
      %get3A_1833 = arith.constant 16 : index
      %get3A_1834 = tpu.vector_load %arg12[%get3A_1830, %get3A_1831, %get3A_1832, %get3A_1833] {strides = array<i32>} : memref<2x16x8x64xf32, #tpu.memory_space<vmem>>, vector<16xf32>,
      %add3A_1835 = arith.addf %get3A_1822, %get3A_1828 : vector<16xf32>
      %mul3A_1836 = arith.mulf %add3A_1835, %get3A_1834 : vector<16xf32>
      %add3A_1837 = arith.addf %add3A_1816, %mul3A_1836 : vector<16xf32>
      %get3A_1838 = arith.constant 5 : i32
      %get3A_1839 = arith.index_cast %rem3A_1216 : i32 to index
      %get3A_1840 = arith.index_cast %get3A_1838 : i32 to index
      %get3A_1841 = arith.index_cast %and3A_1785 : i32 to index
      %get3A_1842 = arith.constant 32 : index
      %get3A_1843 = tpu.vector_load %arg11[%get3A_1839, %get3A_1840, %get3A_1841, %get3A_1842] {strides = array<i32>} : memref<2x16x8x64xf32, #tpu.memory_space<vmem>>, vector<16xf32>,
      %get3A_1844 = arith.constant 5 : i32
      %get3A_1845 = arith.index_cast %rem3A_1216 : i32 to index
      %get3A_1846 = arith.index_cast %get3A_1844 : i32 to index
      %get3A_1847 = arith.index_cast %and3A_1793 : i32 to index
      %get3A_1848 = arith.constant 32 : index
      %get3A_1849 = tpu.vector_load %arg13[%get3A_1845, %get3A_1846, %get3A_1847, %get3A_1848] {strides = array<i32>} : memref<2x16x8x64xf32, #tpu.memory_space<vmem>>, vector<16xf32>,
      %get3A_1850 = arith.constant 5 : i32
      %get3A_1851 = arith.index_cast %rem3A_1216 : i32 to index
      %get3A_1852 = arith.index_cast %get3A_1850 : i32 to index
      %get3A_1853 = arith.index_cast %and3A_1789 : i32 to index
      %get3A_1854 = arith.constant 32 : index
      %get3A_1855 = tpu.vector_load %arg12[%get3A_1851, %get3A_1852, %get3A_1853, %get3A_1854] {strides = array<i32>} : memref<2x16x8x64xf32, #tpu.memory_space<vmem>>, vector<16xf32>,
      %add3A_1856 = arith.addf %get3A_1843, %get3A_1849 : vector<16xf32>
      %mul3A_1857 = arith.mulf %add3A_1856, %get3A_1855 : vector<16xf32>
      %add3A_1858 = arith.addf %add3A_1837, %mul3A_1857 : vector<16xf32>
      %get3A_1859 = arith.constant 5 : i32
      %get3A_1860 = arith.index_cast %rem3A_1216 : i32 to index
      %get3A_1861 = arith.index_cast %get3A_1859 : i32 to index
      %get3A_1862 = arith.index_cast %and3A_1785 : i32 to index
      %get3A_1863 = arith.constant 48 : index
      %get3A_1864 = tpu.vector_load %arg11[%get3A_1860, %get3A_1861, %get3A_1862, %get3A_1863] {strides = array<i32>} : memref<2x16x8x64xf32, #tpu.memory_space<vmem>>, vector<16xf32>,
      %get3A_1865 = arith.constant 5 : i32
      %get3A_1866 = arith.index_cast %rem3A_1216 : i32 to index
      %get3A_1867 = arith.index_cast %get3A_1865 : i32 to index
      %get3A_1868 = arith.index_cast %and3A_1793 : i32 to index
      %get3A_1869 = arith.constant 48 : index
      %get3A_1870 = tpu.vector_load %arg13[%get3A_1866, %get3A_1867, %get3A_1868, %get3A_1869] {strides = array<i32>} : memref<2x16x8x64xf32, #tpu.memory_space<vmem>>, vector<16xf32>,
      %get3A_1871 = arith.constant 5 : i32
      %get3A_1872 = arith.index_cast %rem3A_1216 : i32 to index
      %get3A_1873 = arith.index_cast %get3A_1871 : i32 to index
      %get3A_1874 = arith.index_cast %and3A_1789 : i32 to index
      %get3A_1875 = arith.constant 48 : index
      %get3A_1876 = tpu.vector_load %arg12[%get3A_1872, %get3A_1873, %get3A_1874, %get3A_1875] {strides = array<i32>} : memref<2x16x8x64xf32, #tpu.memory_space<vmem>>, vector<16xf32>,
      %add3A_1877 = arith.addf %get3A_1864, %get3A_1870 : vector<16xf32>
      %mul3A_1878 = arith.mulf %add3A_1877, %get3A_1876 : vector<16xf32>
      %add3A_1879 = arith.addf %add3A_1858, %mul3A_1878 : vector<16xf32>
      %eq3A_1880 = arith.constant 5 : i32
      %eq3A_1881 = vector.broadcast %eq3A_1880 : i32 to vector<16xi32>
      %eq3A_1882 = arith.cmpi eq, %iota3A, %eq3A_1881 : vector<16xi32>
      %reduce_sum3A_1883 = arith.constant true
      %reduce_sum3A_1884 = vector.broadcast %reduce_sum3A_1883 : i1 to vector<16xi1>
      %reduce_sum3A_1885 = tpu.scan <sum>, %add3A_1879 masked %reduce_sum3A_1884 : vector<16xf32>, vector<16xi1> -> vector<16xf32>
      %reduce_sum3A_1886 = vector.extract %reduce_sum3A_1885[15] : f32 from vector<16xf32>
      %broadcast_in_dim3A_1887 = vector.broadcast %reduce_sum3A_1886 : f32 to vector<16xf32>
      %select_n3A_1888 = arith.select %eq3A_1882, %broadcast_in_dim3A_1887, %select_n3A_1781 : vector<16xi1>, vector<16xf32>
      %slice3A_1889 = vector.extract_strided_slice %get3A_1237 {offsets = [6], sizes = [1], strides = [1]} : vector<16xi32> to vector<1xi32>
      %squeeze3A_1890 = vector.extract %slice3A_1889[0] : i32 from vector<1xi32>
      %and3A_1891 = arith.constant 7 : i32
      %and3A_1892 = arith.andi %squeeze3A_1890, %and3A_1891 : i32
      %slice3A_1893 = vector.extract_strided_slice %get3A_1243 {offsets = [6], sizes = [1], strides = [1]} : vector<16xi32> to vector<1xi32>
      %squeeze3A_1894 = vector.extract %slice3A_1893[0] : i32 from vector<1xi32>
      %and3A_1895 = arith.constant 7 : i32
      %and3A_1896 = arith.andi %squeeze3A_1894, %and3A_1895 : i32
      %slice3A_1897 = vector.extract_strided_slice %get3A_1249 {offsets = [6], sizes = [1], strides = [1]} : vector<16xi32> to vector<1xi32>
      %squeeze3A_1898 = vector.extract %slice3A_1897[0] : i32 from vector<1xi32>
      %and3A_1899 = arith.constant 7 : i32
      %and3A_1900 = arith.andi %squeeze3A_1898, %and3A_1899 : i32
      %broadcast_in_dim3A_1901 = arith.constant 0.000000e+00 : f32
      %broadcast_in_dim3A_1902 = vector.broadcast %broadcast_in_dim3A_1901 : f32 to vector<16xf32>
      %get3A_1903 = arith.constant 6 : i32
      %get3A_1904 = arith.index_cast %rem3A_1216 : i32 to index
      %get3A_1905 = arith.index_cast %get3A_1903 : i32 to index
      %get3A_1906 = arith.index_cast %and3A_1892 : i32 to index
      %get3A_1907 = arith.constant 0 : index
      %get3A_1908 = tpu.vector_load %arg11[%get3A_1904, %get3A_1905, %get3A_1906, %get3A_1907] {strides = array<i32>} : memref<2x16x8x64xf32, #tpu.memory_space<vmem>>, vector<16xf32>,
      %get3A_1909 = arith.constant 6 : i32
      %get3A_1910 = arith.index_cast %rem3A_1216 : i32 to index
      %get3A_1911 = arith.index_cast %get3A_1909 : i32 to index
      %get3A_1912 = arith.index_cast %and3A_1900 : i32 to index
      %get3A_1913 = arith.constant 0 : index
      %get3A_1914 = tpu.vector_load %arg13[%get3A_1910, %get3A_1911, %get3A_1912, %get3A_1913] {strides = array<i32>} : memref<2x16x8x64xf32, #tpu.memory_space<vmem>>, vector<16xf32>,
      %get3A_1915 = arith.constant 6 : i32
      %get3A_1916 = arith.index_cast %rem3A_1216 : i32 to index
      %get3A_1917 = arith.index_cast %get3A_1915 : i32 to index
      %get3A_1918 = arith.index_cast %and3A_1896 : i32 to index
      %get3A_1919 = arith.constant 0 : index
      %get3A_1920 = tpu.vector_load %arg12[%get3A_1916, %get3A_1917, %get3A_1918, %get3A_1919] {strides = array<i32>} : memref<2x16x8x64xf32, #tpu.memory_space<vmem>>, vector<16xf32>,
      %add3A_1921 = arith.addf %get3A_1908, %get3A_1914 : vector<16xf32>
      %mul3A_1922 = arith.mulf %add3A_1921, %get3A_1920 : vector<16xf32>
      %add3A_1923 = arith.addf %broadcast_in_dim3A_1902, %mul3A_1922 : vector<16xf32>
      %get3A_1924 = arith.constant 6 : i32
      %get3A_1925 = arith.index_cast %rem3A_1216 : i32 to index
      %get3A_1926 = arith.index_cast %get3A_1924 : i32 to index
      %get3A_1927 = arith.index_cast %and3A_1892 : i32 to index
      %get3A_1928 = arith.constant 16 : index
      %get3A_1929 = tpu.vector_load %arg11[%get3A_1925, %get3A_1926, %get3A_1927, %get3A_1928] {strides = array<i32>} : memref<2x16x8x64xf32, #tpu.memory_space<vmem>>, vector<16xf32>,
      %get3A_1930 = arith.constant 6 : i32
      %get3A_1931 = arith.index_cast %rem3A_1216 : i32 to index
      %get3A_1932 = arith.index_cast %get3A_1930 : i32 to index
      %get3A_1933 = arith.index_cast %and3A_1900 : i32 to index
      %get3A_1934 = arith.constant 16 : index
      %get3A_1935 = tpu.vector_load %arg13[%get3A_1931, %get3A_1932, %get3A_1933, %get3A_1934] {strides = array<i32>} : memref<2x16x8x64xf32, #tpu.memory_space<vmem>>, vector<16xf32>,
      %get3A_1936 = arith.constant 6 : i32
      %get3A_1937 = arith.index_cast %rem3A_1216 : i32 to index
      %get3A_1938 = arith.index_cast %get3A_1936 : i32 to index
      %get3A_1939 = arith.index_cast %and3A_1896 : i32 to index
      %get3A_1940 = arith.constant 16 : index
      %get3A_1941 = tpu.vector_load %arg12[%get3A_1937, %get3A_1938, %get3A_1939, %get3A_1940] {strides = array<i32>} : memref<2x16x8x64xf32, #tpu.memory_space<vmem>>, vector<16xf32>,
      %add3A_1942 = arith.addf %get3A_1929, %get3A_1935 : vector<16xf32>
      %mul3A_1943 = arith.mulf %add3A_1942, %get3A_1941 : vector<16xf32>
      %add3A_1944 = arith.addf %add3A_1923, %mul3A_1943 : vector<16xf32>
      %get3A_1945 = arith.constant 6 : i32
      %get3A_1946 = arith.index_cast %rem3A_1216 : i32 to index
      %get3A_1947 = arith.index_cast %get3A_1945 : i32 to index
      %get3A_1948 = arith.index_cast %and3A_1892 : i32 to index
      %get3A_1949 = arith.constant 32 : index
      %get3A_1950 = tpu.vector_load %arg11[%get3A_1946, %get3A_1947, %get3A_1948, %get3A_1949] {strides = array<i32>} : memref<2x16x8x64xf32, #tpu.memory_space<vmem>>, vector<16xf32>,
      %get3A_1951 = arith.constant 6 : i32
      %get3A_1952 = arith.index_cast %rem3A_1216 : i32 to index
      %get3A_1953 = arith.index_cast %get3A_1951 : i32 to index
      %get3A_1954 = arith.index_cast %and3A_1900 : i32 to index
      %get3A_1955 = arith.constant 32 : index
      %get3A_1956 = tpu.vector_load %arg13[%get3A_1952, %get3A_1953, %get3A_1954, %get3A_1955] {strides = array<i32>} : memref<2x16x8x64xf32, #tpu.memory_space<vmem>>, vector<16xf32>,
      %get3A_1957 = arith.constant 6 : i32
      %get3A_1958 = arith.index_cast %rem3A_1216 : i32 to index
      %get3A_1959 = arith.index_cast %get3A_1957 : i32 to index
      %get3A_1960 = arith.index_cast %and3A_1896 : i32 to index
      %get3A_1961 = arith.constant 32 : index
      %get3A_1962 = tpu.vector_load %arg12[%get3A_1958, %get3A_1959, %get3A_1960, %get3A_1961] {strides = array<i32>} : memref<2x16x8x64xf32, #tpu.memory_space<vmem>>, vector<16xf32>,
      %add3A_1963 = arith.addf %get3A_1950, %get3A_1956 : vector<16xf32>
      %mul3A_1964 = arith.mulf %add3A_1963, %get3A_1962 : vector<16xf32>
      %add3A_1965 = arith.addf %add3A_1944, %mul3A_1964 : vector<16xf32>
      %get3A_1966 = arith.constant 6 : i32
      %get3A_1967 = arith.index_cast %rem3A_1216 : i32 to index
      %get3A_1968 = arith.index_cast %get3A_1966 : i32 to index
      %get3A_1969 = arith.index_cast %and3A_1892 : i32 to index
      %get3A_1970 = arith.constant 48 : index
      %get3A_1971 = tpu.vector_load %arg11[%get3A_1967, %get3A_1968, %get3A_1969, %get3A_1970] {strides = array<i32>} : memref<2x16x8x64xf32, #tpu.memory_space<vmem>>, vector<16xf32>,
      %get3A_1972 = arith.constant 6 : i32
      %get3A_1973 = arith.index_cast %rem3A_1216 : i32 to index
      %get3A_1974 = arith.index_cast %get3A_1972 : i32 to index
      %get3A_1975 = arith.index_cast %and3A_1900 : i32 to index
      %get3A_1976 = arith.constant 48 : index
      %get3A_1977 = tpu.vector_load %arg13[%get3A_1973, %get3A_1974, %get3A_1975, %get3A_1976] {strides = array<i32>} : memref<2x16x8x64xf32, #tpu.memory_space<vmem>>, vector<16xf32>,
      %get3A_1978 = arith.constant 6 : i32
      %get3A_1979 = arith.index_cast %rem3A_1216 : i32 to index
      %get3A_1980 = arith.index_cast %get3A_1978 : i32 to index
      %get3A_1981 = arith.index_cast %and3A_1896 : i32 to index
      %get3A_1982 = arith.constant 48 : index
      %get3A_1983 = tpu.vector_load %arg12[%get3A_1979, %get3A_1980, %get3A_1981, %get3A_1982] {strides = array<i32>} : memref<2x16x8x64xf32, #tpu.memory_space<vmem>>, vector<16xf32>,
      %add3A_1984 = arith.addf %get3A_1971, %get3A_1977 : vector<16xf32>
      %mul3A_1985 = arith.mulf %add3A_1984, %get3A_1983 : vector<16xf32>
      %add3A_1986 = arith.addf %add3A_1965, %mul3A_1985 : vector<16xf32>
      %eq3A_1987 = arith.constant 6 : i32
      %eq3A_1988 = vector.broadcast %eq3A_1987 : i32 to vector<16xi32>
      %eq3A_1989 = arith.cmpi eq, %iota3A, %eq3A_1988 : vector<16xi32>
      %reduce_sum3A_1990 = arith.constant true
      %reduce_sum3A_1991 = vector.broadcast %reduce_sum3A_1990 : i1 to vector<16xi1>
      %reduce_sum3A_1992 = tpu.scan <sum>, %add3A_1986 masked %reduce_sum3A_1991 : vector<16xf32>, vector<16xi1> -> vector<16xf32>
      %reduce_sum3A_1993 = vector.extract %reduce_sum3A_1992[15] : f32 from vector<16xf32>
      %broadcast_in_dim3A_1994 = vector.broadcast %reduce_sum3A_1993 : f32 to vector<16xf32>
      %select_n3A_1995 = arith.select %eq3A_1989, %broadcast_in_dim3A_1994, %select_n3A_1888 : vector<16xi1>, vector<16xf32>
      %slice3A_1996 = vector.extract_strided_slice %get3A_1237 {offsets = [7], sizes = [1], strides = [1]} : vector<16xi32> to vector<1xi32>
      %squeeze3A_1997 = vector.extract %slice3A_1996[0] : i32 from vector<1xi32>
      %and3A_1998 = arith.constant 7 : i32
      %and3A_1999 = arith.andi %squeeze3A_1997, %and3A_1998 : i32
      %slice3A_2000 = vector.extract_strided_slice %get3A_1243 {offsets = [7], sizes = [1], strides = [1]} : vector<16xi32> to vector<1xi32>
      %squeeze3A_2001 = vector.extract %slice3A_2000[0] : i32 from vector<1xi32>
      %and3A_2002 = arith.constant 7 : i32
      %and3A_2003 = arith.andi %squeeze3A_2001, %and3A_2002 : i32
      %slice3A_2004 = vector.extract_strided_slice %get3A_1249 {offsets = [7], sizes = [1], strides = [1]} : vector<16xi32> to vector<1xi32>
      %squeeze3A_2005 = vector.extract %slice3A_2004[0] : i32 from vector<1xi32>
      %and3A_2006 = arith.constant 7 : i32
      %and3A_2007 = arith.andi %squeeze3A_2005, %and3A_2006 : i32
      %broadcast_in_dim3A_2008 = arith.constant 0.000000e+00 : f32
      %broadcast_in_dim3A_2009 = vector.broadcast %broadcast_in_dim3A_2008 : f32 to vector<16xf32>
      %get3A_2010 = arith.constant 7 : i32
      %get3A_2011 = arith.index_cast %rem3A_1216 : i32 to index
      %get3A_2012 = arith.index_cast %get3A_2010 : i32 to index
      %get3A_2013 = arith.index_cast %and3A_1999 : i32 to index
      %get3A_2014 = arith.constant 0 : index
      %get3A_2015 = tpu.vector_load %arg11[%get3A_2011, %get3A_2012, %get3A_2013, %get3A_2014] {strides = array<i32>} : memref<2x16x8x64xf32, #tpu.memory_space<vmem>>, vector<16xf32>,
      %get3A_2016 = arith.constant 7 : i32
      %get3A_2017 = arith.index_cast %rem3A_1216 : i32 to index
      %get3A_2018 = arith.index_cast %get3A_2016 : i32 to index
      %get3A_2019 = arith.index_cast %and3A_2007 : i32 to index
      %get3A_2020 = arith.constant 0 : index
      %get3A_2021 = tpu.vector_load %arg13[%get3A_2017, %get3A_2018, %get3A_2019, %get3A_2020] {strides = array<i32>} : memref<2x16x8x64xf32, #tpu.memory_space<vmem>>, vector<16xf32>,
      %get3A_2022 = arith.constant 7 : i32
      %get3A_2023 = arith.index_cast %rem3A_1216 : i32 to index
      %get3A_2024 = arith.index_cast %get3A_2022 : i32 to index
      %get3A_2025 = arith.index_cast %and3A_2003 : i32 to index
      %get3A_2026 = arith.constant 0 : index
      %get3A_2027 = tpu.vector_load %arg12[%get3A_2023, %get3A_2024, %get3A_2025, %get3A_2026] {strides = array<i32>} : memref<2x16x8x64xf32, #tpu.memory_space<vmem>>, vector<16xf32>,
      %add3A_2028 = arith.addf %get3A_2015, %get3A_2021 : vector<16xf32>
      %mul3A_2029 = arith.mulf %add3A_2028, %get3A_2027 : vector<16xf32>
      %add3A_2030 = arith.addf %broadcast_in_dim3A_2009, %mul3A_2029 : vector<16xf32>
      %get3A_2031 = arith.constant 7 : i32
      %get3A_2032 = arith.index_cast %rem3A_1216 : i32 to index
      %get3A_2033 = arith.index_cast %get3A_2031 : i32 to index
      %get3A_2034 = arith.index_cast %and3A_1999 : i32 to index
      %get3A_2035 = arith.constant 16 : index
      %get3A_2036 = tpu.vector_load %arg11[%get3A_2032, %get3A_2033, %get3A_2034, %get3A_2035] {strides = array<i32>} : memref<2x16x8x64xf32, #tpu.memory_space<vmem>>, vector<16xf32>,
      %get3A_2037 = arith.constant 7 : i32
      %get3A_2038 = arith.index_cast %rem3A_1216 : i32 to index
      %get3A_2039 = arith.index_cast %get3A_2037 : i32 to index
      %get3A_2040 = arith.index_cast %and3A_2007 : i32 to index
      %get3A_2041 = arith.constant 16 : index
      %get3A_2042 = tpu.vector_load %arg13[%get3A_2038, %get3A_2039, %get3A_2040, %get3A_2041] {strides = array<i32>} : memref<2x16x8x64xf32, #tpu.memory_space<vmem>>, vector<16xf32>,
      %get3A_2043 = arith.constant 7 : i32
      %get3A_2044 = arith.index_cast %rem3A_1216 : i32 to index
      %get3A_2045 = arith.index_cast %get3A_2043 : i32 to index
      %get3A_2046 = arith.index_cast %and3A_2003 : i32 to index
      %get3A_2047 = arith.constant 16 : index
      %get3A_2048 = tpu.vector_load %arg12[%get3A_2044, %get3A_2045, %get3A_2046, %get3A_2047] {strides = array<i32>} : memref<2x16x8x64xf32, #tpu.memory_space<vmem>>, vector<16xf32>,
      %add3A_2049 = arith.addf %get3A_2036, %get3A_2042 : vector<16xf32>
      %mul3A_2050 = arith.mulf %add3A_2049, %get3A_2048 : vector<16xf32>
      %add3A_2051 = arith.addf %add3A_2030, %mul3A_2050 : vector<16xf32>
      %get3A_2052 = arith.constant 7 : i32
      %get3A_2053 = arith.index_cast %rem3A_1216 : i32 to index
      %get3A_2054 = arith.index_cast %get3A_2052 : i32 to index
      %get3A_2055 = arith.index_cast %and3A_1999 : i32 to index
      %get3A_2056 = arith.constant 32 : index
      %get3A_2057 = tpu.vector_load %arg11[%get3A_2053, %get3A_2054, %get3A_2055, %get3A_2056] {strides = array<i32>} : memref<2x16x8x64xf32, #tpu.memory_space<vmem>>, vector<16xf32>,
      %get3A_2058 = arith.constant 7 : i32
      %get3A_2059 = arith.index_cast %rem3A_1216 : i32 to index
      %get3A_2060 = arith.index_cast %get3A_2058 : i32 to index
      %get3A_2061 = arith.index_cast %and3A_2007 : i32 to index
      %get3A_2062 = arith.constant 32 : index
      %get3A_2063 = tpu.vector_load %arg13[%get3A_2059, %get3A_2060, %get3A_2061, %get3A_2062] {strides = array<i32>} : memref<2x16x8x64xf32, #tpu.memory_space<vmem>>, vector<16xf32>,
      %get3A_2064 = arith.constant 7 : i32
      %get3A_2065 = arith.index_cast %rem3A_1216 : i32 to index
      %get3A_2066 = arith.index_cast %get3A_2064 : i32 to index
      %get3A_2067 = arith.index_cast %and3A_2003 : i32 to index
      %get3A_2068 = arith.constant 32 : index
      %get3A_2069 = tpu.vector_load %arg12[%get3A_2065, %get3A_2066, %get3A_2067, %get3A_2068] {strides = array<i32>} : memref<2x16x8x64xf32, #tpu.memory_space<vmem>>, vector<16xf32>,
      %add3A_2070 = arith.addf %get3A_2057, %get3A_2063 : vector<16xf32>
      %mul3A_2071 = arith.mulf %add3A_2070, %get3A_2069 : vector<16xf32>
      %add3A_2072 = arith.addf %add3A_2051, %mul3A_2071 : vector<16xf32>
      %get3A_2073 = arith.constant 7 : i32
      %get3A_2074 = arith.index_cast %rem3A_1216 : i32 to index
      %get3A_2075 = arith.index_cast %get3A_2073 : i32 to index
      %get3A_2076 = arith.index_cast %and3A_1999 : i32 to index
      %get3A_2077 = arith.constant 48 : index
      %get3A_2078 = tpu.vector_load %arg11[%get3A_2074, %get3A_2075, %get3A_2076, %get3A_2077] {strides = array<i32>} : memref<2x16x8x64xf32, #tpu.memory_space<vmem>>, vector<16xf32>,
      %get3A_2079 = arith.constant 7 : i32
      %get3A_2080 = arith.index_cast %rem3A_1216 : i32 to index
      %get3A_2081 = arith.index_cast %get3A_2079 : i32 to index
      %get3A_2082 = arith.index_cast %and3A_2007 : i32 to index
      %get3A_2083 = arith.constant 48 : index
      %get3A_2084 = tpu.vector_load %arg13[%get3A_2080, %get3A_2081, %get3A_2082, %get3A_2083] {strides = array<i32>} : memref<2x16x8x64xf32, #tpu.memory_space<vmem>>, vector<16xf32>,
      %get3A_2085 = arith.constant 7 : i32
      %get3A_2086 = arith.index_cast %rem3A_1216 : i32 to index
      %get3A_2087 = arith.index_cast %get3A_2085 : i32 to index
      %get3A_2088 = arith.index_cast %and3A_2003 : i32 to index
      %get3A_2089 = arith.constant 48 : index
      %get3A_2090 = tpu.vector_load %arg12[%get3A_2086, %get3A_2087, %get3A_2088, %get3A_2089] {strides = array<i32>} : memref<2x16x8x64xf32, #tpu.memory_space<vmem>>, vector<16xf32>,
      %add3A_2091 = arith.addf %get3A_2078, %get3A_2084 : vector<16xf32>
      %mul3A_2092 = arith.mulf %add3A_2091, %get3A_2090 : vector<16xf32>
      %add3A_2093 = arith.addf %add3A_2072, %mul3A_2092 : vector<16xf32>
      %eq3A_2094 = arith.constant 7 : i32
      %eq3A_2095 = vector.broadcast %eq3A_2094 : i32 to vector<16xi32>
      %eq3A_2096 = arith.cmpi eq, %iota3A, %eq3A_2095 : vector<16xi32>
      %reduce_sum3A_2097 = arith.constant true
      %reduce_sum3A_2098 = vector.broadcast %reduce_sum3A_2097 : i1 to vector<16xi1>
      %reduce_sum3A_2099 = tpu.scan <sum>, %add3A_2093 masked %reduce_sum3A_2098 : vector<16xf32>, vector<16xi1> -> vector<16xf32>
      %reduce_sum3A_2100 = vector.extract %reduce_sum3A_2099[15] : f32 from vector<16xf32>
      %broadcast_in_dim3A_2101 = vector.broadcast %reduce_sum3A_2100 : f32 to vector<16xf32>
      %select_n3A_2102 = arith.select %eq3A_2096, %broadcast_in_dim3A_2101, %select_n3A_1995 : vector<16xi1>, vector<16xf32>
      %slice3A_2103 = vector.extract_strided_slice %get3A_1237 {offsets = [8], sizes = [1], strides = [1]} : vector<16xi32> to vector<1xi32>
      %squeeze3A_2104 = vector.extract %slice3A_2103[0] : i32 from vector<1xi32>
      %and3A_2105 = arith.constant 7 : i32
      %and3A_2106 = arith.andi %squeeze3A_2104, %and3A_2105 : i32
      %slice3A_2107 = vector.extract_strided_slice %get3A_1243 {offsets = [8], sizes = [1], strides = [1]} : vector<16xi32> to vector<1xi32>
      %squeeze3A_2108 = vector.extract %slice3A_2107[0] : i32 from vector<1xi32>
      %and3A_2109 = arith.constant 7 : i32
      %and3A_2110 = arith.andi %squeeze3A_2108, %and3A_2109 : i32
      %slice3A_2111 = vector.extract_strided_slice %get3A_1249 {offsets = [8], sizes = [1], strides = [1]} : vector<16xi32> to vector<1xi32>
      %squeeze3A_2112 = vector.extract %slice3A_2111[0] : i32 from vector<1xi32>
      %and3A_2113 = arith.constant 7 : i32
      %and3A_2114 = arith.andi %squeeze3A_2112, %and3A_2113 : i32
      %broadcast_in_dim3A_2115 = arith.constant 0.000000e+00 : f32
      %broadcast_in_dim3A_2116 = vector.broadcast %broadcast_in_dim3A_2115 : f32 to vector<16xf32>
      %get3A_2117 = arith.constant 8 : i32
      %get3A_2118 = arith.index_cast %rem3A_1216 : i32 to index
      %get3A_2119 = arith.index_cast %get3A_2117 : i32 to index
      %get3A_2120 = arith.index_cast %and3A_2106 : i32 to index
      %get3A_2121 = arith.constant 0 : index
      %get3A_2122 = tpu.vector_load %arg11[%get3A_2118, %get3A_2119, %get3A_2120, %get3A_2121] {strides = array<i32>} : memref<2x16x8x64xf32, #tpu.memory_space<vmem>>, vector<16xf32>,
      %get3A_2123 = arith.constant 8 : i32
      %get3A_2124 = arith.index_cast %rem3A_1216 : i32 to index
      %get3A_2125 = arith.index_cast %get3A_2123 : i32 to index
      %get3A_2126 = arith.index_cast %and3A_2114 : i32 to index
      %get3A_2127 = arith.constant 0 : index
      %get3A_2128 = tpu.vector_load %arg13[%get3A_2124, %get3A_2125, %get3A_2126, %get3A_2127] {strides = array<i32>} : memref<2x16x8x64xf32, #tpu.memory_space<vmem>>, vector<16xf32>,
      %get3A_2129 = arith.constant 8 : i32
      %get3A_2130 = arith.index_cast %rem3A_1216 : i32 to index
      %get3A_2131 = arith.index_cast %get3A_2129 : i32 to index
      %get3A_2132 = arith.index_cast %and3A_2110 : i32 to index
      %get3A_2133 = arith.constant 0 : index
      %get3A_2134 = tpu.vector_load %arg12[%get3A_2130, %get3A_2131, %get3A_2132, %get3A_2133] {strides = array<i32>} : memref<2x16x8x64xf32, #tpu.memory_space<vmem>>, vector<16xf32>,
      %add3A_2135 = arith.addf %get3A_2122, %get3A_2128 : vector<16xf32>
      %mul3A_2136 = arith.mulf %add3A_2135, %get3A_2134 : vector<16xf32>
      %add3A_2137 = arith.addf %broadcast_in_dim3A_2116, %mul3A_2136 : vector<16xf32>
      %get3A_2138 = arith.constant 8 : i32
      %get3A_2139 = arith.index_cast %rem3A_1216 : i32 to index
      %get3A_2140 = arith.index_cast %get3A_2138 : i32 to index
      %get3A_2141 = arith.index_cast %and3A_2106 : i32 to index
      %get3A_2142 = arith.constant 16 : index
      %get3A_2143 = tpu.vector_load %arg11[%get3A_2139, %get3A_2140, %get3A_2141, %get3A_2142] {strides = array<i32>} : memref<2x16x8x64xf32, #tpu.memory_space<vmem>>, vector<16xf32>,
      %get3A_2144 = arith.constant 8 : i32
      %get3A_2145 = arith.index_cast %rem3A_1216 : i32 to index
      %get3A_2146 = arith.index_cast %get3A_2144 : i32 to index
      %get3A_2147 = arith.index_cast %and3A_2114 : i32 to index
      %get3A_2148 = arith.constant 16 : index
      %get3A_2149 = tpu.vector_load %arg13[%get3A_2145, %get3A_2146, %get3A_2147, %get3A_2148] {strides = array<i32>} : memref<2x16x8x64xf32, #tpu.memory_space<vmem>>, vector<16xf32>,
      %get3A_2150 = arith.constant 8 : i32
      %get3A_2151 = arith.index_cast %rem3A_1216 : i32 to index
      %get3A_2152 = arith.index_cast %get3A_2150 : i32 to index
      %get3A_2153 = arith.index_cast %and3A_2110 : i32 to index
      %get3A_2154 = arith.constant 16 : index
      %get3A_2155 = tpu.vector_load %arg12[%get3A_2151, %get3A_2152, %get3A_2153, %get3A_2154] {strides = array<i32>} : memref<2x16x8x64xf32, #tpu.memory_space<vmem>>, vector<16xf32>,
      %add3A_2156 = arith.addf %get3A_2143, %get3A_2149 : vector<16xf32>
      %mul3A_2157 = arith.mulf %add3A_2156, %get3A_2155 : vector<16xf32>
      %add3A_2158 = arith.addf %add3A_2137, %mul3A_2157 : vector<16xf32>
      %get3A_2159 = arith.constant 8 : i32
      %get3A_2160 = arith.index_cast %rem3A_1216 : i32 to index
      %get3A_2161 = arith.index_cast %get3A_2159 : i32 to index
      %get3A_2162 = arith.index_cast %and3A_2106 : i32 to index
      %get3A_2163 = arith.constant 32 : index
      %get3A_2164 = tpu.vector_load %arg11[%get3A_2160, %get3A_2161, %get3A_2162, %get3A_2163] {strides = array<i32>} : memref<2x16x8x64xf32, #tpu.memory_space<vmem>>, vector<16xf32>,
      %get3A_2165 = arith.constant 8 : i32
      %get3A_2166 = arith.index_cast %rem3A_1216 : i32 to index
      %get3A_2167 = arith.index_cast %get3A_2165 : i32 to index
      %get3A_2168 = arith.index_cast %and3A_2114 : i32 to index
      %get3A_2169 = arith.constant 32 : index
      %get3A_2170 = tpu.vector_load %arg13[%get3A_2166, %get3A_2167, %get3A_2168, %get3A_2169] {strides = array<i32>} : memref<2x16x8x64xf32, #tpu.memory_space<vmem>>, vector<16xf32>,
      %get3A_2171 = arith.constant 8 : i32
      %get3A_2172 = arith.index_cast %rem3A_1216 : i32 to index
      %get3A_2173 = arith.index_cast %get3A_2171 : i32 to index
      %get3A_2174 = arith.index_cast %and3A_2110 : i32 to index
      %get3A_2175 = arith.constant 32 : index
      %get3A_2176 = tpu.vector_load %arg12[%get3A_2172, %get3A_2173, %get3A_2174, %get3A_2175] {strides = array<i32>} : memref<2x16x8x64xf32, #tpu.memory_space<vmem>>, vector<16xf32>,
      %add3A_2177 = arith.addf %get3A_2164, %get3A_2170 : vector<16xf32>
      %mul3A_2178 = arith.mulf %add3A_2177, %get3A_2176 : vector<16xf32>
      %add3A_2179 = arith.addf %add3A_2158, %mul3A_2178 : vector<16xf32>
      %get3A_2180 = arith.constant 8 : i32
      %get3A_2181 = arith.index_cast %rem3A_1216 : i32 to index
      %get3A_2182 = arith.index_cast %get3A_2180 : i32 to index
      %get3A_2183 = arith.index_cast %and3A_2106 : i32 to index
      %get3A_2184 = arith.constant 48 : index
      %get3A_2185 = tpu.vector_load %arg11[%get3A_2181, %get3A_2182, %get3A_2183, %get3A_2184] {strides = array<i32>} : memref<2x16x8x64xf32, #tpu.memory_space<vmem>>, vector<16xf32>,
      %get3A_2186 = arith.constant 8 : i32
      %get3A_2187 = arith.index_cast %rem3A_1216 : i32 to index
      %get3A_2188 = arith.index_cast %get3A_2186 : i32 to index
      %get3A_2189 = arith.index_cast %and3A_2114 : i32 to index
      %get3A_2190 = arith.constant 48 : index
      %get3A_2191 = tpu.vector_load %arg13[%get3A_2187, %get3A_2188, %get3A_2189, %get3A_2190] {strides = array<i32>} : memref<2x16x8x64xf32, #tpu.memory_space<vmem>>, vector<16xf32>,
      %get3A_2192 = arith.constant 8 : i32
      %get3A_2193 = arith.index_cast %rem3A_1216 : i32 to index
      %get3A_2194 = arith.index_cast %get3A_2192 : i32 to index
      %get3A_2195 = arith.index_cast %and3A_2110 : i32 to index
      %get3A_2196 = arith.constant 48 : index
      %get3A_2197 = tpu.vector_load %arg12[%get3A_2193, %get3A_2194, %get3A_2195, %get3A_2196] {strides = array<i32>} : memref<2x16x8x64xf32, #tpu.memory_space<vmem>>, vector<16xf32>,
      %add3A_2198 = arith.addf %get3A_2185, %get3A_2191 : vector<16xf32>
      %mul3A_2199 = arith.mulf %add3A_2198, %get3A_2197 : vector<16xf32>
      %add3A_2200 = arith.addf %add3A_2179, %mul3A_2199 : vector<16xf32>
      %eq3A_2201 = arith.constant 8 : i32
      %eq3A_2202 = vector.broadcast %eq3A_2201 : i32 to vector<16xi32>
      %eq3A_2203 = arith.cmpi eq, %iota3A, %eq3A_2202 : vector<16xi32>
      %reduce_sum3A_2204 = arith.constant true
      %reduce_sum3A_2205 = vector.broadcast %reduce_sum3A_2204 : i1 to vector<16xi1>
      %reduce_sum3A_2206 = tpu.scan <sum>, %add3A_2200 masked %reduce_sum3A_2205 : vector<16xf32>, vector<16xi1> -> vector<16xf32>
      %reduce_sum3A_2207 = vector.extract %reduce_sum3A_2206[15] : f32 from vector<16xf32>
      %broadcast_in_dim3A_2208 = vector.broadcast %reduce_sum3A_2207 : f32 to vector<16xf32>
      %select_n3A_2209 = arith.select %eq3A_2203, %broadcast_in_dim3A_2208, %select_n3A_2102 : vector<16xi1>, vector<16xf32>
      %slice3A_2210 = vector.extract_strided_slice %get3A_1237 {offsets = [9], sizes = [1], strides = [1]} : vector<16xi32> to vector<1xi32>
      %squeeze3A_2211 = vector.extract %slice3A_2210[0] : i32 from vector<1xi32>
      %and3A_2212 = arith.constant 7 : i32
      %and3A_2213 = arith.andi %squeeze3A_2211, %and3A_2212 : i32
      %slice3A_2214 = vector.extract_strided_slice %get3A_1243 {offsets = [9], sizes = [1], strides = [1]} : vector<16xi32> to vector<1xi32>
      %squeeze3A_2215 = vector.extract %slice3A_2214[0] : i32 from vector<1xi32>
      %and3A_2216 = arith.constant 7 : i32
      %and3A_2217 = arith.andi %squeeze3A_2215, %and3A_2216 : i32
      %slice3A_2218 = vector.extract_strided_slice %get3A_1249 {offsets = [9], sizes = [1], strides = [1]} : vector<16xi32> to vector<1xi32>
      %squeeze3A_2219 = vector.extract %slice3A_2218[0] : i32 from vector<1xi32>
      %and3A_2220 = arith.constant 7 : i32
      %and3A_2221 = arith.andi %squeeze3A_2219, %and3A_2220 : i32
      %broadcast_in_dim3A_2222 = arith.constant 0.000000e+00 : f32
      %broadcast_in_dim3A_2223 = vector.broadcast %broadcast_in_dim3A_2222 : f32 to vector<16xf32>
      %get3A_2224 = arith.constant 9 : i32
      %get3A_2225 = arith.index_cast %rem3A_1216 : i32 to index
      %get3A_2226 = arith.index_cast %get3A_2224 : i32 to index
      %get3A_2227 = arith.index_cast %and3A_2213 : i32 to index
      %get3A_2228 = arith.constant 0 : index
      %get3A_2229 = tpu.vector_load %arg11[%get3A_2225, %get3A_2226, %get3A_2227, %get3A_2228] {strides = array<i32>} : memref<2x16x8x64xf32, #tpu.memory_space<vmem>>, vector<16xf32>,
      %get3A_2230 = arith.constant 9 : i32
      %get3A_2231 = arith.index_cast %rem3A_1216 : i32 to index
      %get3A_2232 = arith.index_cast %get3A_2230 : i32 to index
      %get3A_2233 = arith.index_cast %and3A_2221 : i32 to index
      %get3A_2234 = arith.constant 0 : index
      %get3A_2235 = tpu.vector_load %arg13[%get3A_2231, %get3A_2232, %get3A_2233, %get3A_2234] {strides = array<i32>} : memref<2x16x8x64xf32, #tpu.memory_space<vmem>>, vector<16xf32>,
      %get3A_2236 = arith.constant 9 : i32
      %get3A_2237 = arith.index_cast %rem3A_1216 : i32 to index
      %get3A_2238 = arith.index_cast %get3A_2236 : i32 to index
      %get3A_2239 = arith.index_cast %and3A_2217 : i32 to index
      %get3A_2240 = arith.constant 0 : index
      %get3A_2241 = tpu.vector_load %arg12[%get3A_2237, %get3A_2238, %get3A_2239, %get3A_2240] {strides = array<i32>} : memref<2x16x8x64xf32, #tpu.memory_space<vmem>>, vector<16xf32>,
      %add3A_2242 = arith.addf %get3A_2229, %get3A_2235 : vector<16xf32>
      %mul3A_2243 = arith.mulf %add3A_2242, %get3A_2241 : vector<16xf32>
      %add3A_2244 = arith.addf %broadcast_in_dim3A_2223, %mul3A_2243 : vector<16xf32>
      %get3A_2245 = arith.constant 9 : i32
      %get3A_2246 = arith.index_cast %rem3A_1216 : i32 to index
      %get3A_2247 = arith.index_cast %get3A_2245 : i32 to index
      %get3A_2248 = arith.index_cast %and3A_2213 : i32 to index
      %get3A_2249 = arith.constant 16 : index
      %get3A_2250 = tpu.vector_load %arg11[%get3A_2246, %get3A_2247, %get3A_2248, %get3A_2249] {strides = array<i32>} : memref<2x16x8x64xf32, #tpu.memory_space<vmem>>, vector<16xf32>,
      %get3A_2251 = arith.constant 9 : i32
      %get3A_2252 = arith.index_cast %rem3A_1216 : i32 to index
      %get3A_2253 = arith.index_cast %get3A_2251 : i32 to index
      %get3A_2254 = arith.index_cast %and3A_2221 : i32 to index
      %get3A_2255 = arith.constant 16 : index
      %get3A_2256 = tpu.vector_load %arg13[%get3A_2252, %get3A_2253, %get3A_2254, %get3A_2255] {strides = array<i32>} : memref<2x16x8x64xf32, #tpu.memory_space<vmem>>, vector<16xf32>,
      %get3A_2257 = arith.constant 9 : i32
      %get3A_2258 = arith.index_cast %rem3A_1216 : i32 to index
      %get3A_2259 = arith.index_cast %get3A_2257 : i32 to index
      %get3A_2260 = arith.index_cast %and3A_2217 : i32 to index
      %get3A_2261 = arith.constant 16 : index
      %get3A_2262 = tpu.vector_load %arg12[%get3A_2258, %get3A_2259, %get3A_2260, %get3A_2261] {strides = array<i32>} : memref<2x16x8x64xf32, #tpu.memory_space<vmem>>, vector<16xf32>,
      %add3A_2263 = arith.addf %get3A_2250, %get3A_2256 : vector<16xf32>
      %mul3A_2264 = arith.mulf %add3A_2263, %get3A_2262 : vector<16xf32>
      %add3A_2265 = arith.addf %add3A_2244, %mul3A_2264 : vector<16xf32>
      %get3A_2266 = arith.constant 9 : i32
      %get3A_2267 = arith.index_cast %rem3A_1216 : i32 to index
      %get3A_2268 = arith.index_cast %get3A_2266 : i32 to index
      %get3A_2269 = arith.index_cast %and3A_2213 : i32 to index
      %get3A_2270 = arith.constant 32 : index
      %get3A_2271 = tpu.vector_load %arg11[%get3A_2267, %get3A_2268, %get3A_2269, %get3A_2270] {strides = array<i32>} : memref<2x16x8x64xf32, #tpu.memory_space<vmem>>, vector<16xf32>,
      %get3A_2272 = arith.constant 9 : i32
      %get3A_2273 = arith.index_cast %rem3A_1216 : i32 to index
      %get3A_2274 = arith.index_cast %get3A_2272 : i32 to index
      %get3A_2275 = arith.index_cast %and3A_2221 : i32 to index
      %get3A_2276 = arith.constant 32 : index
      %get3A_2277 = tpu.vector_load %arg13[%get3A_2273, %get3A_2274, %get3A_2275, %get3A_2276] {strides = array<i32>} : memref<2x16x8x64xf32, #tpu.memory_space<vmem>>, vector<16xf32>,
      %get3A_2278 = arith.constant 9 : i32
      %get3A_2279 = arith.index_cast %rem3A_1216 : i32 to index
      %get3A_2280 = arith.index_cast %get3A_2278 : i32 to index
      %get3A_2281 = arith.index_cast %and3A_2217 : i32 to index
      %get3A_2282 = arith.constant 32 : index
      %get3A_2283 = tpu.vector_load %arg12[%get3A_2279, %get3A_2280, %get3A_2281, %get3A_2282] {strides = array<i32>} : memref<2x16x8x64xf32, #tpu.memory_space<vmem>>, vector<16xf32>,
      %add3A_2284 = arith.addf %get3A_2271, %get3A_2277 : vector<16xf32>
      %mul3A_2285 = arith.mulf %add3A_2284, %get3A_2283 : vector<16xf32>
      %add3A_2286 = arith.addf %add3A_2265, %mul3A_2285 : vector<16xf32>
      %get3A_2287 = arith.constant 9 : i32
      %get3A_2288 = arith.index_cast %rem3A_1216 : i32 to index
      %get3A_2289 = arith.index_cast %get3A_2287 : i32 to index
      %get3A_2290 = arith.index_cast %and3A_2213 : i32 to index
      %get3A_2291 = arith.constant 48 : index
      %get3A_2292 = tpu.vector_load %arg11[%get3A_2288, %get3A_2289, %get3A_2290, %get3A_2291] {strides = array<i32>} : memref<2x16x8x64xf32, #tpu.memory_space<vmem>>, vector<16xf32>,
      %get3A_2293 = arith.constant 9 : i32
      %get3A_2294 = arith.index_cast %rem3A_1216 : i32 to index
      %get3A_2295 = arith.index_cast %get3A_2293 : i32 to index
      %get3A_2296 = arith.index_cast %and3A_2221 : i32 to index
      %get3A_2297 = arith.constant 48 : index
      %get3A_2298 = tpu.vector_load %arg13[%get3A_2294, %get3A_2295, %get3A_2296, %get3A_2297] {strides = array<i32>} : memref<2x16x8x64xf32, #tpu.memory_space<vmem>>, vector<16xf32>,
      %get3A_2299 = arith.constant 9 : i32
      %get3A_2300 = arith.index_cast %rem3A_1216 : i32 to index
      %get3A_2301 = arith.index_cast %get3A_2299 : i32 to index
      %get3A_2302 = arith.index_cast %and3A_2217 : i32 to index
      %get3A_2303 = arith.constant 48 : index
      %get3A_2304 = tpu.vector_load %arg12[%get3A_2300, %get3A_2301, %get3A_2302, %get3A_2303] {strides = array<i32>} : memref<2x16x8x64xf32, #tpu.memory_space<vmem>>, vector<16xf32>,
      %add3A_2305 = arith.addf %get3A_2292, %get3A_2298 : vector<16xf32>
      %mul3A_2306 = arith.mulf %add3A_2305, %get3A_2304 : vector<16xf32>
      %add3A_2307 = arith.addf %add3A_2286, %mul3A_2306 : vector<16xf32>
      %eq3A_2308 = arith.constant 9 : i32
      %eq3A_2309 = vector.broadcast %eq3A_2308 : i32 to vector<16xi32>
      %eq3A_2310 = arith.cmpi eq, %iota3A, %eq3A_2309 : vector<16xi32>
      %reduce_sum3A_2311 = arith.constant true
      %reduce_sum3A_2312 = vector.broadcast %reduce_sum3A_2311 : i1 to vector<16xi1>
      %reduce_sum3A_2313 = tpu.scan <sum>, %add3A_2307 masked %reduce_sum3A_2312 : vector<16xf32>, vector<16xi1> -> vector<16xf32>
      %reduce_sum3A_2314 = vector.extract %reduce_sum3A_2313[15] : f32 from vector<16xf32>
      %broadcast_in_dim3A_2315 = vector.broadcast %reduce_sum3A_2314 : f32 to vector<16xf32>
      %select_n3A_2316 = arith.select %eq3A_2310, %broadcast_in_dim3A_2315, %select_n3A_2209 : vector<16xi1>, vector<16xf32>
      %slice3A_2317 = vector.extract_strided_slice %get3A_1237 {offsets = [10], sizes = [1], strides = [1]} : vector<16xi32> to vector<1xi32>
      %squeeze3A_2318 = vector.extract %slice3A_2317[0] : i32 from vector<1xi32>
      %and3A_2319 = arith.constant 7 : i32
      %and3A_2320 = arith.andi %squeeze3A_2318, %and3A_2319 : i32
      %slice3A_2321 = vector.extract_strided_slice %get3A_1243 {offsets = [10], sizes = [1], strides = [1]} : vector<16xi32> to vector<1xi32>
      %squeeze3A_2322 = vector.extract %slice3A_2321[0] : i32 from vector<1xi32>
      %and3A_2323 = arith.constant 7 : i32
      %and3A_2324 = arith.andi %squeeze3A_2322, %and3A_2323 : i32
      %slice3A_2325 = vector.extract_strided_slice %get3A_1249 {offsets = [10], sizes = [1], strides = [1]} : vector<16xi32> to vector<1xi32>
      %squeeze3A_2326 = vector.extract %slice3A_2325[0] : i32 from vector<1xi32>
      %and3A_2327 = arith.constant 7 : i32
      %and3A_2328 = arith.andi %squeeze3A_2326, %and3A_2327 : i32
      %broadcast_in_dim3A_2329 = arith.constant 0.000000e+00 : f32
      %broadcast_in_dim3A_2330 = vector.broadcast %broadcast_in_dim3A_2329 : f32 to vector<16xf32>
      %get3A_2331 = arith.constant 10 : i32
      %get3A_2332 = arith.index_cast %rem3A_1216 : i32 to index
      %get3A_2333 = arith.index_cast %get3A_2331 : i32 to index
      %get3A_2334 = arith.index_cast %and3A_2320 : i32 to index
      %get3A_2335 = arith.constant 0 : index
      %get3A_2336 = tpu.vector_load %arg11[%get3A_2332, %get3A_2333, %get3A_2334, %get3A_2335] {strides = array<i32>} : memref<2x16x8x64xf32, #tpu.memory_space<vmem>>, vector<16xf32>,
      %get3A_2337 = arith.constant 10 : i32
      %get3A_2338 = arith.index_cast %rem3A_1216 : i32 to index
      %get3A_2339 = arith.index_cast %get3A_2337 : i32 to index
      %get3A_2340 = arith.index_cast %and3A_2328 : i32 to index
      %get3A_2341 = arith.constant 0 : index
      %get3A_2342 = tpu.vector_load %arg13[%get3A_2338, %get3A_2339, %get3A_2340, %get3A_2341] {strides = array<i32>} : memref<2x16x8x64xf32, #tpu.memory_space<vmem>>, vector<16xf32>,
      %get3A_2343 = arith.constant 10 : i32
      %get3A_2344 = arith.index_cast %rem3A_1216 : i32 to index
      %get3A_2345 = arith.index_cast %get3A_2343 : i32 to index
      %get3A_2346 = arith.index_cast %and3A_2324 : i32 to index
      %get3A_2347 = arith.constant 0 : index
      %get3A_2348 = tpu.vector_load %arg12[%get3A_2344, %get3A_2345, %get3A_2346, %get3A_2347] {strides = array<i32>} : memref<2x16x8x64xf32, #tpu.memory_space<vmem>>, vector<16xf32>,
      %add3A_2349 = arith.addf %get3A_2336, %get3A_2342 : vector<16xf32>
      %mul3A_2350 = arith.mulf %add3A_2349, %get3A_2348 : vector<16xf32>
      %add3A_2351 = arith.addf %broadcast_in_dim3A_2330, %mul3A_2350 : vector<16xf32>
      %get3A_2352 = arith.constant 10 : i32
      %get3A_2353 = arith.index_cast %rem3A_1216 : i32 to index
      %get3A_2354 = arith.index_cast %get3A_2352 : i32 to index
      %get3A_2355 = arith.index_cast %and3A_2320 : i32 to index
      %get3A_2356 = arith.constant 16 : index
      %get3A_2357 = tpu.vector_load %arg11[%get3A_2353, %get3A_2354, %get3A_2355, %get3A_2356] {strides = array<i32>} : memref<2x16x8x64xf32, #tpu.memory_space<vmem>>, vector<16xf32>,
      %get3A_2358 = arith.constant 10 : i32
      %get3A_2359 = arith.index_cast %rem3A_1216 : i32 to index
      %get3A_2360 = arith.index_cast %get3A_2358 : i32 to index
      %get3A_2361 = arith.index_cast %and3A_2328 : i32 to index
      %get3A_2362 = arith.constant 16 : index
      %get3A_2363 = tpu.vector_load %arg13[%get3A_2359, %get3A_2360, %get3A_2361, %get3A_2362] {strides = array<i32>} : memref<2x16x8x64xf32, #tpu.memory_space<vmem>>, vector<16xf32>,
      %get3A_2364 = arith.constant 10 : i32
      %get3A_2365 = arith.index_cast %rem3A_1216 : i32 to index
      %get3A_2366 = arith.index_cast %get3A_2364 : i32 to index
      %get3A_2367 = arith.index_cast %and3A_2324 : i32 to index
      %get3A_2368 = arith.constant 16 : index
      %get3A_2369 = tpu.vector_load %arg12[%get3A_2365, %get3A_2366, %get3A_2367, %get3A_2368] {strides = array<i32>} : memref<2x16x8x64xf32, #tpu.memory_space<vmem>>, vector<16xf32>,
      %add3A_2370 = arith.addf %get3A_2357, %get3A_2363 : vector<16xf32>
      %mul3A_2371 = arith.mulf %add3A_2370, %get3A_2369 : vector<16xf32>
      %add3A_2372 = arith.addf %add3A_2351, %mul3A_2371 : vector<16xf32>
      %get3A_2373 = arith.constant 10 : i32
      %get3A_2374 = arith.index_cast %rem3A_1216 : i32 to index
      %get3A_2375 = arith.index_cast %get3A_2373 : i32 to index
      %get3A_2376 = arith.index_cast %and3A_2320 : i32 to index
      %get3A_2377 = arith.constant 32 : index
      %get3A_2378 = tpu.vector_load %arg11[%get3A_2374, %get3A_2375, %get3A_2376, %get3A_2377] {strides = array<i32>} : memref<2x16x8x64xf32, #tpu.memory_space<vmem>>, vector<16xf32>,
      %get3A_2379 = arith.constant 10 : i32
      %get3A_2380 = arith.index_cast %rem3A_1216 : i32 to index
      %get3A_2381 = arith.index_cast %get3A_2379 : i32 to index
      %get3A_2382 = arith.index_cast %and3A_2328 : i32 to index
      %get3A_2383 = arith.constant 32 : index
      %get3A_2384 = tpu.vector_load %arg13[%get3A_2380, %get3A_2381, %get3A_2382, %get3A_2383] {strides = array<i32>} : memref<2x16x8x64xf32, #tpu.memory_space<vmem>>, vector<16xf32>,
      %get3A_2385 = arith.constant 10 : i32
      %get3A_2386 = arith.index_cast %rem3A_1216 : i32 to index
      %get3A_2387 = arith.index_cast %get3A_2385 : i32 to index
      %get3A_2388 = arith.index_cast %and3A_2324 : i32 to index
      %get3A_2389 = arith.constant 32 : index
      %get3A_2390 = tpu.vector_load %arg12[%get3A_2386, %get3A_2387, %get3A_2388, %get3A_2389] {strides = array<i32>} : memref<2x16x8x64xf32, #tpu.memory_space<vmem>>, vector<16xf32>,
      %add3A_2391 = arith.addf %get3A_2378, %get3A_2384 : vector<16xf32>
      %mul3A_2392 = arith.mulf %add3A_2391, %get3A_2390 : vector<16xf32>
      %add3A_2393 = arith.addf %add3A_2372, %mul3A_2392 : vector<16xf32>
      %get3A_2394 = arith.constant 10 : i32
      %get3A_2395 = arith.index_cast %rem3A_1216 : i32 to index
      %get3A_2396 = arith.index_cast %get3A_2394 : i32 to index
      %get3A_2397 = arith.index_cast %and3A_2320 : i32 to index
      %get3A_2398 = arith.constant 48 : index
      %get3A_2399 = tpu.vector_load %arg11[%get3A_2395, %get3A_2396, %get3A_2397, %get3A_2398] {strides = array<i32>} : memref<2x16x8x64xf32, #tpu.memory_space<vmem>>, vector<16xf32>,
      %get3A_2400 = arith.constant 10 : i32
      %get3A_2401 = arith.index_cast %rem3A_1216 : i32 to index
      %get3A_2402 = arith.index_cast %get3A_2400 : i32 to index
      %get3A_2403 = arith.index_cast %and3A_2328 : i32 to index
      %get3A_2404 = arith.constant 48 : index
      %get3A_2405 = tpu.vector_load %arg13[%get3A_2401, %get3A_2402, %get3A_2403, %get3A_2404] {strides = array<i32>} : memref<2x16x8x64xf32, #tpu.memory_space<vmem>>, vector<16xf32>,
      %get3A_2406 = arith.constant 10 : i32
      %get3A_2407 = arith.index_cast %rem3A_1216 : i32 to index
      %get3A_2408 = arith.index_cast %get3A_2406 : i32 to index
      %get3A_2409 = arith.index_cast %and3A_2324 : i32 to index
      %get3A_2410 = arith.constant 48 : index
      %get3A_2411 = tpu.vector_load %arg12[%get3A_2407, %get3A_2408, %get3A_2409, %get3A_2410] {strides = array<i32>} : memref<2x16x8x64xf32, #tpu.memory_space<vmem>>, vector<16xf32>,
      %add3A_2412 = arith.addf %get3A_2399, %get3A_2405 : vector<16xf32>
      %mul3A_2413 = arith.mulf %add3A_2412, %get3A_2411 : vector<16xf32>
      %add3A_2414 = arith.addf %add3A_2393, %mul3A_2413 : vector<16xf32>
      %eq3A_2415 = arith.constant 10 : i32
      %eq3A_2416 = vector.broadcast %eq3A_2415 : i32 to vector<16xi32>
      %eq3A_2417 = arith.cmpi eq, %iota3A, %eq3A_2416 : vector<16xi32>
      %reduce_sum3A_2418 = arith.constant true
      %reduce_sum3A_2419 = vector.broadcast %reduce_sum3A_2418 : i1 to vector<16xi1>
      %reduce_sum3A_2420 = tpu.scan <sum>, %add3A_2414 masked %reduce_sum3A_2419 : vector<16xf32>, vector<16xi1> -> vector<16xf32>
      %reduce_sum3A_2421 = vector.extract %reduce_sum3A_2420[15] : f32 from vector<16xf32>
      %broadcast_in_dim3A_2422 = vector.broadcast %reduce_sum3A_2421 : f32 to vector<16xf32>
      %select_n3A_2423 = arith.select %eq3A_2417, %broadcast_in_dim3A_2422, %select_n3A_2316 : vector<16xi1>, vector<16xf32>
      %slice3A_2424 = vector.extract_strided_slice %get3A_1237 {offsets = [11], sizes = [1], strides = [1]} : vector<16xi32> to vector<1xi32>
      %squeeze3A_2425 = vector.extract %slice3A_2424[0] : i32 from vector<1xi32>
      %and3A_2426 = arith.constant 7 : i32
      %and3A_2427 = arith.andi %squeeze3A_2425, %and3A_2426 : i32
      %slice3A_2428 = vector.extract_strided_slice %get3A_1243 {offsets = [11], sizes = [1], strides = [1]} : vector<16xi32> to vector<1xi32>
      %squeeze3A_2429 = vector.extract %slice3A_2428[0] : i32 from vector<1xi32>
      %and3A_2430 = arith.constant 7 : i32
      %and3A_2431 = arith.andi %squeeze3A_2429, %and3A_2430 : i32
      %slice3A_2432 = vector.extract_strided_slice %get3A_1249 {offsets = [11], sizes = [1], strides = [1]} : vector<16xi32> to vector<1xi32>
      %squeeze3A_2433 = vector.extract %slice3A_2432[0] : i32 from vector<1xi32>
      %and3A_2434 = arith.constant 7 : i32
      %and3A_2435 = arith.andi %squeeze3A_2433, %and3A_2434 : i32
      %broadcast_in_dim3A_2436 = arith.constant 0.000000e+00 : f32
      %broadcast_in_dim3A_2437 = vector.broadcast %broadcast_in_dim3A_2436 : f32 to vector<16xf32>
      %get3A_2438 = arith.constant 11 : i32
      %get3A_2439 = arith.index_cast %rem3A_1216 : i32 to index
      %get3A_2440 = arith.index_cast %get3A_2438 : i32 to index
      %get3A_2441 = arith.index_cast %and3A_2427 : i32 to index
      %get3A_2442 = arith.constant 0 : index
      %get3A_2443 = tpu.vector_load %arg11[%get3A_2439, %get3A_2440, %get3A_2441, %get3A_2442] {strides = array<i32>} : memref<2x16x8x64xf32, #tpu.memory_space<vmem>>, vector<16xf32>,
      %get3A_2444 = arith.constant 11 : i32
      %get3A_2445 = arith.index_cast %rem3A_1216 : i32 to index
      %get3A_2446 = arith.index_cast %get3A_2444 : i32 to index
      %get3A_2447 = arith.index_cast %and3A_2435 : i32 to index
      %get3A_2448 = arith.constant 0 : index
      %get3A_2449 = tpu.vector_load %arg13[%get3A_2445, %get3A_2446, %get3A_2447, %get3A_2448] {strides = array<i32>} : memref<2x16x8x64xf32, #tpu.memory_space<vmem>>, vector<16xf32>,
      %get3A_2450 = arith.constant 11 : i32
      %get3A_2451 = arith.index_cast %rem3A_1216 : i32 to index
      %get3A_2452 = arith.index_cast %get3A_2450 : i32 to index
      %get3A_2453 = arith.index_cast %and3A_2431 : i32 to index
      %get3A_2454 = arith.constant 0 : index
      %get3A_2455 = tpu.vector_load %arg12[%get3A_2451, %get3A_2452, %get3A_2453, %get3A_2454] {strides = array<i32>} : memref<2x16x8x64xf32, #tpu.memory_space<vmem>>, vector<16xf32>,
      %add3A_2456 = arith.addf %get3A_2443, %get3A_2449 : vector<16xf32>
      %mul3A_2457 = arith.mulf %add3A_2456, %get3A_2455 : vector<16xf32>
      %add3A_2458 = arith.addf %broadcast_in_dim3A_2437, %mul3A_2457 : vector<16xf32>
      %get3A_2459 = arith.constant 11 : i32
      %get3A_2460 = arith.index_cast %rem3A_1216 : i32 to index
      %get3A_2461 = arith.index_cast %get3A_2459 : i32 to index
      %get3A_2462 = arith.index_cast %and3A_2427 : i32 to index
      %get3A_2463 = arith.constant 16 : index
      %get3A_2464 = tpu.vector_load %arg11[%get3A_2460, %get3A_2461, %get3A_2462, %get3A_2463] {strides = array<i32>} : memref<2x16x8x64xf32, #tpu.memory_space<vmem>>, vector<16xf32>,
      %get3A_2465 = arith.constant 11 : i32
      %get3A_2466 = arith.index_cast %rem3A_1216 : i32 to index
      %get3A_2467 = arith.index_cast %get3A_2465 : i32 to index
      %get3A_2468 = arith.index_cast %and3A_2435 : i32 to index
      %get3A_2469 = arith.constant 16 : index
      %get3A_2470 = tpu.vector_load %arg13[%get3A_2466, %get3A_2467, %get3A_2468, %get3A_2469] {strides = array<i32>} : memref<2x16x8x64xf32, #tpu.memory_space<vmem>>, vector<16xf32>,
      %get3A_2471 = arith.constant 11 : i32
      %get3A_2472 = arith.index_cast %rem3A_1216 : i32 to index
      %get3A_2473 = arith.index_cast %get3A_2471 : i32 to index
      %get3A_2474 = arith.index_cast %and3A_2431 : i32 to index
      %get3A_2475 = arith.constant 16 : index
      %get3A_2476 = tpu.vector_load %arg12[%get3A_2472, %get3A_2473, %get3A_2474, %get3A_2475] {strides = array<i32>} : memref<2x16x8x64xf32, #tpu.memory_space<vmem>>, vector<16xf32>,
      %add3A_2477 = arith.addf %get3A_2464, %get3A_2470 : vector<16xf32>
      %mul3A_2478 = arith.mulf %add3A_2477, %get3A_2476 : vector<16xf32>
      %add3A_2479 = arith.addf %add3A_2458, %mul3A_2478 : vector<16xf32>
      %get3A_2480 = arith.constant 11 : i32
      %get3A_2481 = arith.index_cast %rem3A_1216 : i32 to index
      %get3A_2482 = arith.index_cast %get3A_2480 : i32 to index
      %get3A_2483 = arith.index_cast %and3A_2427 : i32 to index
      %get3A_2484 = arith.constant 32 : index
      %get3A_2485 = tpu.vector_load %arg11[%get3A_2481, %get3A_2482, %get3A_2483, %get3A_2484] {strides = array<i32>} : memref<2x16x8x64xf32, #tpu.memory_space<vmem>>, vector<16xf32>,
      %get3A_2486 = arith.constant 11 : i32
      %get3A_2487 = arith.index_cast %rem3A_1216 : i32 to index
      %get3A_2488 = arith.index_cast %get3A_2486 : i32 to index
      %get3A_2489 = arith.index_cast %and3A_2435 : i32 to index
      %get3A_2490 = arith.constant 32 : index
      %get3A_2491 = tpu.vector_load %arg13[%get3A_2487, %get3A_2488, %get3A_2489, %get3A_2490] {strides = array<i32>} : memref<2x16x8x64xf32, #tpu.memory_space<vmem>>, vector<16xf32>,
      %get3A_2492 = arith.constant 11 : i32
      %get3A_2493 = arith.index_cast %rem3A_1216 : i32 to index
      %get3A_2494 = arith.index_cast %get3A_2492 : i32 to index
      %get3A_2495 = arith.index_cast %and3A_2431 : i32 to index
      %get3A_2496 = arith.constant 32 : index
      %get3A_2497 = tpu.vector_load %arg12[%get3A_2493, %get3A_2494, %get3A_2495, %get3A_2496] {strides = array<i32>} : memref<2x16x8x64xf32, #tpu.memory_space<vmem>>, vector<16xf32>,
      %add3A_2498 = arith.addf %get3A_2485, %get3A_2491 : vector<16xf32>
      %mul3A_2499 = arith.mulf %add3A_2498, %get3A_2497 : vector<16xf32>
      %add3A_2500 = arith.addf %add3A_2479, %mul3A_2499 : vector<16xf32>
      %get3A_2501 = arith.constant 11 : i32
      %get3A_2502 = arith.index_cast %rem3A_1216 : i32 to index
      %get3A_2503 = arith.index_cast %get3A_2501 : i32 to index
      %get3A_2504 = arith.index_cast %and3A_2427 : i32 to index
      %get3A_2505 = arith.constant 48 : index
      %get3A_2506 = tpu.vector_load %arg11[%get3A_2502, %get3A_2503, %get3A_2504, %get3A_2505] {strides = array<i32>} : memref<2x16x8x64xf32, #tpu.memory_space<vmem>>, vector<16xf32>,
      %get3A_2507 = arith.constant 11 : i32
      %get3A_2508 = arith.index_cast %rem3A_1216 : i32 to index
      %get3A_2509 = arith.index_cast %get3A_2507 : i32 to index
      %get3A_2510 = arith.index_cast %and3A_2435 : i32 to index
      %get3A_2511 = arith.constant 48 : index
      %get3A_2512 = tpu.vector_load %arg13[%get3A_2508, %get3A_2509, %get3A_2510, %get3A_2511] {strides = array<i32>} : memref<2x16x8x64xf32, #tpu.memory_space<vmem>>, vector<16xf32>,
      %get3A_2513 = arith.constant 11 : i32
      %get3A_2514 = arith.index_cast %rem3A_1216 : i32 to index
      %get3A_2515 = arith.index_cast %get3A_2513 : i32 to index
      %get3A_2516 = arith.index_cast %and3A_2431 : i32 to index
      %get3A_2517 = arith.constant 48 : index
      %get3A_2518 = tpu.vector_load %arg12[%get3A_2514, %get3A_2515, %get3A_2516, %get3A_2517] {strides = array<i32>} : memref<2x16x8x64xf32, #tpu.memory_space<vmem>>, vector<16xf32>,
      %add3A_2519 = arith.addf %get3A_2506, %get3A_2512 : vector<16xf32>
      %mul3A_2520 = arith.mulf %add3A_2519, %get3A_2518 : vector<16xf32>
      %add3A_2521 = arith.addf %add3A_2500, %mul3A_2520 : vector<16xf32>
      %eq3A_2522 = arith.constant 11 : i32
      %eq3A_2523 = vector.broadcast %eq3A_2522 : i32 to vector<16xi32>
      %eq3A_2524 = arith.cmpi eq, %iota3A, %eq3A_2523 : vector<16xi32>
      %reduce_sum3A_2525 = arith.constant true
      %reduce_sum3A_2526 = vector.broadcast %reduce_sum3A_2525 : i1 to vector<16xi1>
      %reduce_sum3A_2527 = tpu.scan <sum>, %add3A_2521 masked %reduce_sum3A_2526 : vector<16xf32>, vector<16xi1> -> vector<16xf32>
      %reduce_sum3A_2528 = vector.extract %reduce_sum3A_2527[15] : f32 from vector<16xf32>
      %broadcast_in_dim3A_2529 = vector.broadcast %reduce_sum3A_2528 : f32 to vector<16xf32>
      %select_n3A_2530 = arith.select %eq3A_2524, %broadcast_in_dim3A_2529, %select_n3A_2423 : vector<16xi1>, vector<16xf32>
      %slice3A_2531 = vector.extract_strided_slice %get3A_1237 {offsets = [12], sizes = [1], strides = [1]} : vector<16xi32> to vector<1xi32>
      %squeeze3A_2532 = vector.extract %slice3A_2531[0] : i32 from vector<1xi32>
      %and3A_2533 = arith.constant 7 : i32
      %and3A_2534 = arith.andi %squeeze3A_2532, %and3A_2533 : i32
      %slice3A_2535 = vector.extract_strided_slice %get3A_1243 {offsets = [12], sizes = [1], strides = [1]} : vector<16xi32> to vector<1xi32>
      %squeeze3A_2536 = vector.extract %slice3A_2535[0] : i32 from vector<1xi32>
      %and3A_2537 = arith.constant 7 : i32
      %and3A_2538 = arith.andi %squeeze3A_2536, %and3A_2537 : i32
      %slice3A_2539 = vector.extract_strided_slice %get3A_1249 {offsets = [12], sizes = [1], strides = [1]} : vector<16xi32> to vector<1xi32>
      %squeeze3A_2540 = vector.extract %slice3A_2539[0] : i32 from vector<1xi32>
      %and3A_2541 = arith.constant 7 : i32
      %and3A_2542 = arith.andi %squeeze3A_2540, %and3A_2541 : i32
      %broadcast_in_dim3A_2543 = arith.constant 0.000000e+00 : f32
      %broadcast_in_dim3A_2544 = vector.broadcast %broadcast_in_dim3A_2543 : f32 to vector<16xf32>
      %get3A_2545 = arith.constant 12 : i32
      %get3A_2546 = arith.index_cast %rem3A_1216 : i32 to index
      %get3A_2547 = arith.index_cast %get3A_2545 : i32 to index
      %get3A_2548 = arith.index_cast %and3A_2534 : i32 to index
      %get3A_2549 = arith.constant 0 : index
      %get3A_2550 = tpu.vector_load %arg11[%get3A_2546, %get3A_2547, %get3A_2548, %get3A_2549] {strides = array<i32>} : memref<2x16x8x64xf32, #tpu.memory_space<vmem>>, vector<16xf32>,
      %get3A_2551 = arith.constant 12 : i32
      %get3A_2552 = arith.index_cast %rem3A_1216 : i32 to index
      %get3A_2553 = arith.index_cast %get3A_2551 : i32 to index
      %get3A_2554 = arith.index_cast %and3A_2542 : i32 to index
      %get3A_2555 = arith.constant 0 : index
      %get3A_2556 = tpu.vector_load %arg13[%get3A_2552, %get3A_2553, %get3A_2554, %get3A_2555] {strides = array<i32>} : memref<2x16x8x64xf32, #tpu.memory_space<vmem>>, vector<16xf32>,
      %get3A_2557 = arith.constant 12 : i32
      %get3A_2558 = arith.index_cast %rem3A_1216 : i32 to index
      %get3A_2559 = arith.index_cast %get3A_2557 : i32 to index
      %get3A_2560 = arith.index_cast %and3A_2538 : i32 to index
      %get3A_2561 = arith.constant 0 : index
      %get3A_2562 = tpu.vector_load %arg12[%get3A_2558, %get3A_2559, %get3A_2560, %get3A_2561] {strides = array<i32>} : memref<2x16x8x64xf32, #tpu.memory_space<vmem>>, vector<16xf32>,
      %add3A_2563 = arith.addf %get3A_2550, %get3A_2556 : vector<16xf32>
      %mul3A_2564 = arith.mulf %add3A_2563, %get3A_2562 : vector<16xf32>
      %add3A_2565 = arith.addf %broadcast_in_dim3A_2544, %mul3A_2564 : vector<16xf32>
      %get3A_2566 = arith.constant 12 : i32
      %get3A_2567 = arith.index_cast %rem3A_1216 : i32 to index
      %get3A_2568 = arith.index_cast %get3A_2566 : i32 to index
      %get3A_2569 = arith.index_cast %and3A_2534 : i32 to index
      %get3A_2570 = arith.constant 16 : index
      %get3A_2571 = tpu.vector_load %arg11[%get3A_2567, %get3A_2568, %get3A_2569, %get3A_2570] {strides = array<i32>} : memref<2x16x8x64xf32, #tpu.memory_space<vmem>>, vector<16xf32>,
      %get3A_2572 = arith.constant 12 : i32
      %get3A_2573 = arith.index_cast %rem3A_1216 : i32 to index
      %get3A_2574 = arith.index_cast %get3A_2572 : i32 to index
      %get3A_2575 = arith.index_cast %and3A_2542 : i32 to index
      %get3A_2576 = arith.constant 16 : index
      %get3A_2577 = tpu.vector_load %arg13[%get3A_2573, %get3A_2574, %get3A_2575, %get3A_2576] {strides = array<i32>} : memref<2x16x8x64xf32, #tpu.memory_space<vmem>>, vector<16xf32>,
      %get3A_2578 = arith.constant 12 : i32
      %get3A_2579 = arith.index_cast %rem3A_1216 : i32 to index
      %get3A_2580 = arith.index_cast %get3A_2578 : i32 to index
      %get3A_2581 = arith.index_cast %and3A_2538 : i32 to index
      %get3A_2582 = arith.constant 16 : index
      %get3A_2583 = tpu.vector_load %arg12[%get3A_2579, %get3A_2580, %get3A_2581, %get3A_2582] {strides = array<i32>} : memref<2x16x8x64xf32, #tpu.memory_space<vmem>>, vector<16xf32>,
      %add3A_2584 = arith.addf %get3A_2571, %get3A_2577 : vector<16xf32>
      %mul3A_2585 = arith.mulf %add3A_2584, %get3A_2583 : vector<16xf32>
      %add3A_2586 = arith.addf %add3A_2565, %mul3A_2585 : vector<16xf32>
      %get3A_2587 = arith.constant 12 : i32
      %get3A_2588 = arith.index_cast %rem3A_1216 : i32 to index
      %get3A_2589 = arith.index_cast %get3A_2587 : i32 to index
      %get3A_2590 = arith.index_cast %and3A_2534 : i32 to index
      %get3A_2591 = arith.constant 32 : index
      %get3A_2592 = tpu.vector_load %arg11[%get3A_2588, %get3A_2589, %get3A_2590, %get3A_2591] {strides = array<i32>} : memref<2x16x8x64xf32, #tpu.memory_space<vmem>>, vector<16xf32>,
      %get3A_2593 = arith.constant 12 : i32
      %get3A_2594 = arith.index_cast %rem3A_1216 : i32 to index
      %get3A_2595 = arith.index_cast %get3A_2593 : i32 to index
      %get3A_2596 = arith.index_cast %and3A_2542 : i32 to index
      %get3A_2597 = arith.constant 32 : index
      %get3A_2598 = tpu.vector_load %arg13[%get3A_2594, %get3A_2595, %get3A_2596, %get3A_2597] {strides = array<i32>} : memref<2x16x8x64xf32, #tpu.memory_space<vmem>>, vector<16xf32>,
      %get3A_2599 = arith.constant 12 : i32
      %get3A_2600 = arith.index_cast %rem3A_1216 : i32 to index
      %get3A_2601 = arith.index_cast %get3A_2599 : i32 to index
      %get3A_2602 = arith.index_cast %and3A_2538 : i32 to index
      %get3A_2603 = arith.constant 32 : index
      %get3A_2604 = tpu.vector_load %arg12[%get3A_2600, %get3A_2601, %get3A_2602, %get3A_2603] {strides = array<i32>} : memref<2x16x8x64xf32, #tpu.memory_space<vmem>>, vector<16xf32>,
      %add3A_2605 = arith.addf %get3A_2592, %get3A_2598 : vector<16xf32>
      %mul3A_2606 = arith.mulf %add3A_2605, %get3A_2604 : vector<16xf32>
      %add3A_2607 = arith.addf %add3A_2586, %mul3A_2606 : vector<16xf32>
      %get3A_2608 = arith.constant 12 : i32
      %get3A_2609 = arith.index_cast %rem3A_1216 : i32 to index
      %get3A_2610 = arith.index_cast %get3A_2608 : i32 to index
      %get3A_2611 = arith.index_cast %and3A_2534 : i32 to index
      %get3A_2612 = arith.constant 48 : index
      %get3A_2613 = tpu.vector_load %arg11[%get3A_2609, %get3A_2610, %get3A_2611, %get3A_2612] {strides = array<i32>} : memref<2x16x8x64xf32, #tpu.memory_space<vmem>>, vector<16xf32>,
      %get3A_2614 = arith.constant 12 : i32
      %get3A_2615 = arith.index_cast %rem3A_1216 : i32 to index
      %get3A_2616 = arith.index_cast %get3A_2614 : i32 to index
      %get3A_2617 = arith.index_cast %and3A_2542 : i32 to index
      %get3A_2618 = arith.constant 48 : index
      %get3A_2619 = tpu.vector_load %arg13[%get3A_2615, %get3A_2616, %get3A_2617, %get3A_2618] {strides = array<i32>} : memref<2x16x8x64xf32, #tpu.memory_space<vmem>>, vector<16xf32>,
      %get3A_2620 = arith.constant 12 : i32
      %get3A_2621 = arith.index_cast %rem3A_1216 : i32 to index
      %get3A_2622 = arith.index_cast %get3A_2620 : i32 to index
      %get3A_2623 = arith.index_cast %and3A_2538 : i32 to index
      %get3A_2624 = arith.constant 48 : index
      %get3A_2625 = tpu.vector_load %arg12[%get3A_2621, %get3A_2622, %get3A_2623, %get3A_2624] {strides = array<i32>} : memref<2x16x8x64xf32, #tpu.memory_space<vmem>>, vector<16xf32>,
      %add3A_2626 = arith.addf %get3A_2613, %get3A_2619 : vector<16xf32>
      %mul3A_2627 = arith.mulf %add3A_2626, %get3A_2625 : vector<16xf32>
      %add3A_2628 = arith.addf %add3A_2607, %mul3A_2627 : vector<16xf32>
      %eq3A_2629 = arith.constant 12 : i32
      %eq3A_2630 = vector.broadcast %eq3A_2629 : i32 to vector<16xi32>
      %eq3A_2631 = arith.cmpi eq, %iota3A, %eq3A_2630 : vector<16xi32>
      %reduce_sum3A_2632 = arith.constant true
      %reduce_sum3A_2633 = vector.broadcast %reduce_sum3A_2632 : i1 to vector<16xi1>
      %reduce_sum3A_2634 = tpu.scan <sum>, %add3A_2628 masked %reduce_sum3A_2633 : vector<16xf32>, vector<16xi1> -> vector<16xf32>
      %reduce_sum3A_2635 = vector.extract %reduce_sum3A_2634[15] : f32 from vector<16xf32>
      %broadcast_in_dim3A_2636 = vector.broadcast %reduce_sum3A_2635 : f32 to vector<16xf32>
      %select_n3A_2637 = arith.select %eq3A_2631, %broadcast_in_dim3A_2636, %select_n3A_2530 : vector<16xi1>, vector<16xf32>
      %slice3A_2638 = vector.extract_strided_slice %get3A_1237 {offsets = [13], sizes = [1], strides = [1]} : vector<16xi32> to vector<1xi32>
      %squeeze3A_2639 = vector.extract %slice3A_2638[0] : i32 from vector<1xi32>
      %and3A_2640 = arith.constant 7 : i32
      %and3A_2641 = arith.andi %squeeze3A_2639, %and3A_2640 : i32
      %slice3A_2642 = vector.extract_strided_slice %get3A_1243 {offsets = [13], sizes = [1], strides = [1]} : vector<16xi32> to vector<1xi32>
      %squeeze3A_2643 = vector.extract %slice3A_2642[0] : i32 from vector<1xi32>
      %and3A_2644 = arith.constant 7 : i32
      %and3A_2645 = arith.andi %squeeze3A_2643, %and3A_2644 : i32
      %slice3A_2646 = vector.extract_strided_slice %get3A_1249 {offsets = [13], sizes = [1], strides = [1]} : vector<16xi32> to vector<1xi32>
      %squeeze3A_2647 = vector.extract %slice3A_2646[0] : i32 from vector<1xi32>
      %and3A_2648 = arith.constant 7 : i32
      %and3A_2649 = arith.andi %squeeze3A_2647, %and3A_2648 : i32
      %broadcast_in_dim3A_2650 = arith.constant 0.000000e+00 : f32
      %broadcast_in_dim3A_2651 = vector.broadcast %broadcast_in_dim3A_2650 : f32 to vector<16xf32>
      %get3A_2652 = arith.constant 13 : i32
      %get3A_2653 = arith.index_cast %rem3A_1216 : i32 to index
      %get3A_2654 = arith.index_cast %get3A_2652 : i32 to index
      %get3A_2655 = arith.index_cast %and3A_2641 : i32 to index
      %get3A_2656 = arith.constant 0 : index
      %get3A_2657 = tpu.vector_load %arg11[%get3A_2653, %get3A_2654, %get3A_2655, %get3A_2656] {strides = array<i32>} : memref<2x16x8x64xf32, #tpu.memory_space<vmem>>, vector<16xf32>,
      %get3A_2658 = arith.constant 13 : i32
      %get3A_2659 = arith.index_cast %rem3A_1216 : i32 to index
      %get3A_2660 = arith.index_cast %get3A_2658 : i32 to index
      %get3A_2661 = arith.index_cast %and3A_2649 : i32 to index
      %get3A_2662 = arith.constant 0 : index
      %get3A_2663 = tpu.vector_load %arg13[%get3A_2659, %get3A_2660, %get3A_2661, %get3A_2662] {strides = array<i32>} : memref<2x16x8x64xf32, #tpu.memory_space<vmem>>, vector<16xf32>,
      %get3A_2664 = arith.constant 13 : i32
      %get3A_2665 = arith.index_cast %rem3A_1216 : i32 to index
      %get3A_2666 = arith.index_cast %get3A_2664 : i32 to index
      %get3A_2667 = arith.index_cast %and3A_2645 : i32 to index
      %get3A_2668 = arith.constant 0 : index
      %get3A_2669 = tpu.vector_load %arg12[%get3A_2665, %get3A_2666, %get3A_2667, %get3A_2668] {strides = array<i32>} : memref<2x16x8x64xf32, #tpu.memory_space<vmem>>, vector<16xf32>,
      %add3A_2670 = arith.addf %get3A_2657, %get3A_2663 : vector<16xf32>
      %mul3A_2671 = arith.mulf %add3A_2670, %get3A_2669 : vector<16xf32>
      %add3A_2672 = arith.addf %broadcast_in_dim3A_2651, %mul3A_2671 : vector<16xf32>
      %get3A_2673 = arith.constant 13 : i32
      %get3A_2674 = arith.index_cast %rem3A_1216 : i32 to index
      %get3A_2675 = arith.index_cast %get3A_2673 : i32 to index
      %get3A_2676 = arith.index_cast %and3A_2641 : i32 to index
      %get3A_2677 = arith.constant 16 : index
      %get3A_2678 = tpu.vector_load %arg11[%get3A_2674, %get3A_2675, %get3A_2676, %get3A_2677] {strides = array<i32>} : memref<2x16x8x64xf32, #tpu.memory_space<vmem>>, vector<16xf32>,
      %get3A_2679 = arith.constant 13 : i32
      %get3A_2680 = arith.index_cast %rem3A_1216 : i32 to index
      %get3A_2681 = arith.index_cast %get3A_2679 : i32 to index
      %get3A_2682 = arith.index_cast %and3A_2649 : i32 to index
      %get3A_2683 = arith.constant 16 : index
      %get3A_2684 = tpu.vector_load %arg13[%get3A_2680, %get3A_2681, %get3A_2682, %get3A_2683] {strides = array<i32>} : memref<2x16x8x64xf32, #tpu.memory_space<vmem>>, vector<16xf32>,
      %get3A_2685 = arith.constant 13 : i32
      %get3A_2686 = arith.index_cast %rem3A_1216 : i32 to index
      %get3A_2687 = arith.index_cast %get3A_2685 : i32 to index
      %get3A_2688 = arith.index_cast %and3A_2645 : i32 to index
      %get3A_2689 = arith.constant 16 : index
      %get3A_2690 = tpu.vector_load %arg12[%get3A_2686, %get3A_2687, %get3A_2688, %get3A_2689] {strides = array<i32>} : memref<2x16x8x64xf32, #tpu.memory_space<vmem>>, vector<16xf32>,
      %add3A_2691 = arith.addf %get3A_2678, %get3A_2684 : vector<16xf32>
      %mul3A_2692 = arith.mulf %add3A_2691, %get3A_2690 : vector<16xf32>
      %add3A_2693 = arith.addf %add3A_2672, %mul3A_2692 : vector<16xf32>
      %get3A_2694 = arith.constant 13 : i32
      %get3A_2695 = arith.index_cast %rem3A_1216 : i32 to index
      %get3A_2696 = arith.index_cast %get3A_2694 : i32 to index
      %get3A_2697 = arith.index_cast %and3A_2641 : i32 to index
      %get3A_2698 = arith.constant 32 : index
      %get3A_2699 = tpu.vector_load %arg11[%get3A_2695, %get3A_2696, %get3A_2697, %get3A_2698] {strides = array<i32>} : memref<2x16x8x64xf32, #tpu.memory_space<vmem>>, vector<16xf32>,
      %get3A_2700 = arith.constant 13 : i32
      %get3A_2701 = arith.index_cast %rem3A_1216 : i32 to index
      %get3A_2702 = arith.index_cast %get3A_2700 : i32 to index
      %get3A_2703 = arith.index_cast %and3A_2649 : i32 to index
      %get3A_2704 = arith.constant 32 : index
      %get3A_2705 = tpu.vector_load %arg13[%get3A_2701, %get3A_2702, %get3A_2703, %get3A_2704] {strides = array<i32>} : memref<2x16x8x64xf32, #tpu.memory_space<vmem>>, vector<16xf32>,
      %get3A_2706 = arith.constant 13 : i32
      %get3A_2707 = arith.index_cast %rem3A_1216 : i32 to index
      %get3A_2708 = arith.index_cast %get3A_2706 : i32 to index
      %get3A_2709 = arith.index_cast %and3A_2645 : i32 to index
      %get3A_2710 = arith.constant 32 : index
      %get3A_2711 = tpu.vector_load %arg12[%get3A_2707, %get3A_2708, %get3A_2709, %get3A_2710] {strides = array<i32>} : memref<2x16x8x64xf32, #tpu.memory_space<vmem>>, vector<16xf32>,
      %add3A_2712 = arith.addf %get3A_2699, %get3A_2705 : vector<16xf32>
      %mul3A_2713 = arith.mulf %add3A_2712, %get3A_2711 : vector<16xf32>
      %add3A_2714 = arith.addf %add3A_2693, %mul3A_2713 : vector<16xf32>
      %get3A_2715 = arith.constant 13 : i32
      %get3A_2716 = arith.index_cast %rem3A_1216 : i32 to index
      %get3A_2717 = arith.index_cast %get3A_2715 : i32 to index
      %get3A_2718 = arith.index_cast %and3A_2641 : i32 to index
      %get3A_2719 = arith.constant 48 : index
      %get3A_2720 = tpu.vector_load %arg11[%get3A_2716, %get3A_2717, %get3A_2718, %get3A_2719] {strides = array<i32>} : memref<2x16x8x64xf32, #tpu.memory_space<vmem>>, vector<16xf32>,
      %get3A_2721 = arith.constant 13 : i32
      %get3A_2722 = arith.index_cast %rem3A_1216 : i32 to index
      %get3A_2723 = arith.index_cast %get3A_2721 : i32 to index
      %get3A_2724 = arith.index_cast %and3A_2649 : i32 to index
      %get3A_2725 = arith.constant 48 : index
      %get3A_2726 = tpu.vector_load %arg13[%get3A_2722, %get3A_2723, %get3A_2724, %get3A_2725] {strides = array<i32>} : memref<2x16x8x64xf32, #tpu.memory_space<vmem>>, vector<16xf32>,
      %get3A_2727 = arith.constant 13 : i32
      %get3A_2728 = arith.index_cast %rem3A_1216 : i32 to index
      %get3A_2729 = arith.index_cast %get3A_2727 : i32 to index
      %get3A_2730 = arith.index_cast %and3A_2645 : i32 to index
      %get3A_2731 = arith.constant 48 : index
      %get3A_2732 = tpu.vector_load %arg12[%get3A_2728, %get3A_2729, %get3A_2730, %get3A_2731] {strides = array<i32>} : memref<2x16x8x64xf32, #tpu.memory_space<vmem>>, vector<16xf32>,
      %add3A_2733 = arith.addf %get3A_2720, %get3A_2726 : vector<16xf32>
      %mul3A_2734 = arith.mulf %add3A_2733, %get3A_2732 : vector<16xf32>
      %add3A_2735 = arith.addf %add3A_2714, %mul3A_2734 : vector<16xf32>
      %eq3A_2736 = arith.constant 13 : i32
      %eq3A_2737 = vector.broadcast %eq3A_2736 : i32 to vector<16xi32>
      %eq3A_2738 = arith.cmpi eq, %iota3A, %eq3A_2737 : vector<16xi32>
      %reduce_sum3A_2739 = arith.constant true
      %reduce_sum3A_2740 = vector.broadcast %reduce_sum3A_2739 : i1 to vector<16xi1>
      %reduce_sum3A_2741 = tpu.scan <sum>, %add3A_2735 masked %reduce_sum3A_2740 : vector<16xf32>, vector<16xi1> -> vector<16xf32>
      %reduce_sum3A_2742 = vector.extract %reduce_sum3A_2741[15] : f32 from vector<16xf32>
      %broadcast_in_dim3A_2743 = vector.broadcast %reduce_sum3A_2742 : f32 to vector<16xf32>
      %select_n3A_2744 = arith.select %eq3A_2738, %broadcast_in_dim3A_2743, %select_n3A_2637 : vector<16xi1>, vector<16xf32>
      %slice3A_2745 = vector.extract_strided_slice %get3A_1237 {offsets = [14], sizes = [1], strides = [1]} : vector<16xi32> to vector<1xi32>
      %squeeze3A_2746 = vector.extract %slice3A_2745[0] : i32 from vector<1xi32>
      %and3A_2747 = arith.constant 7 : i32
      %and3A_2748 = arith.andi %squeeze3A_2746, %and3A_2747 : i32
      %slice3A_2749 = vector.extract_strided_slice %get3A_1243 {offsets = [14], sizes = [1], strides = [1]} : vector<16xi32> to vector<1xi32>
      %squeeze3A_2750 = vector.extract %slice3A_2749[0] : i32 from vector<1xi32>
      %and3A_2751 = arith.constant 7 : i32
      %and3A_2752 = arith.andi %squeeze3A_2750, %and3A_2751 : i32
      %slice3A_2753 = vector.extract_strided_slice %get3A_1249 {offsets = [14], sizes = [1], strides = [1]} : vector<16xi32> to vector<1xi32>
      %squeeze3A_2754 = vector.extract %slice3A_2753[0] : i32 from vector<1xi32>
      %and3A_2755 = arith.constant 7 : i32
      %and3A_2756 = arith.andi %squeeze3A_2754, %and3A_2755 : i32
      %broadcast_in_dim3A_2757 = arith.constant 0.000000e+00 : f32
      %broadcast_in_dim3A_2758 = vector.broadcast %broadcast_in_dim3A_2757 : f32 to vector<16xf32>
      %get3A_2759 = arith.constant 14 : i32
      %get3A_2760 = arith.index_cast %rem3A_1216 : i32 to index
      %get3A_2761 = arith.index_cast %get3A_2759 : i32 to index
      %get3A_2762 = arith.index_cast %and3A_2748 : i32 to index
      %get3A_2763 = arith.constant 0 : index
      %get3A_2764 = tpu.vector_load %arg11[%get3A_2760, %get3A_2761, %get3A_2762, %get3A_2763] {strides = array<i32>} : memref<2x16x8x64xf32, #tpu.memory_space<vmem>>, vector<16xf32>,
      %get3A_2765 = arith.constant 14 : i32
      %get3A_2766 = arith.index_cast %rem3A_1216 : i32 to index
      %get3A_2767 = arith.index_cast %get3A_2765 : i32 to index
      %get3A_2768 = arith.index_cast %and3A_2756 : i32 to index
      %get3A_2769 = arith.constant 0 : index
      %get3A_2770 = tpu.vector_load %arg13[%get3A_2766, %get3A_2767, %get3A_2768, %get3A_2769] {strides = array<i32>} : memref<2x16x8x64xf32, #tpu.memory_space<vmem>>, vector<16xf32>,
      %get3A_2771 = arith.constant 14 : i32
      %get3A_2772 = arith.index_cast %rem3A_1216 : i32 to index
      %get3A_2773 = arith.index_cast %get3A_2771 : i32 to index
      %get3A_2774 = arith.index_cast %and3A_2752 : i32 to index
      %get3A_2775 = arith.constant 0 : index
      %get3A_2776 = tpu.vector_load %arg12[%get3A_2772, %get3A_2773, %get3A_2774, %get3A_2775] {strides = array<i32>} : memref<2x16x8x64xf32, #tpu.memory_space<vmem>>, vector<16xf32>,
      %add3A_2777 = arith.addf %get3A_2764, %get3A_2770 : vector<16xf32>
      %mul3A_2778 = arith.mulf %add3A_2777, %get3A_2776 : vector<16xf32>
      %add3A_2779 = arith.addf %broadcast_in_dim3A_2758, %mul3A_2778 : vector<16xf32>
      %get3A_2780 = arith.constant 14 : i32
      %get3A_2781 = arith.index_cast %rem3A_1216 : i32 to index
      %get3A_2782 = arith.index_cast %get3A_2780 : i32 to index
      %get3A_2783 = arith.index_cast %and3A_2748 : i32 to index
      %get3A_2784 = arith.constant 16 : index
      %get3A_2785 = tpu.vector_load %arg11[%get3A_2781, %get3A_2782, %get3A_2783, %get3A_2784] {strides = array<i32>} : memref<2x16x8x64xf32, #tpu.memory_space<vmem>>, vector<16xf32>,
      %get3A_2786 = arith.constant 14 : i32
      %get3A_2787 = arith.index_cast %rem3A_1216 : i32 to index
      %get3A_2788 = arith.index_cast %get3A_2786 : i32 to index
      %get3A_2789 = arith.index_cast %and3A_2756 : i32 to index
      %get3A_2790 = arith.constant 16 : index
      %get3A_2791 = tpu.vector_load %arg13[%get3A_2787, %get3A_2788, %get3A_2789, %get3A_2790] {strides = array<i32>} : memref<2x16x8x64xf32, #tpu.memory_space<vmem>>, vector<16xf32>,
      %get3A_2792 = arith.constant 14 : i32
      %get3A_2793 = arith.index_cast %rem3A_1216 : i32 to index
      %get3A_2794 = arith.index_cast %get3A_2792 : i32 to index
      %get3A_2795 = arith.index_cast %and3A_2752 : i32 to index
      %get3A_2796 = arith.constant 16 : index
      %get3A_2797 = tpu.vector_load %arg12[%get3A_2793, %get3A_2794, %get3A_2795, %get3A_2796] {strides = array<i32>} : memref<2x16x8x64xf32, #tpu.memory_space<vmem>>, vector<16xf32>,
      %add3A_2798 = arith.addf %get3A_2785, %get3A_2791 : vector<16xf32>
      %mul3A_2799 = arith.mulf %add3A_2798, %get3A_2797 : vector<16xf32>
      %add3A_2800 = arith.addf %add3A_2779, %mul3A_2799 : vector<16xf32>
      %get3A_2801 = arith.constant 14 : i32
      %get3A_2802 = arith.index_cast %rem3A_1216 : i32 to index
      %get3A_2803 = arith.index_cast %get3A_2801 : i32 to index
      %get3A_2804 = arith.index_cast %and3A_2748 : i32 to index
      %get3A_2805 = arith.constant 32 : index
      %get3A_2806 = tpu.vector_load %arg11[%get3A_2802, %get3A_2803, %get3A_2804, %get3A_2805] {strides = array<i32>} : memref<2x16x8x64xf32, #tpu.memory_space<vmem>>, vector<16xf32>,
      %get3A_2807 = arith.constant 14 : i32
      %get3A_2808 = arith.index_cast %rem3A_1216 : i32 to index
      %get3A_2809 = arith.index_cast %get3A_2807 : i32 to index
      %get3A_2810 = arith.index_cast %and3A_2756 : i32 to index
      %get3A_2811 = arith.constant 32 : index
      %get3A_2812 = tpu.vector_load %arg13[%get3A_2808, %get3A_2809, %get3A_2810, %get3A_2811] {strides = array<i32>} : memref<2x16x8x64xf32, #tpu.memory_space<vmem>>, vector<16xf32>,
      %get3A_2813 = arith.constant 14 : i32
      %get3A_2814 = arith.index_cast %rem3A_1216 : i32 to index
      %get3A_2815 = arith.index_cast %get3A_2813 : i32 to index
      %get3A_2816 = arith.index_cast %and3A_2752 : i32 to index
      %get3A_2817 = arith.constant 32 : index
      %get3A_2818 = tpu.vector_load %arg12[%get3A_2814, %get3A_2815, %get3A_2816, %get3A_2817] {strides = array<i32>} : memref<2x16x8x64xf32, #tpu.memory_space<vmem>>, vector<16xf32>,
      %add3A_2819 = arith.addf %get3A_2806, %get3A_2812 : vector<16xf32>
      %mul3A_2820 = arith.mulf %add3A_2819, %get3A_2818 : vector<16xf32>
      %add3A_2821 = arith.addf %add3A_2800, %mul3A_2820 : vector<16xf32>
      %get3A_2822 = arith.constant 14 : i32
      %get3A_2823 = arith.index_cast %rem3A_1216 : i32 to index
      %get3A_2824 = arith.index_cast %get3A_2822 : i32 to index
      %get3A_2825 = arith.index_cast %and3A_2748 : i32 to index
      %get3A_2826 = arith.constant 48 : index
      %get3A_2827 = tpu.vector_load %arg11[%get3A_2823, %get3A_2824, %get3A_2825, %get3A_2826] {strides = array<i32>} : memref<2x16x8x64xf32, #tpu.memory_space<vmem>>, vector<16xf32>,
      %get3A_2828 = arith.constant 14 : i32
      %get3A_2829 = arith.index_cast %rem3A_1216 : i32 to index
      %get3A_2830 = arith.index_cast %get3A_2828 : i32 to index
      %get3A_2831 = arith.index_cast %and3A_2756 : i32 to index
      %get3A_2832 = arith.constant 48 : index
      %get3A_2833 = tpu.vector_load %arg13[%get3A_2829, %get3A_2830, %get3A_2831, %get3A_2832] {strides = array<i32>} : memref<2x16x8x64xf32, #tpu.memory_space<vmem>>, vector<16xf32>,
      %get3A_2834 = arith.constant 14 : i32
      %get3A_2835 = arith.index_cast %rem3A_1216 : i32 to index
      %get3A_2836 = arith.index_cast %get3A_2834 : i32 to index
      %get3A_2837 = arith.index_cast %and3A_2752 : i32 to index
      %get3A_2838 = arith.constant 48 : index
      %get3A_2839 = tpu.vector_load %arg12[%get3A_2835, %get3A_2836, %get3A_2837, %get3A_2838] {strides = array<i32>} : memref<2x16x8x64xf32, #tpu.memory_space<vmem>>, vector<16xf32>,
      %add3A_2840 = arith.addf %get3A_2827, %get3A_2833 : vector<16xf32>
      %mul3A_2841 = arith.mulf %add3A_2840, %get3A_2839 : vector<16xf32>
      %add3A_2842 = arith.addf %add3A_2821, %mul3A_2841 : vector<16xf32>
      %eq3A_2843 = arith.constant 14 : i32
      %eq3A_2844 = vector.broadcast %eq3A_2843 : i32 to vector<16xi32>
      %eq3A_2845 = arith.cmpi eq, %iota3A, %eq3A_2844 : vector<16xi32>
      %reduce_sum3A_2846 = arith.constant true
      %reduce_sum3A_2847 = vector.broadcast %reduce_sum3A_2846 : i1 to vector<16xi1>
      %reduce_sum3A_2848 = tpu.scan <sum>, %add3A_2842 masked %reduce_sum3A_2847 : vector<16xf32>, vector<16xi1> -> vector<16xf32>
      %reduce_sum3A_2849 = vector.extract %reduce_sum3A_2848[15] : f32 from vector<16xf32>
      %broadcast_in_dim3A_2850 = vector.broadcast %reduce_sum3A_2849 : f32 to vector<16xf32>
      %select_n3A_2851 = arith.select %eq3A_2845, %broadcast_in_dim3A_2850, %select_n3A_2744 : vector<16xi1>, vector<16xf32>
      %slice3A_2852 = vector.extract_strided_slice %get3A_1237 {offsets = [15], sizes = [1], strides = [1]} : vector<16xi32> to vector<1xi32>
      %squeeze3A_2853 = vector.extract %slice3A_2852[0] : i32 from vector<1xi32>
      %and3A_2854 = arith.constant 7 : i32
      %and3A_2855 = arith.andi %squeeze3A_2853, %and3A_2854 : i32
      %slice3A_2856 = vector.extract_strided_slice %get3A_1243 {offsets = [15], sizes = [1], strides = [1]} : vector<16xi32> to vector<1xi32>
      %squeeze3A_2857 = vector.extract %slice3A_2856[0] : i32 from vector<1xi32>
      %and3A_2858 = arith.constant 7 : i32
      %and3A_2859 = arith.andi %squeeze3A_2857, %and3A_2858 : i32
      %slice3A_2860 = vector.extract_strided_slice %get3A_1249 {offsets = [15], sizes = [1], strides = [1]} : vector<16xi32> to vector<1xi32>
      %squeeze3A_2861 = vector.extract %slice3A_2860[0] : i32 from vector<1xi32>
      %and3A_2862 = arith.constant 7 : i32
      %and3A_2863 = arith.andi %squeeze3A_2861, %and3A_2862 : i32
      %broadcast_in_dim3A_2864 = arith.constant 0.000000e+00 : f32
      %broadcast_in_dim3A_2865 = vector.broadcast %broadcast_in_dim3A_2864 : f32 to vector<16xf32>
      %get3A_2866 = arith.constant 15 : i32
      %get3A_2867 = arith.index_cast %rem3A_1216 : i32 to index
      %get3A_2868 = arith.index_cast %get3A_2866 : i32 to index
      %get3A_2869 = arith.index_cast %and3A_2855 : i32 to index
      %get3A_2870 = arith.constant 0 : index
      %get3A_2871 = tpu.vector_load %arg11[%get3A_2867, %get3A_2868, %get3A_2869, %get3A_2870] {strides = array<i32>} : memref<2x16x8x64xf32, #tpu.memory_space<vmem>>, vector<16xf32>,
      %get3A_2872 = arith.constant 15 : i32
      %get3A_2873 = arith.index_cast %rem3A_1216 : i32 to index
      %get3A_2874 = arith.index_cast %get3A_2872 : i32 to index
      %get3A_2875 = arith.index_cast %and3A_2863 : i32 to index
      %get3A_2876 = arith.constant 0 : index
      %get3A_2877 = tpu.vector_load %arg13[%get3A_2873, %get3A_2874, %get3A_2875, %get3A_2876] {strides = array<i32>} : memref<2x16x8x64xf32, #tpu.memory_space<vmem>>, vector<16xf32>,
      %get3A_2878 = arith.constant 15 : i32
      %get3A_2879 = arith.index_cast %rem3A_1216 : i32 to index
      %get3A_2880 = arith.index_cast %get3A_2878 : i32 to index
      %get3A_2881 = arith.index_cast %and3A_2859 : i32 to index
      %get3A_2882 = arith.constant 0 : index
      %get3A_2883 = tpu.vector_load %arg12[%get3A_2879, %get3A_2880, %get3A_2881, %get3A_2882] {strides = array<i32>} : memref<2x16x8x64xf32, #tpu.memory_space<vmem>>, vector<16xf32>,
      %add3A_2884 = arith.addf %get3A_2871, %get3A_2877 : vector<16xf32>
      %mul3A_2885 = arith.mulf %add3A_2884, %get3A_2883 : vector<16xf32>
      %add3A_2886 = arith.addf %broadcast_in_dim3A_2865, %mul3A_2885 : vector<16xf32>
      %get3A_2887 = arith.constant 15 : i32
      %get3A_2888 = arith.index_cast %rem3A_1216 : i32 to index
      %get3A_2889 = arith.index_cast %get3A_2887 : i32 to index
      %get3A_2890 = arith.index_cast %and3A_2855 : i32 to index
      %get3A_2891 = arith.constant 16 : index
      %get3A_2892 = tpu.vector_load %arg11[%get3A_2888, %get3A_2889, %get3A_2890, %get3A_2891] {strides = array<i32>} : memref<2x16x8x64xf32, #tpu.memory_space<vmem>>, vector<16xf32>,
      %get3A_2893 = arith.constant 15 : i32
      %get3A_2894 = arith.index_cast %rem3A_1216 : i32 to index
      %get3A_2895 = arith.index_cast %get3A_2893 : i32 to index
      %get3A_2896 = arith.index_cast %and3A_2863 : i32 to index
      %get3A_2897 = arith.constant 16 : index
      %get3A_2898 = tpu.vector_load %arg13[%get3A_2894, %get3A_2895, %get3A_2896, %get3A_2897] {strides = array<i32>} : memref<2x16x8x64xf32, #tpu.memory_space<vmem>>, vector<16xf32>,
      %get3A_2899 = arith.constant 15 : i32
      %get3A_2900 = arith.index_cast %rem3A_1216 : i32 to index
      %get3A_2901 = arith.index_cast %get3A_2899 : i32 to index
      %get3A_2902 = arith.index_cast %and3A_2859 : i32 to index
      %get3A_2903 = arith.constant 16 : index
      %get3A_2904 = tpu.vector_load %arg12[%get3A_2900, %get3A_2901, %get3A_2902, %get3A_2903] {strides = array<i32>} : memref<2x16x8x64xf32, #tpu.memory_space<vmem>>, vector<16xf32>,
      %add3A_2905 = arith.addf %get3A_2892, %get3A_2898 : vector<16xf32>
      %mul3A_2906 = arith.mulf %add3A_2905, %get3A_2904 : vector<16xf32>
      %add3A_2907 = arith.addf %add3A_2886, %mul3A_2906 : vector<16xf32>
      %get3A_2908 = arith.constant 15 : i32
      %get3A_2909 = arith.index_cast %rem3A_1216 : i32 to index
      %get3A_2910 = arith.index_cast %get3A_2908 : i32 to index
      %get3A_2911 = arith.index_cast %and3A_2855 : i32 to index
      %get3A_2912 = arith.constant 32 : index
      %get3A_2913 = tpu.vector_load %arg11[%get3A_2909, %get3A_2910, %get3A_2911, %get3A_2912] {strides = array<i32>} : memref<2x16x8x64xf32, #tpu.memory_space<vmem>>, vector<16xf32>,
      %get3A_2914 = arith.constant 15 : i32
      %get3A_2915 = arith.index_cast %rem3A_1216 : i32 to index
      %get3A_2916 = arith.index_cast %get3A_2914 : i32 to index
      %get3A_2917 = arith.index_cast %and3A_2863 : i32 to index
      %get3A_2918 = arith.constant 32 : index
      %get3A_2919 = tpu.vector_load %arg13[%get3A_2915, %get3A_2916, %get3A_2917, %get3A_2918] {strides = array<i32>} : memref<2x16x8x64xf32, #tpu.memory_space<vmem>>, vector<16xf32>,
      %get3A_2920 = arith.constant 15 : i32
      %get3A_2921 = arith.index_cast %rem3A_1216 : i32 to index
      %get3A_2922 = arith.index_cast %get3A_2920 : i32 to index
      %get3A_2923 = arith.index_cast %and3A_2859 : i32 to index
      %get3A_2924 = arith.constant 32 : index
      %get3A_2925 = tpu.vector_load %arg12[%get3A_2921, %get3A_2922, %get3A_2923, %get3A_2924] {strides = array<i32>} : memref<2x16x8x64xf32, #tpu.memory_space<vmem>>, vector<16xf32>,
      %add3A_2926 = arith.addf %get3A_2913, %get3A_2919 : vector<16xf32>
      %mul3A_2927 = arith.mulf %add3A_2926, %get3A_2925 : vector<16xf32>
      %add3A_2928 = arith.addf %add3A_2907, %mul3A_2927 : vector<16xf32>
      %get3A_2929 = arith.constant 15 : i32
      %get3A_2930 = arith.index_cast %rem3A_1216 : i32 to index
      %get3A_2931 = arith.index_cast %get3A_2929 : i32 to index
      %get3A_2932 = arith.index_cast %and3A_2855 : i32 to index
      %get3A_2933 = arith.constant 48 : index
      %get3A_2934 = tpu.vector_load %arg11[%get3A_2930, %get3A_2931, %get3A_2932, %get3A_2933] {strides = array<i32>} : memref<2x16x8x64xf32, #tpu.memory_space<vmem>>, vector<16xf32>,
      %get3A_2935 = arith.constant 15 : i32
      %get3A_2936 = arith.index_cast %rem3A_1216 : i32 to index
      %get3A_2937 = arith.index_cast %get3A_2935 : i32 to index
      %get3A_2938 = arith.index_cast %and3A_2863 : i32 to index
      %get3A_2939 = arith.constant 48 : index
      %get3A_2940 = tpu.vector_load %arg13[%get3A_2936, %get3A_2937, %get3A_2938, %get3A_2939] {strides = array<i32>} : memref<2x16x8x64xf32, #tpu.memory_space<vmem>>, vector<16xf32>,
      %get3A_2941 = arith.constant 15 : i32
      %get3A_2942 = arith.index_cast %rem3A_1216 : i32 to index
      %get3A_2943 = arith.index_cast %get3A_2941 : i32 to index
      %get3A_2944 = arith.index_cast %and3A_2859 : i32 to index
      %get3A_2945 = arith.constant 48 : index
      %get3A_2946 = tpu.vector_load %arg12[%get3A_2942, %get3A_2943, %get3A_2944, %get3A_2945] {strides = array<i32>} : memref<2x16x8x64xf32, #tpu.memory_space<vmem>>, vector<16xf32>,
      %add3A_2947 = arith.addf %get3A_2934, %get3A_2940 : vector<16xf32>
      %mul3A_2948 = arith.mulf %add3A_2947, %get3A_2946 : vector<16xf32>
      %add3A_2949 = arith.addf %add3A_2928, %mul3A_2948 : vector<16xf32>
      %eq3A_2950 = arith.constant 15 : i32
      %eq3A_2951 = vector.broadcast %eq3A_2950 : i32 to vector<16xi32>
      %eq3A_2952 = arith.cmpi eq, %iota3A, %eq3A_2951 : vector<16xi32>
      %reduce_sum3A_2953 = arith.constant true
      %reduce_sum3A_2954 = vector.broadcast %reduce_sum3A_2953 : i1 to vector<16xi1>
      %reduce_sum3A_2955 = tpu.scan <sum>, %add3A_2949 masked %reduce_sum3A_2954 : vector<16xf32>, vector<16xi1> -> vector<16xf32>
      %reduce_sum3A_2956 = vector.extract %reduce_sum3A_2955[15] : f32 from vector<16xf32>
      %broadcast_in_dim3A_2957 = vector.broadcast %reduce_sum3A_2956 : f32 to vector<16xf32>
      %select_n3A_2958 = arith.select %eq3A_2952, %broadcast_in_dim3A_2957, %select_n3A_2851 : vector<16xi1>, vector<16xf32>
      %mul3A_2959 = arith.constant 16 : i32
      %mul3A_2960 = arith.muli %scan3A_1214, %mul3A_2959 : i32
      %swap3A = arith.constant 0 : i32
      %swap3A_2961 = arith.index_cast %swap3A : i32 to index
      %swap3A_2962 = arith.index_cast %mul3A_2960 : i32 to index
      %swap3A_2963 = tpu.vector_load %arg14[%swap3A_2961, %swap3A_2962] {strides = array<i32>} : memref<1x512xf32, #tpu.memory_space<vmem>>, vector<16xf32>,
      tpu.vector_store %arg14[%swap3A_2961, %swap3A_2962], %select_n3A_2958 {strides = array<i32>} : memref<1x512xf32, #tpu.memory_space<vmem>>, vector<16xf32>,
      %scan3A_2964 = arith.constant 0 : i32
      scf.yield %scan3A_2964 : i32
    }
    %scan3A_1213 = arith.constant 32 : i32
    "tpu.region"() ({
      %run_scoped3A = tpu.sem_alloc : memref<!tpu.dma_semaphore, #tpu.memory_space<semaphore_mem>>
      %dma_start3A_1214 = arith.constant 0 : i32
      %dma_start3A_1215 = arith.constant 0 : i32
      %dma_start3A_1216 = tpu.memref_slice %arg7[%add3A, %dma_start3A_1214, %dma_start3A_1215] : memref<32x1x512xf32, #tpu.memory_space<hbm>> -> memref<1x1x512xf32, #tpu.memory_space<hbm>>
      %dma_start3A_1217 = tpu.memref_squeeze %dma_start3A_1216 : memref<1x1x512xf32, #tpu.memory_space<hbm>> -> memref<1x512xf32, #tpu.memory_space<hbm>>
      %dma_start3A_1218 = arith.constant 0 : i32
      %dma_start3A_1219 = arith.constant 0 : i32
      %dma_start3A_1220 = tpu.memref_slice %arg7[%add3A, %dma_start3A_1218, %dma_start3A_1219] : memref<32x1x512xf32, #tpu.memory_space<hbm>> -> memref<1x1x512xf32, #tpu.memory_space<hbm>>
      %dma_start3A_1221 = tpu.memref_squeeze %dma_start3A_1220 : memref<1x1x512xf32, #tpu.memory_space<hbm>> -> memref<1x512xf32, #tpu.memory_space<hbm>>
      tpu.enqueue_dma source(%arg14 : memref<1x512xf32, #tpu.memory_space<vmem>>) target(%dma_start3A_1221 : memref<1x512xf32, #tpu.memory_space<hbm>>) target_semaphore(%run_scoped3A : memref<!tpu.dma_semaphore, #tpu.memory_space<semaphore_mem>>)
      %dma_wait3A = arith.constant 0 : i32
      %dma_wait3A_1222 = arith.constant 0 : i32
      %dma_wait3A_1223 = tpu.memref_slice %arg7[%add3A, %dma_wait3A, %dma_wait3A_1222] : memref<32x1x512xf32, #tpu.memory_space<hbm>> -> memref<1x1x512xf32, #tpu.memory_space<hbm>>
      %dma_wait3A_1224 = tpu.memref_squeeze %dma_wait3A_1223 : memref<1x1x512xf32, #tpu.memory_space<hbm>> -> memref<1x512xf32, #tpu.memory_space<hbm>>
      %dma_wait3A_1225 = arith.constant 0 : i32
      %dma_wait3A_1226 = arith.constant 0 : i32
      %dma_wait3A_1227 = tpu.memref_slice %arg7[%add3A, %dma_wait3A_1225, %dma_wait3A_1226] : memref<32x1x512xf32, #tpu.memory_space<hbm>> -> memref<1x1x512xf32, #tpu.memory_space<hbm>>
      %dma_wait3A_1228 = tpu.memref_squeeze %dma_wait3A_1227 : memref<1x1x512xf32, #tpu.memory_space<hbm>> -> memref<1x512xf32, #tpu.memory_space<hbm>>
      tpu.wait_dma2 semaphore(%run_scoped3A : memref<!tpu.dma_semaphore, #tpu.memory_space<semaphore_mem>>) src(%arg14 : memref<1x512xf32, #tpu.memory_space<vmem>>) dst(%dma_wait3A_1228 : memref<1x512xf32, #tpu.memory_space<hbm>>)
      tpu.yield
    }) : () -> ()
    return
  }
}

</mosaic_0001>

<sc_bundles>
// kernel: kernel.3.cloned.1.call-start
scs
__scs_entry_jumppad:
0x0: {  	(pc) =	sbr.rel $0x88, $3  }
0x1: {  	(tag) =	ssettag $0x0;
	lr =	simm.s32 $0x1  }
0x2: {  	[smem:$0x3F9C] =	sst lr;
	_ =	strace $0xD0000000  }
0x3: {  	_ = 	snop  }
0x4: {  	_ = 	snop  }
0x5: {  	_ = 	snop  }
0x6: {  	_ = 	snop  }
0x7: {  	_ = 	snop  }
__scs_overlays_trampoline_lowered:
0x8: {  	[smem:$0x3FAB] =	sst s0  }
0x9: {  	[smem:$0x3FAC] =	sst s1  }
0xa: {  	[smem:$0x3FAD] =	sst s2  }
0xb: {  	[smem:$0x3FAE] =	sst s3  }
0xc: {  	[smem:$0x3FAF] =	sst s4  }
0xd: {  	[smem:$0x3FB0] =	sst s5  }
0xe: {  	[smem:$0x3FB1] =	sst s6  }
0xf: {  	[smem:$0x3FB2] =	sst s7  }
0x10: {  	[smem:$0x3FB3] =	sst s8  }
0x11: {  	[smem:$0x3FB4] =	sst s9;
	s0 =	simm.s32 @!p0 $0x0  }
0x12: {  	s1 =	sld [smem:$0x3F9A];
	s0 =	simm.s32 @p0 $0x1  }
0x13: {  	[smem:$0x3FB5] =	sst s0;
	s0 =	simm.s32 @!p1 $0x0  }
0x14: {  	s2 =	sld [smem:$0x3F99];
	s0 =	simm.s32 @p1 $0x1  }
0x15: {  	[smem:$0x3FB6] =	sst s0;
	s0 =	simm.s32 @!p2 $0x0  }
0x16: {  	s3 =	sld [smem:$0x3FDB];
	s0 =	simm.s32 @p2 $0x1  }
0x17: {  	s4 =	simm.s32 $0x1BF5;
	[smem:$0x3FB8] =	sst s0  }
0x18: {  	s0 =	sld [smem:$0x3F9B];
	_ =	swait.ge [sflag:s4], $0x0  }
0x19: {  	s7 =	sld [smem:$0x3F9C]  }
0x1a: {  	s8 =	sadd.s32 $0xFFFFE003, lr  }
0x1b: {  	s9 =	sadd.s32 $0xFFFFFEF7, lr;
	s5 =	simm.s32 $0xFFFFFFFF;
	p2 =	slt.u32 s8, $0xFFFFF086  }
0x1c: {  	p1 =	slt.u32 s9, $0xF7A;
	s5 =	simm.s32 @!p2 $0x0  }
0x1d: {  	s5 =	simm.s32 @p1 $0x1;
	p0 =	seq.s32 s7, s2  }
0x1e: {  	s7 =	smul.u32 @!p0 $0xF7A, s2;
	p2 =	seq.s32 @!p0 s5, $0x0  }
0x1f: {  	s9 =	smul.u32 $0xF7A, s1;
	s8 =	simm.s32 @!p0 $0x1BF5;
	p2 =	por !p2, p0  }
0x20: {  	[sflag:s8] =	ssyncset.s32 @!p0 $0xFFFFF086;
	s6 =	sadd.s32 @!p0 s3, s7;
	s7 =	simm.s32 @!p0 $0x108  }
0x21: {  	s3 =	sadd.s32 s3, s9;
	s6 =	sadd.s32 @!p0 $0x88, s6;
	s7 =	simm.s32 @p2 $0x1082  }
0x22: {  	[simem:s7], [sflag:s8] =	dma.local @!p0 [hbm:s6], $0xF7A  }
0x23: {  	s9 =	sor.u32 $0xD0000000, s2;
	s6 =	simm.s32 $0x108;
	_ =	swait.ge @!p0 [sflag:s8], $0x0  }
0x24: {  	s3 =	sadd.s32 $0x88, s3;
	s6 =	simm.s32 @!p1 $0x1082;
	[sflag:s4] =	ssyncset.s32 $0xFFFFF086  }
0x25: {  	[simem:s6], [sflag:s4] =	dma.local [hbm:s3], $0xF7A  }
0x26: {  	[smem:$0x3F9C] =	sst s1;
	(tag) =	ssettag s2;
	_ =	strace s9  }
0x27: {  	s1 =	sld [smem:$0x3FAC]  }
0x28: {  	s2 =	sld [smem:$0x3FAD]  }
0x29: {  	s4 =	sld [smem:$0x3FAF]  }
0x2a: {  	p0 =	seq.s32 s5, $0x0;
	s5 =	sld [smem:$0x3FB0]  }
0x2b: {  	s6 =	sld [smem:$0x3FB1]  }
0x2c: {  	s7 =	sld [smem:$0x3FB2]  }
0x2d: {  	s3 =	simm.s32 $0x108;
	s8 =	sld [smem:$0x3FB3]  }
0x2e: {  	s3 =	simm.s32 @!p0 $0x1082;
	s9 =	sld [smem:$0x3FB4]  }
0x2f: {  	lr =	sadd.s32 s0, s3;
	s0 =	sld [smem:$0x3FAB]  }
0x30: {  	s3 =	sld [smem:$0x3FAE]  }
0x31: {  	[smem:$0x3FB7] =	sst s10  }
0x32: {  	s10 =	sld [smem:$0x3FB5];
	_ =	sdelay $0x3  }
0x33: {  	p0 =	seq.s32 s10, $0x1;
	s10 =	sld [smem:$0x3FB7];
	_ =	sdelay $0x3  }
0x34: {  	[smem:$0x3FB7] =	sst s10  }
0x35: {  	s10 =	sld [smem:$0x3FB6];
	_ =	sdelay $0x3  }
0x36: {  	p1 =	seq.s32 s10, $0x1;
	s10 =	sld [smem:$0x3FB7];
	_ =	sdelay $0x3  }
0x37: {  	[smem:$0x3FB7] =	sst s10  }
0x38: {  	s10 =	sld [smem:$0x3FB8]  }
0x39: {  	_ = 	snop;
	(pc) =	sbr.ind lr, $3  }
0x3a: {  	_ = 	snop  }
0x3b: {  	_ = 	snop  }
0x3c: {  	p2 =	seq.s32 s10, $0x1;
	s10 =	sld [smem:$0x3FB7]  }
0x3d: {  	_ =	shalt  }
0x3e: {  	_ =	shalt  }
0x3f: {  	_ =	shalt  }
0x40: {  	_ =	shalt  }
0x41: {  	_ =	shalt  }
0x42: {  	_ =	shalt  }
0x43: {  	_ =	shalt  }
0x44: {  	_ =	shalt  }
0x45: {  	_ =	shalt  }
0x46: {  	_ =	shalt  }
0x47: {  	_ =	shalt  }
0x48: {  	_ =	shalt  }
0x49: {  	_ =	shalt  }
0x4a: {  	_ =	shalt  }
0x4b: {  	_ =	shalt  }
0x4c: {  	_ =	shalt  }
0x4d: {  	_ =	shalt  }
0x4e: {  	_ =	shalt  }
0x4f: {  	_ =	shalt  }
0x50: {  	_ =	shalt  }
0x51: {  	_ =	shalt  }
0x52: {  	_ =	shalt  }
0x53: {  	_ =	shalt  }
0x54: {  	_ =	shalt  }
0x55: {  	_ =	shalt  }
0x56: {  	_ =	shalt  }
0x57: {  	_ =	shalt  }
0x58: {  	_ =	shalt  }
0x59: {  	_ =	shalt  }
0x5a: {  	_ =	shalt  }
0x5b: {  	_ =	shalt  }
0x5c: {  	_ =	shalt  }
0x5d: {  	_ =	shalt  }
0x5e: {  	_ =	shalt  }
0x5f: {  	_ =	shalt  }
0x60: {  	_ =	shalt  }
0x61: {  	_ =	shalt  }
0x62: {  	_ =	shalt  }
0x63: {  	_ =	shalt  }
0x64: {  	_ =	shalt  }
0x65: {  	_ =	shalt  }
0x66: {  	_ =	shalt  }
0x67: {  	_ =	shalt  }
0x68: {  	_ =	shalt  }
0x69: {  	_ =	shalt  }
0x6a: {  	_ =	shalt  }
0x6b: {  	_ =	shalt  }
0x6c: {  	_ =	shalt  }
0x6d: {  	_ =	shalt  }
0x6e: {  	_ =	shalt  }
0x6f: {  	_ =	shalt  }
0x70: {  	_ =	shalt  }
0x71: {  	_ =	shalt  }
0x72: {  	_ =	shalt  }
0x73: {  	_ =	shalt  }
0x74: {  	_ =	shalt  }
0x75: {  	_ =	shalt  }
0x76: {  	_ =	shalt  }
0x77: {  	_ =	shalt  }
0x78: {  	_ =	shalt  }
0x79: {  	_ =	shalt  }
0x7a: {  	_ =	shalt  }
0x7b: {  	_ =	shalt  }
0x7c: {  	_ =	shalt  }
0x7d: {  	_ =	shalt  }
0x7e: {  	_ =	shalt  }
0x7f: {  	_ =	shalt  }
0x80: {  	_ =	shalt  }
0x81: {  	_ =	shalt  }
0x82: {  	_ =	shalt  }
0x83: {  	_ =	shalt  }
0x84: {  	_ =	shalt  }
0x85: {  	_ =	shalt  }
0x86: {  	_ =	shalt  }
0x87: {  	_ =	shalt  }
.Lfunc_end0:
.L_simem_size_0:
called_computation_lowered:
.L_overlay_start_0:
0x88: {  	s2 =	sld [smem:$0x3FD9]  }
0x89: {  	s3 =	sld [smem:$0x3FFE];
	_ =	sdelay $0x1  }
0x8a: {  	s1 =	srdreg.scid  }
0x8b: {  	s0 =	sand.u32 $0x1, s1  }
0x8c: {  	s17 =	sshll.u32 s0, $0xA;
	s2 =	sadd.s32 s3, s2  }
0x8d: {  	s2 =	sadd.s32 s2, s17  }
0x8e: {  	[smem:$0x3FC3] =	sst s2  }
0x8f: {  	_ = 	snop  }
0x90: {  	s2 =	sld [smem:$0x3FC9]  }
0x91: {  	s18 =	sld [smem:$0x3FC8]  }
0x92: {  	s4 =	sld [smem:$0x3FC7]  }
0x93: {  	s5 =	sld [smem:$0x3FD0];
	(tm) =	ssettm $0x1  }
0x94: {  	s6 =	sld [smem:$0x3FFB];
	_ =	sdelay $0x3  }
0x95: {  	_ =	strace s6  }
0x96: {  	s6 =	sld [smem:$0x3FFC];
	_ =	sdelay $0x3  }
0x97: {  	_ =	strace s6  }
0x98: {  	s6 =	sld [smem:$0x3FFD];
	_ =	sdelay $0x3  }
0x99: {  	_ =	strace s6  }
0x9a: {  	_ =	strace $0x8FFFFFFF  }
0x9b: {  	s19 =	sld [smem:$0x3FDB];
	_ =	sdelay $0x1  }
0x9c: {  	s7 =	simm.s32 $_scs_section_size  }
0x9d: {  	s8 =	simm.s32 $_size__tile_overlayer_lowered;
	s9 =	simm.s32 $_tile_overlayer_lowered  }
0x9e: {  	s22 =	simm.s32 $0x1BFF;
	s21 =	sshll.u32 s9, $0x1;
	s6 =	sadd.s32 s7, s19  }
0x9f: {  	s10 =	simm.s32 $0x0;
	s20 =	sshll.u32 s8, $0x1;
	s8 =	sadd.s32 s21, s6  }
0xa0: {  	[timem:s10], [sflag:s22] =	dma.local [hbm:s8], s20  }
0xa1: {  	_ =	swait.ge [sflag:s22], s20  }
0xa2: {  	s7 =	ssub.s32 $0x0, s20;
	[sflag:s22] =	ssyncset.done $0x0  }
0xa3: {  	[sflag:s22] =	ssyncadd.s32 s7;
	_ =	sdelay $0x1  }
0xa4: {  	s23 =	simm.s32 $0x1B8B  }
0xa5: {  	_ =	swait.ge [sflag:s23], $0x1  }
0xa6: {  	[sflag:s23] =	ssyncset.done $0x0  }
0xa7: {  	s25 =	simm.s32 $0x1B8E;
	s24 =	sld [smem:$0x3FFE];
	[sflag:s23] =	ssyncadd.s32 $0xFFFFFFFF  }
0xa8: {  	s26 =	simm.s32 $execute0_lowered;
	[smem:$0x3FD2] =	sst s25  }
0xa9: {  	s8 =	sshll.u32 s26, $0x1;
	_ =	strace $0x80000046;
	[dreg:$0x1] =	wrdreg $0xFFFFFFFF  }
0xaa: {  	s28 =	simm.s32 $_size_execute0_lowered;
	s6 =	sadd.s32 s6, s8;
	[dreg:$0x0] =	wrdreg $0x0  }
0xab: {  	s8 =	sshll.u32 s28, $0x1;
	[dreg:$0x2] =	wrdreg s6  }
0xac: {  	[dreg:$0x3] =	wrdreg s8  }
0xad: {  	[dreg:$0x4] =	wrdreg $0xC0  }
0xae: {  	_ =	task [dreg:s10], $0x5FFFF  }
0xaf: {  	[dreg:$0x1] =	wrdreg $0xFFFFFFFF  }
0xb0: {  	[dreg:$0x0] =	wrdreg $0x60  }
0xb1: {  	[dreg:$0x2] =	wrdreg s2  }
0xb2: {  	[dreg:$0x3] =	wrdreg s18  }
0xb3: {  	[dreg:$0x4] =	wrdreg s4  }
0xb4: {  	[dreg:$0x5] =	wrdreg s24  }
0xb5: {  	[dreg:$0x6] =	wrdreg s5  }
0xb6: {  	[dreg:$0x7] =	wrdreg $0x9  }
0xb7: {  	_ =	task.clear_ibuf [dreg:s10], $0x8FFFF;
	_ =	strace $0x90000046  }
0xb8: {  	s29 =	simm.s32 $0x9;
	_ =	strace $0x80000048  }
0xb9: {  	_ =	swait.ge [sflag:s29], $0x1  }
0xba: {  	[sflag:s29] =	ssyncadd.s32 $0xFFFFFFFF  }
0xbb: {  	_ =	strace $0x90000048  }
0xbc: {  	_ =	sfence  }
0xbd: {  	s30 =	sld [smem:$0x0];
	_ =	sdelay $0x2  }
0xbe: {  	s31 =	sshll.u32 s1, $0xD;
	s1 =	sshrl.u32 s1, $0x2  }
0xbf: {  	s3 =	sand.u32 $0x4000, s31;
	s1 =	sadd.s32 s1, s30  }
0xc0: {  	s0 =	sor.u32 s3, s0;
	s1 =	sshll.u32 s1, $0x11  }
0xc1: {  	s0 =	sor.u32 s1, s0  }
0xc2: {  	s0 =	sadd.s32 $0x8F2B, s0  }
0xc3: {  	[sflag:s0] =	ssyncadd.remote.s32 $0x1  }
0xc4: {  	_ =	sfence.sel $0xFFFF  }
0xc5: {  	[dreg:$0x0] =	wrdreg $0xFFFFFFFF;
	(pc) =	sbr.abs _section_cstart, $3  }
0xc6: {  	[dreg:$0x1] =	wrdreg $0xFFFFFFFF  }
0xc7: {  	_ =	task.clear_ibuf [dreg:s10], $0x2FFFF;
	_ =	strace $0x9FFFFFFF  }
0xc8: {  	(tm) =	ssettm $0x7FFFFFFF  }
0xc9: {  	_ =	shalt  }
tec
execute0_lowered:
.L_overlay_start_1:
0x0: {  	(tag) =	ssettag $0x1  }
0x1: {  	s0 =	rddreg [dreg:$0x0]  }
0x2: {  	s1 =	rddreg [dreg:$0x1]  }
0x3: {  	s7 =	rddreg [dreg:$0x2]  }
0x4: {  	s4 =	rddreg [dreg:$0x3]  }
0x5: {  	s8 =	rddreg [dreg:$0x4];
	s2 =	simm.s32 $0x0  }
0x6: {  	s3 =	srdreg.scid;
	s6 =	stileid.u32;
	s28 =	simm.s32 $0x3600  }
0x7: {  	s29 =	simm.s32 $0xB600;
	s30 =	simm.s32 $0x13600;
	s31 =	simm.s32 $0x3A00  }
0x8: {  	s11 =	simm.s32 $0x3E00;
	s12 =	simm.s32 $0xBE00;
	s13 =	simm.s32 $0x13E00  }
0x9: {  	s14 =	simm.s32 $0x4200;
	s15 =	simm.s32 $0xC200;
	s16 =	simm.s32 $0x14200  }
0xa: {  	s17 =	simm.s32 $0x18600;
	s18 =	simm.s32 $0x0;
	[smem:$0x7FF] =	sst s2  }
0xb: {  	s3 =	sand.u32 $0x1, s3;
	s6 =	sshll.u32 s6, $0x7;
	_ =	strace $0x80000047  }
0xc: {  	vm0 =	vmmov $0x1;
	vm1 =	vmmov $0x3;
	vm2 =	vmmov $0x7;
	s5 =	ssub.s32 $0x2, s3;
	s9 =	sshll.u32 s3, $0x6;
	s3 =	sadd.s32 $0x4400, s4  }
0xd: {  	vm3 =	vmmov $0xf;
	vm4 =	vmmov $0x1f;
	vm5 =	vmmov $0x3f;
	s4 =	sadd.s32 $0x400, s4;
	s10 =	sshrl.u32 s5, $0x1;
	s9 =	sor.u32 s9, s6  }
0xe: {  	vm6 =	vmmov $0x7f;
	vm7 =	vmmov $0xff;
	vm8 =	vmmov $0x1ff;
	s10 =	ssub.s32 s5, s10;
	s5 =	sadd.s32 s0, s9;
	s6 =	sadd.s32 s1, s9  }
0xf: {  	vm9 =	vmmov $0x3ff;
	vm10 =	vmmov $0x7ff;
	vm11 =	vmmov $0xfff;
	s7 =	sadd.s32 s7, s9;
	s8 =	sadd.s32 s8, s9;
	s0 =	simm.s32 $0xBA00  }
0x10: {  	vm12 =	vmmov $0x1fff;
	vm13 =	vmmov $0x3fff;
	vm14 =	vmmov $0x7fff;
	s1 =	simm.s32 $0x13A00;
	s9 =	smax.u32 s10, $0x1;
	s10 =	simm.s32 $0x3  }
.LBB2_1:
0x11: {  	[tilespmem:s2], [sflag:$0x3] =	stream.linear.gather [hbm4b:s5+s2], $0x200, $0x38;
	[tilespmem:$0x18800] =	vst v63  }
0x12: {  	_ =	swait.ge [sflag:s10], $0x200  }
0x13: {  	[sflag:s10] =	ssyncset.done $0x0  }
0x14: {  	s19 =	simm.s32 $0x200;
	[sflag:s10] =	ssyncadd.s32 $0xFFFFFE00  }
0x15: {  	[tilespmem:s19], [sflag:$0x3] =	stream.linear.gather [hbm4b:s6+s2], $0x200, $0x38;
	[tilespmem:$0x18800] =	vst v63  }
0x16: {  	_ =	swait.ge [sflag:s10], $0x200  }
0x17: {  	[sflag:s10] =	ssyncset.done $0x0  }
0x18: {  	s23 =	simm.s32 $0x400;
	[sflag:s10] =	ssyncadd.s32 $0xFFFFFE00  }
0x19: {  	[tilespmem:s23], [sflag:$0x3] =	stream.linear.gather [hbm4b:s7+s2], $0x200, $0x38;
	[tilespmem:$0x18800] =	vst v63  }
0x1a: {  	_ =	swait.ge [sflag:s10], $0x200  }
0x1b: {  	[sflag:s10] =	ssyncset.done $0x0  }
0x1c: {  	[sflag:s10] =	ssyncadd.s32 $0xFFFFFE00  }
0x1d: {  	v0 =	vld [tilespmem:$0x0];
	_ =	sdelay $0x1  }
0x1e: {  	v1 =	vld [tilespmem:$0x200];
	_ =	sdelay $0x1  }
0x1f: {  	v63 =	vld [tilespmem:$0x400]  }
0x20: {  	v2 =	vshll.u32 v0, $0x4  }
0x21: {  	(v2sf) =	vpush v2, $0x0  }
0x22: {  	v1 =	vshll.u32 v1, $0x4  }
0x23: {  	(v2sf) =	vpush v1, $0x0  }
0x24: {  	v0 =	vshll.u32 v63, $0x4  }
0x25: {  	(v2sf) =	vpush v0, $0x0;
	_ =	sdelay $0x2  }
0x26: {  	(v2sf) =	vpush v2, $0x1;
	_ =	sdelay $0x7  }
0x27: {  	s24 =	spop (v2sf);
	(v2sf) =	vpush v1, $0x1;
	_ =	sdelay $0x1  }
0x28: {  	s25 =	spop (v2sf);
	(v2sf) =	vpush v0, $0x1;
	_ =	sdelay $0x1  }
0x29: {  	s21 =	spop (v2sf);
	(v2sf) =	vpush v2, $0x2;
	_ =	sdelay $0x2  }
0x2a: {  	s23 =	spop (v2sf);
	(v2sf) =	vpush v1, $0x2;
	_ =	sdelay $0x1  }
0x2b: {  	s19 =	sand.u32 $0x1FFFFF80, s24  }
0x2c: {  	s20 =	simm.s32 $0x600;
	s19 =	sadd.s32 s3, s19  }
0x2d: {  	[tilespmem:s20], [sflag:$0x1] =	stream.linear.gather [hbm4b:s19+s2], $0x400, $0x38;
	[tilespmem:$0x18800] =	vst v63  }
0x2e: {  	s19 =	sand.u32 $0x1FFFFF80, s25  }
0x2f: {  	s26 =	simm.s32 $0x8600;
	s19 =	sadd.s32 s3, s19  }
0x30: {  	[tilespmem:s26], [sflag:$0x1] =	stream.linear.gather [hbm4b:s19+s2], $0x400, $0x38;
	[tilespmem:$0x18800] =	vst v63  }
0x31: {  	s25 =	spop (v2sf);
	(v2sf) =	vpush v0, $0x2  }
0x32: {  	s19 =	sand.u32 $0x1FFFFF80, s21  }
0x33: {  	s22 =	simm.s32 $0x10600;
	s19 =	sadd.s32 s4, s19;
	s21 =	spop (v2sf);
	(v2sf) =	vpush v2, $0x3  }
0x34: {  	[tilespmem:s22], [sflag:$0x1] =	stream.linear.gather [hbm4b:s19+s2], $0x400, $0x38;
	[tilespmem:$0x18800] =	vst v63  }
0x35: {  	s19 =	sand.u32 $0x1FFFFF80, s23;
	s23 =	spop (v2sf);
	(v2sf) =	vpush v1, $0x3  }
0x36: {  	s24 =	simm.s32 $0xA00;
	s19 =	sadd.s32 s3, s19  }
0x37: {  	[tilespmem:s24], [sflag:$0x1] =	stream.linear.gather [hbm4b:s19+s2], $0x400, $0x38;
	[tilespmem:$0x18800] =	vst v63  }
0x38: {  	s19 =	sand.u32 $0x1FFFFF80, s25;
	s25 =	spop (v2sf);
	(v2sf) =	vpush v0, $0x3;
	_ =	sdelay $0x2  }
0x39: {  	s26 =	simm.s32 $0x8A00;
	s19 =	sadd.s32 s3, s19  }
0x3a: {  	[tilespmem:s26], [sflag:$0x1] =	stream.linear.gather [hbm4b:s19+s2], $0x400, $0x38;
	[tilespmem:$0x18800] =	vst v63  }
0x3b: {  	s19 =	sand.u32 $0x1FFFFF80, s21  }
0x3c: {  	s22 =	simm.s32 $0x10A00;
	s19 =	sadd.s32 s4, s19  }
0x3d: {  	[tilespmem:s22], [sflag:$0x1] =	stream.linear.gather [hbm4b:s19+s2], $0x400, $0x38;
	[tilespmem:$0x18800] =	vst v63  }
0x3e: {  	s21 =	spop (v2sf);
	(v2sf) =	vpush v2, $0x4  }
0x3f: {  	s19 =	sand.u32 $0x1FFFFF80, s23  }
0x40: {  	s24 =	simm.s32 $0xE00;
	s19 =	sadd.s32 s3, s19;
	s23 =	spop (v2sf);
	(v2sf) =	vpush v1, $0x4  }
0x41: {  	[tilespmem:s24], [sflag:$0x1] =	stream.linear.gather [hbm4b:s19+s2], $0x400, $0x38;
	[tilespmem:$0x18800] =	vst v63  }
0x42: {  	s19 =	sand.u32 $0x1FFFFF80, s25;
	s25 =	spop (v2sf);
	(v2sf) =	vpush v0, $0x4  }
0x43: {  	s26 =	simm.s32 $0x8E00;
	s19 =	sadd.s32 s3, s19  }
0x44: {  	[tilespmem:s26], [sflag:$0x1] =	stream.linear.gather [hbm4b:s19+s2], $0x400, $0x38;
	[tilespmem:$0x18800] =	vst v63  }
0x45: {  	s19 =	sand.u32 $0x1FFFFF80, s21;
	s21 =	spop (v2sf);
	(v2sf) =	vpush v2, $0x5;
	_ =	sdelay $0x2  }
0x46: {  	s22 =	simm.s32 $0x10E00;
	s19 =	sadd.s32 s4, s19  }
0x47: {  	[tilespmem:s22], [sflag:$0x1] =	stream.linear.gather [hbm4b:s19+s2], $0x400, $0x38;
	[tilespmem:$0x18800] =	vst v63  }
0x48: {  	s19 =	sand.u32 $0x1FFFFF80, s23  }
0x49: {  	s24 =	simm.s32 $0x1200;
	s19 =	sadd.s32 s3, s19  }
0x4a: {  	[tilespmem:s24], [sflag:$0x1] =	stream.linear.gather [hbm4b:s19+s2], $0x400, $0x38;
	[tilespmem:$0x18800] =	vst v63  }
0x4b: {  	s23 =	spop (v2sf);
	(v2sf) =	vpush v1, $0x5  }
0x4c: {  	s19 =	sand.u32 $0x1FFFFF80, s25  }
0x4d: {  	s26 =	simm.s32 $0x9200;
	s19 =	sadd.s32 s3, s19;
	s25 =	spop (v2sf);
	(v2sf) =	vpush v0, $0x5  }
0x4e: {  	[tilespmem:s26], [sflag:$0x1] =	stream.linear.gather [hbm4b:s19+s2], $0x400, $0x38;
	[tilespmem:$0x18800] =	vst v63  }
0x4f: {  	s19 =	sand.u32 $0x1FFFFF80, s21;
	s21 =	spop (v2sf);
	(v2sf) =	vpush v2, $0x6  }
0x50: {  	s22 =	simm.s32 $0x11200;
	s19 =	sadd.s32 s4, s19  }
0x51: {  	[tilespmem:s22], [sflag:$0x1] =	stream.linear.gather [hbm4b:s19+s2], $0x400, $0x38;
	[tilespmem:$0x18800] =	vst v63  }
0x52: {  	s19 =	sand.u32 $0x1FFFFF80, s23;
	s23 =	spop (v2sf);
	(v2sf) =	vpush v1, $0x6;
	_ =	sdelay $0x2  }
0x53: {  	s24 =	simm.s32 $0x1600;
	s19 =	sadd.s32 s3, s19  }
0x54: {  	[tilespmem:s24], [sflag:$0x1] =	stream.linear.gather [hbm4b:s19+s2], $0x400, $0x38;
	[tilespmem:$0x18800] =	vst v63  }
0x55: {  	s19 =	sand.u32 $0x1FFFFF80, s25  }
0x56: {  	s26 =	simm.s32 $0x9600;
	s19 =	sadd.s32 s3, s19  }
0x57: {  	[tilespmem:s26], [sflag:$0x1] =	stream.linear.gather [hbm4b:s19+s2], $0x400, $0x38;
	[tilespmem:$0x18800] =	vst v63  }
0x58: {  	s25 =	spop (v2sf);
	(v2sf) =	vpush v0, $0x6  }
0x59: {  	s19 =	sand.u32 $0x1FFFFF80, s21  }
0x5a: {  	s22 =	simm.s32 $0x11600;
	s19 =	sadd.s32 s4, s19;
	s21 =	spop (v2sf);
	(v2sf) =	vpush v2, $0x7  }
0x5b: {  	[tilespmem:s22], [sflag:$0x1] =	stream.linear.gather [hbm4b:s19+s2], $0x400, $0x38;
	[tilespmem:$0x18800] =	vst v63  }
0x5c: {  	s19 =	sand.u32 $0x1FFFFF80, s23;
	s23 =	spop (v2sf);
	(v2sf) =	vpush v1, $0x7  }
0x5d: {  	s24 =	simm.s32 $0x1A00;
	s19 =	sadd.s32 s3, s19  }
0x5e: {  	[tilespmem:s24], [sflag:$0x1] =	stream.linear.gather [hbm4b:s19+s2], $0x400, $0x38;
	[tilespmem:$0x18800] =	vst v63  }
0x5f: {  	s19 =	sand.u32 $0x1FFFFF80, s25;
	s25 =	spop (v2sf);
	(v2sf) =	vpush v0, $0x7;
	_ =	sdelay $0x2  }
0x60: {  	s26 =	simm.s32 $0x9A00;
	s19 =	sadd.s32 s3, s19  }
0x61: {  	[tilespmem:s26], [sflag:$0x1] =	stream.linear.gather [hbm4b:s19+s2], $0x400, $0x38;
	[tilespmem:$0x18800] =	vst v63  }
0x62: {  	s19 =	sand.u32 $0x1FFFFF80, s21  }
0x63: {  	s22 =	simm.s32 $0x11A00;
	s19 =	sadd.s32 s4, s19  }
0x64: {  	[tilespmem:s22], [sflag:$0x1] =	stream.linear.gather [hbm4b:s19+s2], $0x400, $0x38;
	[tilespmem:$0x18800] =	vst v63  }
0x65: {  	s21 =	spop (v2sf);
	(v2sf) =	vpush v2, $0x8  }
0x66: {  	s19 =	sand.u32 $0x1FFFFF80, s23  }
0x67: {  	s24 =	simm.s32 $0x1E00;
	s19 =	sadd.s32 s3, s19;
	s23 =	spop (v2sf);
	(v2sf) =	vpush v1, $0x8  }
0x68: {  	[tilespmem:s24], [sflag:$0x1] =	stream.linear.gather [hbm4b:s19+s2], $0x400, $0x38;
	[tilespmem:$0x18800] =	vst v63  }
0x69: {  	s19 =	sand.u32 $0x1FFFFF80, s25;
	s25 =	spop (v2sf);
	(v2sf) =	vpush v0, $0x8  }
0x6a: {  	s26 =	simm.s32 $0x9E00;
	s19 =	sadd.s32 s3, s19  }
0x6b: {  	[tilespmem:s26], [sflag:$0x1] =	stream.linear.gather [hbm4b:s19+s2], $0x400, $0x38;
	[tilespmem:$0x18800] =	vst v63  }
0x6c: {  	s19 =	sand.u32 $0x1FFFFF80, s21;
	s21 =	spop (v2sf);
	(v2sf) =	vpush v2, $0x9;
	_ =	sdelay $0x2  }
0x6d: {  	s22 =	simm.s32 $0x11E00;
	s19 =	sadd.s32 s4, s19  }
0x6e: {  	[tilespmem:s22], [sflag:$0x1] =	stream.linear.gather [hbm4b:s19+s2], $0x400, $0x38;
	[tilespmem:$0x18800] =	vst v63  }
0x6f: {  	s19 =	sand.u32 $0x1FFFFF80, s23  }
0x70: {  	s24 =	simm.s32 $0x2200;
	s19 =	sadd.s32 s3, s19  }
0x71: {  	[tilespmem:s24], [sflag:$0x1] =	stream.linear.gather [hbm4b:s19+s2], $0x400, $0x38;
	[tilespmem:$0x18800] =	vst v63  }
0x72: {  	s23 =	spop (v2sf);
	(v2sf) =	vpush v1, $0x9  }
0x73: {  	s19 =	sand.u32 $0x1FFFFF80, s25  }
0x74: {  	s26 =	simm.s32 $0xA200;
	s19 =	sadd.s32 s3, s19;
	s25 =	spop (v2sf);
	(v2sf) =	vpush v0, $0x9  }
0x75: {  	[tilespmem:s26], [sflag:$0x1] =	stream.linear.gather [hbm4b:s19+s2], $0x400, $0x38;
	[tilespmem:$0x18800] =	vst v63  }
0x76: {  	s19 =	sand.u32 $0x1FFFFF80, s21;
	s21 =	spop (v2sf);
	(v2sf) =	vpush v2, $0xA  }
0x77: {  	s22 =	simm.s32 $0x12200;
	s19 =	sadd.s32 s4, s19  }
0x78: {  	[tilespmem:s22], [sflag:$0x1] =	stream.linear.gather [hbm4b:s19+s2], $0x400, $0x38;
	[tilespmem:$0x18800] =	vst v63  }
0x79: {  	s19 =	sand.u32 $0x1FFFFF80, s23;
	s23 =	spop (v2sf);
	(v2sf) =	vpush v1, $0xA;
	_ =	sdelay $0x2  }
0x7a: {  	s24 =	simm.s32 $0x2600;
	s19 =	sadd.s32 s3, s19  }
0x7b: {  	[tilespmem:s24], [sflag:$0x1] =	stream.linear.gather [hbm4b:s19+s2], $0x400, $0x38;
	[tilespmem:$0x18800] =	vst v63  }
0x7c: {  	s19 =	sand.u32 $0x1FFFFF80, s25  }
0x7d: {  	s26 =	simm.s32 $0xA600;
	s19 =	sadd.s32 s3, s19  }
0x7e: {  	[tilespmem:s26], [sflag:$0x1] =	stream.linear.gather [hbm4b:s19+s2], $0x400, $0x38;
	[tilespmem:$0x18800] =	vst v63  }
0x7f: {  	s25 =	spop (v2sf);
	(v2sf) =	vpush v0, $0xA  }
0x80: {  	s19 =	sand.u32 $0x1FFFFF80, s21  }
0x81: {  	s22 =	simm.s32 $0x12600;
	s19 =	sadd.s32 s4, s19;
	s21 =	spop (v2sf);
	(v2sf) =	vpush v2, $0xB  }
0x82: {  	[tilespmem:s22], [sflag:$0x1] =	stream.linear.gather [hbm4b:s19+s2], $0x400, $0x38;
	[tilespmem:$0x18800] =	vst v63  }
0x83: {  	s19 =	sand.u32 $0x1FFFFF80, s23;
	s23 =	spop (v2sf);
	(v2sf) =	vpush v1, $0xB  }
0x84: {  	s24 =	simm.s32 $0x2A00;
	s19 =	sadd.s32 s3, s19  }
0x85: {  	[tilespmem:s24], [sflag:$0x1] =	stream.linear.gather [hbm4b:s19+s2], $0x400, $0x38;
	[tilespmem:$0x18800] =	vst v63  }
0x86: {  	s19 =	sand.u32 $0x1FFFFF80, s25;
	s25 =	spop (v2sf);
	(v2sf) =	vpush v0, $0xB;
	_ =	sdelay $0x1  }
0x87: {  	s26 =	simm.s32 $0xAA00;
	s19 =	sadd.s32 s3, s19  }
0x88: {  	[tilespmem:s26], [sflag:$0x1] =	stream.linear.gather [hbm4b:s19+s2], $0x400, $0x38;
	[tilespmem:$0x18800] =	vst v63  }
0x89: {  	s19 =	sand.u32 $0x1FFFFF80, s21  }
0x8a: {  	s22 =	simm.s32 $0x12A00;
	s19 =	sadd.s32 s4, s19  }
0x8b: {  	[tilespmem:s22], [sflag:$0x1] =	stream.linear.gather [hbm4b:s19+s2], $0x400, $0x38;
	[tilespmem:$0x18800] =	vst v63  }
0x8c: {  	s19 =	sand.u32 $0x1FFFFF80, s23  }
0x8d: {  	s24 =	simm.s32 $0x2E00;
	s19 =	sadd.s32 s3, s19;
	s21 =	spop (v2sf);
	(v2sf) =	vpush v2, $0xC  }
0x8e: {  	[tilespmem:s24], [sflag:$0x1] =	stream.linear.gather [hbm4b:s19+s2], $0x400, $0x38;
	[tilespmem:$0x18800] =	vst v63  }
0x8f: {  	s23 =	spop (v2sf);
	(v2sf) =	vpush v1, $0xC  }
0x90: {  	s19 =	sand.u32 $0x1FFFFF80, s25  }
0x91: {  	s26 =	simm.s32 $0xAE00;
	s19 =	sadd.s32 s3, s19;
	s25 =	spop (v2sf);
	(v2sf) =	vpush v0, $0xC  }
0x92: {  	[tilespmem:s26], [sflag:$0x1] =	stream.linear.gather [hbm4b:s19+s2], $0x400, $0x38;
	[tilespmem:$0x18800] =	vst v63  }
0x93: {  	s19 =	sand.u32 $0x1FFFFF80, s21  }
0x94: {  	s22 =	simm.s32 $0x12E00;
	s19 =	sadd.s32 s4, s19;
	s20 =	spop (v2sf);
	(v2sf) =	vpush v2, $0xD  }
0x95: {  	[tilespmem:s22], [sflag:$0x1] =	stream.linear.gather [hbm4b:s19+s2], $0x400, $0x38;
	[tilespmem:$0x18800] =	vst v63  }
0x96: {  	s19 =	sand.u32 $0x1FFFFF80, s23  }
0x97: {  	s24 =	simm.s32 $0x3200;
	s19 =	sadd.s32 s3, s19  }
0x98: {  	[tilespmem:s24], [sflag:$0x1] =	stream.linear.gather [hbm4b:s19+s2], $0x400, $0x38;
	[tilespmem:$0x18800] =	vst v63  }
0x99: {  	s19 =	sand.u32 $0x1FFFFF80, s25  }
0x9a: {  	s26 =	simm.s32 $0xB200;
	s19 =	sadd.s32 s3, s19  }
0x9b: {  	[tilespmem:s26], [sflag:$0x1] =	stream.linear.gather [hbm4b:s19+s2], $0x400, $0x38;
	[tilespmem:$0x18800] =	vst v63  }
0x9c: {  	s22 =	spop (v2sf);
	(v2sf) =	vpush v1, $0xD  }
0x9d: {  	s19 =	sand.u32 $0x1FFFFF80, s20  }
0x9e: {  	s21 =	simm.s32 $0x13200;
	s19 =	sadd.s32 s4, s19;
	s23 =	spop (v2sf);
	(v2sf) =	vpush v0, $0xD  }
0x9f: {  	[tilespmem:s21], [sflag:$0x1] =	stream.linear.gather [hbm4b:s19+s2], $0x400, $0x38;
	[tilespmem:$0x18800] =	vst v63  }
0xa0: {  	s19 =	sand.u32 $0x1FFFFF80, s22;
	s24 =	spop (v2sf);
	(v2sf) =	vpush v2, $0xE  }
0xa1: {  	s19 =	sadd.s32 s3, s19  }
0xa2: {  	[tilespmem:s28], [sflag:$0x1] =	stream.linear.gather [hbm4b:s19+s2], $0x400, $0x38;
	[tilespmem:$0x18800] =	vst v63  }
0xa3: {  	s25 =	spop (v2sf);
	(v2sf) =	vpush v1, $0xE  }
0xa4: {  	s19 =	sand.u32 $0x1FFFFF80, s23  }
0xa5: {  	s19 =	sadd.s32 s3, s19  }
0xa6: {  	[tilespmem:s29], [sflag:$0x1] =	stream.linear.gather [hbm4b:s19+s2], $0x400, $0x38;
	[tilespmem:$0x18800] =	vst v63  }
0xa7: {  	s19 =	sand.u32 $0x1FFFFF80, s24  }
0xa8: {  	s19 =	sadd.s32 s4, s19  }
0xa9: {  	[tilespmem:s30], [sflag:$0x1] =	stream.linear.gather [hbm4b:s19+s2], $0x400, $0x38;
	[tilespmem:$0x18800] =	vst v63  }
0xaa: {  	s19 =	sand.u32 $0x1FFFFF80, s25  }
0xab: {  	s19 =	sadd.s32 s3, s19;
	s26 =	spop (v2sf);
	(v2sf) =	vpush v0, $0xE  }
0xac: {  	[tilespmem:s31], [sflag:$0x1] =	stream.linear.gather [hbm4b:s19+s2], $0x400, $0x38;
	[tilespmem:$0x18800] =	vst v63  }
0xad: {  	s20 =	spop (v2sf);
	(v2sf) =	vpush v2, $0xF  }
0xae: {  	s19 =	sand.u32 $0x1FFFFF80, s26  }
0xaf: {  	s19 =	sadd.s32 s3, s19;
	s21 =	spop (v2sf)  }
0xb0: {  	(v2sf) =	vpush v1, $0xF;
	[tilespmem:s0], [sflag:$0x1] =	stream.linear.gather [hbm4b:s19+s2], $0x400, $0x38;
	[tilespmem:$0x18800] =	vst v63  }
0xb1: {  	s19 =	sand.u32 $0x1FFFFF80, s20  }
0xb2: {  	s22 =	spop (v2sf);
	s19 =	sadd.s32 s4, s19  }
0xb3: {  	(v2sf) =	vpush v0, $0xF;
	[tilespmem:s1], [sflag:$0x1] =	stream.linear.gather [hbm4b:s19+s2], $0x400, $0x38;
	[tilespmem:$0x18800] =	vst v63  }
0xb4: {  	s19 =	sand.u32 $0x1FFFFF80, s21  }
0xb5: {  	s19 =	sadd.s32 s3, s19  }
0xb6: {  	[tilespmem:s11], [sflag:$0x1] =	stream.linear.gather [hbm4b:s19+s2], $0x400, $0x38;
	[tilespmem:$0x18800] =	vst v63  }
0xb7: {  	s19 =	sand.u32 $0x1FFFFF80, s22  }
0xb8: {  	s19 =	sadd.s32 s3, s19  }
0xb9: {  	[tilespmem:s12], [sflag:$0x1] =	stream.linear.gather [hbm4b:s19+s2], $0x400, $0x38;
	[tilespmem:$0x18800] =	vst v63  }
0xba: {  	s23 =	spop (v2sf)  }
0xbb: {  	s19 =	sand.u32 $0x1FFFFF80, s23  }
0xbc: {  	s24 =	spop (v2sf);
	s19 =	sadd.s32 s4, s19  }
0xbd: {  	[tilespmem:s13], [sflag:$0x1] =	stream.linear.gather [hbm4b:s19+s2], $0x400, $0x38;
	[tilespmem:$0x18800] =	vst v63  }
0xbe: {  	s19 =	sand.u32 $0x1FFFFF80, s24  }
0xbf: {  	s25 =	spop (v2sf);
	s19 =	sadd.s32 s3, s19  }
0xc0: {  	[tilespmem:s14], [sflag:$0x1] =	stream.linear.gather [hbm4b:s19+s2], $0x400, $0x38;
	[tilespmem:$0x18800] =	vst v63  }
0xc1: {  	s19 =	sand.u32 $0x1FFFFF80, s25  }
0xc2: {  	s26 =	spop (v2sf);
	s19 =	sadd.s32 s3, s19  }
0xc3: {  	[tilespmem:s15], [sflag:$0x1] =	stream.linear.gather [hbm4b:s19+s2], $0x400, $0x38;
	[tilespmem:$0x18800] =	vst v63  }
0xc4: {  	s19 =	sand.u32 $0x1FFFFF80, s26  }
0xc5: {  	s20 =	simm.s32 $0x0;
	s19 =	sadd.s32 s4, s19  }
0xc6: {  	[tilespmem:s16], [sflag:$0x1] =	stream.linear.gather [hbm4b:s19+s2], $0x400, $0x38;
	[tilespmem:$0x18800] =	vst v63  }
.LBB2_2:
0xc7: {  	p0 =	seq.s32 s20, $0x1F  }
.Ltmp0:
0xc8: {  	_ = 	snop;
	(pc) =	sbr.rel @p0 .LBB2_4-.Ltmp0, $2  }
0xc9: {  	_ =	sdelay $0x2  }
0xca: {  	s19 =	sadd.s32 $0x1, s20  }
0xcb: {  	s21 =	sshll.u32 s19, $0x4  }
0xcc: {  	v0 =	vld [tilespmem:s21+$0x0];
	_ =	sdelay $0x1  }
0xcd: {  	v1 =	vld [tilespmem:s21+$0x200];
	_ =	sdelay $0x2  }
0xce: {  	v63 =	vld [tilespmem:s21+$0x400];
	v2 =	vshll.u32 v0, $0x4  }
0xcf: {  	(v2sf) =	vpush v2, $0x0  }
0xd0: {  	v1 =	vshll.u32 v1, $0x4  }
0xd1: {  	(v2sf) =	vpush v1, $0x0;
	_ =	sdelay $0x1  }
0xd2: {  	v0 =	vshll.u32 v63, $0x4  }
0xd3: {  	(v2sf) =	vpush v0, $0x0;
	_ =	sdelay $0x2  }
0xd4: {  	(v2sf) =	vpush v2, $0x1;
	_ =	sdelay $0x6  }
0xd5: {  	s23 =	spop (v2sf);
	(v2sf) =	vpush v1, $0x1  }
0xd6: {  	s22 =	sand.u32 $0x1, s19  }
0xd7: {  	s21 =	sshll.u32 s22, $0xE;
	s23 =	sand.u32 $0x1FFFFF80, s23;
	s25 =	spop (v2sf);
	(v2sf) =	vpush v0, $0x1  }
0xd8: {  	s22 =	sadd.s32 $0x1, s22;
	s24 =	sor.u32 $0x600, s21;
	s23 =	sadd.s32 s3, s23  }
0xd9: {  	[tilespmem:s24], [sflag:s22] =	stream.linear.gather [hbm4b:s23+s2], $0x400, $0x38;
	[tilespmem:$0x18800] =	vst v63  }
0xda: {  	s23 =	sand.u32 $0x1FFFFF80, s25;
	s25 =	spop (v2sf);
	(v2sf) =	vpush v2, $0x2  }
0xdb: {  	s26 =	sor.u32 $0x8600, s21;
	s23 =	sadd.s32 s3, s23  }
0xdc: {  	[tilespmem:s26], [sflag:s22] =	stream.linear.gather [hbm4b:s23+s2], $0x400, $0x38;
	[tilespmem:$0x18800] =	vst v63  }
0xdd: {  	s23 =	sand.u32 $0x1FFFFF80, s25;
	s25 =	spop (v2sf);
	(v2sf) =	vpush v1, $0x2;
	_ =	sdelay $0x3  }
0xde: {  	s26 =	sor.u32 $0x10600, s21;
	s23 =	sadd.s32 s4, s23  }
0xdf: {  	[tilespmem:s26], [sflag:s22] =	stream.linear.gather [hbm4b:s23+s2], $0x400, $0x38;
	[tilespmem:$0x18800] =	vst v63  }
0xe0: {  	s23 =	sand.u32 $0x1FFFFF80, s25  }
0xe1: {  	s26 =	sor.u32 $0xA00, s21;
	s23 =	sadd.s32 s3, s23;
	s25 =	spop (v2sf);
	(v2sf) =	vpush v0, $0x2  }
0xe2: {  	[tilespmem:s26], [sflag:s22] =	stream.linear.gather [hbm4b:s23+s2], $0x400, $0x38;
	[tilespmem:$0x18800] =	vst v63  }
0xe3: {  	s23 =	sand.u32 $0x1FFFFF80, s25;
	s25 =	spop (v2sf);
	(v2sf) =	vpush v2, $0x3  }
0xe4: {  	s26 =	sor.u32 $0x8A00, s21;
	s23 =	sadd.s32 s3, s23  }
0xe5: {  	[tilespmem:s26], [sflag:s22] =	stream.linear.gather [hbm4b:s23+s2], $0x400, $0x38;
	[tilespmem:$0x18800] =	vst v63  }
0xe6: {  	s23 =	sand.u32 $0x1FFFFF80, s25;
	s25 =	spop (v2sf);
	(v2sf) =	vpush v1, $0x3  }
0xe7: {  	s26 =	sor.u32 $0x10A00, s21;
	s23 =	sadd.s32 s4, s23  }
0xe8: {  	[tilespmem:s26], [sflag:s22] =	stream.linear.gather [hbm4b:s23+s2], $0x400, $0x38;
	[tilespmem:$0x18800] =	vst v63  }
0xe9: {  	s23 =	sand.u32 $0x1FFFFF80, s25;
	s25 =	spop (v2sf);
	(v2sf) =	vpush v0, $0x3;
	_ =	sdelay $0x3  }
0xea: {  	s26 =	sor.u32 $0xE00, s21;
	s23 =	sadd.s32 s3, s23  }
0xeb: {  	[tilespmem:s26], [sflag:s22] =	stream.linear.gather [hbm4b:s23+s2], $0x400, $0x38;
	[tilespmem:$0x18800] =	vst v63  }
0xec: {  	s23 =	sand.u32 $0x1FFFFF80, s25  }
0xed: {  	s26 =	sor.u32 $0x8E00, s21;
	s23 =	sadd.s32 s3, s23;
	s25 =	spop (v2sf);
	(v2sf) =	vpush v2, $0x4  }
0xee: {  	[tilespmem:s26], [sflag:s22] =	stream.linear.gather [hbm4b:s23+s2], $0x400, $0x38;
	[tilespmem:$0x18800] =	vst v63  }
0xef: {  	s23 =	sand.u32 $0x1FFFFF80, s25;
	s25 =	spop (v2sf);
	(v2sf) =	vpush v1, $0x4  }
0xf0: {  	s26 =	sor.u32 $0x10E00, s21;
	s23 =	sadd.s32 s4, s23  }
0xf1: {  	[tilespmem:s26], [sflag:s22] =	stream.linear.gather [hbm4b:s23+s2], $0x400, $0x38;
	[tilespmem:$0x18800] =	vst v63  }
0xf2: {  	s23 =	sand.u32 $0x1FFFFF80, s25;
	s25 =	spop (v2sf);
	(v2sf) =	vpush v0, $0x4  }
0xf3: {  	s26 =	sor.u32 $0x1200, s21;
	s23 =	sadd.s32 s3, s23  }
0xf4: {  	[tilespmem:s26], [sflag:s22] =	stream.linear.gather [hbm4b:s23+s2], $0x400, $0x38;
	[tilespmem:$0x18800] =	vst v63  }
0xf5: {  	s23 =	sand.u32 $0x1FFFFF80, s25;
	s25 =	spop (v2sf);
	(v2sf) =	vpush v2, $0x5;
	_ =	sdelay $0x3  }
0xf6: {  	s26 =	sor.u32 $0x9200, s21;
	s23 =	sadd.s32 s3, s23  }
0xf7: {  	[tilespmem:s26], [sflag:s22] =	stream.linear.gather [hbm4b:s23+s2], $0x400, $0x38;
	[tilespmem:$0x18800] =	vst v63  }
0xf8: {  	s23 =	sand.u32 $0x1FFFFF80, s25  }
0xf9: {  	s26 =	sor.u32 $0x11200, s21;
	s23 =	sadd.s32 s4, s23;
	s25 =	spop (v2sf);
	(v2sf) =	vpush v1, $0x5  }
0xfa: {  	[tilespmem:s26], [sflag:s22] =	stream.linear.gather [hbm4b:s23+s2], $0x400, $0x38;
	[tilespmem:$0x18800] =	vst v63  }
0xfb: {  	s23 =	sand.u32 $0x1FFFFF80, s25;
	s25 =	spop (v2sf);
	(v2sf) =	vpush v0, $0x5  }
0xfc: {  	s26 =	sor.u32 $0x1600, s21;
	s23 =	sadd.s32 s3, s23  }
0xfd: {  	[tilespmem:s26], [sflag:s22] =	stream.linear.gather [hbm4b:s23+s2], $0x400, $0x38;
	[tilespmem:$0x18800] =	vst v63  }
0xfe: {  	s23 =	sand.u32 $0x1FFFFF80, s25;
	s25 =	spop (v2sf);
	(v2sf) =	vpush v2, $0x6  }
0xff: {  	s26 =	sor.u32 $0x9600, s21;
	s23 =	sadd.s32 s3, s23  }
0x100: {  	[tilespmem:s26], [sflag:s22] =	stream.linear.gather [hbm4b:s23+s2], $0x400, $0x38;
	[tilespmem:$0x18800] =	vst v63  }
0x101: {  	s23 =	sand.u32 $0x1FFFFF80, s25;
	s25 =	spop (v2sf);
	(v2sf) =	vpush v1, $0x6;
	_ =	sdelay $0x3  }
0x102: {  	s26 =	sor.u32 $0x11600, s21;
	s23 =	sadd.s32 s4, s23  }
0x103: {  	[tilespmem:s26], [sflag:s22] =	stream.linear.gather [hbm4b:s23+s2], $0x400, $0x38;
	[tilespmem:$0x18800] =	vst v63  }
0x104: {  	s23 =	sand.u32 $0x1FFFFF80, s25  }
0x105: {  	s26 =	sor.u32 $0x1A00, s21;
	s23 =	sadd.s32 s3, s23;
	s25 =	spop (v2sf);
	(v2sf) =	vpush v0, $0x6  }
0x106: {  	[tilespmem:s26], [sflag:s22] =	stream.linear.gather [hbm4b:s23+s2], $0x400, $0x38;
	[tilespmem:$0x18800] =	vst v63  }
0x107: {  	s23 =	sand.u32 $0x1FFFFF80, s25;
	s25 =	spop (v2sf);
	(v2sf) =	vpush v2, $0x7  }
0x108: {  	s26 =	sor.u32 $0x9A00, s21;
	s23 =	sadd.s32 s3, s23  }
0x109: {  	[tilespmem:s26], [sflag:s22] =	stream.linear.gather [hbm4b:s23+s2], $0x400, $0x38;
	[tilespmem:$0x18800] =	vst v63  }
0x10a: {  	s23 =	sand.u32 $0x1FFFFF80, s25;
	s25 =	spop (v2sf);
	(v2sf) =	vpush v1, $0x7  }
0x10b: {  	s26 =	sor.u32 $0x11A00, s21;
	s23 =	sadd.s32 s4, s23  }
0x10c: {  	[tilespmem:s26], [sflag:s22] =	stream.linear.gather [hbm4b:s23+s2], $0x400, $0x38;
	[tilespmem:$0x18800] =	vst v63  }
0x10d: {  	s23 =	sand.u32 $0x1FFFFF80, s25;
	s25 =	spop (v2sf);
	(v2sf) =	vpush v0, $0x7;
	_ =	sdelay $0x3  }
0x10e: {  	s26 =	sor.u32 $0x1E00, s21;
	s23 =	sadd.s32 s3, s23  }
0x10f: {  	[tilespmem:s26], [sflag:s22] =	stream.linear.gather [hbm4b:s23+s2], $0x400, $0x38;
	[tilespmem:$0x18800] =	vst v63  }
0x110: {  	s23 =	sand.u32 $0x1FFFFF80, s25  }
0x111: {  	s26 =	sor.u32 $0x9E00, s21;
	s23 =	sadd.s32 s3, s23;
	s25 =	spop (v2sf);
	(v2sf) =	vpush v2, $0x8  }
0x112: {  	[tilespmem:s26], [sflag:s22] =	stream.linear.gather [hbm4b:s23+s2], $0x400, $0x38;
	[tilespmem:$0x18800] =	vst v63  }
0x113: {  	s23 =	sand.u32 $0x1FFFFF80, s25;
	s25 =	spop (v2sf);
	(v2sf) =	vpush v1, $0x8  }
0x114: {  	s26 =	sor.u32 $0x11E00, s21;
	s23 =	sadd.s32 s4, s23  }
0x115: {  	[tilespmem:s26], [sflag:s22] =	stream.linear.gather [hbm4b:s23+s2], $0x400, $0x38;
	[tilespmem:$0x18800] =	vst v63  }
0x116: {  	s23 =	sand.u32 $0x1FFFFF80, s25;
	s25 =	spop (v2sf);
	(v2sf) =	vpush v0, $0x8  }
0x117: {  	s26 =	sor.u32 $0x2200, s21;
	s23 =	sadd.s32 s3, s23  }
0x118: {  	[tilespmem:s26], [sflag:s22] =	stream.linear.gather [hbm4b:s23+s2], $0x400, $0x38;
	[tilespmem:$0x18800] =	vst v63  }
0x119: {  	s23 =	sand.u32 $0x1FFFFF80, s25;
	s25 =	spop (v2sf);
	(v2sf) =	vpush v2, $0x9;
	_ =	sdelay $0x3  }
0x11a: {  	s26 =	sor.u32 $0xA200, s21;
	s23 =	sadd.s32 s3, s23  }
0x11b: {  	[tilespmem:s26], [sflag:s22] =	stream.linear.gather [hbm4b:s23+s2], $0x400, $0x38;
	[tilespmem:$0x18800] =	vst v63  }
0x11c: {  	s23 =	sand.u32 $0x1FFFFF80, s25  }
0x11d: {  	s26 =	sor.u32 $0x12200, s21;
	s23 =	sadd.s32 s4, s23;
	s25 =	spop (v2sf);
	(v2sf) =	vpush v1, $0x9  }
0x11e: {  	[tilespmem:s26], [sflag:s22] =	stream.linear.gather [hbm4b:s23+s2], $0x400, $0x38;
	[tilespmem:$0x18800] =	vst v63  }
0x11f: {  	s23 =	sand.u32 $0x1FFFFF80, s25;
	s25 =	spop (v2sf);
	(v2sf) =	vpush v0, $0x9  }
0x120: {  	s26 =	sor.u32 $0x2600, s21;
	s23 =	sadd.s32 s3, s23  }
0x121: {  	[tilespmem:s26], [sflag:s22] =	stream.linear.gather [hbm4b:s23+s2], $0x400, $0x38;
	[tilespmem:$0x18800] =	vst v63  }
0x122: {  	s23 =	sand.u32 $0x1FFFFF80, s25;
	s25 =	spop (v2sf);
	(v2sf) =	vpush v2, $0xA  }
0x123: {  	s26 =	sor.u32 $0xA600, s21;
	s23 =	sadd.s32 s3, s23  }
0x124: {  	[tilespmem:s26], [sflag:s22] =	stream.linear.gather [hbm4b:s23+s2], $0x400, $0x38;
	[tilespmem:$0x18800] =	vst v63  }
0x125: {  	s23 =	sand.u32 $0x1FFFFF80, s25;
	s25 =	spop (v2sf);
	(v2sf) =	vpush v1, $0xA;
	_ =	sdelay $0x3  }
0x126: {  	s26 =	sor.u32 $0x12600, s21;
	s23 =	sadd.s32 s4, s23  }
0x127: {  	[tilespmem:s26], [sflag:s22] =	stream.linear.gather [hbm4b:s23+s2], $0x400, $0x38;
	[tilespmem:$0x18800] =	vst v63  }
0x128: {  	s23 =	sand.u32 $0x1FFFFF80, s25  }
0x129: {  	s26 =	sor.u32 $0x2A00, s21;
	s23 =	sadd.s32 s3, s23;
	s25 =	spop (v2sf);
	(v2sf) =	vpush v0, $0xA  }
0x12a: {  	[tilespmem:s26], [sflag:s22] =	stream.linear.gather [hbm4b:s23+s2], $0x400, $0x38;
	[tilespmem:$0x18800] =	vst v63  }
0x12b: {  	s23 =	sand.u32 $0x1FFFFF80, s25;
	s25 =	spop (v2sf);
	(v2sf) =	vpush v2, $0xB  }
0x12c: {  	s26 =	sor.u32 $0xAA00, s21;
	s23 =	sadd.s32 s3, s23  }
0x12d: {  	[tilespmem:s26], [sflag:s22] =	stream.linear.gather [hbm4b:s23+s2], $0x400, $0x38;
	[tilespmem:$0x18800] =	vst v63  }
0x12e: {  	s23 =	sand.u32 $0x1FFFFF80, s25;
	s25 =	spop (v2sf);
	(v2sf) =	vpush v1, $0xB  }
0x12f: {  	s26 =	sor.u32 $0x12A00, s21;
	s23 =	sadd.s32 s4, s23  }
0x130: {  	[tilespmem:s26], [sflag:s22] =	stream.linear.gather [hbm4b:s23+s2], $0x400, $0x38;
	[tilespmem:$0x18800] =	vst v63  }
0x131: {  	s23 =	sand.u32 $0x1FFFFF80, s25;
	s25 =	spop (v2sf);
	(v2sf) =	vpush v0, $0xB;
	_ =	sdelay $0x3  }
0x132: {  	s26 =	sor.u32 $0x2E00, s21;
	s23 =	sadd.s32 s3, s23  }
0x133: {  	[tilespmem:s26], [sflag:s22] =	stream.linear.gather [hbm4b:s23+s2], $0x400, $0x38;
	[tilespmem:$0x18800] =	vst v63  }
0x134: {  	s23 =	sand.u32 $0x1FFFFF80, s25  }
0x135: {  	s26 =	sor.u32 $0xAE00, s21;
	s23 =	sadd.s32 s3, s23;
	s25 =	spop (v2sf);
	(v2sf) =	vpush v2, $0xC  }
0x136: {  	[tilespmem:s26], [sflag:s22] =	stream.linear.gather [hbm4b:s23+s2], $0x400, $0x38;
	[tilespmem:$0x18800] =	vst v63  }
0x137: {  	s23 =	sand.u32 $0x1FFFFF80, s25;
	s25 =	spop (v2sf);
	(v2sf) =	vpush v1, $0xC  }
0x138: {  	s26 =	sor.u32 $0x12E00, s21;
	s23 =	sadd.s32 s4, s23  }
0x139: {  	[tilespmem:s26], [sflag:s22] =	stream.linear.gather [hbm4b:s23+s2], $0x400, $0x38;
	[tilespmem:$0x18800] =	vst v63  }
0x13a: {  	s23 =	sand.u32 $0x1FFFFF80, s25;
	s25 =	spop (v2sf);
	(v2sf) =	vpush v0, $0xC  }
0x13b: {  	s26 =	sor.u32 $0x3200, s21;
	s23 =	sadd.s32 s3, s23  }
0x13c: {  	[tilespmem:s26], [sflag:s22] =	stream.linear.gather [hbm4b:s23+s2], $0x400, $0x38;
	[tilespmem:$0x18800] =	vst v63  }
0x13d: {  	s23 =	sand.u32 $0x1FFFFF80, s25;
	s25 =	spop (v2sf);
	(v2sf) =	vpush v2, $0xD;
	_ =	sdelay $0x3  }
0x13e: {  	s26 =	sor.u32 $0xB200, s21;
	s23 =	sadd.s32 s3, s23  }
0x13f: {  	[tilespmem:s26], [sflag:s22] =	stream.linear.gather [hbm4b:s23+s2], $0x400, $0x38;
	[tilespmem:$0x18800] =	vst v63  }
0x140: {  	s23 =	sand.u32 $0x1FFFFF80, s25  }
0x141: {  	s26 =	sor.u32 $0x13200, s21;
	s23 =	sadd.s32 s4, s23;
	s25 =	spop (v2sf);
	(v2sf) =	vpush v1, $0xD  }
0x142: {  	[tilespmem:s26], [sflag:s22] =	stream.linear.gather [hbm4b:s23+s2], $0x400, $0x38;
	[tilespmem:$0x18800] =	vst v63  }
0x143: {  	s23 =	sand.u32 $0x1FFFFF80, s25;
	s25 =	spop (v2sf);
	(v2sf) =	vpush v0, $0xD  }
0x144: {  	s26 =	sor.u32 $0x3600, s21;
	s23 =	sadd.s32 s3, s23  }
0x145: {  	[tilespmem:s26], [sflag:s22] =	stream.linear.gather [hbm4b:s23+s2], $0x400, $0x38;
	[tilespmem:$0x18800] =	vst v63  }
0x146: {  	s23 =	sand.u32 $0x1FFFFF80, s25;
	s25 =	spop (v2sf);
	(v2sf) =	vpush v2, $0xE  }
0x147: {  	s26 =	sor.u32 $0xB600, s21;
	s23 =	sadd.s32 s3, s23  }
0x148: {  	[tilespmem:s26], [sflag:s22] =	stream.linear.gather [hbm4b:s23+s2], $0x400, $0x38;
	[tilespmem:$0x18800] =	vst v63  }
0x149: {  	s23 =	sand.u32 $0x1FFFFF80, s25;
	s25 =	spop (v2sf);
	(v2sf) =	vpush v1, $0xE;
	_ =	sdelay $0x3  }
0x14a: {  	s26 =	sor.u32 $0x13600, s21;
	s23 =	sadd.s32 s4, s23  }
0x14b: {  	[tilespmem:s26], [sflag:s22] =	stream.linear.gather [hbm4b:s23+s2], $0x400, $0x38;
	[tilespmem:$0x18800] =	vst v63  }
0x14c: {  	s23 =	sand.u32 $0x1FFFFF80, s25  }
0x14d: {  	s26 =	sor.u32 $0x3A00, s21;
	s23 =	sadd.s32 s3, s23;
	s25 =	spop (v2sf);
	(v2sf) =	vpush v0, $0xE  }
0x14e: {  	[tilespmem:s26], [sflag:s22] =	stream.linear.gather [hbm4b:s23+s2], $0x400, $0x38;
	[tilespmem:$0x18800] =	vst v63  }
0x14f: {  	s23 =	sand.u32 $0x1FFFFF80, s25;
	s25 =	spop (v2sf);
	(v2sf) =	vpush v2, $0xF  }
0x150: {  	s26 =	sor.u32 $0xBA00, s21;
	s23 =	sadd.s32 s3, s23  }
0x151: {  	[tilespmem:s26], [sflag:s22] =	stream.linear.gather [hbm4b:s23+s2], $0x400, $0x38;
	[tilespmem:$0x18800] =	vst v63  }
0x152: {  	s23 =	sand.u32 $0x1FFFFF80, s25;
	s25 =	spop (v2sf);
	(v2sf) =	vpush v1, $0xF  }
0x153: {  	s26 =	sor.u32 $0x13A00, s21;
	s23 =	sadd.s32 s4, s23  }
0x154: {  	[tilespmem:s26], [sflag:s22] =	stream.linear.gather [hbm4b:s23+s2], $0x400, $0x38;
	[tilespmem:$0x18800] =	vst v63  }
0x155: {  	s23 =	sand.u32 $0x1FFFFF80, s25;
	s25 =	spop (v2sf);
	(v2sf) =	vpush v0, $0xF;
	_ =	sdelay $0x1  }
0x156: {  	s26 =	sor.u32 $0x3E00, s21;
	s23 =	sadd.s32 s3, s23  }
0x157: {  	[tilespmem:s26], [sflag:s22] =	stream.linear.gather [hbm4b:s23+s2], $0x400, $0x38;
	[tilespmem:$0x18800] =	vst v63  }
0x158: {  	s23 =	sand.u32 $0x1FFFFF80, s25  }
0x159: {  	s26 =	sor.u32 $0xBE00, s21;
	s23 =	sadd.s32 s3, s23  }
0x15a: {  	[tilespmem:s26], [sflag:s22] =	stream.linear.gather [hbm4b:s23+s2], $0x400, $0x38;
	[tilespmem:$0x18800] =	vst v63  }
0x15b: {  	s25 =	spop (v2sf)  }
0x15c: {  	s23 =	sand.u32 $0x1FFFFF80, s25  }
0x15d: {  	s26 =	sor.u32 $0x13E00, s21;
	s25 =	spop (v2sf);
	s23 =	sadd.s32 s4, s23  }
0x15e: {  	[tilespmem:s26], [sflag:s22] =	stream.linear.gather [hbm4b:s23+s2], $0x400, $0x38;
	[tilespmem:$0x18800] =	vst v63  }
0x15f: {  	s23 =	sand.u32 $0x1FFFFF80, s25  }
0x160: {  	s26 =	sadd.s32 $0x4200, s21;
	s24 =	spop (v2sf);
	s23 =	sadd.s32 s3, s23  }
0x161: {  	[tilespmem:s26], [sflag:s22] =	stream.linear.gather [hbm4b:s23+s2], $0x400, $0x38;
	[tilespmem:$0x18800] =	vst v63  }
0x162: {  	s23 =	sand.u32 $0x1FFFFF80, s24  }
0x163: {  	s25 =	sadd.s32 $0xC200, s21;
	s26 =	spop (v2sf);
	s23 =	sadd.s32 s3, s23  }
0x164: {  	[tilespmem:s25], [sflag:s22] =	stream.linear.gather [hbm4b:s23+s2], $0x400, $0x38;
	[tilespmem:$0x18800] =	vst v63  }
0x165: {  	s23 =	sand.u32 $0x1FFFFF80, s26  }
0x166: {  	s21 =	sadd.s32 $0x14200, s21;
	s23 =	sadd.s32 s4, s23  }
0x167: {  	[tilespmem:s21], [sflag:s22] =	stream.linear.gather [hbm4b:s23+s2], $0x400, $0x38;
	[tilespmem:$0x18800] =	vst v63  }
.LBB2_4:
0x168: {  	s21 =	sand.u32 $0x1, s20  }
0x169: {  	s22 =	sadd.s32 $0x1, s21  }
0x16a: {  	_ =	swait.ge [sflag:s22], $0x400  }
0x16b: {  	s23 =	simm.s32 $0x2F;
	[sflag:s22] =	ssyncset.done $0x0  }
.LBB2_5:
0x16c: {  	p0 =	sne.s32 s23, $0x1;
	s23 =	sadd.s32 $0xFFFFFFFF, s23;
	[sflag:s22] =	ssyncadd.s32 $0xFFFFFC00  }
.Ltmp1:
0x16d: {  	(pc) =	sbr.rel @p0 .LBB2_5-.Ltmp1, $3  }
0x16e: {  	_ =	sdelay $0x1  }
0x16f: {  	_ =	swait.ge [sflag:s22], $0x400  }
0x170: {  	[sflag:s22] =	ssyncset.done $0x0  }
0x171: {  	[sflag:s22] =	ssyncadd.s32 $0xFFFFFC00;
	s20 =	sshll.u32 s20, $0x4  }
0x172: {  	v0 =	vld [tilespmem:s20+$0x0];
	_ =	sdelay $0x3  }
0x173: {  	v1 =	vld [tilespmem:s20+$0x400]  }
0x174: {  	v3 =	vld [tilespmem:s20+$0x200];
	v11 =	vshll.u32 v0, $0x7  }
0x175: {  	(v2sf) =	vpush v11, $0x0;
	_ =	sdelay $0x2  }
0x176: {  	v13 =	vshll.u32 v1, $0x7  }
0x177: {  	v14 =	vshll.u32 v3, $0x7;
	(v2sf) =	vpush v13, $0x0  }
0x178: {  	(v2sf) =	vpush v14, $0x0;
	_ =	sdelay $0x6  }
0x179: {  	(v2sf) =	vpush v11, $0x1  }
0x17a: {  	(v2sf) =	vpush v13, $0x1;
	_ =	sdelay $0x1  }
0x17b: {  	s25 =	spop (v2sf)  }
0x17c: {  	s21 =	sshll.u32 s21, $0xE;
	s22 =	sand.u32 $0x380, s25  }
0x17d: {  	(v2sf) =	vpush v14, $0x1;
	s22 =	sor.u32 s22, s21  }
0x17e: {  	v6 =	vld [tilespmem:s22+$0x600]  }
0x17f: {  	s23 =	spop (v2sf);
	v22 =	vld [tilespmem:s22+$0x610]  }
0x180: {  	s23 =	sand.u32 $0x380, s23;
	s24 =	spop (v2sf);
	v19 =	vld [tilespmem:s22+$0x620]  }
0x181: {  	s23 =	sor.u32 s23, s21;
	s24 =	sand.u32 $0x380, s24;
	v1 =	vld [tilespmem:s22+$0x630]  }
0x182: {  	v32 =	vld [tilespmem:s23+$0x10600];
	s24 =	sor.u32 s24, s21  }
0x183: {  	s23 =	sadd.s32 $0x10600, s23;
	v7 =	vld [tilespmem:s24+$0x8600]  }
0x184: {  	v26 =	vld [tilespmem:s23+$0x10]  }
0x185: {  	v8 =	vld [tilespmem:s24+$0x8610]  }
0x186: {  	v23 =	vld [tilespmem:s23+$0x20]  }
0x187: {  	s26 =	spop (v2sf);
	v10 =	vld [tilespmem:s24+$0x8620]  }
0x188: {  	(v2sf) =	vpush v11, $0x2;
	s22 =	sand.u32 $0x380, s26;
	s25 =	spop (v2sf);
	v9 =	vld [tilespmem:s23+$0x30];
	s23 =	sor.u32 $0x400, s21  }
0x189: {  	v0 =	vld [tilespmem:s24+$0x8630];
	s25 =	sand.u32 $0x380, s25;
	s22 =	sor.u32 s22, s23  }
0x18a: {  	s24 =	sor.u32 s25, s23;
	v44 =	vld [tilespmem:s22+$0x600]  }
0x18b: {  	v45 =	vld [tilespmem:s24+$0x10600]  }
0x18c: {  	(v2sf) =	vpush v13, $0x2;
	s26 =	spop (v2sf);
	v2 =	vld [tilespmem:s22+$0x610]  }
0x18d: {  	(v2sf) =	vpush v14, $0x2;
	s25 =	sand.u32 $0x380, s26;
	v20 =	vld [tilespmem:s22+$0x620]  }
0x18e: {  	s23 =	sor.u32 s25, s23;
	v16 =	vld [tilespmem:s22+$0x630]  }
0x18f: {  	s24 =	sadd.s32 $0x10600, s24;
	v33 =	vld [tilespmem:s23+$0x8600]  }
0x190: {  	v18 =	vld [tilespmem:s24+$0x10]  }
0x191: {  	v27 =	vld [tilespmem:s23+$0x8610]  }
0x192: {  	v21 =	vld [tilespmem:s24+$0x20]  }
0x193: {  	v12 =	vld [tilespmem:s23+$0x8620]  }
0x194: {  	v17 =	vld [tilespmem:s24+$0x30];
	v19 =	vadd.f32 v23, v19  }
0x195: {  	v15 =	vld [tilespmem:s23+$0x8630];
	[tilespmem:$0x1FBE0] =	vst v20;
	v23 =	vadd.f32 v45, v44  }
0x196: {  	[tilespmem:$0x1FBC0] =	vst v2;
	v2 =	vadd.f32 v26, v22;
	v22 =	vmul.f32 v10, v19;
	v10 =	vld [tilespmem:$0x1FBE0]  }
0x197: {  	[tilespmem:$0x1FBD0] =	vst v18;
	v26 =	vmul.f32 v33, v23;
	v33 =	vld [tilespmem:$0x1FBC0];
	s25 =	spop (v2sf)  }
0x198: {  	s24 =	sor.u32 $0x800, s21;
	[tilespmem:$0x1FBF0] =	vst v21;
	v44 =	vld [tilespmem:$0x1FBD0];
	s22 =	sand.u32 $0x380, s25  }
0x199: {  	v19 =	vld [tilespmem:$0x1FBF0];
	s22 =	sor.u32 s22, s24  }
0x19a: {  	v4 =	vld [tilespmem:s22+$0x600]  }
0x19b: {  	(v2sf) =	vpush v11, $0x3;
	s26 =	spop (v2sf);
	v25 =	vld [tilespmem:s22+$0x610]  }
0x19c: {  	(v2sf) =	vpush v13, $0x3;
	s25 =	sand.u32 $0x380, s26;
	s26 =	spop (v2sf);
	v30 =	vld [tilespmem:s22+$0x620]  }
0x19d: {  	s23 =	sor.u32 s25, s24;
	s25 =	sand.u32 $0x380, s26;
	v20 =	vld [tilespmem:s22+$0x630]  }
0x19e: {  	v6 =	vadd.f32 v32, v6;
	v3 =	vld [tilespmem:s23+$0x10600];
	s24 =	sor.u32 s25, s24  }
0x19f: {  	s23 =	sadd.s32 $0x10600, s23;
	v24 =	vld [tilespmem:s24+$0x8600]  }
0x1a0: {  	(v2sf) =	vpush v14, $0x3;
	v6 =	vmul.f32 v7, v6;
	v28 =	vld [tilespmem:s23+$0x10]  }
0x1a1: {  	v29 =	vld [tilespmem:s24+$0x8610]  }
0x1a2: {  	v6 =	vadd.f32 $0.0e+00, v6;
	v7 =	vmul.f32 v8, v2;
	v31 =	vld [tilespmem:s23+$0x20]  }
0x1a3: {  	v34 =	vld [tilespmem:s24+$0x8620]  }
0x1a4: {  	v6 =	vadd.f32 v7, v6;
	v21 =	vld [tilespmem:s24+$0x8630];
	[tilespmem:$0x1FC10] =	vst v25  }
0x1a5: {  	v7 =	vadd.f32 $0.0e+00, v26;
	v8 =	vadd.f32 v44, v33;
	v26 =	vld [tilespmem:$0x1FC10];
	[tilespmem:$0x1FC00] =	vst v24  }
0x1a6: {  	(v2sf) =	vpush v11, $0x4;
	v6 =	vadd.f32 v22, v6;
	[tilespmem:$0x1FC30] =	vst v29;
	v29 =	vld [tilespmem:s23+$0x30]  }
0x1a7: {  	v22 =	vadd.f32 v19, v10;
	v3 =	vadd.f32 v3, v4;
	v4 =	vmul.f32 v27, v8;
	[tilespmem:$0x1FC20] =	vst v28;
	v23 =	vld [tilespmem:$0x1FC00]  }
0x1a8: {  	v9 =	vadd.f32 v9, v1;
	v10 =	vld [tilespmem:$0x1FC20]  }
0x1a9: {  	[tilespmem:$0x1FC40] =	vst v30;
	v4 =	vadd.f32 v4, v7;
	v7 =	vmul.f32 v12, v22;
	v22 =	vld [tilespmem:$0x1FC30]  }
0x1aa: {  	v9 =	vmul.f32 v0, v9;
	s25 =	spop (v2sf);
	[tilespmem:$0x1FC50] =	vst v31;
	v12 =	vld [tilespmem:$0x1FC40]  }
0x1ab: {  	s22 =	sand.u32 $0x380, s25;
	s26 =	spop (v2sf);
	v8 =	vadd.f32 v17, v16;
	[tilespmem:$0x1FC60] =	vst v34;
	s23 =	sor.u32 $0xC00, s21;
	v16 =	vld [tilespmem:$0x1FC50]  }
0x1ac: {  	s25 =	sand.u32 $0x380, s26;
	v17 =	vadd.f32 v9, v6;
	s22 =	sor.u32 s22, s23;
	v6 =	vld [tilespmem:$0x1FC60]  }
0x1ad: {  	s24 =	sor.u32 s25, s23;
	v35 =	vld [tilespmem:s22+$0x600]  }
0x1ae: {  	(v2sf) =	vpush v13, $0x4;
	v36 =	vld [tilespmem:s24+$0x10600]  }
0x1af: {  	s26 =	spop (v2sf);
	v38 =	vld [tilespmem:s22+$0x610]  }
0x1b0: {  	s25 =	sand.u32 $0x380, s26;
	v41 =	vld [tilespmem:s22+$0x620]  }
0x1b1: {  	(v2sf) =	vpush v14, $0x4;
	s23 =	sor.u32 s25, s23;
	v43 =	vld [tilespmem:s22+$0x630]  }
0x1b2: {  	s24 =	sadd.s32 $0x10600, s24;
	v37 =	vld [tilespmem:s23+$0x8600]  }
0x1b3: {  	v39 =	vld [tilespmem:s24+$0x10]  }
0x1b4: {  	v47 =	vld [tilespmem:s23+$0x8630]  }
0x1b5: {  	v40 =	vld [tilespmem:s23+$0x8610]  }
0x1b6: {  	v42 =	vld [tilespmem:s24+$0x20];
	s25 =	spop (v2sf)  }
0x1b7: {  	v46 =	vld [tilespmem:s24+$0x30];
	s24 =	sor.u32 $0x1000, s21;
	s22 =	sand.u32 $0x380, s25  }
0x1b8: {  	(v2sf) =	vpush v11, $0x5;
	v25 =	vld [tilespmem:s23+$0x8620];
	s22 =	sor.u32 s22, s24  }
0x1b9: {  	[tilespmem:$0x1FD60] =	vst v47;
	v47 =	vld [tilespmem:s22+$0x600]  }
0x1ba: {  	v49 =	vld [tilespmem:s22+$0x610]  }
0x1bb: {  	v51 =	vld [tilespmem:s22+$0x620]  }
0x1bc: {  	[tilespmem:$0x1FC70] =	vst v35;
	v54 =	vld [tilespmem:s22+$0x630]  }
0x1bd: {  	(v2sf) =	vpush v13, $0x5;
	v4 =	vadd.f32 v7, v4;
	v7 =	vmul.f32 v15, v8;
	s26 =	spop (v2sf);
	[tilespmem:$0x1FC80] =	vst v36;
	v8 =	vld [tilespmem:$0x1FC70]  }
0x1be: {  	[tilespmem:$0x1FCA0] =	vst v38;
	s25 =	sand.u32 $0x380, s26;
	v9 =	vld [tilespmem:$0x1FC80]  }
0x1bf: {  	v12 =	vadd.f32 v16, v12;
	s23 =	sor.u32 s25, s24;
	v16 =	vld [tilespmem:$0x1FCA0]  }
0x1c0: {  	(v2sf) =	vpush v14, $0x5;
	v7 =	vadd.f32 v7, v4;
	s26 =	spop (v2sf);
	[tilespmem:$0x1FC90] =	vst v37;
	v5 =	vld [tilespmem:s23+$0x10600]  }
0x1c1: {  	[tilespmem:$0x1FCC0] =	vst v40;
	s25 =	sand.u32 $0x380, s26;
	v6 =	vmul.f32 v6, v12;
	v12 =	vld [tilespmem:$0x1FC90]  }
0x1c2: {  	[tilespmem:$0x1FFF0] =	vst v7;
	s24 =	sor.u32 s25, s24;
	v7 =	vld [tilespmem:$0x1FCC0]  }
0x1c3: {  	s23 =	sadd.s32 $0x10600, s23;
	v48 =	vld [tilespmem:s24+$0x8600]  }
0x1c4: {  	v62 =	vld [tilespmem:s23+$0x10]  }
0x1c5: {  	v50 =	vld [tilespmem:s24+$0x8610]  }
0x1c6: {  	v52 =	vld [tilespmem:s23+$0x20]  }
0x1c7: {  	s25 =	spop (v2sf);
	v53 =	vld [tilespmem:s24+$0x8620]  }
0x1c8: {  	v3 =	vmul.f32 v23, v3;
	v19 =	vadd.f32 v10, v26;
	v55 =	vld [tilespmem:s23+$0x30];
	s23 =	sor.u32 $0x1400, s21;
	s22 =	sand.u32 $0x380, s25  }
0x1c9: {  	v56 =	vld [tilespmem:s24+$0x8630];
	s22 =	sor.u32 s22, s23  }
0x1ca: {  	v10 =	vmul.f32 v22, v19;
	v3 =	vadd.f32 $0.0e+00, v3;
	v34 =	vld [tilespmem:s22+$0x600]  }
0x1cb: {  	v60 =	vld [tilespmem:s22+$0x610]  }
0x1cc: {  	s26 =	spop (v2sf);
	v3 =	vadd.f32 v10, v3;
	v58 =	vld [tilespmem:s22+$0x620]  }
0x1cd: {  	(v2sf) =	vpush v11, $0x6;
	[tilespmem:$0x1FCB0] =	vst v39;
	s25 =	sand.u32 $0x380, s26;
	v18 =	vld [tilespmem:s22+$0x630]  }
0x1ce: {  	s24 =	sor.u32 s25, s23;
	v3 =	vadd.f32 v6, v3;
	v6 =	vadd.f32 v29, v20;
	v29 =	vld [tilespmem:$0x1FCB0]  }
0x1cf: {  	[tilespmem:$0x1FCD0] =	vst v41;
	s26 =	spop (v2sf);
	v24 =	vld [tilespmem:s24+$0x10600]  }
0x1d0: {  	[tilespmem:$0x1FCE0] =	vst v42;
	s25 =	sand.u32 $0x380, s26;
	v10 =	vadd.f32 v9, v8;
	v8 =	vld [tilespmem:$0x1FCD0]  }
0x1d1: {  	s23 =	sor.u32 s25, s23;
	v9 =	vld [tilespmem:$0x1FCE0]  }
0x1d2: {  	v61 =	vld [tilespmem:s23+$0x8600]  }
0x1d3: {  	(v2sf) =	vpush v13, $0x6;
	s24 =	sadd.s32 $0x10600, s24;
	v57 =	vld [tilespmem:s23+$0x8610]  }
0x1d4: {  	v59 =	vld [tilespmem:s24+$0x20]  }
0x1d5: {  	v63 =	vld [tilespmem:s23+$0x8620]  }
0x1d6: {  	(v2sf) =	vpush v14, $0x6;
	v28 =	vld [tilespmem:s24+$0x30]  }
0x1d7: {  	[tilespmem:$0x1FD10] =	vst v43;
	v30 =	vld [tilespmem:s23+$0x8630];
	v4 =	vmul.f32 v12, v10;
	v10 =	vadd.f32 v29, v16  }
0x1d8: {  	[tilespmem:$0x1FDF0] =	vst v56;
	v56 =	vld [tilespmem:s24+$0x10]  }
0x1d9: {  	[tilespmem:$0x1FD20] =	vst v46;
	v0 =	vmul.f32 v7, v10;
	v7 =	vld [tilespmem:$0x1FD10]  }
0x1da: {  	[tilespmem:$0x1FD40] =	vst v51;
	v10 =	vadd.f32 v9, v8;
	v8 =	vld [tilespmem:$0x1FD20]  }
0x1db: {  	[tilespmem:$0x1FD50] =	vst v52;
	v4 =	vadd.f32 $0.0e+00, v4;
	v9 =	vadd.f32 v24, v34;
	v24 =	vld [tilespmem:$0x1FD40]  }
0x1dc: {  	[tilespmem:$0x1FCF0] =	vst v48;
	v29 =	vmul.f32 v21, v6;
	v34 =	vld [tilespmem:$0x1FD50]  }
0x1dd: {  	[tilespmem:$0x1FD30] =	vst v50;
	s26 =	spop (v2sf);
	v6 =	vadd.f32 v0, v4;
	v4 =	vld [tilespmem:$0x1FCF0]  }
0x1de: {  	(v2sf) =	vpush v11, $0x7;
	s22 =	sor.u32 $0x1800, s21;
	[tilespmem:$0x1FE00] =	vst v18;
	v29 =	vadd.f32 v29, v3;
	s25 =	sand.u32 $0x380, s26;
	v3 =	vmul.f32 v25, v10;
	v10 =	vld [tilespmem:$0x1FD30]  }
0x1df: {  	v0 =	vld [tilespmem:$0x1FE00];
	s24 =	sor.u32 s25, s22  }
0x1e0: {  	v52 =	vld [tilespmem:s24+$0x600]  }
0x1e1: {  	(v2sf) =	vpush v13, $0x7;
	[tilespmem:$0x1FDD0] =	vst v63;
	v63 =	vld [tilespmem:s24+$0x610]  }
0x1e2: {  	s26 =	spop (v2sf);
	v36 =	vld [tilespmem:s24+$0x620]  }
0x1e3: {  	(v2sf) =	vpush v14, $0x7;
	[tilespmem:$0x1FD70] =	vst v53;
	s25 =	sand.u32 $0x380, s26;
	v39 =	vld [tilespmem:s24+$0x630]  }
0x1e4: {  	s23 =	sor.u32 s25, s22;
	v3 =	vadd.f32 v3, v6;
	v6 =	vmul.f32 v61, v9;
	v9 =	vld [tilespmem:$0x1FD70]  }
0x1e5: {  	s26 =	spop (v2sf);
	v46 =	vld [tilespmem:s23+$0x10600]  }
0x1e6: {  	[tilespmem:$0x1FD90] =	vst v58;
	s26 =	sand.u32 $0x380, s26;
	v2 =	vadd.f32 v8, v7;
	v7 =	vld [tilespmem:$0x1FD60]  }
0x1e7: {  	s22 =	sor.u32 s26, s22;
	v1 =	vadd.f32 v34, v24;
	v24 =	vld [tilespmem:$0x1FD90]  }
0x1e8: {  	s23 =	sadd.s32 $0x10600, s23;
	v31 =	vld [tilespmem:s22+$0x8600]  }
0x1e9: {  	[tilespmem:$0x1FD80] =	vst v57;
	v57 =	vld [tilespmem:s23+$0x10]  }
0x1ea: {  	v35 =	vld [tilespmem:s22+$0x8610]  }
0x1eb: {  	v37 =	vld [tilespmem:s23+$0x20]  }
0x1ec: {  	v38 =	vld [tilespmem:s22+$0x8620]  }
0x1ed: {  	v5 =	vadd.f32 v5, v47;
	s26 =	spop (v2sf);
	v40 =	vld [tilespmem:s23+$0x30]  }
0x1ee: {  	[tilespmem:$0x1FD00] =	vst v49;
	s24 =	sor.u32 $0x1C00, s21;
	s25 =	sand.u32 $0x380, s26;
	v41 =	vld [tilespmem:s22+$0x8630]  }
0x1ef: {  	(v2sf) =	vpush v11, $0x8;
	s23 =	sor.u32 s25, s24;
	v4 =	vmul.f32 v4, v5;
	v5 =	vld [tilespmem:$0x1FD00]  }
0x1f0: {  	[tilespmem:$0x1FE50] =	vst v30;
	s26 =	spop (v2sf);
	v30 =	vld [tilespmem:s23+$0x600]  }
0x1f1: {  	s25 =	sand.u32 $0x380, s26;
	v48 =	vld [tilespmem:s23+$0x620]  }
0x1f2: {  	s26 =	spop (v2sf);
	s22 =	sor.u32 s25, s24;
	v51 =	vld [tilespmem:s23+$0x630]  }
0x1f3: {  	[tilespmem:$0x1FDC0] =	vst v55;
	(v2sf) =	vpush v13, $0x8;
	s26 =	sand.u32 $0x380, s26;
	v18 =	vld [tilespmem:s22+$0x10600]  }
0x1f4: {  	(v2sf) =	vpush v14, $0x8;
	s24 =	sor.u32 s26, s24;
	v1 =	vmul.f32 v9, v1;
	v9 =	vld [tilespmem:$0x1FDC0]  }
0x1f5: {  	s22 =	sadd.s32 $0x10600, s22;
	v43 =	vld [tilespmem:s24+$0x8600]  }
0x1f6: {  	[tilespmem:$0x1FE70] =	vst v39;
	v39 =	vld [tilespmem:s22+$0x10]  }
0x1f7: {  	v42 =	vld [tilespmem:s24+$0x8610]  }
0x1f8: {  	v49 =	vld [tilespmem:s22+$0x20]  }
0x1f9: {  	v50 =	vld [tilespmem:s24+$0x8620];
	v5 =	vadd.f32 v62, v5  }
0x1fa: {  	v53 =	vld [tilespmem:s22+$0x30]  }
0x1fb: {  	[tilespmem:$0x1FDB0] =	vst v54;
	v4 =	vadd.f32 $0.0e+00, v4;
	v54 =	vld [tilespmem:s24+$0x8630];
	v5 =	vmul.f32 v10, v5  }
0x1fc: {  	[tilespmem:$0x1FEC0] =	vst v41;
	v41 =	vld [tilespmem:s23+$0x610];
	v30 =	vadd.f32 v18, v30  }
0x1fd: {  	(v2sf) =	vpush v11, $0x9;
	v10 =	vld [tilespmem:$0x1FD80];
	v4 =	vadd.f32 v5, v4  }
0x1fe: {  	s26 =	spop (v2sf);
	v30 =	vmul.f32 v43, v30;
	v43 =	vld [tilespmem:$0x1FE70]  }
0x1ff: {  	[tilespmem:$0x1FE30] =	vst v36;
	s23 =	sor.u32 $0x2000, s21;
	s25 =	sand.u32 $0x380, s26;
	v5 =	vadd.f32 v1, v4;
	v4 =	vld [tilespmem:$0x1FDB0]  }
0x200: {  	s22 =	sor.u32 s25, s23;
	v1 =	vld [tilespmem:$0x1FE30]  }
0x201: {  	v55 =	vld [tilespmem:s22+$0x600]  }
0x202: {  	[tilespmem:$0x1FE10] =	vst v28;
	v60 =	vadd.f32 v56, v60;
	(v2sf) =	vpush v13, $0x9;
	s26 =	spop (v2sf);
	v28 =	vld [tilespmem:s22+$0x610]  }
0x203: {  	[tilespmem:$0x1FDA0] =	vst v59;
	(v2sf) =	vpush v14, $0x9;
	s25 =	sand.u32 $0x380, s26;
	s26 =	spop (v2sf);
	v36 =	vld [tilespmem:s22+$0x630]  }
0x204: {  	s24 =	sor.u32 s25, s23;
	s26 =	sand.u32 $0x380, s26;
	v61 =	vmul.f32 v10, v60;
	v60 =	vld [tilespmem:$0x1FDA0]  }
0x205: {  	s23 =	sor.u32 s26, s23;
	v58 =	vld [tilespmem:s24+$0x10600]  }
0x206: {  	v59 =	vld [tilespmem:s23+$0x8600]  }
0x207: {  	[tilespmem:$0x1FDE0] =	vst v31;
	s24 =	sadd.s32 $0x10600, s24;
	v31 =	vld [tilespmem:s23+$0x8610]  }
0x208: {  	[tilespmem:$0x1FF80] =	vst v54;
	v54 =	vld [tilespmem:s24+$0x20]  }
0x209: {  	[tilespmem:$0x1FE20] =	vst v35;
	v35 =	vld [tilespmem:s23+$0x8620]  }
0x20a: {  	v6 =	vadd.f32 $0.0e+00, v6;
	[tilespmem:$0x1FE40] =	vst v37;
	v37 =	vld [tilespmem:s24+$0x30]  }
0x20b: {  	[tilespmem:$0x1FE60] =	vst v38;
	v38 =	vld [tilespmem:s23+$0x8630]  }
0x20c: {  	(v2sf) =	vpush v11, $0xA;
	s26 =	spop (v2sf);
	v6 =	vadd.f32 v61, v6;
	v61 =	vld [tilespmem:$0x1FDD0]  }
0x20d: {  	s25 =	sand.u32 $0x380, s26;
	[tilespmem:$0x1FF10] =	vst v59;
	v59 =	vld [tilespmem:s22+$0x620];
	s22 =	sor.u32 $0x2400, s21  }
0x20e: {  	[tilespmem:$0x1FEF0] =	vst v58;
	v58 =	vld [tilespmem:s24+$0x10];
	s24 =	sor.u32 s25, s22  }
0x20f: {  	v60 =	vadd.f32 v60, v24;
	[tilespmem:$0x1FF20] =	vst v31;
	v31 =	vld [tilespmem:s24+$0x600]  }
0x210: {  	(v2sf) =	vpush v13, $0xA;
	[tilespmem:$0x1FF70] =	vst v37;
	v37 =	vld [tilespmem:s24+$0x610]  }
0x211: {  	[tilespmem:$0x1FF40] =	vst v53;
	s26 =	spop (v2sf);
	v60 =	vmul.f32 v61, v60;
	v53 =	vld [tilespmem:s24+$0x620]  }
0x212: {  	[tilespmem:$0x1FEA0] =	vst v48;
	(v2sf) =	vpush v14, $0xA;
	s25 =	sand.u32 $0x380, s26;
	s26 =	spop (v2sf);
	v48 =	vld [tilespmem:s24+$0x630]  }
0x213: {  	s23 =	sor.u32 s25, s22;
	s26 =	sand.u32 $0x380, s26;
	v60 =	vadd.f32 v60, v6;
	v6 =	vld [tilespmem:$0x1FDE0]  }
0x214: {  	[tilespmem:$0x1FF00] =	vst v28;
	s22 =	sor.u32 s26, s22;
	v28 =	vld [tilespmem:s23+$0x10600]  }
0x215: {  	[tilespmem:$0x1FE90] =	vst v42;
	s23 =	sadd.s32 $0x10600, s23;
	v42 =	vld [tilespmem:s22+$0x8600]  }
0x216: {  	[tilespmem:$0x1FF50] =	vst v35;
	v35 =	vld [tilespmem:s23+$0x10]  }
0x217: {  	[tilespmem:$0x1FEE0] =	vst v55;
	v55 =	vld [tilespmem:s22+$0x8610]  }
0x218: {  	[tilespmem:$0x1FF30] =	vst v51;
	v51 =	vld [tilespmem:s23+$0x20]  }
0x219: {  	[tilespmem:$0x1FE80] =	vst v40;
	v40 =	vld [tilespmem:s22+$0x8620]  }
0x21a: {  	[tilespmem:$0x1FEB0] =	vst v49;
	(v2sf) =	vpush v11, $0xB;
	v49 =	vld [tilespmem:s23+$0x30]  }
0x21b: {  	v46 =	vadd.f32 v46, v52;
	[tilespmem:$0x1FED0] =	vst v50;
	v50 =	vld [tilespmem:s22+$0x8630];
	s26 =	spop (v2sf)  }
0x21c: {  	s24 =	sor.u32 $0x2800, s21;
	v54 =	vadd.f32 v54, v59;
	v59 =	vld [tilespmem:$0x1FF20];
	s25 =	sand.u32 $0x380, s26  }
0x21d: {  	s23 =	sor.u32 s25, s24;
	v46 =	vmul.f32 v6, v46;
	v6 =	vld [tilespmem:$0x1FDF0]  }
0x21e: {  	v45 =	vld [tilespmem:s23+$0x620]  }
0x21f: {  	(v2sf) =	vpush v13, $0xB;
	s26 =	spop (v2sf);
	v33 =	vld [tilespmem:s23+$0x630]  }
0x220: {  	s25 =	sand.u32 $0x380, s26;
	v28 =	vadd.f32 v28, v31;
	v31 =	vld [tilespmem:$0x1FF30]  }
0x221: {  	s26 =	spop (v2sf);
	s22 =	sor.u32 s25, s24;
	[tilespmem:$0x1FFC0] =	vst v49;
	v49 =	vld [tilespmem:s23+$0x600]  }
0x222: {  	[tilespmem:$0x1FF60] =	vst v36;
	s26 =	sand.u32 $0x380, s26;
	v36 =	vld [tilespmem:s22+$0x10600]  }
0x223: {  	[tilespmem:$0x1FFA0] =	vst v40;
	s24 =	sor.u32 s26, s24;
	v40 =	vld [tilespmem:s23+$0x610]  }
0x224: {  	[tilespmem:$0x1FFD0] =	vst v50;
	s22 =	sadd.s32 $0x10600, s22;
	v50 =	vld [tilespmem:s24+$0x8600]  }
0x225: {  	[tilespmem:$0x1FF90] =	vst v38;
	v38 =	vld [tilespmem:s22+$0x10]  }
0x226: {  	(v2sf) =	vpush v14, $0xB;
	[tilespmem:$0x1FFB0] =	vst v48;
	v48 =	vld [tilespmem:s24+$0x8610]  }
0x227: {  	v32 =	vld [tilespmem:s22+$0x20]  }
0x228: {  	v4 =	vadd.f32 v9, v4;
	v44 =	vld [tilespmem:s24+$0x8620]  }
0x229: {  	s26 =	spop (v2sf);
	v27 =	vld [tilespmem:s22+$0x30]  }
0x22a: {  	s23 =	sor.u32 $0x2C00, s21;
	s25 =	sand.u32 $0x380, s26;
	v4 =	vmul.f32 v6, v4;
	v6 =	vld [tilespmem:$0x1FE10]  }
0x22b: {  	(v2sf) =	vpush v11, $0xC;
	v26 =	vld [tilespmem:s24+$0x8630];
	s22 =	sor.u32 s25, s23  }
0x22c: {  	v23 =	vld [tilespmem:s22+$0x600]  }
0x22d: {  	[tilespmem:$0x1FFE0] =	vst v17;
	v17 =	vld [tilespmem:s22+$0x610]  }
0x22e: {  	s26 =	spop (v2sf);
	v16 =	vld [tilespmem:s22+$0x620]  }
0x22f: {  	s25 =	sand.u32 $0x380, s26;
	v0 =	vadd.f32 v6, v0;
	v6 =	vld [tilespmem:$0x1FE20]  }
0x230: {  	(v2sf) =	vpush v13, $0xC;
	s24 =	sor.u32 s25, s23;
	v47 =	vld [tilespmem:s22+$0x630]  }
0x231: {  	v19 =	vld [tilespmem:s24+$0x10600];
	s24 =	sadd.s32 $0x10600, s24  }
0x232: {  	v63 =	vadd.f32 v57, v63;
	(v2sf) =	vpush v14, $0xC;
	v15 =	vld [tilespmem:s24+$0x10]  }
0x233: {  	v12 =	vld [tilespmem:s24+$0x20]  }
0x234: {  	v63 =	vmul.f32 v6, v63;
	v6 =	vld [tilespmem:$0x1FE40]  }
0x235: {  	v62 =	vld [tilespmem:s24+$0x30];
	s26 =	spop (v2sf)  }
0x236: {  	v4 =	vadd.f32 v4, v5;
	v5 =	vld [tilespmem:$0x1FEC0];
	s26 =	sand.u32 $0x380, s26  }
0x237: {  	v2 =	vmul.f32 v7, v2;
	v32 =	vadd.f32 v32, v45;
	v45 =	vld [tilespmem:$0x1FFE0];
	s23 =	sor.u32 s26, s23  }
0x238: {  	v22 =	vld [tilespmem:s23+$0x8600]  }
0x239: {  	v24 =	vadd.f32 v2, v3;
	v2 =	vadd.f32 v6, v1;
	v6 =	vld [tilespmem:$0x1FE50]  }
0x23a: {  	v20 =	vld [tilespmem:s23+$0x8610];
	s26 =	spop (v2sf)  }
0x23b: {  	s22 =	sor.u32 $0x3000, s21;
	v21 =	vld [tilespmem:s23+$0x8620];
	s25 =	sand.u32 $0x380, s26  }
0x23c: {  	v25 =	vld [tilespmem:s23+$0x8630];
	s24 =	sor.u32 s25, s22  }
0x23d: {  	v34 =	vld [tilespmem:s24+$0x600]  }
0x23e: {  	v3 =	vmul.f32 v6, v0;
	v6 =	vld [tilespmem:$0x1FE60]  }
0x23f: {  	(v2sf) =	vpush v11, $0xD;
	s26 =	spop (v2sf);
	v10 =	vld [tilespmem:s24+$0x610]  }
0x240: {  	s25 =	sand.u32 $0x380, s26;
	v52 =	vld [tilespmem:s24+$0x620]  }
0x241: {  	s26 =	spop (v2sf);
	s23 =	sor.u32 s25, s22;
	v18 =	vld [tilespmem:s24+$0x630]  }
0x242: {  	s26 =	sand.u32 $0x380, s26;
	v8 =	vld [tilespmem:s23+$0x10600]  }
0x243: {  	(v2sf) =	vpush v13, $0xD;
	s22 =	sor.u32 s26, s22;
	v1 =	vadd.f32 $0.0e+00, v46;
	v2 =	vmul.f32 v6, v2;
	v6 =	vld [tilespmem:$0x1FE90]  }
0x244: {  	(v2sf) =	vpush v14, $0xD;
	v56 =	vld [tilespmem:s22+$0x8600]  }
0x245: {  	s23 =	sadd.s32 $0x10600, s23;
	v1 =	vadd.f32 v63, v1;
	v63 =	vld [tilespmem:$0x1FE80]  }
0x246: {  	v41 =	vadd.f32 v39, v41;
	(v2sf) =	vpush v11, $0xE;
	v7 =	vld [tilespmem:s23+$0x10]  }
0x247: {  	v0 =	vld [tilespmem:$0x1FEA0]  }
0x248: {  	v41 =	vmul.f32 v6, v41;
	v6 =	vld [tilespmem:$0x1FEB0]  }
0x249: {  	v61 =	vld [tilespmem:s22+$0x8610]  }
0x24a: {  	v43 =	vadd.f32 v63, v43;
	v3 =	vadd.f32 v3, v60;
	v60 =	vld [tilespmem:$0x1FED0]  }
0x24b: {  	v9 =	vld [tilespmem:s23+$0x20]  }
0x24c: {  	v57 =	vld [tilespmem:s22+$0x8620];
	v5 =	vmul.f32 v5, v43;
	v2 =	vadd.f32 v2, v1  }
0x24d: {  	(v2sf) =	vpush v13, $0xE;
	v39 =	vld [tilespmem:s22+$0x8630];
	v0 =	vadd.f32 v6, v0  }
0x24e: {  	s26 =	spop (v2sf);
	v43 =	vadd.f32 v5, v2;
	v2 =	vld [tilespmem:$0x1FEE0]  }
0x24f: {  	s24 =	sor.u32 $0x3400, s21;
	s25 =	sand.u32 $0x380, s26;
	v0 =	vmul.f32 v60, v0;
	v60 =	vld [tilespmem:$0x1FEF0]  }
0x250: {  	(v2sf) =	vpush v14, $0xE;
	v46 =	vld [tilespmem:s23+$0x30];
	s23 =	sor.u32 s25, s24  }
0x251: {  	(v2sf) =	vpush v11, $0xF;
	v11 =	vld [tilespmem:s23+$0x620]  }
0x252: {  	v35 =	vadd.f32 v35, v37;
	s26 =	spop (v2sf);
	v37 =	vld [tilespmem:s23+$0x630]  }
0x253: {  	s25 =	sand.u32 $0x380, s26;
	v8 =	vadd.f32 v8, v34;
	v34 =	vadd.f32 v62, v47;
	v47 =	vld [tilespmem:$0x1FFF0];
	s26 =	spop (v2sf)  }
0x254: {  	s26 =	sand.u32 $0x380, s26;
	v2 =	vadd.f32 v60, v2;
	v60 =	vld [tilespmem:$0x1FF00]  }
0x255: {  	v30 =	vadd.f32 $0.0e+00, v30;
	(v2sf) =	vpush v13, $0xF;
	s22 =	sor.u32 s25, s24;
	s24 =	sor.u32 s26, s24;
	v63 =	vld [tilespmem:s23+$0x600];
	s25 =	spop (v2sf)  }
0x256: {  	(v2sf) =	vpush v14, $0xF;
	s26 =	sor.u32 $0x3800, s21;
	v14 =	vld [tilespmem:s24+$0x8620];
	s25 =	sand.u32 $0x380, s25  }
0x257: {  	v51 =	vadd.f32 v51, v53;
	v53 =	vld [tilespmem:s24+$0x8630];
	s25 =	sor.u32 s25, s26;
	v30 =	vadd.f32 v41, v30  }
0x258: {  	v15 =	vadd.f32 v15, v17;
	v17 =	vld [tilespmem:s25+$0x620]  }
0x259: {  	v0 =	vadd.f32 v0, v30;
	v30 =	vadd.f32 v58, v60;
	v60 =	vld [tilespmem:$0x1FF10]  }
0x25a: {  	v1 =	vld [tilespmem:s24+$0x8600]  }
0x25b: {  	v41 =	vld [tilespmem:s23+$0x610]  }
0x25c: {  	s23 =	spop (v2sf);
	v6 =	vld [tilespmem:s22+$0x10600]  }
0x25d: {  	s23 =	sand.u32 $0x380, s23;
	v30 =	vmul.f32 v59, v30;
	v59 =	vld [tilespmem:$0x1FF50]  }
0x25e: {  	s23 =	sor.u32 s23, s26;
	v2 =	vmul.f32 v60, v2;
	v60 =	vld [tilespmem:$0x1FF40]  }
0x25f: {  	v36 =	vadd.f32 v36, v49;
	v19 =	vadd.f32 v19, v23;
	s22 =	sadd.s32 $0x10600, s22;
	v49 =	vld [tilespmem:s23+$0x10600]  }
0x260: {  	v5 =	vld [tilespmem:s22+$0x10];
	v2 =	vadd.f32 $0.0e+00, v2  }
0x261: {  	v19 =	vmul.f32 v22, v19;
	v13 =	vld [tilespmem:s22+$0x20]  }
0x262: {  	v2 =	vadd.f32 v30, v2;
	v30 =	vmul.f32 v59, v54;
	v59 =	vld [tilespmem:$0x1FF70]  }
0x263: {  	v15 =	vmul.f32 v20, v15;
	v19 =	vadd.f32 $0.0e+00, v19;
	s23 =	sadd.s32 $0x10600, s23;
	v31 =	vadd.f32 v60, v31;
	v60 =	vld [tilespmem:$0x1FF60]  }
0x264: {  	v23 =	vld [tilespmem:s23+$0x10]  }
0x265: {  	v15 =	vadd.f32 v15, v19;
	v19 =	vld [tilespmem:s23+$0x30]  }
0x266: {  	v58 =	vld [tilespmem:s24+$0x8610]  }
0x267: {  	v54 =	vld [tilespmem:s22+$0x30];
	s22 =	spop (v2sf)  }
0x268: {  	v28 =	vmul.f32 v42, v28;
	s22 =	sand.u32 $0x380, s22;
	v42 =	vadd.f32 v59, v60;
	v59 =	vld [tilespmem:$0x1FF90]  }
0x269: {  	s22 =	sor.u32 s22, s26;
	v60 =	vld [tilespmem:$0x1FF80]  }
0x26a: {  	v35 =	vmul.f32 v55, v35;
	v55 =	vadd.f32 v38, v40;
	v40 =	vld [tilespmem:s22+$0x8610]  }
0x26b: {  	v12 =	vadd.f32 v12, v16;
	v16 =	vld [tilespmem:s22+$0x8620]  }
0x26c: {  	v7 =	vadd.f32 v7, v10;
	v10 =	vld [tilespmem:s22+$0x8630]  }
0x26d: {  	v2 =	vadd.f32 v30, v2;
	v30 =	vmul.f32 v59, v42;
	v42 =	vld [tilespmem:s25+$0x600]  }
0x26e: {  	s24 =	spop (v2sf);
	v31 =	vmul.f32 v60, v31;
	v60 =	vld [tilespmem:$0x1FFA0]  }
0x26f: {  	v28 =	vadd.f32 $0.0e+00, v28;
	s21 =	sor.u32 $0x3C00, s21;
	s24 =	sand.u32 $0x380, s24;
	v59 =	vld [tilespmem:$0x1FFB0]  }
0x270: {  	v12 =	vmul.f32 v21, v12;
	v2 =	vadd.f32 v30, v2;
	v30 =	vld [tilespmem:s22+$0x8600];
	s22 =	sor.u32 s24, s21  }
0x271: {  	v28 =	vadd.f32 v35, v28;
	v6 =	vadd.f32 v6, v63;
	v63 =	vld [tilespmem:s22+$0x600]  }
0x272: {  	v27 =	vadd.f32 v27, v33;
	v12 =	vadd.f32 v12, v15;
	v7 =	vmul.f32 v61, v7;
	v61 =	vld [tilespmem:s22+$0x630]  }
0x273: {  	v9 =	vadd.f32 v9, v52;
	v35 =	vmul.f32 v60, v51;
	v51 =	vmul.f32 v50, v36;
	v60 =	vld [tilespmem:$0x1FFC0]  }
0x274: {  	v8 =	vmul.f32 v56, v8;
	v22 =	vmul.f32 v25, v34;
	v0 =	vadd.f32 v31, v0;
	v36 =	vld [tilespmem:s25+$0x610]  }
0x275: {  	v50 =	vld [tilespmem:$0x1FFD0];
	v28 =	vadd.f32 v35, v28;
	v35 =	vmul.f32 v48, v55;
	v31 =	vadd.f32 $0.0e+00, v51  }
0x276: {  	v8 =	vadd.f32 $0.0e+00, v8;
	v12 =	vadd.f32 v22, v12;
	v55 =	vmul.f32 v44, v32;
	v32 =	vld [tilespmem:s23+$0x20]  }
0x277: {  	v5 =	vadd.f32 v5, v41;
	v1 =	vmul.f32 v1, v6;
	s26 =	spop (v2sf);
	v44 =	vld [tilespmem:s22+$0x610];
	v51 =	vadd.f32 v35, v31  }
0x278: {  	v11 =	vadd.f32 v13, v11;
	v38 =	vadd.f32 v60, v59;
	v60 =	vmul.f32 v26, v27;
	v26 =	vld [tilespmem:s25+$0x630];
	s25 =	sand.u32 $0x380, s26;
	s26 =	spop (v2sf)  }
0x279: {  	v1 =	vadd.f32 $0.0e+00, v1;
	v5 =	vmul.f32 v58, v5;
	v59 =	vadd.f32 v55, v51;
	s23 =	sor.u32 s25, s21;
	s24 =	sand.u32 $0x380, s26;
	v55 =	vld [tilespmem:s22+$0x620]  }
0x27a: {  	(xrf2) =	vadd.scan.msk.f32 $0xffff, v45;
	v7 =	vadd.f32 v7, v8;
	v41 =	vadd.f32 v46, v18;
	v33 =	vld [tilespmem:s23+$0x10600];
	s21 =	sor.u32 s24, s21  }
0x27b: {  	(xrf2) =	vadd.scan.msk.f32 $0xffff, v47;
	v1 =	vadd.f32 v5, v1;
	v52 =	vadd.f32 v49, v42;
	v51 =	vmul.f32 v14, v11;
	s23 =	sadd.s32 $0x10600, s23;
	v35 =	vld [tilespmem:s21+$0x8600]  }
0x27c: {  	(xrf2) =	vadd.scan.msk.f32 $0xffff, v29;
	v58 =	vadd.f32 v23, v36;
	v38 =	vmul.f32 v50, v38;
	v17 =	vadd.f32 v32, v17;
	v46 =	vld [tilespmem:s23+$0x10]  }
0x27d: {  	(xrf2) =	vadd.scan.msk.f32 $0xffff, v24;
	v48 =	vmul.f32 v39, v41;
	v20 =	vadd.f32 v60, v59;
	v50 =	vld [tilespmem:s21+$0x8610];
	v1 =	vadd.f32 v51, v1  }
0x27e: {  	(xrf2) =	vadd.scan.msk.f32 $0xffff, v4;
	v56 =	vld [tilespmem:s23+$0x20];
	v27 =	vadd.f32 v38, v28;
	v38 =	vmul.f32 v57, v9;
	v57 =	vmul.f32 v30, v52  }
0x27f: {  	(xrf2) =	vadd.scan.msk.f32 $0xffff, v3;
	v5 =	vmul.f32 v40, v58;
	v60 =	vadd.f32 v54, v37;
	v62 =	vld [tilespmem:s23+$0x30];
	v15 =	vadd.f32 v33, v63  }
0x280: {  	(xrf2) =	vadd.scan.msk.f32 $0xffff, v43;
	v59 =	vld [tilespmem:s21+$0x8620];
	v28 =	vmul.f32 v16, v17;
	v7 =	vadd.f32 v38, v7;
	v4 =	vadd.f32 $0.0e+00, v57  }
0x281: {  	(xrf2) =	vadd.scan.msk.f32 $0xffff, v0;
	v29 =	vadd.f32 v19, v26;
	v24 =	vadd.f32 v46, v44;
	v23 =	vmul.f32 v35, v15  }
0x282: {  	(xrf2) =	vadd.scan.msk.f32 $0xffff, v2;
	v30 =	vld [tilespmem:s21+$0x8630];
	v63 =	vmul.f32 v53, v60;
	v7 =	vadd.f32 v48, v7;
	v25 =	vadd.f32 v5, v4  }
0x283: {  	(xrf2) =	vadd.scan.msk.f32 $0xffff, v27;
	v8 =	vadd.f32 v56, v55;
	v6 =	vmul.f32 v50, v24;
	v3 =	vadd.f32 $0.0e+00, v23  }
0x284: {  	v31, _, _ =	vpop (xrf2);
	(xrf2) =	vadd.scan.msk.f32 $0xffff, v20;
	v33 =	vmul.f32 v10, v29;
	v36 =	vadd.f32 v62, v61;
	v32 =	vadd.f32 v28, v25  }
0x285: {  	v34, _, _ =	vpop (xrf2);
	(xrf2) =	vadd.scan.msk.f32 $0xffff, v12;
	v0 =	vadd.f32 v63, v1;
	v35 =	vmul.f32 v59, v8;
	v3 =	vadd.f32 v6, v3  }
0x286: {  	v37, _, _ =	vpop (xrf2);
	v38 =	vbroadcast v31, $0xF;
	v4 =	vbroadcast v34, $0xF;
	(xrf2) =	vadd.scan.msk.f32 $0xffff, v7;
	v1 =	vadd.f32 v33, v32  }
0x287: {  	v39, _, _ =	vpop (xrf2);
	v41 =	vbroadcast v37, $0xF;
	v42 =	vmul.f32 v30, v36;
	(xrf2) =	vadd.scan.msk.f32 $0xffff, v0;
	v40 =	vadd.f32 v35, v3  }
0x288: {  	v2 =	vbroadcast v39, $0xF;
	v43, _, _ =	vpop (xrf2);
	v4 =	vsel vm0, v38, v4;
	(xrf2) =	vadd.scan.msk.f32 $0xffff, v1  }
0x289: {  	v45 =	vbroadcast v43, $0xF;
	v44, _, _ =	vpop (xrf2);
	v3 =	vsel vm1, v4, v41;
	v0 =	vadd.f32 v42, v40  }
0x28a: {  	v46, _, _ =	vpop (xrf2);
	v1 =	vbroadcast v44, $0xF;
	v2 =	vsel vm2, v3, v2  }
0x28b: {  	v47 =	vbroadcast v46, $0xF;
	v48, _, _ =	vpop (xrf2);
	v2 =	vsel vm3, v2, v45;
	(xrf2) =	vadd.scan.msk.f32 $0xffff, v0  }
0x28c: {  	v49, _, _ =	vpop (xrf2);
	v50 =	vbroadcast v48, $0xF;
	v1 =	vsel vm4, v2, v1  }
0x28d: {  	v51, _, _ =	vpop (xrf2);
	v1 =	vsel vm5, v1, v47;
	v0 =	vbroadcast v49, $0xF  }
0x28e: {  	v52, _, _ =	vpop (xrf2);
	v53 =	vbroadcast v51, $0xF;
	v1 =	vsel vm6, v1, v50  }
0x28f: {  	v54, _, _ =	vpop (xrf2);
	v55 =	vbroadcast v52, $0xF;
	v0 =	vsel vm7, v1, v0  }
0x290: {  	v57 =	vbroadcast v54, $0xF;
	v56, _, _ =	vpop (xrf2);
	v0 =	vsel vm8, v0, v53  }
0x291: {  	v58, _, _ =	vpop (xrf2);
	v59 =	vbroadcast v56, $0xF;
	v0 =	vsel vm9, v0, v55  }
0x292: {  	p0 =	sne.s32 s19, $0x20;
	v61 =	vbroadcast v58, $0xF;
	v60, _, _ =	vpop (xrf2);
	v0 =	vsel vm10, v0, v57  }
.Ltmp2:
0x293: {  	v0 =	vsel vm11, v0, v59;
	v62 =	vbroadcast v60, $0xF;
	(pc) =	sbr.rel @p0 .LBB2_2-.Ltmp2, $4  }
0x294: {  	v0 =	vsel vm12, v0, v61  }
0x295: {  	v0 =	vsel vm13, v0, v62;
	v63, _, _ =	vpop (xrf2)  }
0x296: {  	v0 =	vsel vm14, v0, v63  }
0x297: {  	[tilespmem:s20+$0x18600] =	vst v0;
	s20 =	smov.u32 s19  }
0x298: {  	s18 =	sadd.s32 $0x1, s18  }
0x299: {  	p0 =	sne.s32 s18, s9  }
.Ltmp3:
0x29a: {  	_ = 	snop;
	(pc) =	sbr.rel @p0 .LBB2_1-.Ltmp3, $4  }
0x29b: {  	[hbm4b:s8+s2] =	stream.linear.scatter [tilespmem:s17], [sflag:$0x3], $0x200, $0x38;
	[tilespmem:$0x18800] =	vst v63  }
0x29c: {  	_ =	swait.ge [sflag:s10], $0x200  }
0x29d: {  	[sflag:s10] =	ssyncset.done $0x0  }
0x29e: {  	[sflag:s10] =	ssyncadd.s32 $0xFFFFFE00  }
0x29f: {  	_ =	sfence.sel $0x180000  }
0x2a0: {  	[bflag:$0x0] =	sbarrier.arrive $0xFFFF  }
0x2a1: {  	_ =	strace $0x90000047  }
0x2a2: {  	s0 =	stileid.u32;
	[bflag:$0x2] =	sbarrier.arrive $0xFFFF  }
0x2a3: {  	p0 =	sne.s32 s0, $0x0;
	s0 =	rddreg [dreg:$0x5]  }
0x2a4: {  	s0 =	sadd.s32 @!p0 $0x100000, s0  }
0x2a5: {  	[sflag:s0] =	ssyncadd.tile.s32 @!p0 $0x1;
	_ =	shalt  }
.Lfunc_end2:
_tile_overlayer_lowered:
.L_overlay_start_2:
0x2a6: {  	(tag) =	ssettag $0x2  }
0x2a7: {  	s0 =	rddreg [dreg:$0x0];
	s2 =	stileid.u32  }
0x2a8: {  	s1 =	rddreg [dreg:$0x1];
	p0 =	sne.s32 s2, $0x0  }
0x2a9: {  	s3 =	rddreg [dreg:$0x2];
	[bflag:$0x3] =	sbarrier.arrive $0xFFFF;
	s2 =	simm.s32 @!p0 $0x1C03  }
0x2aa: {  	[timem:s3], [sflag:s2] =	dma.local @!p0 [hbm:s0], s1  }
0x2ab: {  	s0 =	simm.s32 @!p0 $0x3  }
0x2ac: {  	_ =	swait.ge @!p0 [sflag:s0], s1  }
0x2ad: {  	s1 =	ssub.s32 @!p0 $0x0, s1;
	[sflag:s0] =	ssyncset.done @!p0 $0x0  }
0x2ae: {  	[sflag:s0] =	ssyncadd.s32 @!p0 s1  }
0x2af: {  	[bflag:$0x3] =	sbarrier.arrive $0xFFFF  }
0x2b0: {  	_ =	shalt  }

</sc_bundles>
